<compile_context>
chip_gen: v7x
topology: tpu7x:2x2x1
jax: 0.10.2.dev20260603
libtpu: 0.0.44.dev20260713+nightly
codegen_flags: <defaults>
</compile_context>

<pallas_src>
import dataclasses
import functools

import jax
import jax.numpy as jnp
from jax import lax
from jax.experimental import pallas as pl
from jax.experimental.pallas import tpu as pltpu
from jax.experimental.pallas import tpu_sc as plsc

B = 8
SEQ = 4096
DIM = 64
NH = 8
NBKT = 64
NROT = NBKT // 2
CH = 64
TOT = NH * SEQ
GTOT = B * TOT
CB = 256
NCB = SEQ // CB
NB = 4
NBG = 4 * NB
KW = (NB + 1) * CH
M = NB * CH
CPB = TOT // CH
PACK = 128
W = 128
NWORK = 32

NSPLIT = 2
HB = B // NSPLIT
GTOT_S = HB * TOT
NW_S = GTOT_S // W
NCHUNK_S = GTOT_S // CH
NRND_S = HB * NH
SELF_MASK_VAL = -50000.0
NEG_BIG = -1e30


def _hash_sort_body(qk_ref, rot_ref, slot_ref):
    bh = pl.program_id(0)
    qk = qk_ref[0]
    rot = rot_ref[0]
    rvT = lax.dot_general(rot.astype(jnp.bfloat16), qk.astype(jnp.bfloat16),
                          (((0,), (1,)), ((), ())),
                          preferred_element_type=jnp.float32)
    m1 = jnp.max(rvT, axis=0, keepdims=True)
    m2 = jnp.max(-rvT, axis=0, keepdims=True)
    sub = lax.broadcasted_iota(jnp.int32, (NROT, SEQ), 0)
    idx1 = jnp.min(jnp.where(rvT == m1, sub, NBKT), axis=0, keepdims=True)
    idx2 = jnp.min(jnp.where(-rvT == m2, sub, NBKT), axis=0, keepdims=True)
    bucket = jnp.where(m1 >= m2, idx1, idx2 + NROT)

    bsub = lax.broadcasted_iota(jnp.int32, (NBKT, SEQ), 0)
    onehot = bsub == bucket
    oh_f = onehot.astype(jnp.float32)
    oh_b = onehot.astype(jnp.bfloat16)

    hist = jnp.sum(oh_f, axis=1, keepdims=True)
    inc = hist
    for sh in (1, 2, 4, 8, 16, 32):
        inc = inc + jnp.concatenate(
            [jnp.zeros((sh, 1), jnp.float32), inc[:-sh, :]], axis=0)
    start = inc - hist

    ri = lax.broadcasted_iota(jnp.int32, (CB, CB), 0)
    ci = lax.broadcasted_iota(jnp.int32, (CB, CB), 1)
    utri = (ri < ci).astype(jnp.bfloat16)

    base = jnp.zeros((NBKT, 1), jnp.float32)
    for k in range(NCB):
        ohk_b = oh_b[:, k * CB:(k + 1) * CB]
        ohk_f = oh_f[:, k * CB:(k + 1) * CB]
        cumk = lax.dot_general(ohk_b, utri, (((1,), (0,)), ((), ())),
                               preferred_element_type=jnp.float32)
        pos = jnp.sum(ohk_f * (cumk + base + start), axis=0, keepdims=True)
        slot_ref[0, :, k * CB:(k + 1) * CB] = (
            pos.astype(jnp.int32) + (bh % NRND_S) * SEQ)
        base = base + jnp.sum(ohk_f, axis=1, keepdims=True)


def _hash_sort(qk, rot_h):
    return pl.pallas_call(
        _hash_sort_body,
        grid=(B * NH,),
        in_specs=[
            pl.BlockSpec((1, SEQ, DIM), lambda bh: (bh // NH, 0, 0)),
            pl.BlockSpec((1, DIM, NROT), lambda bh: (bh % NH, 0, 0)),
        ],
        out_specs=pl.BlockSpec((1, 1, SEQ), lambda bh: (bh, 0, 0)),
        out_shape=jax.ShapeDtypeStruct((B * NH, 1, SEQ), jnp.int32),
    )(qk, rot_h)


@functools.lru_cache(maxsize=None)
def _sc_mesh():
    return plsc.VectorSubcoreMesh(core_axis_name="c", subcore_axis_name="s")


def _sc_compiler_params():
    cp = pltpu.CompilerParams()
    if "needs_layout_passes" in pltpu.CompilerParams.__dataclass_fields__:
        cp = dataclasses.replace(cp, needs_layout_passes=False)
    return cp


@functools.lru_cache(maxsize=None)
def _sc_scatter():
    @functools.partial(
        pl.kernel,
        compiler_params=_sc_compiler_params(),
        out_type=[
            jax.ShapeDtypeStruct((GTOT_S, 2 * DIM), jnp.float32),
            jax.ShapeDtypeStruct((GTOT_S,), jnp.int32),
        ],
        mesh=_sc_mesh(),
        scratch_types=[
            pltpu.VMEM((4, W), jnp.int32),
            pltpu.VMEM((4, W, 2 * DIM), jnp.float32),
            pltpu.VMEM((SEQ,), jnp.int32),
            pltpu.VMEM((SEQ,), jnp.int32),
            pltpu.SemaphoreType.DMA,
            pltpu.SemaphoreType.DMA,
        ],
    )
    def body(qkv_hbm, slot_hbm, sqkv_hbm, st_hbm, idx_v, row_v, slot_v, st_v,
             sem_i, sem_o):
        wid = lax.axis_index("s") * 2 + lax.axis_index("c")
        wpb = TOT // W
        wpr = SEQ // W

        @pl.loop(0, NW_S // NWORK // 4)
        def _(g):
            loads = []
            for b_ in range(4):
                w = wid + (g * 4 + b_) * NWORK
                bb = w // wpb
                t0 = (w % wpr) * W
                row0 = bb * SEQ + t0
                loads.append(pltpu.async_copy(
                    slot_hbm.at[pl.ds(w * W, W)], idx_v.at[b_], sem_i))
                loads.append(pltpu.async_copy(
                    qkv_hbm.at[pl.ds(row0, W)], row_v.at[b_], sem_i))
            for h in loads:
                h.wait()
            stores = [pltpu.async_copy(row_v.at[b_], sqkv_hbm.at[idx_v.at[b_]],
                                       sem_o)
                      for b_ in range(4)]
            for h in stores:
                h.wait()

        @pl.loop(0, NRND_S // NWORK)
        def _(r):
            bh = wid + r * NWORK
            pltpu.sync_copy(slot_hbm.at[pl.ds(bh * SEQ, SEQ)], slot_v)
            base = bh * SEQ

            @pl.loop(0, SEQ // 16)
            def _(k):
                sl = pl.ds(k * 16, 16)
                loc = slot_v[sl] - base
                tvec = lax.iota(jnp.int32, 16) + k * 16
                plsc.store_scatter(st_v, [loc], tvec)

            pltpu.sync_copy(st_v, st_hbm.at[pl.ds(base, SEQ)])

    return body


def _attn_body(qv_ref, qvh_ref, stq_ref, stk_ref, sth_ref, out_ref):
    for h_ in range(NBG // NB):
        off = h_ * NB
        qv = qv_ref[off:off + NB].reshape(M, 2 * DIM)
        if h_ == 0:
            qvh = qvh_ref[...].reshape(CH, 2 * DIM)
            sth = sth_ref[...].reshape(1, CH)
        else:
            qvh = qv_ref[off - 1]
            sth = stk_ref[off - 1]
        q = qv[:, :DIM]
        kq = jnp.concatenate([qvh[:, :DIM], q], axis=0)
        vv = jnp.concatenate([qvh[:, DIM:], qv[:, DIM:]], axis=0)
        qt = stq_ref[off:off + NB].reshape(M, 1)
        stk = stk_ref[off:off + NB]

        nrm = jnp.sqrt(jnp.sum(kq * kq, axis=1, keepdims=True))
        bk = (kq / jnp.maximum(nrm, 1e-12)).astype(jnp.bfloat16)

        dots = lax.dot_general(q.astype(jnp.bfloat16), bk,
                               (((1,), (1,)), ((), ())),
                               preferred_element_type=jnp.float32)
        dots = dots * (DIM ** -0.5)
        rowi = lax.broadcasted_iota(jnp.int32, (M, 1), 0)
        pieces = []
        for kc in range(NB + 1):
            krow = (sth if kc == 0 else stk[kc - 1]).reshape(1, CH)
            d_c = jnp.where(qt == krow, SELF_MASK_VAL,
                            dots[:, kc * CH:(kc + 1) * CH])
            inband = (rowi >= (kc - 1) * CH) & (rowi < (kc + 1) * CH)
            pieces.append(jnp.where(inband, d_c, NEG_BIG))
        dots = jnp.concatenate(pieces, axis=1)

        mx = jnp.max(dots, axis=1, keepdims=True)
        p = jnp.exp(dots - mx)
        s = jnp.sum(p, axis=1, keepdims=True)
        lse = mx + jnp.log(s)
        probs = (p / s).astype(jnp.bfloat16)
        bo = lax.dot_general(probs, vv.astype(jnp.bfloat16),
                             (((1,), (0,)), ((), ())),
                             preferred_element_type=jnp.float32)
        out = jnp.concatenate(
            [bo, lse, jnp.zeros((M, PACK - DIM - 1), jnp.float32)], axis=1)
        out_ref[off:off + NB] = out.reshape(NB, CH, PACK)


def _halo_idx(c):
    g0 = c * NBG
    return jnp.where(g0 % CPB == 0, g0 + CPB - 1, g0 - 1)


def _attention(sqkv3, stq3, stk3):
    return pl.pallas_call(
        _attn_body,
        grid=(NCHUNK_S // NBG,),
        in_specs=[
            pl.BlockSpec((NBG, CH, 2 * DIM), lambda c: (c, 0, 0)),
            pl.BlockSpec((1, CH, 2 * DIM), lambda c: (_halo_idx(c), 0, 0)),
            pl.BlockSpec((NBG, CH, 1), lambda c: (c, 0, 0)),
            pl.BlockSpec((NBG, 1, CH), lambda c: (c, 0, 0)),
            pl.BlockSpec((1, 1, CH), lambda c: (_halo_idx(c), 0, 0)),
        ],
        out_specs=pl.BlockSpec((NBG, CH, PACK), lambda c: (c, 0, 0)),
        out_shape=jax.ShapeDtypeStruct((NCHUNK_S, CH, PACK), jnp.float32),
    )(sqkv3, sqkv3, stq3, stk3, stk3)


@functools.lru_cache(maxsize=None)
def _sc_unsort():
    @functools.partial(
        pl.kernel,
        out_type=jax.ShapeDtypeStruct((GTOT_S, PACK), jnp.float32),
        mesh=_sc_mesh(),
        scratch_types=[
            pltpu.VMEM((4, W), jnp.int32),
            pltpu.VMEM((4, W, PACK), jnp.float32),
            pltpu.SemaphoreType.DMA,
            pltpu.SemaphoreType.DMA,
        ],
    )
    def body(so_hbm, slot_hbm, out_hbm, idx_v, rows_v, sem_i, sem_o):
        wid = lax.axis_index("s") * 2 + lax.axis_index("c")

        @pl.loop(0, NW_S // NWORK // 4)
        def _(g):
            loads = [pltpu.async_copy(
                slot_hbm.at[pl.ds((wid + (g * 4 + b_) * NWORK) * W, W)],
                idx_v.at[b_], sem_i) for b_ in range(4)]
            for h in loads:
                h.wait()
            gathers = [pltpu.async_copy(so_hbm.at[idx_v.at[b_]],
                                        rows_v.at[b_], sem_i)
                       for b_ in range(4)]
            for h in gathers:
                h.wait()
            stores = [pltpu.async_copy(
                rows_v.at[b_],
                out_hbm.at[pl.ds((wid + (g * 4 + b_) * NWORK) * W, W)], sem_o)
                for b_ in range(4)]
            for h in stores:
                h.wait()

    return body


TB = 512


def _combine_body(g_ref, out_ref):
    g = g_ref[0]
    o = g[:, :, :DIM]
    lg = g[:, :, DIM:DIM + 1]
    mx = jnp.max(lg, axis=0, keepdims=True)
    wgt = jnp.exp(lg - mx)
    s = jnp.sum(wgt, axis=0, keepdims=True)
    wn = wgt / s
    out_ref[0] = jnp.sum(o * wn, axis=0)


def _combine(g4):
    return pl.pallas_call(
        _combine_body,
        grid=(HB, SEQ // TB),
        in_specs=[pl.BlockSpec((1, NH, TB, PACK), lambda b, t: (b, 0, t, 0))],
        out_specs=pl.BlockSpec((1, TB, DIM), lambda b, t: (b, t, 0)),
        out_shape=jax.ShapeDtypeStruct((HB, SEQ, DIM), jnp.float32),
    )(g4)


def kernel(qk, v, rotations):
    rot_h = jnp.transpose(rotations[0], (1, 0, 2))
    slot_all = _hash_sort(qk, rot_h)

    qkv = jnp.concatenate(
        [qk.reshape(B * SEQ, DIM), v.reshape(B * SEQ, DIM)], axis=1)

    outs = []
    for s in range(NSPLIT):
        slot_s = slot_all[s * NRND_S:(s + 1) * NRND_S].reshape(GTOT_S)
        qkv_s = qkv[s * HB * SEQ:(s + 1) * HB * SEQ]
        sqkv, st = _sc_scatter()(qkv_s, slot_s)
        so = _attention(sqkv.reshape(NCHUNK_S, CH, 2 * DIM),
                        st.reshape(NCHUNK_S, CH, 1),
                        st.reshape(NCHUNK_S, 1, CH))
        g = _sc_unsort()(so.reshape(GTOT_S, PACK), slot_s)
        outs.append(_combine(g.reshape(HB, NH, SEQ, PACK)))
    return jnp.concatenate(outs, axis=0)

# --- scband reference (transcript-rebuilt; emitter-appended) ---
"""Pipeline reference for scband-lshattention-25761213841557 (READ-ONLY COPY).

The authoritative reference and input builder live on the scoring server;
editing this copy changes nothing except your own understanding.
"""

import jax, jax.numpy as jnp
import numpy as np

BUCKET_SIZE = 64
N_HASHES = 8
TOKEN_SELF_ATTN_VALUE = -50000.0


def setup_inputs(seed: int = 0):
    key = jax.random.key(seed)
    k1, k2, k3 = jax.random.split(key, 3)
    batch, seqlen, dim = 8, 4096, 64
    n_buckets = seqlen // BUCKET_SIZE
    qk = jax.random.normal(k1, (batch, seqlen, dim), dtype=jnp.float32)
    v = jax.random.normal(k2, (batch, seqlen, dim), dtype=jnp.float32)
    rotations = jax.random.normal(k3, (1, dim, N_HASHES, n_buckets // 2), dtype=jnp.float32)
    return {"qk": qk, "v": v, "rotations": rotations}


def _look_one_back(x):
    x_extra = jnp.concatenate([x[:, -1:, ...], x[:, :-1, ...]], axis=1)
    return jnp.concatenate([x, x_extra], axis=2)


def _lsh_attention(qk, v, rotations):
    batch_size, seqlen, dim = qk.shape
    n_buckets = seqlen // BUCKET_SIZE
    total_hashes = N_HASHES

    # hash_vectors (rehash_each_round=True, random_rotations_per_head=False,
    # drop_for_hash_rate=0 so hash dropout is identity)
    rot = jnp.broadcast_to(rotations, (batch_size,) + rotations.shape[1:])
    rotated_vecs = jnp.einsum('btf,bfhi->bhti', qk, rot)
    rotated_vecs = jnp.concatenate([rotated_vecs, -rotated_vecs], axis=-1)
    buckets = jnp.argmax(rotated_vecs, axis=-1)  # [b, n_hashes, seqlen]
    offsets = (jnp.arange(total_hashes) * n_buckets).reshape(1, -1, 1)
    buckets = jnp.reshape(buckets + offsets, (batch_size, -1))  # [b, n_hashes*seqlen]

    ticker = jnp.broadcast_to(jnp.arange(total_hashes * seqlen)[None, :], buckets.shape)
    buckets_and_t = seqlen * buckets + (ticker % seqlen)
    buckets_and_t = jax.lax.stop_gradient(buckets_and_t)

    # sort_key_val(buckets_and_t, ticker): ticker[b, i] == i, so gathered ticker == argsort indices
    sticker = jnp.argsort(buckets_and_t, axis=-1)
    undo_sort = jnp.argsort(sticker, axis=-1)

    st = sticker % seqlen
    sqk = jnp.take_along_axis(qk, st[:, :, None], axis=1)
    sv = jnp.take_along_axis(v, st[:, :, None], axis=1)

    chunk_size = total_hashes * n_buckets
    bq_t = st.reshape(batch_size, chunk_size, -1)
    bkv_t = bq_t
    bqk = sqk.reshape(batch_size, chunk_size, -1, dim)
    bv = sv.reshape(batch_size, chunk_size, -1, dim)

    bq = bqk
    norm = jnp.linalg.norm(bqk, axis=-1, keepdims=True)
    bk = bqk / jnp.maximum(norm, 1e-12)  # F.normalize(p=2, dim=-1)

    bk = _look_one_back(bk)
    bv = _look_one_back(bv)
    bkv_t = _look_one_back(bkv_t)

    dots = jnp.einsum('bhie,bhje->bhij', bq, bk) * (dim ** -0.5)

    # mask attention to self except when no other targets available
    self_mask = bq_t[:, :, :, None] == bkv_t[:, :, None, :]
    dots = jnp.where(self_mask, TOKEN_SELF_ATTN_VALUE, dots)

    # softmax (causal=False, attend_across_buckets=True, allow_duplicate_attention=True)
    dots_logsumexp = jax.scipy.special.logsumexp(dots, axis=-1, keepdims=True)
    probs_local = jnp.exp(dots - dots_logsumexp)

    bo = jnp.einsum('buij,buje->buie', probs_local, bv)
    so = bo.reshape(batch_size, -1, dim)
    slogits = dots_logsumexp.reshape(batch_size, -1)

    # unsort
    o = jnp.take_along_axis(so, undo_sort[:, :, None], axis=1)
    logits = jnp.take_along_axis(slogits, undo_sort, axis=1)

    o = o.reshape(batch_size, total_hashes, seqlen, dim)
    logits = logits.reshape(batch_size, total_hashes, seqlen, 1)

    # combine hash rounds
    probs = jnp.exp(logits - jax.scipy.special.logsumexp(logits, axis=1, keepdims=True))
    out = jnp.sum(o * probs, axis=1)
    return out


def reference(qk, v, rotations):
    return _lsh_attention(qk, v, rotations)

if __name__ == "__main__":
    import jax
    _d = setup_inputs()
    print(jax.jit(kernel)(*tuple(_d.values())))

</pallas_src>

<mosaic_0001>
#map = affine_map<(d0, d1) -> (0, 0)>
#map1 = affine_map<(d0, d1) -> (0)>
module attributes {stable_mosaic.version = 14 : i64} {
  func.func @body(%arg0: i32, %arg1: i32, %arg2: memref<16384x128xf32, #tpu.memory_space<hbm>>, %arg3: memref<131072xi32, #tpu.memory_space<hbm>>, %arg4: memref<131072x128xf32, #tpu.memory_space<hbm>>, %arg5: memref<131072xi32, #tpu.memory_space<hbm>>, %arg6: memref<4x128xi32, #tpu.memory_space<vmem>>, %arg7: memref<4x128x128xf32, #tpu.memory_space<vmem>>, %arg8: memref<4096xi32, #tpu.memory_space<vmem>>, %arg9: memref<4096xi32, #tpu.memory_space<vmem>>, %arg10: memref<!tpu.dma_semaphore, #tpu.memory_space<semaphore_mem>>, %arg11: memref<!tpu.dma_semaphore, #tpu.memory_space<semaphore_mem>>) attributes {dimension_semantics = [#tpu.dimension_semantics<core_parallel>, #tpu.dimension_semantics<subcore_parallel>], iteration_bounds = array<i64: 2, 16>, scalar_prefetch = 0 : i64, scratch_operands = 6 : i64, tpu.core_type = #tpu.core_type<sc_vector_subcore>, window_params = [{transform_indices = #map}, {transform_indices = #map1}, {transform_indices = #map}, {transform_indices = #map1}]} {
    %mul3A = arith.constant 2 : i32
    %mul3A_0 = arith.muli %arg1, %mul3A : i32
    %add3A = arith.addi %mul3A_0, %arg0 : i32
    %scan3A = arith.constant 0 : i32
    %scan3A_1 = arith.constant 8 : i32
    %scan3A_2 = arith.addi %scan3A, %scan3A_1 : i32
    %scan3A_3 = arith.constant 1 : i32
    scf.for %scan3A_23 = %scan3A to %scan3A_2 step %scan3A_3  : i32 {
      %mul3A_24 = arith.constant 1 : i32
      %mul3A_25 = arith.muli %scan3A_23, %mul3A_24 : i32
      %add3A_26 = arith.constant 0 : i32
      %add3A_27 = arith.addi %add3A_26, %mul3A_25 : i32
      %mul3A_28 = arith.constant 4 : i32
      %mul3A_29 = arith.muli %add3A_27, %mul3A_28 : i32
      %add3A_30 = arith.constant 0 : i32
      %add3A_31 = arith.addi %mul3A_29, %add3A_30 : i32
      %mul3A_32 = arith.constant 32 : i32
      %mul3A_33 = arith.muli %add3A_31, %mul3A_32 : i32
      %add3A_34 = arith.addi %add3A, %mul3A_33 : i32
      %jit3A = arith.constant 256 : i32
      %div3A = arith.divsi %add3A_34, %jit3A : i32
      %sign3A = arith.constant 0 : i32
      %sign3A_35 = arith.cmpi sgt, %add3A_34, %sign3A : i32
      %sign3A_36 = arith.extui %sign3A_35 : i1 to i32
      %sign3A_37 = arith.constant 0 : i32
      %sign3A_38 = arith.cmpi slt, %add3A_34, %sign3A_37 : i32
      %sign3A_39 = arith.extui %sign3A_38 : i1 to i32
      %sign3A_40 = arith.subi %sign3A_36, %sign3A_39 : i32
      %sign3A_41 = arith.constant 0 : i32
      %sign3A_42 = arith.cmpi sgt, %jit3A, %sign3A_41 : i32
      %sign3A_43 = arith.extui %sign3A_42 : i1 to i32
      %sign3A_44 = arith.constant 0 : i32
      %sign3A_45 = arith.cmpi slt, %jit3A, %sign3A_44 : i32
      %sign3A_46 = arith.extui %sign3A_45 : i1 to i32
      %sign3A_47 = arith.subi %sign3A_43, %sign3A_46 : i32
      %ne3A = arith.cmpi ne, %sign3A_40, %sign3A_47 : i32
      %rem3A = arith.remsi %add3A_34, %jit3A : i32
      %ne3A_48 = arith.constant 0 : i32
      %ne3A_49 = arith.cmpi ne, %rem3A, %ne3A_48 : i32
      %and3A = arith.andi %ne3A, %ne3A_49 : i1
      %sub3A = arith.constant 1 : i32
      %sub3A_50 = arith.subi %div3A, %sub3A : i32
      %select_n3A = arith.select %and3A, %sub3A_50, %div3A : i32
      %jit3A_51 = arith.constant 32 : i32
      %eq3A = arith.constant 0 : i32
      %eq3A_52 = arith.cmpi eq, %jit3A_51, %eq3A : i32
      %jit3A_53 = arith.constant 1 : i32
      %select_n3A_54 = arith.select %eq3A_52, %jit3A_53, %jit3A_51 : i32
      %rem3A_55 = arith.remsi %add3A_34, %select_n3A_54 : i32
      %ne3A_56 = arith.constant 0 : i32
      %ne3A_57 = arith.cmpi ne, %rem3A_55, %ne3A_56 : i32
      %lt3A = arith.constant 0 : i32
      %lt3A_58 = arith.cmpi slt, %rem3A_55, %lt3A : i32
      %lt3A_59 = arith.constant 0 : i32
      %lt3A_60 = arith.cmpi slt, %select_n3A_54, %lt3A_59 : i32
      %ne3A_61 = arith.xori %lt3A_58, %lt3A_60 : i1
      %and3A_62 = arith.andi %ne3A_61, %ne3A_57 : i1
      %add3A_63 = arith.addi %rem3A_55, %select_n3A_54 : i32
      %select_n3A_64 = arith.select %and3A_62, %add3A_63, %rem3A_55 : i32
      %mul3A_65 = arith.constant 128 : i32
      %mul3A_66 = arith.muli %select_n3A_64, %mul3A_65 : i32
      %mul3A_67 = arith.constant 4096 : i32
      %mul3A_68 = arith.muli %select_n3A, %mul3A_67 : i32
      %add3A_69 = arith.addi %mul3A_68, %mul3A_66 : i32
      %mul3A_70 = arith.constant 128 : i32
      %mul3A_71 = arith.muli %add3A_34, %mul3A_70 : i32
      %dma_start3A = arith.constant 0 : i32
      %dma_start3A_72 = arith.constant 0 : i32
      %dma_start3A_73 = tpu.memref_slice %arg6[%dma_start3A, %dma_start3A_72] : memref<4x128xi32, #tpu.memory_space<vmem>> -> memref<1x128xi32, #tpu.memory_space<vmem>>
      %dma_start3A_74 = tpu.memref_squeeze %dma_start3A_73 : memref<1x128xi32, #tpu.memory_space<vmem>> -> memref<128xi32, #tpu.memory_space<vmem>>
      %dma_start3A_75 = tpu.memref_slice %arg3[%mul3A_71] : memref<131072xi32, #tpu.memory_space<hbm>> -> memref<128xi32, #tpu.memory_space<hbm>>
      %dma_start3A_76 = arith.constant 0 : i32
      %dma_start3A_77 = tpu.memref_slice %arg6[%dma_start3A, %dma_start3A_76] : memref<4x128xi32, #tpu.memory_space<vmem>> -> memref<1x128xi32, #tpu.memory_space<vmem>>
      %dma_start3A_78 = tpu.memref_squeeze %dma_start3A_77 : memref<1x128xi32, #tpu.memory_space<vmem>> -> memref<128xi32, #tpu.memory_space<vmem>>
      %dma_start3A_79 = tpu.memref_slice %arg3[%mul3A_71] : memref<131072xi32, #tpu.memory_space<hbm>> -> memref<128xi32, #tpu.memory_space<hbm>>
      tpu.enqueue_dma source(%dma_start3A_79 : memref<128xi32, #tpu.memory_space<hbm>>) target(%dma_start3A_78 : memref<128xi32, #tpu.memory_space<vmem>>) target_semaphore(%arg10 : memref<!tpu.dma_semaphore, #tpu.memory_space<semaphore_mem>>)
      %dma_start3A_80 = arith.constant 0 : i32
      %dma_start3A_81 = arith.constant 0 : i32
      %dma_start3A_82 = arith.constant 0 : i32
      %dma_start3A_83 = tpu.memref_slice %arg7[%dma_start3A_80, %dma_start3A_81, %dma_start3A_82] : memref<4x128x128xf32, #tpu.memory_space<vmem>> -> memref<1x128x128xf32, #tpu.memory_space<vmem>>
      %dma_start3A_84 = tpu.memref_squeeze %dma_start3A_83 : memref<1x128x128xf32, #tpu.memory_space<vmem>> -> memref<128x128xf32, #tpu.memory_space<vmem>>
      %dma_start3A_85 = arith.constant 0 : i32
      %dma_start3A_86 = tpu.memref_slice %arg2[%add3A_69, %dma_start3A_85] : memref<16384x128xf32, #tpu.memory_space<hbm>> -> memref<128x128xf32, #tpu.memory_space<hbm>>
      %dma_start3A_87 = arith.constant 0 : i32
      %dma_start3A_88 = arith.constant 0 : i32
      %dma_start3A_89 = tpu.memref_slice %arg7[%dma_start3A_80, %dma_start3A_87, %dma_start3A_88] : memref<4x128x128xf32, #tpu.memory_space<vmem>> -> memref<1x128x128xf32, #tpu.memory_space<vmem>>
      %dma_start3A_90 = tpu.memref_squeeze %dma_start3A_89 : memref<1x128x128xf32, #tpu.memory_space<vmem>> -> memref<128x128xf32, #tpu.memory_space<vmem>>
      %dma_start3A_91 = arith.constant 0 : i32
      %dma_start3A_92 = tpu.memref_slice %arg2[%add3A_69, %dma_start3A_91] : memref<16384x128xf32, #tpu.memory_space<hbm>> -> memref<128x128xf32, #tpu.memory_space<hbm>>
      tpu.enqueue_dma source(%dma_start3A_92 : memref<128x128xf32, #tpu.memory_space<hbm>>) target(%dma_start3A_90 : memref<128x128xf32, #tpu.memory_space<vmem>>) target_semaphore(%arg10 : memref<!tpu.dma_semaphore, #tpu.memory_space<semaphore_mem>>)
      %mul3A_93 = arith.constant 4 : i32
      %mul3A_94 = arith.muli %add3A_27, %mul3A_93 : i32
      %add3A_95 = arith.constant 1 : i32
      %add3A_96 = arith.addi %mul3A_94, %add3A_95 : i32
      %mul3A_97 = arith.constant 32 : i32
      %mul3A_98 = arith.muli %add3A_96, %mul3A_97 : i32
      %add3A_99 = arith.addi %add3A, %mul3A_98 : i32
      %jit3A_100 = arith.constant 256 : i32
      %div3A_101 = arith.divsi %add3A_99, %jit3A_100 : i32
      %sign3A_102 = arith.constant 0 : i32
      %sign3A_103 = arith.cmpi sgt, %add3A_99, %sign3A_102 : i32
      %sign3A_104 = arith.extui %sign3A_103 : i1 to i32
      %sign3A_105 = arith.constant 0 : i32
      %sign3A_106 = arith.cmpi slt, %add3A_99, %sign3A_105 : i32
      %sign3A_107 = arith.extui %sign3A_106 : i1 to i32
      %sign3A_108 = arith.subi %sign3A_104, %sign3A_107 : i32
      %sign3A_109 = arith.constant 0 : i32
      %sign3A_110 = arith.cmpi sgt, %jit3A_100, %sign3A_109 : i32
      %sign3A_111 = arith.extui %sign3A_110 : i1 to i32
      %sign3A_112 = arith.constant 0 : i32
      %sign3A_113 = arith.cmpi slt, %jit3A_100, %sign3A_112 : i32
      %sign3A_114 = arith.extui %sign3A_113 : i1 to i32
      %sign3A_115 = arith.subi %sign3A_111, %sign3A_114 : i32
      %ne3A_116 = arith.cmpi ne, %sign3A_108, %sign3A_115 : i32
      %rem3A_117 = arith.remsi %add3A_99, %jit3A_100 : i32
      %ne3A_118 = arith.constant 0 : i32
      %ne3A_119 = arith.cmpi ne, %rem3A_117, %ne3A_118 : i32
      %and3A_120 = arith.andi %ne3A_116, %ne3A_119 : i1
      %sub3A_121 = arith.constant 1 : i32
      %sub3A_122 = arith.subi %div3A_101, %sub3A_121 : i32
      %select_n3A_123 = arith.select %and3A_120, %sub3A_122, %div3A_101 : i32
      %jit3A_124 = arith.constant 32 : i32
      %eq3A_125 = arith.constant 0 : i32
      %eq3A_126 = arith.cmpi eq, %jit3A_124, %eq3A_125 : i32
      %jit3A_127 = arith.constant 1 : i32
      %select_n3A_128 = arith.select %eq3A_126, %jit3A_127, %jit3A_124 : i32
      %rem3A_129 = arith.remsi %add3A_99, %select_n3A_128 : i32
      %ne3A_130 = arith.constant 0 : i32
      %ne3A_131 = arith.cmpi ne, %rem3A_129, %ne3A_130 : i32
      %lt3A_132 = arith.constant 0 : i32
      %lt3A_133 = arith.cmpi slt, %rem3A_129, %lt3A_132 : i32
      %lt3A_134 = arith.constant 0 : i32
      %lt3A_135 = arith.cmpi slt, %select_n3A_128, %lt3A_134 : i32
      %ne3A_136 = arith.xori %lt3A_133, %lt3A_135 : i1
      %and3A_137 = arith.andi %ne3A_136, %ne3A_131 : i1
      %add3A_138 = arith.addi %rem3A_129, %select_n3A_128 : i32
      %select_n3A_139 = arith.select %and3A_137, %add3A_138, %rem3A_129 : i32
      %mul3A_140 = arith.constant 128 : i32
      %mul3A_141 = arith.muli %select_n3A_139, %mul3A_140 : i32
      %mul3A_142 = arith.constant 4096 : i32
      %mul3A_143 = arith.muli %select_n3A_123, %mul3A_142 : i32
      %add3A_144 = arith.addi %mul3A_143, %mul3A_141 : i32
      %mul3A_145 = arith.constant 128 : i32
      %mul3A_146 = arith.muli %add3A_99, %mul3A_145 : i32
      %dma_start3A_147 = arith.constant 1 : i32
      %dma_start3A_148 = arith.constant 0 : i32
      %dma_start3A_149 = tpu.memref_slice %arg6[%dma_start3A_147, %dma_start3A_148] : memref<4x128xi32, #tpu.memory_space<vmem>> -> memref<1x128xi32, #tpu.memory_space<vmem>>
      %dma_start3A_150 = tpu.memref_squeeze %dma_start3A_149 : memref<1x128xi32, #tpu.memory_space<vmem>> -> memref<128xi32, #tpu.memory_space<vmem>>
      %dma_start3A_151 = tpu.memref_slice %arg3[%mul3A_146] : memref<131072xi32, #tpu.memory_space<hbm>> -> memref<128xi32, #tpu.memory_space<hbm>>
      %dma_start3A_152 = arith.constant 0 : i32
      %dma_start3A_153 = tpu.memref_slice %arg6[%dma_start3A_147, %dma_start3A_152] : memref<4x128xi32, #tpu.memory_space<vmem>> -> memref<1x128xi32, #tpu.memory_space<vmem>>
      %dma_start3A_154 = tpu.memref_squeeze %dma_start3A_153 : memref<1x128xi32, #tpu.memory_space<vmem>> -> memref<128xi32, #tpu.memory_space<vmem>>
      %dma_start3A_155 = tpu.memref_slice %arg3[%mul3A_146] : memref<131072xi32, #tpu.memory_space<hbm>> -> memref<128xi32, #tpu.memory_space<hbm>>
      tpu.enqueue_dma source(%dma_start3A_155 : memref<128xi32, #tpu.memory_space<hbm>>) target(%dma_start3A_154 : memref<128xi32, #tpu.memory_space<vmem>>) target_semaphore(%arg10 : memref<!tpu.dma_semaphore, #tpu.memory_space<semaphore_mem>>)
      %dma_start3A_156 = arith.constant 1 : i32
      %dma_start3A_157 = arith.constant 0 : i32
      %dma_start3A_158 = arith.constant 0 : i32
      %dma_start3A_159 = tpu.memref_slice %arg7[%dma_start3A_156, %dma_start3A_157, %dma_start3A_158] : memref<4x128x128xf32, #tpu.memory_space<vmem>> -> memref<1x128x128xf32, #tpu.memory_space<vmem>>
      %dma_start3A_160 = tpu.memref_squeeze %dma_start3A_159 : memref<1x128x128xf32, #tpu.memory_space<vmem>> -> memref<128x128xf32, #tpu.memory_space<vmem>>
      %dma_start3A_161 = arith.constant 0 : i32
      %dma_start3A_162 = tpu.memref_slice %arg2[%add3A_144, %dma_start3A_161] : memref<16384x128xf32, #tpu.memory_space<hbm>> -> memref<128x128xf32, #tpu.memory_space<hbm>>
      %dma_start3A_163 = arith.constant 0 : i32
      %dma_start3A_164 = arith.constant 0 : i32
      %dma_start3A_165 = tpu.memref_slice %arg7[%dma_start3A_156, %dma_start3A_163, %dma_start3A_164] : memref<4x128x128xf32, #tpu.memory_space<vmem>> -> memref<1x128x128xf32, #tpu.memory_space<vmem>>
      %dma_start3A_166 = tpu.memref_squeeze %dma_start3A_165 : memref<1x128x128xf32, #tpu.memory_space<vmem>> -> memref<128x128xf32, #tpu.memory_space<vmem>>
      %dma_start3A_167 = arith.constant 0 : i32
      %dma_start3A_168 = tpu.memref_slice %arg2[%add3A_144, %dma_start3A_167] : memref<16384x128xf32, #tpu.memory_space<hbm>> -> memref<128x128xf32, #tpu.memory_space<hbm>>
      tpu.enqueue_dma source(%dma_start3A_168 : memref<128x128xf32, #tpu.memory_space<hbm>>) target(%dma_start3A_166 : memref<128x128xf32, #tpu.memory_space<vmem>>) target_semaphore(%arg10 : memref<!tpu.dma_semaphore, #tpu.memory_space<semaphore_mem>>)
      %mul3A_169 = arith.constant 4 : i32
      %mul3A_170 = arith.muli %add3A_27, %mul3A_169 : i32
      %add3A_171 = arith.constant 2 : i32
      %add3A_172 = arith.addi %mul3A_170, %add3A_171 : i32
      %mul3A_173 = arith.constant 32 : i32
      %mul3A_174 = arith.muli %add3A_172, %mul3A_173 : i32
      %add3A_175 = arith.addi %add3A, %mul3A_174 : i32
      %jit3A_176 = arith.constant 256 : i32
      %div3A_177 = arith.divsi %add3A_175, %jit3A_176 : i32
      %sign3A_178 = arith.constant 0 : i32
      %sign3A_179 = arith.cmpi sgt, %add3A_175, %sign3A_178 : i32
      %sign3A_180 = arith.extui %sign3A_179 : i1 to i32
      %sign3A_181 = arith.constant 0 : i32
      %sign3A_182 = arith.cmpi slt, %add3A_175, %sign3A_181 : i32
      %sign3A_183 = arith.extui %sign3A_182 : i1 to i32
      %sign3A_184 = arith.subi %sign3A_180, %sign3A_183 : i32
      %sign3A_185 = arith.constant 0 : i32
      %sign3A_186 = arith.cmpi sgt, %jit3A_176, %sign3A_185 : i32
      %sign3A_187 = arith.extui %sign3A_186 : i1 to i32
      %sign3A_188 = arith.constant 0 : i32
      %sign3A_189 = arith.cmpi slt, %jit3A_176, %sign3A_188 : i32
      %sign3A_190 = arith.extui %sign3A_189 : i1 to i32
      %sign3A_191 = arith.subi %sign3A_187, %sign3A_190 : i32
      %ne3A_192 = arith.cmpi ne, %sign3A_184, %sign3A_191 : i32
      %rem3A_193 = arith.remsi %add3A_175, %jit3A_176 : i32
      %ne3A_194 = arith.constant 0 : i32
      %ne3A_195 = arith.cmpi ne, %rem3A_193, %ne3A_194 : i32
      %and3A_196 = arith.andi %ne3A_192, %ne3A_195 : i1
      %sub3A_197 = arith.constant 1 : i32
      %sub3A_198 = arith.subi %div3A_177, %sub3A_197 : i32
      %select_n3A_199 = arith.select %and3A_196, %sub3A_198, %div3A_177 : i32
      %jit3A_200 = arith.constant 32 : i32
      %eq3A_201 = arith.constant 0 : i32
      %eq3A_202 = arith.cmpi eq, %jit3A_200, %eq3A_201 : i32
      %jit3A_203 = arith.constant 1 : i32
      %select_n3A_204 = arith.select %eq3A_202, %jit3A_203, %jit3A_200 : i32
      %rem3A_205 = arith.remsi %add3A_175, %select_n3A_204 : i32
      %ne3A_206 = arith.constant 0 : i32
      %ne3A_207 = arith.cmpi ne, %rem3A_205, %ne3A_206 : i32
      %lt3A_208 = arith.constant 0 : i32
      %lt3A_209 = arith.cmpi slt, %rem3A_205, %lt3A_208 : i32
      %lt3A_210 = arith.constant 0 : i32
      %lt3A_211 = arith.cmpi slt, %select_n3A_204, %lt3A_210 : i32
      %ne3A_212 = arith.xori %lt3A_209, %lt3A_211 : i1
      %and3A_213 = arith.andi %ne3A_212, %ne3A_207 : i1
      %add3A_214 = arith.addi %rem3A_205, %select_n3A_204 : i32
      %select_n3A_215 = arith.select %and3A_213, %add3A_214, %rem3A_205 : i32
      %mul3A_216 = arith.constant 128 : i32
      %mul3A_217 = arith.muli %select_n3A_215, %mul3A_216 : i32
      %mul3A_218 = arith.constant 4096 : i32
      %mul3A_219 = arith.muli %select_n3A_199, %mul3A_218 : i32
      %add3A_220 = arith.addi %mul3A_219, %mul3A_217 : i32
      %mul3A_221 = arith.constant 128 : i32
      %mul3A_222 = arith.muli %add3A_175, %mul3A_221 : i32
      %dma_start3A_223 = arith.constant 2 : i32
      %dma_start3A_224 = arith.constant 0 : i32
      %dma_start3A_225 = tpu.memref_slice %arg6[%dma_start3A_223, %dma_start3A_224] : memref<4x128xi32, #tpu.memory_space<vmem>> -> memref<1x128xi32, #tpu.memory_space<vmem>>
      %dma_start3A_226 = tpu.memref_squeeze %dma_start3A_225 : memref<1x128xi32, #tpu.memory_space<vmem>> -> memref<128xi32, #tpu.memory_space<vmem>>
      %dma_start3A_227 = tpu.memref_slice %arg3[%mul3A_222] : memref<131072xi32, #tpu.memory_space<hbm>> -> memref<128xi32, #tpu.memory_space<hbm>>
      %dma_start3A_228 = arith.constant 0 : i32
      %dma_start3A_229 = tpu.memref_slice %arg6[%dma_start3A_223, %dma_start3A_228] : memref<4x128xi32, #tpu.memory_space<vmem>> -> memref<1x128xi32, #tpu.memory_space<vmem>>
      %dma_start3A_230 = tpu.memref_squeeze %dma_start3A_229 : memref<1x128xi32, #tpu.memory_space<vmem>> -> memref<128xi32, #tpu.memory_space<vmem>>
      %dma_start3A_231 = tpu.memref_slice %arg3[%mul3A_222] : memref<131072xi32, #tpu.memory_space<hbm>> -> memref<128xi32, #tpu.memory_space<hbm>>
      tpu.enqueue_dma source(%dma_start3A_231 : memref<128xi32, #tpu.memory_space<hbm>>) target(%dma_start3A_230 : memref<128xi32, #tpu.memory_space<vmem>>) target_semaphore(%arg10 : memref<!tpu.dma_semaphore, #tpu.memory_space<semaphore_mem>>)
      %dma_start3A_232 = arith.constant 2 : i32
      %dma_start3A_233 = arith.constant 0 : i32
      %dma_start3A_234 = arith.constant 0 : i32
      %dma_start3A_235 = tpu.memref_slice %arg7[%dma_start3A_232, %dma_start3A_233, %dma_start3A_234] : memref<4x128x128xf32, #tpu.memory_space<vmem>> -> memref<1x128x128xf32, #tpu.memory_space<vmem>>
      %dma_start3A_236 = tpu.memref_squeeze %dma_start3A_235 : memref<1x128x128xf32, #tpu.memory_space<vmem>> -> memref<128x128xf32, #tpu.memory_space<vmem>>
      %dma_start3A_237 = arith.constant 0 : i32
      %dma_start3A_238 = tpu.memref_slice %arg2[%add3A_220, %dma_start3A_237] : memref<16384x128xf32, #tpu.memory_space<hbm>> -> memref<128x128xf32, #tpu.memory_space<hbm>>
      %dma_start3A_239 = arith.constant 0 : i32
      %dma_start3A_240 = arith.constant 0 : i32
      %dma_start3A_241 = tpu.memref_slice %arg7[%dma_start3A_232, %dma_start3A_239, %dma_start3A_240] : memref<4x128x128xf32, #tpu.memory_space<vmem>> -> memref<1x128x128xf32, #tpu.memory_space<vmem>>
      %dma_start3A_242 = tpu.memref_squeeze %dma_start3A_241 : memref<1x128x128xf32, #tpu.memory_space<vmem>> -> memref<128x128xf32, #tpu.memory_space<vmem>>
      %dma_start3A_243 = arith.constant 0 : i32
      %dma_start3A_244 = tpu.memref_slice %arg2[%add3A_220, %dma_start3A_243] : memref<16384x128xf32, #tpu.memory_space<hbm>> -> memref<128x128xf32, #tpu.memory_space<hbm>>
      tpu.enqueue_dma source(%dma_start3A_244 : memref<128x128xf32, #tpu.memory_space<hbm>>) target(%dma_start3A_242 : memref<128x128xf32, #tpu.memory_space<vmem>>) target_semaphore(%arg10 : memref<!tpu.dma_semaphore, #tpu.memory_space<semaphore_mem>>)
      %mul3A_245 = arith.constant 4 : i32
      %mul3A_246 = arith.muli %add3A_27, %mul3A_245 : i32
      %add3A_247 = arith.constant 3 : i32
      %add3A_248 = arith.addi %mul3A_246, %add3A_247 : i32
      %mul3A_249 = arith.constant 32 : i32
      %mul3A_250 = arith.muli %add3A_248, %mul3A_249 : i32
      %add3A_251 = arith.addi %add3A, %mul3A_250 : i32
      %jit3A_252 = arith.constant 256 : i32
      %div3A_253 = arith.divsi %add3A_251, %jit3A_252 : i32
      %sign3A_254 = arith.constant 0 : i32
      %sign3A_255 = arith.cmpi sgt, %add3A_251, %sign3A_254 : i32
      %sign3A_256 = arith.extui %sign3A_255 : i1 to i32
      %sign3A_257 = arith.constant 0 : i32
      %sign3A_258 = arith.cmpi slt, %add3A_251, %sign3A_257 : i32
      %sign3A_259 = arith.extui %sign3A_258 : i1 to i32
      %sign3A_260 = arith.subi %sign3A_256, %sign3A_259 : i32
      %sign3A_261 = arith.constant 0 : i32
      %sign3A_262 = arith.cmpi sgt, %jit3A_252, %sign3A_261 : i32
      %sign3A_263 = arith.extui %sign3A_262 : i1 to i32
      %sign3A_264 = arith.constant 0 : i32
      %sign3A_265 = arith.cmpi slt, %jit3A_252, %sign3A_264 : i32
      %sign3A_266 = arith.extui %sign3A_265 : i1 to i32
      %sign3A_267 = arith.subi %sign3A_263, %sign3A_266 : i32
      %ne3A_268 = arith.cmpi ne, %sign3A_260, %sign3A_267 : i32
      %rem3A_269 = arith.remsi %add3A_251, %jit3A_252 : i32
      %ne3A_270 = arith.constant 0 : i32
      %ne3A_271 = arith.cmpi ne, %rem3A_269, %ne3A_270 : i32
      %and3A_272 = arith.andi %ne3A_268, %ne3A_271 : i1
      %sub3A_273 = arith.constant 1 : i32
      %sub3A_274 = arith.subi %div3A_253, %sub3A_273 : i32
      %select_n3A_275 = arith.select %and3A_272, %sub3A_274, %div3A_253 : i32
      %jit3A_276 = arith.constant 32 : i32
      %eq3A_277 = arith.constant 0 : i32
      %eq3A_278 = arith.cmpi eq, %jit3A_276, %eq3A_277 : i32
      %jit3A_279 = arith.constant 1 : i32
      %select_n3A_280 = arith.select %eq3A_278, %jit3A_279, %jit3A_276 : i32
      %rem3A_281 = arith.remsi %add3A_251, %select_n3A_280 : i32
      %ne3A_282 = arith.constant 0 : i32
      %ne3A_283 = arith.cmpi ne, %rem3A_281, %ne3A_282 : i32
      %lt3A_284 = arith.constant 0 : i32
      %lt3A_285 = arith.cmpi slt, %rem3A_281, %lt3A_284 : i32
      %lt3A_286 = arith.constant 0 : i32
      %lt3A_287 = arith.cmpi slt, %select_n3A_280, %lt3A_286 : i32
      %ne3A_288 = arith.xori %lt3A_285, %lt3A_287 : i1
      %and3A_289 = arith.andi %ne3A_288, %ne3A_283 : i1
      %add3A_290 = arith.addi %rem3A_281, %select_n3A_280 : i32
      %select_n3A_291 = arith.select %and3A_289, %add3A_290, %rem3A_281 : i32
      %mul3A_292 = arith.constant 128 : i32
      %mul3A_293 = arith.muli %select_n3A_291, %mul3A_292 : i32
      %mul3A_294 = arith.constant 4096 : i32
      %mul3A_295 = arith.muli %select_n3A_275, %mul3A_294 : i32
      %add3A_296 = arith.addi %mul3A_295, %mul3A_293 : i32
      %mul3A_297 = arith.constant 128 : i32
      %mul3A_298 = arith.muli %add3A_251, %mul3A_297 : i32
      %dma_start3A_299 = arith.constant 3 : i32
      %dma_start3A_300 = arith.constant 0 : i32
      %dma_start3A_301 = tpu.memref_slice %arg6[%dma_start3A_299, %dma_start3A_300] : memref<4x128xi32, #tpu.memory_space<vmem>> -> memref<1x128xi32, #tpu.memory_space<vmem>>
      %dma_start3A_302 = tpu.memref_squeeze %dma_start3A_301 : memref<1x128xi32, #tpu.memory_space<vmem>> -> memref<128xi32, #tpu.memory_space<vmem>>
      %dma_start3A_303 = tpu.memref_slice %arg3[%mul3A_298] : memref<131072xi32, #tpu.memory_space<hbm>> -> memref<128xi32, #tpu.memory_space<hbm>>
      %dma_start3A_304 = arith.constant 0 : i32
      %dma_start3A_305 = tpu.memref_slice %arg6[%dma_start3A_299, %dma_start3A_304] : memref<4x128xi32, #tpu.memory_space<vmem>> -> memref<1x128xi32, #tpu.memory_space<vmem>>
      %dma_start3A_306 = tpu.memref_squeeze %dma_start3A_305 : memref<1x128xi32, #tpu.memory_space<vmem>> -> memref<128xi32, #tpu.memory_space<vmem>>
      %dma_start3A_307 = tpu.memref_slice %arg3[%mul3A_298] : memref<131072xi32, #tpu.memory_space<hbm>> -> memref<128xi32, #tpu.memory_space<hbm>>
      tpu.enqueue_dma source(%dma_start3A_307 : memref<128xi32, #tpu.memory_space<hbm>>) target(%dma_start3A_306 : memref<128xi32, #tpu.memory_space<vmem>>) target_semaphore(%arg10 : memref<!tpu.dma_semaphore, #tpu.memory_space<semaphore_mem>>)
      %dma_start3A_308 = arith.constant 3 : i32
      %dma_start3A_309 = arith.constant 0 : i32
      %dma_start3A_310 = arith.constant 0 : i32
      %dma_start3A_311 = tpu.memref_slice %arg7[%dma_start3A_308, %dma_start3A_309, %dma_start3A_310] : memref<4x128x128xf32, #tpu.memory_space<vmem>> -> memref<1x128x128xf32, #tpu.memory_space<vmem>>
      %dma_start3A_312 = tpu.memref_squeeze %dma_start3A_311 : memref<1x128x128xf32, #tpu.memory_space<vmem>> -> memref<128x128xf32, #tpu.memory_space<vmem>>
      %dma_start3A_313 = arith.constant 0 : i32
      %dma_start3A_314 = tpu.memref_slice %arg2[%add3A_296, %dma_start3A_313] : memref<16384x128xf32, #tpu.memory_space<hbm>> -> memref<128x128xf32, #tpu.memory_space<hbm>>
      %dma_start3A_315 = arith.constant 0 : i32
      %dma_start3A_316 = arith.constant 0 : i32
      %dma_start3A_317 = tpu.memref_slice %arg7[%dma_start3A_308, %dma_start3A_315, %dma_start3A_316] : memref<4x128x128xf32, #tpu.memory_space<vmem>> -> memref<1x128x128xf32, #tpu.memory_space<vmem>>
      %dma_start3A_318 = tpu.memref_squeeze %dma_start3A_317 : memref<1x128x128xf32, #tpu.memory_space<vmem>> -> memref<128x128xf32, #tpu.memory_space<vmem>>
      %dma_start3A_319 = arith.constant 0 : i32
      %dma_start3A_320 = tpu.memref_slice %arg2[%add3A_296, %dma_start3A_319] : memref<16384x128xf32, #tpu.memory_space<hbm>> -> memref<128x128xf32, #tpu.memory_space<hbm>>
      tpu.enqueue_dma source(%dma_start3A_320 : memref<128x128xf32, #tpu.memory_space<hbm>>) target(%dma_start3A_318 : memref<128x128xf32, #tpu.memory_space<vmem>>) target_semaphore(%arg10 : memref<!tpu.dma_semaphore, #tpu.memory_space<semaphore_mem>>)
      %dma_wait3A = arith.constant 0 : i32
      %dma_wait3A_321 = arith.constant 0 : i32
      %dma_wait3A_322 = tpu.memref_slice %arg6[%dma_wait3A, %dma_wait3A_321] : memref<4x128xi32, #tpu.memory_space<vmem>> -> memref<1x128xi32, #tpu.memory_space<vmem>>
      %dma_wait3A_323 = tpu.memref_squeeze %dma_wait3A_322 : memref<1x128xi32, #tpu.memory_space<vmem>> -> memref<128xi32, #tpu.memory_space<vmem>>
      %dma_wait3A_324 = tpu.memref_slice %arg3[%mul3A_71] : memref<131072xi32, #tpu.memory_space<hbm>> -> memref<128xi32, #tpu.memory_space<hbm>>
      %dma_wait3A_325 = arith.constant 0 : i32
      %dma_wait3A_326 = tpu.memref_slice %arg6[%dma_wait3A, %dma_wait3A_325] : memref<4x128xi32, #tpu.memory_space<vmem>> -> memref<1x128xi32, #tpu.memory_space<vmem>>
      %dma_wait3A_327 = tpu.memref_squeeze %dma_wait3A_326 : memref<1x128xi32, #tpu.memory_space<vmem>> -> memref<128xi32, #tpu.memory_space<vmem>>
      %dma_wait3A_328 = tpu.memref_slice %arg3[%mul3A_71] : memref<131072xi32, #tpu.memory_space<hbm>> -> memref<128xi32, #tpu.memory_space<hbm>>
      tpu.wait_dma2 semaphore(%arg10 : memref<!tpu.dma_semaphore, #tpu.memory_space<semaphore_mem>>) src(%dma_wait3A_328 : memref<128xi32, #tpu.memory_space<hbm>>) dst(%dma_wait3A_327 : memref<128xi32, #tpu.memory_space<vmem>>)
      %dma_wait3A_329 = arith.constant 0 : i32
      %dma_wait3A_330 = arith.constant 0 : i32
      %dma_wait3A_331 = arith.constant 0 : i32
      %dma_wait3A_332 = tpu.memref_slice %arg7[%dma_wait3A_329, %dma_wait3A_330, %dma_wait3A_331] : memref<4x128x128xf32, #tpu.memory_space<vmem>> -> memref<1x128x128xf32, #tpu.memory_space<vmem>>
      %dma_wait3A_333 = tpu.memref_squeeze %dma_wait3A_332 : memref<1x128x128xf32, #tpu.memory_space<vmem>> -> memref<128x128xf32, #tpu.memory_space<vmem>>
      %dma_wait3A_334 = arith.constant 0 : i32
      %dma_wait3A_335 = tpu.memref_slice %arg2[%add3A_69, %dma_wait3A_334] : memref<16384x128xf32, #tpu.memory_space<hbm>> -> memref<128x128xf32, #tpu.memory_space<hbm>>
      %dma_wait3A_336 = arith.constant 0 : i32
      %dma_wait3A_337 = arith.constant 0 : i32
      %dma_wait3A_338 = tpu.memref_slice %arg7[%dma_wait3A_329, %dma_wait3A_336, %dma_wait3A_337] : memref<4x128x128xf32, #tpu.memory_space<vmem>> -> memref<1x128x128xf32, #tpu.memory_space<vmem>>
      %dma_wait3A_339 = tpu.memref_squeeze %dma_wait3A_338 : memref<1x128x128xf32, #tpu.memory_space<vmem>> -> memref<128x128xf32, #tpu.memory_space<vmem>>
      %dma_wait3A_340 = arith.constant 0 : i32
      %dma_wait3A_341 = tpu.memref_slice %arg2[%add3A_69, %dma_wait3A_340] : memref<16384x128xf32, #tpu.memory_space<hbm>> -> memref<128x128xf32, #tpu.memory_space<hbm>>
      tpu.wait_dma2 semaphore(%arg10 : memref<!tpu.dma_semaphore, #tpu.memory_space<semaphore_mem>>) src(%dma_wait3A_341 : memref<128x128xf32, #tpu.memory_space<hbm>>) dst(%dma_wait3A_339 : memref<128x128xf32, #tpu.memory_space<vmem>>)
      %dma_wait3A_342 = arith.constant 1 : i32
      %dma_wait3A_343 = arith.constant 0 : i32
      %dma_wait3A_344 = tpu.memref_slice %arg6[%dma_wait3A_342, %dma_wait3A_343] : memref<4x128xi32, #tpu.memory_space<vmem>> -> memref<1x128xi32, #tpu.memory_space<vmem>>
      %dma_wait3A_345 = tpu.memref_squeeze %dma_wait3A_344 : memref<1x128xi32, #tpu.memory_space<vmem>> -> memref<128xi32, #tpu.memory_space<vmem>>
      %dma_wait3A_346 = tpu.memref_slice %arg3[%mul3A_146] : memref<131072xi32, #tpu.memory_space<hbm>> -> memref<128xi32, #tpu.memory_space<hbm>>
      %dma_wait3A_347 = arith.constant 0 : i32
      %dma_wait3A_348 = tpu.memref_slice %arg6[%dma_wait3A_342, %dma_wait3A_347] : memref<4x128xi32, #tpu.memory_space<vmem>> -> memref<1x128xi32, #tpu.memory_space<vmem>>
      %dma_wait3A_349 = tpu.memref_squeeze %dma_wait3A_348 : memref<1x128xi32, #tpu.memory_space<vmem>> -> memref<128xi32, #tpu.memory_space<vmem>>
      %dma_wait3A_350 = tpu.memref_slice %arg3[%mul3A_146] : memref<131072xi32, #tpu.memory_space<hbm>> -> memref<128xi32, #tpu.memory_space<hbm>>
      tpu.wait_dma2 semaphore(%arg10 : memref<!tpu.dma_semaphore, #tpu.memory_space<semaphore_mem>>) src(%dma_wait3A_350 : memref<128xi32, #tpu.memory_space<hbm>>) dst(%dma_wait3A_349 : memref<128xi32, #tpu.memory_space<vmem>>)
      %dma_wait3A_351 = arith.constant 1 : i32
      %dma_wait3A_352 = arith.constant 0 : i32
      %dma_wait3A_353 = arith.constant 0 : i32
      %dma_wait3A_354 = tpu.memref_slice %arg7[%dma_wait3A_351, %dma_wait3A_352, %dma_wait3A_353] : memref<4x128x128xf32, #tpu.memory_space<vmem>> -> memref<1x128x128xf32, #tpu.memory_space<vmem>>
      %dma_wait3A_355 = tpu.memref_squeeze %dma_wait3A_354 : memref<1x128x128xf32, #tpu.memory_space<vmem>> -> memref<128x128xf32, #tpu.memory_space<vmem>>
      %dma_wait3A_356 = arith.constant 0 : i32
      %dma_wait3A_357 = tpu.memref_slice %arg2[%add3A_144, %dma_wait3A_356] : memref<16384x128xf32, #tpu.memory_space<hbm>> -> memref<128x128xf32, #tpu.memory_space<hbm>>
      %dma_wait3A_358 = arith.constant 0 : i32
      %dma_wait3A_359 = arith.constant 0 : i32
      %dma_wait3A_360 = tpu.memref_slice %arg7[%dma_wait3A_351, %dma_wait3A_358, %dma_wait3A_359] : memref<4x128x128xf32, #tpu.memory_space<vmem>> -> memref<1x128x128xf32, #tpu.memory_space<vmem>>
      %dma_wait3A_361 = tpu.memref_squeeze %dma_wait3A_360 : memref<1x128x128xf32, #tpu.memory_space<vmem>> -> memref<128x128xf32, #tpu.memory_space<vmem>>
      %dma_wait3A_362 = arith.constant 0 : i32
      %dma_wait3A_363 = tpu.memref_slice %arg2[%add3A_144, %dma_wait3A_362] : memref<16384x128xf32, #tpu.memory_space<hbm>> -> memref<128x128xf32, #tpu.memory_space<hbm>>
      tpu.wait_dma2 semaphore(%arg10 : memref<!tpu.dma_semaphore, #tpu.memory_space<semaphore_mem>>) src(%dma_wait3A_363 : memref<128x128xf32, #tpu.memory_space<hbm>>) dst(%dma_wait3A_361 : memref<128x128xf32, #tpu.memory_space<vmem>>)
      %dma_wait3A_364 = arith.constant 2 : i32
      %dma_wait3A_365 = arith.constant 0 : i32
      %dma_wait3A_366 = tpu.memref_slice %arg6[%dma_wait3A_364, %dma_wait3A_365] : memref<4x128xi32, #tpu.memory_space<vmem>> -> memref<1x128xi32, #tpu.memory_space<vmem>>
      %dma_wait3A_367 = tpu.memref_squeeze %dma_wait3A_366 : memref<1x128xi32, #tpu.memory_space<vmem>> -> memref<128xi32, #tpu.memory_space<vmem>>
      %dma_wait3A_368 = tpu.memref_slice %arg3[%mul3A_222] : memref<131072xi32, #tpu.memory_space<hbm>> -> memref<128xi32, #tpu.memory_space<hbm>>
      %dma_wait3A_369 = arith.constant 0 : i32
      %dma_wait3A_370 = tpu.memref_slice %arg6[%dma_wait3A_364, %dma_wait3A_369] : memref<4x128xi32, #tpu.memory_space<vmem>> -> memref<1x128xi32, #tpu.memory_space<vmem>>
      %dma_wait3A_371 = tpu.memref_squeeze %dma_wait3A_370 : memref<1x128xi32, #tpu.memory_space<vmem>> -> memref<128xi32, #tpu.memory_space<vmem>>
      %dma_wait3A_372 = tpu.memref_slice %arg3[%mul3A_222] : memref<131072xi32, #tpu.memory_space<hbm>> -> memref<128xi32, #tpu.memory_space<hbm>>
      tpu.wait_dma2 semaphore(%arg10 : memref<!tpu.dma_semaphore, #tpu.memory_space<semaphore_mem>>) src(%dma_wait3A_372 : memref<128xi32, #tpu.memory_space<hbm>>) dst(%dma_wait3A_371 : memref<128xi32, #tpu.memory_space<vmem>>)
      %dma_wait3A_373 = arith.constant 2 : i32
      %dma_wait3A_374 = arith.constant 0 : i32
      %dma_wait3A_375 = arith.constant 0 : i32
      %dma_wait3A_376 = tpu.memref_slice %arg7[%dma_wait3A_373, %dma_wait3A_374, %dma_wait3A_375] : memref<4x128x128xf32, #tpu.memory_space<vmem>> -> memref<1x128x128xf32, #tpu.memory_space<vmem>>
      %dma_wait3A_377 = tpu.memref_squeeze %dma_wait3A_376 : memref<1x128x128xf32, #tpu.memory_space<vmem>> -> memref<128x128xf32, #tpu.memory_space<vmem>>
      %dma_wait3A_378 = arith.constant 0 : i32
      %dma_wait3A_379 = tpu.memref_slice %arg2[%add3A_220, %dma_wait3A_378] : memref<16384x128xf32, #tpu.memory_space<hbm>> -> memref<128x128xf32, #tpu.memory_space<hbm>>
      %dma_wait3A_380 = arith.constant 0 : i32
      %dma_wait3A_381 = arith.constant 0 : i32
      %dma_wait3A_382 = tpu.memref_slice %arg7[%dma_wait3A_373, %dma_wait3A_380, %dma_wait3A_381] : memref<4x128x128xf32, #tpu.memory_space<vmem>> -> memref<1x128x128xf32, #tpu.memory_space<vmem>>
      %dma_wait3A_383 = tpu.memref_squeeze %dma_wait3A_382 : memref<1x128x128xf32, #tpu.memory_space<vmem>> -> memref<128x128xf32, #tpu.memory_space<vmem>>
      %dma_wait3A_384 = arith.constant 0 : i32
      %dma_wait3A_385 = tpu.memref_slice %arg2[%add3A_220, %dma_wait3A_384] : memref<16384x128xf32, #tpu.memory_space<hbm>> -> memref<128x128xf32, #tpu.memory_space<hbm>>
      tpu.wait_dma2 semaphore(%arg10 : memref<!tpu.dma_semaphore, #tpu.memory_space<semaphore_mem>>) src(%dma_wait3A_385 : memref<128x128xf32, #tpu.memory_space<hbm>>) dst(%dma_wait3A_383 : memref<128x128xf32, #tpu.memory_space<vmem>>)
      %dma_wait3A_386 = arith.constant 3 : i32
      %dma_wait3A_387 = arith.constant 0 : i32
      %dma_wait3A_388 = tpu.memref_slice %arg6[%dma_wait3A_386, %dma_wait3A_387] : memref<4x128xi32, #tpu.memory_space<vmem>> -> memref<1x128xi32, #tpu.memory_space<vmem>>
      %dma_wait3A_389 = tpu.memref_squeeze %dma_wait3A_388 : memref<1x128xi32, #tpu.memory_space<vmem>> -> memref<128xi32, #tpu.memory_space<vmem>>
      %dma_wait3A_390 = tpu.memref_slice %arg3[%mul3A_298] : memref<131072xi32, #tpu.memory_space<hbm>> -> memref<128xi32, #tpu.memory_space<hbm>>
      %dma_wait3A_391 = arith.constant 0 : i32
      %dma_wait3A_392 = tpu.memref_slice %arg6[%dma_wait3A_386, %dma_wait3A_391] : memref<4x128xi32, #tpu.memory_space<vmem>> -> memref<1x128xi32, #tpu.memory_space<vmem>>
      %dma_wait3A_393 = tpu.memref_squeeze %dma_wait3A_392 : memref<1x128xi32, #tpu.memory_space<vmem>> -> memref<128xi32, #tpu.memory_space<vmem>>
      %dma_wait3A_394 = tpu.memref_slice %arg3[%mul3A_298] : memref<131072xi32, #tpu.memory_space<hbm>> -> memref<128xi32, #tpu.memory_space<hbm>>
      tpu.wait_dma2 semaphore(%arg10 : memref<!tpu.dma_semaphore, #tpu.memory_space<semaphore_mem>>) src(%dma_wait3A_394 : memref<128xi32, #tpu.memory_space<hbm>>) dst(%dma_wait3A_393 : memref<128xi32, #tpu.memory_space<vmem>>)
      %dma_wait3A_395 = arith.constant 3 : i32
      %dma_wait3A_396 = arith.constant 0 : i32
      %dma_wait3A_397 = arith.constant 0 : i32
      %dma_wait3A_398 = tpu.memref_slice %arg7[%dma_wait3A_395, %dma_wait3A_396, %dma_wait3A_397] : memref<4x128x128xf32, #tpu.memory_space<vmem>> -> memref<1x128x128xf32, #tpu.memory_space<vmem>>
      %dma_wait3A_399 = tpu.memref_squeeze %dma_wait3A_398 : memref<1x128x128xf32, #tpu.memory_space<vmem>> -> memref<128x128xf32, #tpu.memory_space<vmem>>
      %dma_wait3A_400 = arith.constant 0 : i32
      %dma_wait3A_401 = tpu.memref_slice %arg2[%add3A_296, %dma_wait3A_400] : memref<16384x128xf32, #tpu.memory_space<hbm>> -> memref<128x128xf32, #tpu.memory_space<hbm>>
      %dma_wait3A_402 = arith.constant 0 : i32
      %dma_wait3A_403 = arith.constant 0 : i32
      %dma_wait3A_404 = tpu.memref_slice %arg7[%dma_wait3A_395, %dma_wait3A_402, %dma_wait3A_403] : memref<4x128x128xf32, #tpu.memory_space<vmem>> -> memref<1x128x128xf32, #tpu.memory_space<vmem>>
      %dma_wait3A_405 = tpu.memref_squeeze %dma_wait3A_404 : memref<1x128x128xf32, #tpu.memory_space<vmem>> -> memref<128x128xf32, #tpu.memory_space<vmem>>
      %dma_wait3A_406 = arith.constant 0 : i32
      %dma_wait3A_407 = tpu.memref_slice %arg2[%add3A_296, %dma_wait3A_406] : memref<16384x128xf32, #tpu.memory_space<hbm>> -> memref<128x128xf32, #tpu.memory_space<hbm>>
      tpu.wait_dma2 semaphore(%arg10 : memref<!tpu.dma_semaphore, #tpu.memory_space<semaphore_mem>>) src(%dma_wait3A_407 : memref<128x128xf32, #tpu.memory_space<hbm>>) dst(%dma_wait3A_405 : memref<128x128xf32, #tpu.memory_space<vmem>>)
      %dma_start3A_408 = arith.constant 0 : i32
      %dma_start3A_409 = arith.constant 0 : i32
      %dma_start3A_410 = arith.constant 0 : i32
      %dma_start3A_411 = arith.constant 0 : i32
      %dma_start3A_412 = tpu.memref_slice %arg7[%dma_start3A_408, %dma_start3A_410, %dma_start3A_411] : memref<4x128x128xf32, #tpu.memory_space<vmem>> -> memref<1x128x128xf32, #tpu.memory_space<vmem>>
      %dma_start3A_413 = tpu.memref_squeeze %dma_start3A_412 : memref<1x128x128xf32, #tpu.memory_space<vmem>> -> memref<128x128xf32, #tpu.memory_space<vmem>>
      %dma_start3A_414 = arith.constant 0 : i32
      %dma_start3A_415 = tpu.memref_slice %arg6[%dma_start3A_409, %dma_start3A_414] : memref<4x128xi32, #tpu.memory_space<vmem>> -> memref<1x128xi32, #tpu.memory_space<vmem>>
      %dma_start3A_416 = tpu.memref_squeeze %dma_start3A_415 : memref<1x128xi32, #tpu.memory_space<vmem>> -> memref<128xi32, #tpu.memory_space<vmem>>
      %dma_start3A_417 = arith.constant 0 : i32
      %dma_start3A_418 = arith.constant 0 : i32
      %dma_start3A_419 = tpu.memref_slice %arg4[%dma_start3A_417, %dma_start3A_418] : memref<131072x128xf32, #tpu.memory_space<hbm>> -> memref<131072x128xf32, #tpu.memory_space<hbm>>
      tpu.enqueue_indirect_dma source(%dma_start3A_413 : memref<128x128xf32, #tpu.memory_space<vmem>>) target(%dma_start3A_419 : memref<131072x128xf32, #tpu.memory_space<hbm>>) offsets(%dma_start3A_416 : memref<128xi32, #tpu.memory_space<vmem>>) semaphore(%arg11 : memref<!tpu.dma_semaphore, #tpu.memory_space<semaphore_mem>>)
      %dma_start3A_420 = arith.constant 1 : i32
      %dma_start3A_421 = arith.constant 1 : i32
      %dma_start3A_422 = arith.constant 0 : i32
      %dma_start3A_423 = arith.constant 0 : i32
      %dma_start3A_424 = tpu.memref_slice %arg7[%dma_start3A_420, %dma_start3A_422, %dma_start3A_423] : memref<4x128x128xf32, #tpu.memory_space<vmem>> -> memref<1x128x128xf32, #tpu.memory_space<vmem>>
      %dma_start3A_425 = tpu.memref_squeeze %dma_start3A_424 : memref<1x128x128xf32, #tpu.memory_space<vmem>> -> memref<128x128xf32, #tpu.memory_space<vmem>>
      %dma_start3A_426 = arith.constant 0 : i32
      %dma_start3A_427 = tpu.memref_slice %arg6[%dma_start3A_421, %dma_start3A_426] : memref<4x128xi32, #tpu.memory_space<vmem>> -> memref<1x128xi32, #tpu.memory_space<vmem>>
      %dma_start3A_428 = tpu.memref_squeeze %dma_start3A_427 : memref<1x128xi32, #tpu.memory_space<vmem>> -> memref<128xi32, #tpu.memory_space<vmem>>
      %dma_start3A_429 = arith.constant 0 : i32
      %dma_start3A_430 = arith.constant 0 : i32
      %dma_start3A_431 = tpu.memref_slice %arg4[%dma_start3A_429, %dma_start3A_430] : memref<131072x128xf32, #tpu.memory_space<hbm>> -> memref<131072x128xf32, #tpu.memory_space<hbm>>
      tpu.enqueue_indirect_dma source(%dma_start3A_425 : memref<128x128xf32, #tpu.memory_space<vmem>>) target(%dma_start3A_431 : memref<131072x128xf32, #tpu.memory_space<hbm>>) offsets(%dma_start3A_428 : memref<128xi32, #tpu.memory_space<vmem>>) semaphore(%arg11 : memref<!tpu.dma_semaphore, #tpu.memory_space<semaphore_mem>>)
      %dma_start3A_432 = arith.constant 2 : i32
      %dma_start3A_433 = arith.constant 2 : i32
      %dma_start3A_434 = arith.constant 0 : i32
      %dma_start3A_435 = arith.constant 0 : i32
      %dma_start3A_436 = tpu.memref_slice %arg7[%dma_start3A_432, %dma_start3A_434, %dma_start3A_435] : memref<4x128x128xf32, #tpu.memory_space<vmem>> -> memref<1x128x128xf32, #tpu.memory_space<vmem>>
      %dma_start3A_437 = tpu.memref_squeeze %dma_start3A_436 : memref<1x128x128xf32, #tpu.memory_space<vmem>> -> memref<128x128xf32, #tpu.memory_space<vmem>>
      %dma_start3A_438 = arith.constant 0 : i32
      %dma_start3A_439 = tpu.memref_slice %arg6[%dma_start3A_433, %dma_start3A_438] : memref<4x128xi32, #tpu.memory_space<vmem>> -> memref<1x128xi32, #tpu.memory_space<vmem>>
      %dma_start3A_440 = tpu.memref_squeeze %dma_start3A_439 : memref<1x128xi32, #tpu.memory_space<vmem>> -> memref<128xi32, #tpu.memory_space<vmem>>
      %dma_start3A_441 = arith.constant 0 : i32
      %dma_start3A_442 = arith.constant 0 : i32
      %dma_start3A_443 = tpu.memref_slice %arg4[%dma_start3A_441, %dma_start3A_442] : memref<131072x128xf32, #tpu.memory_space<hbm>> -> memref<131072x128xf32, #tpu.memory_space<hbm>>
      tpu.enqueue_indirect_dma source(%dma_start3A_437 : memref<128x128xf32, #tpu.memory_space<vmem>>) target(%dma_start3A_443 : memref<131072x128xf32, #tpu.memory_space<hbm>>) offsets(%dma_start3A_440 : memref<128xi32, #tpu.memory_space<vmem>>) semaphore(%arg11 : memref<!tpu.dma_semaphore, #tpu.memory_space<semaphore_mem>>)
      %dma_start3A_444 = arith.constant 3 : i32
      %dma_start3A_445 = arith.constant 3 : i32
      %dma_start3A_446 = arith.constant 0 : i32
      %dma_start3A_447 = arith.constant 0 : i32
      %dma_start3A_448 = tpu.memref_slice %arg7[%dma_start3A_444, %dma_start3A_446, %dma_start3A_447] : memref<4x128x128xf32, #tpu.memory_space<vmem>> -> memref<1x128x128xf32, #tpu.memory_space<vmem>>
      %dma_start3A_449 = tpu.memref_squeeze %dma_start3A_448 : memref<1x128x128xf32, #tpu.memory_space<vmem>> -> memref<128x128xf32, #tpu.memory_space<vmem>>
      %dma_start3A_450 = arith.constant 0 : i32
      %dma_start3A_451 = tpu.memref_slice %arg6[%dma_start3A_445, %dma_start3A_450] : memref<4x128xi32, #tpu.memory_space<vmem>> -> memref<1x128xi32, #tpu.memory_space<vmem>>
      %dma_start3A_452 = tpu.memref_squeeze %dma_start3A_451 : memref<1x128xi32, #tpu.memory_space<vmem>> -> memref<128xi32, #tpu.memory_space<vmem>>
      %dma_start3A_453 = arith.constant 0 : i32
      %dma_start3A_454 = arith.constant 0 : i32
      %dma_start3A_455 = tpu.memref_slice %arg4[%dma_start3A_453, %dma_start3A_454] : memref<131072x128xf32, #tpu.memory_space<hbm>> -> memref<131072x128xf32, #tpu.memory_space<hbm>>
      tpu.enqueue_indirect_dma source(%dma_start3A_449 : memref<128x128xf32, #tpu.memory_space<vmem>>) target(%dma_start3A_455 : memref<131072x128xf32, #tpu.memory_space<hbm>>) offsets(%dma_start3A_452 : memref<128xi32, #tpu.memory_space<vmem>>) semaphore(%arg11 : memref<!tpu.dma_semaphore, #tpu.memory_space<semaphore_mem>>)
      %dma_wait3A_456 = arith.constant 0 : i32
      %dma_wait3A_457 = arith.constant 0 : i32
      %dma_wait3A_458 = arith.constant 0 : i32
      %dma_wait3A_459 = arith.constant 0 : i32
      %dma_wait3A_460 = tpu.memref_slice %arg7[%dma_wait3A_456, %dma_wait3A_458, %dma_wait3A_459] : memref<4x128x128xf32, #tpu.memory_space<vmem>> -> memref<1x128x128xf32, #tpu.memory_space<vmem>>
      %dma_wait3A_461 = tpu.memref_squeeze %dma_wait3A_460 : memref<1x128x128xf32, #tpu.memory_space<vmem>> -> memref<128x128xf32, #tpu.memory_space<vmem>>
      %dma_wait3A_462 = arith.constant 0 : i32
      %dma_wait3A_463 = tpu.memref_slice %arg6[%dma_wait3A_457, %dma_wait3A_462] : memref<4x128xi32, #tpu.memory_space<vmem>> -> memref<1x128xi32, #tpu.memory_space<vmem>>
      %dma_wait3A_464 = tpu.memref_squeeze %dma_wait3A_463 : memref<1x128xi32, #tpu.memory_space<vmem>> -> memref<128xi32, #tpu.memory_space<vmem>>
      %dma_wait3A_465 = arith.constant 0 : i32
      %dma_wait3A_466 = arith.constant 0 : i32
      %dma_wait3A_467 = tpu.memref_slice %arg4[%dma_wait3A_465, %dma_wait3A_466] : memref<131072x128xf32, #tpu.memory_space<hbm>> -> memref<131072x128xf32, #tpu.memory_space<hbm>>
      tpu.wait_indirect_dma semaphore(%arg11 : memref<!tpu.dma_semaphore, #tpu.memory_space<semaphore_mem>>) src(%dma_wait3A_461 : memref<128x128xf32, #tpu.memory_space<vmem>>) dst(%dma_wait3A_467 : memref<131072x128xf32, #tpu.memory_space<hbm>>)
      %dma_wait3A_468 = arith.constant 1 : i32
      %dma_wait3A_469 = arith.constant 1 : i32
      %dma_wait3A_470 = arith.constant 0 : i32
      %dma_wait3A_471 = arith.constant 0 : i32
      %dma_wait3A_472 = tpu.memref_slice %arg7[%dma_wait3A_468, %dma_wait3A_470, %dma_wait3A_471] : memref<4x128x128xf32, #tpu.memory_space<vmem>> -> memref<1x128x128xf32, #tpu.memory_space<vmem>>
      %dma_wait3A_473 = tpu.memref_squeeze %dma_wait3A_472 : memref<1x128x128xf32, #tpu.memory_space<vmem>> -> memref<128x128xf32, #tpu.memory_space<vmem>>
      %dma_wait3A_474 = arith.constant 0 : i32
      %dma_wait3A_475 = tpu.memref_slice %arg6[%dma_wait3A_469, %dma_wait3A_474] : memref<4x128xi32, #tpu.memory_space<vmem>> -> memref<1x128xi32, #tpu.memory_space<vmem>>
      %dma_wait3A_476 = tpu.memref_squeeze %dma_wait3A_475 : memref<1x128xi32, #tpu.memory_space<vmem>> -> memref<128xi32, #tpu.memory_space<vmem>>
      %dma_wait3A_477 = arith.constant 0 : i32
      %dma_wait3A_478 = arith.constant 0 : i32
      %dma_wait3A_479 = tpu.memref_slice %arg4[%dma_wait3A_477, %dma_wait3A_478] : memref<131072x128xf32, #tpu.memory_space<hbm>> -> memref<131072x128xf32, #tpu.memory_space<hbm>>
      tpu.wait_indirect_dma semaphore(%arg11 : memref<!tpu.dma_semaphore, #tpu.memory_space<semaphore_mem>>) src(%dma_wait3A_473 : memref<128x128xf32, #tpu.memory_space<vmem>>) dst(%dma_wait3A_479 : memref<131072x128xf32, #tpu.memory_space<hbm>>)
      %dma_wait3A_480 = arith.constant 2 : i32
      %dma_wait3A_481 = arith.constant 2 : i32
      %dma_wait3A_482 = arith.constant 0 : i32
      %dma_wait3A_483 = arith.constant 0 : i32
      %dma_wait3A_484 = tpu.memref_slice %arg7[%dma_wait3A_480, %dma_wait3A_482, %dma_wait3A_483] : memref<4x128x128xf32, #tpu.memory_space<vmem>> -> memref<1x128x128xf32, #tpu.memory_space<vmem>>
      %dma_wait3A_485 = tpu.memref_squeeze %dma_wait3A_484 : memref<1x128x128xf32, #tpu.memory_space<vmem>> -> memref<128x128xf32, #tpu.memory_space<vmem>>
      %dma_wait3A_486 = arith.constant 0 : i32
      %dma_wait3A_487 = tpu.memref_slice %arg6[%dma_wait3A_481, %dma_wait3A_486] : memref<4x128xi32, #tpu.memory_space<vmem>> -> memref<1x128xi32, #tpu.memory_space<vmem>>
      %dma_wait3A_488 = tpu.memref_squeeze %dma_wait3A_487 : memref<1x128xi32, #tpu.memory_space<vmem>> -> memref<128xi32, #tpu.memory_space<vmem>>
      %dma_wait3A_489 = arith.constant 0 : i32
      %dma_wait3A_490 = arith.constant 0 : i32
      %dma_wait3A_491 = tpu.memref_slice %arg4[%dma_wait3A_489, %dma_wait3A_490] : memref<131072x128xf32, #tpu.memory_space<hbm>> -> memref<131072x128xf32, #tpu.memory_space<hbm>>
      tpu.wait_indirect_dma semaphore(%arg11 : memref<!tpu.dma_semaphore, #tpu.memory_space<semaphore_mem>>) src(%dma_wait3A_485 : memref<128x128xf32, #tpu.memory_space<vmem>>) dst(%dma_wait3A_491 : memref<131072x128xf32, #tpu.memory_space<hbm>>)
      %dma_wait3A_492 = arith.constant 3 : i32
      %dma_wait3A_493 = arith.constant 3 : i32
      %dma_wait3A_494 = arith.constant 0 : i32
      %dma_wait3A_495 = arith.constant 0 : i32
      %dma_wait3A_496 = tpu.memref_slice %arg7[%dma_wait3A_492, %dma_wait3A_494, %dma_wait3A_495] : memref<4x128x128xf32, #tpu.memory_space<vmem>> -> memref<1x128x128xf32, #tpu.memory_space<vmem>>
      %dma_wait3A_497 = tpu.memref_squeeze %dma_wait3A_496 : memref<1x128x128xf32, #tpu.memory_space<vmem>> -> memref<128x128xf32, #tpu.memory_space<vmem>>
      %dma_wait3A_498 = arith.constant 0 : i32
      %dma_wait3A_499 = tpu.memref_slice %arg6[%dma_wait3A_493, %dma_wait3A_498] : memref<4x128xi32, #tpu.memory_space<vmem>> -> memref<1x128xi32, #tpu.memory_space<vmem>>
      %dma_wait3A_500 = tpu.memref_squeeze %dma_wait3A_499 : memref<1x128xi32, #tpu.memory_space<vmem>> -> memref<128xi32, #tpu.memory_space<vmem>>
      %dma_wait3A_501 = arith.constant 0 : i32
      %dma_wait3A_502 = arith.constant 0 : i32
      %dma_wait3A_503 = tpu.memref_slice %arg4[%dma_wait3A_501, %dma_wait3A_502] : memref<131072x128xf32, #tpu.memory_space<hbm>> -> memref<131072x128xf32, #tpu.memory_space<hbm>>
      tpu.wait_indirect_dma semaphore(%arg11 : memref<!tpu.dma_semaphore, #tpu.memory_space<semaphore_mem>>) src(%dma_wait3A_497 : memref<128x128xf32, #tpu.memory_space<vmem>>) dst(%dma_wait3A_503 : memref<131072x128xf32, #tpu.memory_space<hbm>>)
    }
    %scan3A_4 = arith.constant 8 : i32
    %scan3A_5 = arith.constant 0 : i32
    %mul3A_6 = arith.constant 1 : i32
    %mul3A_7 = arith.muli %scan3A_5, %mul3A_6 : i32
    %add3A_8 = arith.constant 0 : i32
    %add3A_9 = arith.addi %add3A_8, %mul3A_7 : i32
    %mul3A_10 = arith.constant 32 : i32
    %mul3A_11 = arith.muli %add3A_9, %mul3A_10 : i32
    %add3A_12 = arith.addi %add3A, %mul3A_11 : i32
    %mul3A_13 = arith.constant 4096 : i32
    %mul3A_14 = arith.muli %add3A_12, %mul3A_13 : i32
    "tpu.region"() ({
      %run_scoped3A = tpu.sem_alloc : memref<!tpu.dma_semaphore, #tpu.memory_space<semaphore_mem>>
      %dma_start3A = tpu.memref_slice %arg3[%mul3A_14] : memref<131072xi32, #tpu.memory_space<hbm>> -> memref<4096xi32, #tpu.memory_space<hbm>>
      %dma_start3A_23 = tpu.memref_slice %arg3[%mul3A_14] : memref<131072xi32, #tpu.memory_space<hbm>> -> memref<4096xi32, #tpu.memory_space<hbm>>
      tpu.enqueue_dma source(%dma_start3A_23 : memref<4096xi32, #tpu.memory_space<hbm>>) target(%arg8 : memref<4096xi32, #tpu.memory_space<vmem>>) target_semaphore(%run_scoped3A : memref<!tpu.dma_semaphore, #tpu.memory_space<semaphore_mem>>)
      %dma_wait3A = tpu.memref_slice %arg3[%mul3A_14] : memref<131072xi32, #tpu.memory_space<hbm>> -> memref<4096xi32, #tpu.memory_space<hbm>>
      %dma_wait3A_24 = tpu.memref_slice %arg3[%mul3A_14] : memref<131072xi32, #tpu.memory_space<hbm>> -> memref<4096xi32, #tpu.memory_space<hbm>>
      tpu.wait_dma2 semaphore(%run_scoped3A : memref<!tpu.dma_semaphore, #tpu.memory_space<semaphore_mem>>) src(%dma_wait3A_24 : memref<4096xi32, #tpu.memory_space<hbm>>) dst(%arg8 : memref<4096xi32, #tpu.memory_space<vmem>>)
      tpu.yield
    }) : () -> ()
    %mul3A_15 = arith.constant 4096 : i32
    %mul3A_16 = arith.muli %add3A_12, %mul3A_15 : i32
    %scan3A_17 = arith.constant 0 : i32
    %scan3A_18 = arith.constant 256 : i32
    %scan3A_19 = arith.addi %scan3A_17, %scan3A_18 : i32
    %scan3A_20 = arith.constant 1 : i32
    scf.for %scan3A_23 = %scan3A_17 to %scan3A_19 step %scan3A_20  : i32 {
      %mul3A_24 = arith.constant 1 : i32
      %mul3A_25 = arith.muli %scan3A_23, %mul3A_24 : i32
      %add3A_26 = arith.constant 0 : i32
      %add3A_27 = arith.addi %add3A_26, %mul3A_25 : i32
      %mul3A_28 = arith.constant 16 : i32
      %mul3A_29 = arith.muli %add3A_27, %mul3A_28 : i32
      %get3A = arith.index_cast %mul3A_29 : i32 to index
      %get3A_30 = tpu.vector_load %arg8[%get3A] {strides = array<i32>} : memref<4096xi32, #tpu.memory_space<vmem>>, vector<16xi32>,
      %sub3A = vector.broadcast %mul3A_16 : i32 to vector<16xi32>
      %sub3A_31 = arith.subi %get3A_30, %sub3A : vector<16xi32>
      %iota3A = tpu.iota {dimensions = array<i32: 0>} : vector<16xi32>
      %mul3A_32 = arith.constant 16 : i32
      %mul3A_33 = arith.muli %add3A_27, %mul3A_32 : i32
      %add3A_34 = vector.broadcast %mul3A_33 : i32 to vector<16xi32>
      %add3A_35 = arith.addi %iota3A, %add3A_34 : vector<16xi32>
      tpu.vector_store_idx %arg9[%sub3A_31], %add3A_35 : memref<4096xi32, #tpu.memory_space<vmem>>[vector<16xi32>], vector<16xi32>,
    }
    %scan3A_21 = arith.constant 256 : i32
    "tpu.region"() ({
      %run_scoped3A = tpu.sem_alloc : memref<!tpu.dma_semaphore, #tpu.memory_space<semaphore_mem>>
      %dma_start3A = tpu.memref_slice %arg5[%mul3A_16] : memref<131072xi32, #tpu.memory_space<hbm>> -> memref<4096xi32, #tpu.memory_space<hbm>>
      %dma_start3A_23 = tpu.memref_slice %arg5[%mul3A_16] : memref<131072xi32, #tpu.memory_space<hbm>> -> memref<4096xi32, #tpu.memory_space<hbm>>
      tpu.enqueue_dma source(%arg9 : memref<4096xi32, #tpu.memory_space<vmem>>) target(%dma_start3A_23 : memref<4096xi32, #tpu.memory_space<hbm>>) target_semaphore(%run_scoped3A : memref<!tpu.dma_semaphore, #tpu.memory_space<semaphore_mem>>)
      %dma_wait3A = tpu.memref_slice %arg5[%mul3A_16] : memref<131072xi32, #tpu.memory_space<hbm>> -> memref<4096xi32, #tpu.memory_space<hbm>>
      %dma_wait3A_24 = tpu.memref_slice %arg5[%mul3A_16] : memref<131072xi32, #tpu.memory_space<hbm>> -> memref<4096xi32, #tpu.memory_space<hbm>>
      tpu.wait_dma2 semaphore(%run_scoped3A : memref<!tpu.dma_semaphore, #tpu.memory_space<semaphore_mem>>) src(%arg9 : memref<4096xi32, #tpu.memory_space<vmem>>) dst(%dma_wait3A_24 : memref<4096xi32, #tpu.memory_space<hbm>>)
      tpu.yield
    }) : () -> ()
    %scan3A_22 = arith.constant 1 : i32
    return
  }
}

#map = affine_map<(d0, d1) -> (0, 0)>
#map1 = affine_map<(d0, d1) -> (0)>
module attributes {stable_mosaic.version = 14 : i64} {
  func.func @body(%arg0: i32, %arg1: i32, %arg2: memref<16384x128xf32, #tpu.memory_space<hbm>>, %arg3: memref<131072xi32, #tpu.memory_space<hbm>>, %arg4: memref<131072x128xf32, #tpu.memory_space<hbm>>, %arg5: memref<131072xi32, #tpu.memory_space<hbm>>, %arg6: memref<4x128xi32, #tpu.memory_space<vmem>>, %arg7: memref<4x128x128xf32, #tpu.memory_space<vmem>>, %arg8: memref<4096xi32, #tpu.memory_space<vmem>>, %arg9: memref<4096xi32, #tpu.memory_space<vmem>>, %arg10: memref<!tpu.dma_semaphore, #tpu.memory_space<semaphore_mem>>, %arg11: memref<!tpu.dma_semaphore, #tpu.memory_space<semaphore_mem>>) attributes {dimension_semantics = [#tpu.dimension_semantics<core_parallel>, #tpu.dimension_semantics<subcore_parallel>], iteration_bounds = array<i64: 2, 16>, scalar_prefetch = 0 : i64, scratch_operands = 6 : i64, tpu.core_type = #tpu.core_type<sc_vector_subcore>, window_params = [{transform_indices = #map}, {transform_indices = #map1}, {transform_indices = #map}, {transform_indices = #map1}]} {
    %mul3A = arith.constant 2 : i32
    %mul3A_0 = arith.muli %arg1, %mul3A : i32
    %add3A = arith.addi %mul3A_0, %arg0 : i32
    %scan3A = arith.constant 0 : i32
    %scan3A_1 = arith.constant 8 : i32
    %scan3A_2 = arith.addi %scan3A, %scan3A_1 : i32
    %scan3A_3 = arith.constant 1 : i32
    scf.for %scan3A_23 = %scan3A to %scan3A_2 step %scan3A_3  : i32 {
      %mul3A_24 = arith.constant 1 : i32
      %mul3A_25 = arith.muli %scan3A_23, %mul3A_24 : i32
      %add3A_26 = arith.constant 0 : i32
      %add3A_27 = arith.addi %add3A_26, %mul3A_25 : i32
      %mul3A_28 = arith.constant 4 : i32
      %mul3A_29 = arith.muli %add3A_27, %mul3A_28 : i32
      %add3A_30 = arith.constant 0 : i32
      %add3A_31 = arith.addi %mul3A_29, %add3A_30 : i32
      %mul3A_32 = arith.constant 32 : i32
      %mul3A_33 = arith.muli %add3A_31, %mul3A_32 : i32
      %add3A_34 = arith.addi %add3A, %mul3A_33 : i32
      %jit3A = arith.constant 256 : i32
      %div3A = arith.divsi %add3A_34, %jit3A : i32
      %sign3A = arith.constant 0 : i32
      %sign3A_35 = arith.cmpi sgt, %add3A_34, %sign3A : i32
      %sign3A_36 = arith.extui %sign3A_35 : i1 to i32
      %sign3A_37 = arith.constant 0 : i32
      %sign3A_38 = arith.cmpi slt, %add3A_34, %sign3A_37 : i32
      %sign3A_39 = arith.extui %sign3A_38 : i1 to i32
      %sign3A_40 = arith.subi %sign3A_36, %sign3A_39 : i32
      %sign3A_41 = arith.constant 0 : i32
      %sign3A_42 = arith.cmpi sgt, %jit3A, %sign3A_41 : i32
      %sign3A_43 = arith.extui %sign3A_42 : i1 to i32
      %sign3A_44 = arith.constant 0 : i32
      %sign3A_45 = arith.cmpi slt, %jit3A, %sign3A_44 : i32
      %sign3A_46 = arith.extui %sign3A_45 : i1 to i32
      %sign3A_47 = arith.subi %sign3A_43, %sign3A_46 : i32
      %ne3A = arith.cmpi ne, %sign3A_40, %sign3A_47 : i32
      %rem3A = arith.remsi %add3A_34, %jit3A : i32
      %ne3A_48 = arith.constant 0 : i32
      %ne3A_49 = arith.cmpi ne, %rem3A, %ne3A_48 : i32
      %and3A = arith.andi %ne3A, %ne3A_49 : i1
      %sub3A = arith.constant 1 : i32
      %sub3A_50 = arith.subi %div3A, %sub3A : i32
      %select_n3A = arith.select %and3A, %sub3A_50, %div3A : i32
      %jit3A_51 = arith.constant 32 : i32
      %eq3A = arith.constant 0 : i32
      %eq3A_52 = arith.cmpi eq, %jit3A_51, %eq3A : i32
      %jit3A_53 = arith.constant 1 : i32
      %select_n3A_54 = arith.select %eq3A_52, %jit3A_53, %jit3A_51 : i32
      %rem3A_55 = arith.remsi %add3A_34, %select_n3A_54 : i32
      %ne3A_56 = arith.constant 0 : i32
      %ne3A_57 = arith.cmpi ne, %rem3A_55, %ne3A_56 : i32
      %lt3A = arith.constant 0 : i32
      %lt3A_58 = arith.cmpi slt, %rem3A_55, %lt3A : i32
      %lt3A_59 = arith.constant 0 : i32
      %lt3A_60 = arith.cmpi slt, %select_n3A_54, %lt3A_59 : i32
      %ne3A_61 = arith.xori %lt3A_58, %lt3A_60 : i1
      %and3A_62 = arith.andi %ne3A_61, %ne3A_57 : i1
      %add3A_63 = arith.addi %rem3A_55, %select_n3A_54 : i32
      %select_n3A_64 = arith.select %and3A_62, %add3A_63, %rem3A_55 : i32
      %mul3A_65 = arith.constant 128 : i32
      %mul3A_66 = arith.muli %select_n3A_64, %mul3A_65 : i32
      %mul3A_67 = arith.constant 4096 : i32
      %mul3A_68 = arith.muli %select_n3A, %mul3A_67 : i32
      %add3A_69 = arith.addi %mul3A_68, %mul3A_66 : i32
      %mul3A_70 = arith.constant 128 : i32
      %mul3A_71 = arith.muli %add3A_34, %mul3A_70 : i32
      %dma_start3A = arith.constant 0 : i32
      %dma_start3A_72 = arith.constant 0 : i32
      %dma_start3A_73 = tpu.memref_slice %arg6[%dma_start3A, %dma_start3A_72] : memref<4x128xi32, #tpu.memory_space<vmem>> -> memref<1x128xi32, #tpu.memory_space<vmem>>
      %dma_start3A_74 = tpu.memref_squeeze %dma_start3A_73 : memref<1x128xi32, #tpu.memory_space<vmem>> -> memref<128xi32, #tpu.memory_space<vmem>>
      %dma_start3A_75 = tpu.memref_slice %arg3[%mul3A_71] : memref<131072xi32, #tpu.memory_space<hbm>> -> memref<128xi32, #tpu.memory_space<hbm>>
      %dma_start3A_76 = arith.constant 0 : i32
      %dma_start3A_77 = tpu.memref_slice %arg6[%dma_start3A, %dma_start3A_76] : memref<4x128xi32, #tpu.memory_space<vmem>> -> memref<1x128xi32, #tpu.memory_space<vmem>>
      %dma_start3A_78 = tpu.memref_squeeze %dma_start3A_77 : memref<1x128xi32, #tpu.memory_space<vmem>> -> memref<128xi32, #tpu.memory_space<vmem>>
      %dma_start3A_79 = tpu.memref_slice %arg3[%mul3A_71] : memref<131072xi32, #tpu.memory_space<hbm>> -> memref<128xi32, #tpu.memory_space<hbm>>
      tpu.enqueue_dma source(%dma_start3A_79 : memref<128xi32, #tpu.memory_space<hbm>>) target(%dma_start3A_78 : memref<128xi32, #tpu.memory_space<vmem>>) target_semaphore(%arg10 : memref<!tpu.dma_semaphore, #tpu.memory_space<semaphore_mem>>)
      %dma_start3A_80 = arith.constant 0 : i32
      %dma_start3A_81 = arith.constant 0 : i32
      %dma_start3A_82 = arith.constant 0 : i32
      %dma_start3A_83 = tpu.memref_slice %arg7[%dma_start3A_80, %dma_start3A_81, %dma_start3A_82] : memref<4x128x128xf32, #tpu.memory_space<vmem>> -> memref<1x128x128xf32, #tpu.memory_space<vmem>>
      %dma_start3A_84 = tpu.memref_squeeze %dma_start3A_83 : memref<1x128x128xf32, #tpu.memory_space<vmem>> -> memref<128x128xf32, #tpu.memory_space<vmem>>
      %dma_start3A_85 = arith.constant 0 : i32
      %dma_start3A_86 = tpu.memref_slice %arg2[%add3A_69, %dma_start3A_85] : memref<16384x128xf32, #tpu.memory_space<hbm>> -> memref<128x128xf32, #tpu.memory_space<hbm>>
      %dma_start3A_87 = arith.constant 0 : i32
      %dma_start3A_88 = arith.constant 0 : i32
      %dma_start3A_89 = tpu.memref_slice %arg7[%dma_start3A_80, %dma_start3A_87, %dma_start3A_88] : memref<4x128x128xf32, #tpu.memory_space<vmem>> -> memref<1x128x128xf32, #tpu.memory_space<vmem>>
      %dma_start3A_90 = tpu.memref_squeeze %dma_start3A_89 : memref<1x128x128xf32, #tpu.memory_space<vmem>> -> memref<128x128xf32, #tpu.memory_space<vmem>>
      %dma_start3A_91 = arith.constant 0 : i32
      %dma_start3A_92 = tpu.memref_slice %arg2[%add3A_69, %dma_start3A_91] : memref<16384x128xf32, #tpu.memory_space<hbm>> -> memref<128x128xf32, #tpu.memory_space<hbm>>
      tpu.enqueue_dma source(%dma_start3A_92 : memref<128x128xf32, #tpu.memory_space<hbm>>) target(%dma_start3A_90 : memref<128x128xf32, #tpu.memory_space<vmem>>) target_semaphore(%arg10 : memref<!tpu.dma_semaphore, #tpu.memory_space<semaphore_mem>>)
      %mul3A_93 = arith.constant 4 : i32
      %mul3A_94 = arith.muli %add3A_27, %mul3A_93 : i32
      %add3A_95 = arith.constant 1 : i32
      %add3A_96 = arith.addi %mul3A_94, %add3A_95 : i32
      %mul3A_97 = arith.constant 32 : i32
      %mul3A_98 = arith.muli %add3A_96, %mul3A_97 : i32
      %add3A_99 = arith.addi %add3A, %mul3A_98 : i32
      %jit3A_100 = arith.constant 256 : i32
      %div3A_101 = arith.divsi %add3A_99, %jit3A_100 : i32
      %sign3A_102 = arith.constant 0 : i32
      %sign3A_103 = arith.cmpi sgt, %add3A_99, %sign3A_102 : i32
      %sign3A_104 = arith.extui %sign3A_103 : i1 to i32
      %sign3A_105 = arith.constant 0 : i32
      %sign3A_106 = arith.cmpi slt, %add3A_99, %sign3A_105 : i32
      %sign3A_107 = arith.extui %sign3A_106 : i1 to i32
      %sign3A_108 = arith.subi %sign3A_104, %sign3A_107 : i32
      %sign3A_109 = arith.constant 0 : i32
      %sign3A_110 = arith.cmpi sgt, %jit3A_100, %sign3A_109 : i32
      %sign3A_111 = arith.extui %sign3A_110 : i1 to i32
      %sign3A_112 = arith.constant 0 : i32
      %sign3A_113 = arith.cmpi slt, %jit3A_100, %sign3A_112 : i32
      %sign3A_114 = arith.extui %sign3A_113 : i1 to i32
      %sign3A_115 = arith.subi %sign3A_111, %sign3A_114 : i32
      %ne3A_116 = arith.cmpi ne, %sign3A_108, %sign3A_115 : i32
      %rem3A_117 = arith.remsi %add3A_99, %jit3A_100 : i32
      %ne3A_118 = arith.constant 0 : i32
      %ne3A_119 = arith.cmpi ne, %rem3A_117, %ne3A_118 : i32
      %and3A_120 = arith.andi %ne3A_116, %ne3A_119 : i1
      %sub3A_121 = arith.constant 1 : i32
      %sub3A_122 = arith.subi %div3A_101, %sub3A_121 : i32
      %select_n3A_123 = arith.select %and3A_120, %sub3A_122, %div3A_101 : i32
      %jit3A_124 = arith.constant 32 : i32
      %eq3A_125 = arith.constant 0 : i32
      %eq3A_126 = arith.cmpi eq, %jit3A_124, %eq3A_125 : i32
      %jit3A_127 = arith.constant 1 : i32
      %select_n3A_128 = arith.select %eq3A_126, %jit3A_127, %jit3A_124 : i32
      %rem3A_129 = arith.remsi %add3A_99, %select_n3A_128 : i32
      %ne3A_130 = arith.constant 0 : i32
      %ne3A_131 = arith.cmpi ne, %rem3A_129, %ne3A_130 : i32
      %lt3A_132 = arith.constant 0 : i32
      %lt3A_133 = arith.cmpi slt, %rem3A_129, %lt3A_132 : i32
      %lt3A_134 = arith.constant 0 : i32
      %lt3A_135 = arith.cmpi slt, %select_n3A_128, %lt3A_134 : i32
      %ne3A_136 = arith.xori %lt3A_133, %lt3A_135 : i1
      %and3A_137 = arith.andi %ne3A_136, %ne3A_131 : i1
      %add3A_138 = arith.addi %rem3A_129, %select_n3A_128 : i32
      %select_n3A_139 = arith.select %and3A_137, %add3A_138, %rem3A_129 : i32
      %mul3A_140 = arith.constant 128 : i32
      %mul3A_141 = arith.muli %select_n3A_139, %mul3A_140 : i32
      %mul3A_142 = arith.constant 4096 : i32
      %mul3A_143 = arith.muli %select_n3A_123, %mul3A_142 : i32
      %add3A_144 = arith.addi %mul3A_143, %mul3A_141 : i32
      %mul3A_145 = arith.constant 128 : i32
      %mul3A_146 = arith.muli %add3A_99, %mul3A_145 : i32
      %dma_start3A_147 = arith.constant 1 : i32
      %dma_start3A_148 = arith.constant 0 : i32
      %dma_start3A_149 = tpu.memref_slice %arg6[%dma_start3A_147, %dma_start3A_148] : memref<4x128xi32, #tpu.memory_space<vmem>> -> memref<1x128xi32, #tpu.memory_space<vmem>>
      %dma_start3A_150 = tpu.memref_squeeze %dma_start3A_149 : memref<1x128xi32, #tpu.memory_space<vmem>> -> memref<128xi32, #tpu.memory_space<vmem>>
      %dma_start3A_151 = tpu.memref_slice %arg3[%mul3A_146] : memref<131072xi32, #tpu.memory_space<hbm>> -> memref<128xi32, #tpu.memory_space<hbm>>
      %dma_start3A_152 = arith.constant 0 : i32
      %dma_start3A_153 = tpu.memref_slice %arg6[%dma_start3A_147, %dma_start3A_152] : memref<4x128xi32, #tpu.memory_space<vmem>> -> memref<1x128xi32, #tpu.memory_space<vmem>>
      %dma_start3A_154 = tpu.memref_squeeze %dma_start3A_153 : memref<1x128xi32, #tpu.memory_space<vmem>> -> memref<128xi32, #tpu.memory_space<vmem>>
      %dma_start3A_155 = tpu.memref_slice %arg3[%mul3A_146] : memref<131072xi32, #tpu.memory_space<hbm>> -> memref<128xi32, #tpu.memory_space<hbm>>
      tpu.enqueue_dma source(%dma_start3A_155 : memref<128xi32, #tpu.memory_space<hbm>>) target(%dma_start3A_154 : memref<128xi32, #tpu.memory_space<vmem>>) target_semaphore(%arg10 : memref<!tpu.dma_semaphore, #tpu.memory_space<semaphore_mem>>)
      %dma_start3A_156 = arith.constant 1 : i32
      %dma_start3A_157 = arith.constant 0 : i32
      %dma_start3A_158 = arith.constant 0 : i32
      %dma_start3A_159 = tpu.memref_slice %arg7[%dma_start3A_156, %dma_start3A_157, %dma_start3A_158] : memref<4x128x128xf32, #tpu.memory_space<vmem>> -> memref<1x128x128xf32, #tpu.memory_space<vmem>>
      %dma_start3A_160 = tpu.memref_squeeze %dma_start3A_159 : memref<1x128x128xf32, #tpu.memory_space<vmem>> -> memref<128x128xf32, #tpu.memory_space<vmem>>
      %dma_start3A_161 = arith.constant 0 : i32
      %dma_start3A_162 = tpu.memref_slice %arg2[%add3A_144, %dma_start3A_161] : memref<16384x128xf32, #tpu.memory_space<hbm>> -> memref<128x128xf32, #tpu.memory_space<hbm>>
      %dma_start3A_163 = arith.constant 0 : i32
      %dma_start3A_164 = arith.constant 0 : i32
      %dma_start3A_165 = tpu.memref_slice %arg7[%dma_start3A_156, %dma_start3A_163, %dma_start3A_164] : memref<4x128x128xf32, #tpu.memory_space<vmem>> -> memref<1x128x128xf32, #tpu.memory_space<vmem>>
      %dma_start3A_166 = tpu.memref_squeeze %dma_start3A_165 : memref<1x128x128xf32, #tpu.memory_space<vmem>> -> memref<128x128xf32, #tpu.memory_space<vmem>>
      %dma_start3A_167 = arith.constant 0 : i32
      %dma_start3A_168 = tpu.memref_slice %arg2[%add3A_144, %dma_start3A_167] : memref<16384x128xf32, #tpu.memory_space<hbm>> -> memref<128x128xf32, #tpu.memory_space<hbm>>
      tpu.enqueue_dma source(%dma_start3A_168 : memref<128x128xf32, #tpu.memory_space<hbm>>) target(%dma_start3A_166 : memref<128x128xf32, #tpu.memory_space<vmem>>) target_semaphore(%arg10 : memref<!tpu.dma_semaphore, #tpu.memory_space<semaphore_mem>>)
      %mul3A_169 = arith.constant 4 : i32
      %mul3A_170 = arith.muli %add3A_27, %mul3A_169 : i32
      %add3A_171 = arith.constant 2 : i32
      %add3A_172 = arith.addi %mul3A_170, %add3A_171 : i32
      %mul3A_173 = arith.constant 32 : i32
      %mul3A_174 = arith.muli %add3A_172, %mul3A_173 : i32
      %add3A_175 = arith.addi %add3A, %mul3A_174 : i32
      %jit3A_176 = arith.constant 256 : i32
      %div3A_177 = arith.divsi %add3A_175, %jit3A_176 : i32
      %sign3A_178 = arith.constant 0 : i32
      %sign3A_179 = arith.cmpi sgt, %add3A_175, %sign3A_178 : i32
      %sign3A_180 = arith.extui %sign3A_179 : i1 to i32
      %sign3A_181 = arith.constant 0 : i32
      %sign3A_182 = arith.cmpi slt, %add3A_175, %sign3A_181 : i32
      %sign3A_183 = arith.extui %sign3A_182 : i1 to i32
      %sign3A_184 = arith.subi %sign3A_180, %sign3A_183 : i32
      %sign3A_185 = arith.constant 0 : i32
      %sign3A_186 = arith.cmpi sgt, %jit3A_176, %sign3A_185 : i32
      %sign3A_187 = arith.extui %sign3A_186 : i1 to i32
      %sign3A_188 = arith.constant 0 : i32
      %sign3A_189 = arith.cmpi slt, %jit3A_176, %sign3A_188 : i32
      %sign3A_190 = arith.extui %sign3A_189 : i1 to i32
      %sign3A_191 = arith.subi %sign3A_187, %sign3A_190 : i32
      %ne3A_192 = arith.cmpi ne, %sign3A_184, %sign3A_191 : i32
      %rem3A_193 = arith.remsi %add3A_175, %jit3A_176 : i32
      %ne3A_194 = arith.constant 0 : i32
      %ne3A_195 = arith.cmpi ne, %rem3A_193, %ne3A_194 : i32
      %and3A_196 = arith.andi %ne3A_192, %ne3A_195 : i1
      %sub3A_197 = arith.constant 1 : i32
      %sub3A_198 = arith.subi %div3A_177, %sub3A_197 : i32
      %select_n3A_199 = arith.select %and3A_196, %sub3A_198, %div3A_177 : i32
      %jit3A_200 = arith.constant 32 : i32
      %eq3A_201 = arith.constant 0 : i32
      %eq3A_202 = arith.cmpi eq, %jit3A_200, %eq3A_201 : i32
      %jit3A_203 = arith.constant 1 : i32
      %select_n3A_204 = arith.select %eq3A_202, %jit3A_203, %jit3A_200 : i32
      %rem3A_205 = arith.remsi %add3A_175, %select_n3A_204 : i32
      %ne3A_206 = arith.constant 0 : i32
      %ne3A_207 = arith.cmpi ne, %rem3A_205, %ne3A_206 : i32
      %lt3A_208 = arith.constant 0 : i32
      %lt3A_209 = arith.cmpi slt, %rem3A_205, %lt3A_208 : i32
      %lt3A_210 = arith.constant 0 : i32
      %lt3A_211 = arith.cmpi slt, %select_n3A_204, %lt3A_210 : i32
      %ne3A_212 = arith.xori %lt3A_209, %lt3A_211 : i1
      %and3A_213 = arith.andi %ne3A_212, %ne3A_207 : i1
      %add3A_214 = arith.addi %rem3A_205, %select_n3A_204 : i32
      %select_n3A_215 = arith.select %and3A_213, %add3A_214, %rem3A_205 : i32
      %mul3A_216 = arith.constant 128 : i32
      %mul3A_217 = arith.muli %select_n3A_215, %mul3A_216 : i32
      %mul3A_218 = arith.constant 4096 : i32
      %mul3A_219 = arith.muli %select_n3A_199, %mul3A_218 : i32
      %add3A_220 = arith.addi %mul3A_219, %mul3A_217 : i32
      %mul3A_221 = arith.constant 128 : i32
      %mul3A_222 = arith.muli %add3A_175, %mul3A_221 : i32
      %dma_start3A_223 = arith.constant 2 : i32
      %dma_start3A_224 = arith.constant 0 : i32
      %dma_start3A_225 = tpu.memref_slice %arg6[%dma_start3A_223, %dma_start3A_224] : memref<4x128xi32, #tpu.memory_space<vmem>> -> memref<1x128xi32, #tpu.memory_space<vmem>>
      %dma_start3A_226 = tpu.memref_squeeze %dma_start3A_225 : memref<1x128xi32, #tpu.memory_space<vmem>> -> memref<128xi32, #tpu.memory_space<vmem>>
      %dma_start3A_227 = tpu.memref_slice %arg3[%mul3A_222] : memref<131072xi32, #tpu.memory_space<hbm>> -> memref<128xi32, #tpu.memory_space<hbm>>
      %dma_start3A_228 = arith.constant 0 : i32
      %dma_start3A_229 = tpu.memref_slice %arg6[%dma_start3A_223, %dma_start3A_228] : memref<4x128xi32, #tpu.memory_space<vmem>> -> memref<1x128xi32, #tpu.memory_space<vmem>>
      %dma_start3A_230 = tpu.memref_squeeze %dma_start3A_229 : memref<1x128xi32, #tpu.memory_space<vmem>> -> memref<128xi32, #tpu.memory_space<vmem>>
      %dma_start3A_231 = tpu.memref_slice %arg3[%mul3A_222] : memref<131072xi32, #tpu.memory_space<hbm>> -> memref<128xi32, #tpu.memory_space<hbm>>
      tpu.enqueue_dma source(%dma_start3A_231 : memref<128xi32, #tpu.memory_space<hbm>>) target(%dma_start3A_230 : memref<128xi32, #tpu.memory_space<vmem>>) target_semaphore(%arg10 : memref<!tpu.dma_semaphore, #tpu.memory_space<semaphore_mem>>)
      %dma_start3A_232 = arith.constant 2 : i32
      %dma_start3A_233 = arith.constant 0 : i32
      %dma_start3A_234 = arith.constant 0 : i32
      %dma_start3A_235 = tpu.memref_slice %arg7[%dma_start3A_232, %dma_start3A_233, %dma_start3A_234] : memref<4x128x128xf32, #tpu.memory_space<vmem>> -> memref<1x128x128xf32, #tpu.memory_space<vmem>>
      %dma_start3A_236 = tpu.memref_squeeze %dma_start3A_235 : memref<1x128x128xf32, #tpu.memory_space<vmem>> -> memref<128x128xf32, #tpu.memory_space<vmem>>
      %dma_start3A_237 = arith.constant 0 : i32
      %dma_start3A_238 = tpu.memref_slice %arg2[%add3A_220, %dma_start3A_237] : memref<16384x128xf32, #tpu.memory_space<hbm>> -> memref<128x128xf32, #tpu.memory_space<hbm>>
      %dma_start3A_239 = arith.constant 0 : i32
      %dma_start3A_240 = arith.constant 0 : i32
      %dma_start3A_241 = tpu.memref_slice %arg7[%dma_start3A_232, %dma_start3A_239, %dma_start3A_240] : memref<4x128x128xf32, #tpu.memory_space<vmem>> -> memref<1x128x128xf32, #tpu.memory_space<vmem>>
      %dma_start3A_242 = tpu.memref_squeeze %dma_start3A_241 : memref<1x128x128xf32, #tpu.memory_space<vmem>> -> memref<128x128xf32, #tpu.memory_space<vmem>>
      %dma_start3A_243 = arith.constant 0 : i32
      %dma_start3A_244 = tpu.memref_slice %arg2[%add3A_220, %dma_start3A_243] : memref<16384x128xf32, #tpu.memory_space<hbm>> -> memref<128x128xf32, #tpu.memory_space<hbm>>
      tpu.enqueue_dma source(%dma_start3A_244 : memref<128x128xf32, #tpu.memory_space<hbm>>) target(%dma_start3A_242 : memref<128x128xf32, #tpu.memory_space<vmem>>) target_semaphore(%arg10 : memref<!tpu.dma_semaphore, #tpu.memory_space<semaphore_mem>>)
      %mul3A_245 = arith.constant 4 : i32
      %mul3A_246 = arith.muli %add3A_27, %mul3A_245 : i32
      %add3A_247 = arith.constant 3 : i32
      %add3A_248 = arith.addi %mul3A_246, %add3A_247 : i32
      %mul3A_249 = arith.constant 32 : i32
      %mul3A_250 = arith.muli %add3A_248, %mul3A_249 : i32
      %add3A_251 = arith.addi %add3A, %mul3A_250 : i32
      %jit3A_252 = arith.constant 256 : i32
      %div3A_253 = arith.divsi %add3A_251, %jit3A_252 : i32
      %sign3A_254 = arith.constant 0 : i32
      %sign3A_255 = arith.cmpi sgt, %add3A_251, %sign3A_254 : i32
      %sign3A_256 = arith.extui %sign3A_255 : i1 to i32
      %sign3A_257 = arith.constant 0 : i32
      %sign3A_258 = arith.cmpi slt, %add3A_251, %sign3A_257 : i32
      %sign3A_259 = arith.extui %sign3A_258 : i1 to i32
      %sign3A_260 = arith.subi %sign3A_256, %sign3A_259 : i32
      %sign3A_261 = arith.constant 0 : i32
      %sign3A_262 = arith.cmpi sgt, %jit3A_252, %sign3A_261 : i32
      %sign3A_263 = arith.extui %sign3A_262 : i1 to i32
      %sign3A_264 = arith.constant 0 : i32
      %sign3A_265 = arith.cmpi slt, %jit3A_252, %sign3A_264 : i32
      %sign3A_266 = arith.extui %sign3A_265 : i1 to i32
      %sign3A_267 = arith.subi %sign3A_263, %sign3A_266 : i32
      %ne3A_268 = arith.cmpi ne, %sign3A_260, %sign3A_267 : i32
      %rem3A_269 = arith.remsi %add3A_251, %jit3A_252 : i32
      %ne3A_270 = arith.constant 0 : i32
      %ne3A_271 = arith.cmpi ne, %rem3A_269, %ne3A_270 : i32
      %and3A_272 = arith.andi %ne3A_268, %ne3A_271 : i1
      %sub3A_273 = arith.constant 1 : i32
      %sub3A_274 = arith.subi %div3A_253, %sub3A_273 : i32
      %select_n3A_275 = arith.select %and3A_272, %sub3A_274, %div3A_253 : i32
      %jit3A_276 = arith.constant 32 : i32
      %eq3A_277 = arith.constant 0 : i32
      %eq3A_278 = arith.cmpi eq, %jit3A_276, %eq3A_277 : i32
      %jit3A_279 = arith.constant 1 : i32
      %select_n3A_280 = arith.select %eq3A_278, %jit3A_279, %jit3A_276 : i32
      %rem3A_281 = arith.remsi %add3A_251, %select_n3A_280 : i32
      %ne3A_282 = arith.constant 0 : i32
      %ne3A_283 = arith.cmpi ne, %rem3A_281, %ne3A_282 : i32
      %lt3A_284 = arith.constant 0 : i32
      %lt3A_285 = arith.cmpi slt, %rem3A_281, %lt3A_284 : i32
      %lt3A_286 = arith.constant 0 : i32
      %lt3A_287 = arith.cmpi slt, %select_n3A_280, %lt3A_286 : i32
      %ne3A_288 = arith.xori %lt3A_285, %lt3A_287 : i1
      %and3A_289 = arith.andi %ne3A_288, %ne3A_283 : i1
      %add3A_290 = arith.addi %rem3A_281, %select_n3A_280 : i32
      %select_n3A_291 = arith.select %and3A_289, %add3A_290, %rem3A_281 : i32
      %mul3A_292 = arith.constant 128 : i32
      %mul3A_293 = arith.muli %select_n3A_291, %mul3A_292 : i32
      %mul3A_294 = arith.constant 4096 : i32
      %mul3A_295 = arith.muli %select_n3A_275, %mul3A_294 : i32
      %add3A_296 = arith.addi %mul3A_295, %mul3A_293 : i32
      %mul3A_297 = arith.constant 128 : i32
      %mul3A_298 = arith.muli %add3A_251, %mul3A_297 : i32
      %dma_start3A_299 = arith.constant 3 : i32
      %dma_start3A_300 = arith.constant 0 : i32
      %dma_start3A_301 = tpu.memref_slice %arg6[%dma_start3A_299, %dma_start3A_300] : memref<4x128xi32, #tpu.memory_space<vmem>> -> memref<1x128xi32, #tpu.memory_space<vmem>>
      %dma_start3A_302 = tpu.memref_squeeze %dma_start3A_301 : memref<1x128xi32, #tpu.memory_space<vmem>> -> memref<128xi32, #tpu.memory_space<vmem>>
      %dma_start3A_303 = tpu.memref_slice %arg3[%mul3A_298] : memref<131072xi32, #tpu.memory_space<hbm>> -> memref<128xi32, #tpu.memory_space<hbm>>
      %dma_start3A_304 = arith.constant 0 : i32
      %dma_start3A_305 = tpu.memref_slice %arg6[%dma_start3A_299, %dma_start3A_304] : memref<4x128xi32, #tpu.memory_space<vmem>> -> memref<1x128xi32, #tpu.memory_space<vmem>>
      %dma_start3A_306 = tpu.memref_squeeze %dma_start3A_305 : memref<1x128xi32, #tpu.memory_space<vmem>> -> memref<128xi32, #tpu.memory_space<vmem>>
      %dma_start3A_307 = tpu.memref_slice %arg3[%mul3A_298] : memref<131072xi32, #tpu.memory_space<hbm>> -> memref<128xi32, #tpu.memory_space<hbm>>
      tpu.enqueue_dma source(%dma_start3A_307 : memref<128xi32, #tpu.memory_space<hbm>>) target(%dma_start3A_306 : memref<128xi32, #tpu.memory_space<vmem>>) target_semaphore(%arg10 : memref<!tpu.dma_semaphore, #tpu.memory_space<semaphore_mem>>)
      %dma_start3A_308 = arith.constant 3 : i32
      %dma_start3A_309 = arith.constant 0 : i32
      %dma_start3A_310 = arith.constant 0 : i32
      %dma_start3A_311 = tpu.memref_slice %arg7[%dma_start3A_308, %dma_start3A_309, %dma_start3A_310] : memref<4x128x128xf32, #tpu.memory_space<vmem>> -> memref<1x128x128xf32, #tpu.memory_space<vmem>>
      %dma_start3A_312 = tpu.memref_squeeze %dma_start3A_311 : memref<1x128x128xf32, #tpu.memory_space<vmem>> -> memref<128x128xf32, #tpu.memory_space<vmem>>
      %dma_start3A_313 = arith.constant 0 : i32
      %dma_start3A_314 = tpu.memref_slice %arg2[%add3A_296, %dma_start3A_313] : memref<16384x128xf32, #tpu.memory_space<hbm>> -> memref<128x128xf32, #tpu.memory_space<hbm>>
      %dma_start3A_315 = arith.constant 0 : i32
      %dma_start3A_316 = arith.constant 0 : i32
      %dma_start3A_317 = tpu.memref_slice %arg7[%dma_start3A_308, %dma_start3A_315, %dma_start3A_316] : memref<4x128x128xf32, #tpu.memory_space<vmem>> -> memref<1x128x128xf32, #tpu.memory_space<vmem>>
      %dma_start3A_318 = tpu.memref_squeeze %dma_start3A_317 : memref<1x128x128xf32, #tpu.memory_space<vmem>> -> memref<128x128xf32, #tpu.memory_space<vmem>>
      %dma_start3A_319 = arith.constant 0 : i32
      %dma_start3A_320 = tpu.memref_slice %arg2[%add3A_296, %dma_start3A_319] : memref<16384x128xf32, #tpu.memory_space<hbm>> -> memref<128x128xf32, #tpu.memory_space<hbm>>
      tpu.enqueue_dma source(%dma_start3A_320 : memref<128x128xf32, #tpu.memory_space<hbm>>) target(%dma_start3A_318 : memref<128x128xf32, #tpu.memory_space<vmem>>) target_semaphore(%arg10 : memref<!tpu.dma_semaphore, #tpu.memory_space<semaphore_mem>>)
      %dma_wait3A = arith.constant 0 : i32
      %dma_wait3A_321 = arith.constant 0 : i32
      %dma_wait3A_322 = tpu.memref_slice %arg6[%dma_wait3A, %dma_wait3A_321] : memref<4x128xi32, #tpu.memory_space<vmem>> -> memref<1x128xi32, #tpu.memory_space<vmem>>
      %dma_wait3A_323 = tpu.memref_squeeze %dma_wait3A_322 : memref<1x128xi32, #tpu.memory_space<vmem>> -> memref<128xi32, #tpu.memory_space<vmem>>
      %dma_wait3A_324 = tpu.memref_slice %arg3[%mul3A_71] : memref<131072xi32, #tpu.memory_space<hbm>> -> memref<128xi32, #tpu.memory_space<hbm>>
      %dma_wait3A_325 = arith.constant 0 : i32
      %dma_wait3A_326 = tpu.memref_slice %arg6[%dma_wait3A, %dma_wait3A_325] : memref<4x128xi32, #tpu.memory_space<vmem>> -> memref<1x128xi32, #tpu.memory_space<vmem>>
      %dma_wait3A_327 = tpu.memref_squeeze %dma_wait3A_326 : memref<1x128xi32, #tpu.memory_space<vmem>> -> memref<128xi32, #tpu.memory_space<vmem>>
      %dma_wait3A_328 = tpu.memref_slice %arg3[%mul3A_71] : memref<131072xi32, #tpu.memory_space<hbm>> -> memref<128xi32, #tpu.memory_space<hbm>>
      tpu.wait_dma2 semaphore(%arg10 : memref<!tpu.dma_semaphore, #tpu.memory_space<semaphore_mem>>) src(%dma_wait3A_328 : memref<128xi32, #tpu.memory_space<hbm>>) dst(%dma_wait3A_327 : memref<128xi32, #tpu.memory_space<vmem>>)
      %dma_wait3A_329 = arith.constant 0 : i32
      %dma_wait3A_330 = arith.constant 0 : i32
      %dma_wait3A_331 = arith.constant 0 : i32
      %dma_wait3A_332 = tpu.memref_slice %arg7[%dma_wait3A_329, %dma_wait3A_330, %dma_wait3A_331] : memref<4x128x128xf32, #tpu.memory_space<vmem>> -> memref<1x128x128xf32, #tpu.memory_space<vmem>>
      %dma_wait3A_333 = tpu.memref_squeeze %dma_wait3A_332 : memref<1x128x128xf32, #tpu.memory_space<vmem>> -> memref<128x128xf32, #tpu.memory_space<vmem>>
      %dma_wait3A_334 = arith.constant 0 : i32
      %dma_wait3A_335 = tpu.memref_slice %arg2[%add3A_69, %dma_wait3A_334] : memref<16384x128xf32, #tpu.memory_space<hbm>> -> memref<128x128xf32, #tpu.memory_space<hbm>>
      %dma_wait3A_336 = arith.constant 0 : i32
      %dma_wait3A_337 = arith.constant 0 : i32
      %dma_wait3A_338 = tpu.memref_slice %arg7[%dma_wait3A_329, %dma_wait3A_336, %dma_wait3A_337] : memref<4x128x128xf32, #tpu.memory_space<vmem>> -> memref<1x128x128xf32, #tpu.memory_space<vmem>>
      %dma_wait3A_339 = tpu.memref_squeeze %dma_wait3A_338 : memref<1x128x128xf32, #tpu.memory_space<vmem>> -> memref<128x128xf32, #tpu.memory_space<vmem>>
      %dma_wait3A_340 = arith.constant 0 : i32
      %dma_wait3A_341 = tpu.memref_slice %arg2[%add3A_69, %dma_wait3A_340] : memref<16384x128xf32, #tpu.memory_space<hbm>> -> memref<128x128xf32, #tpu.memory_space<hbm>>
      tpu.wait_dma2 semaphore(%arg10 : memref<!tpu.dma_semaphore, #tpu.memory_space<semaphore_mem>>) src(%dma_wait3A_341 : memref<128x128xf32, #tpu.memory_space<hbm>>) dst(%dma_wait3A_339 : memref<128x128xf32, #tpu.memory_space<vmem>>)
      %dma_wait3A_342 = arith.constant 1 : i32
      %dma_wait3A_343 = arith.constant 0 : i32
      %dma_wait3A_344 = tpu.memref_slice %arg6[%dma_wait3A_342, %dma_wait3A_343] : memref<4x128xi32, #tpu.memory_space<vmem>> -> memref<1x128xi32, #tpu.memory_space<vmem>>
      %dma_wait3A_345 = tpu.memref_squeeze %dma_wait3A_344 : memref<1x128xi32, #tpu.memory_space<vmem>> -> memref<128xi32, #tpu.memory_space<vmem>>
      %dma_wait3A_346 = tpu.memref_slice %arg3[%mul3A_146] : memref<131072xi32, #tpu.memory_space<hbm>> -> memref<128xi32, #tpu.memory_space<hbm>>
      %dma_wait3A_347 = arith.constant 0 : i32
      %dma_wait3A_348 = tpu.memref_slice %arg6[%dma_wait3A_342, %dma_wait3A_347] : memref<4x128xi32, #tpu.memory_space<vmem>> -> memref<1x128xi32, #tpu.memory_space<vmem>>
      %dma_wait3A_349 = tpu.memref_squeeze %dma_wait3A_348 : memref<1x128xi32, #tpu.memory_space<vmem>> -> memref<128xi32, #tpu.memory_space<vmem>>
      %dma_wait3A_350 = tpu.memref_slice %arg3[%mul3A_146] : memref<131072xi32, #tpu.memory_space<hbm>> -> memref<128xi32, #tpu.memory_space<hbm>>
      tpu.wait_dma2 semaphore(%arg10 : memref<!tpu.dma_semaphore, #tpu.memory_space<semaphore_mem>>) src(%dma_wait3A_350 : memref<128xi32, #tpu.memory_space<hbm>>) dst(%dma_wait3A_349 : memref<128xi32, #tpu.memory_space<vmem>>)
      %dma_wait3A_351 = arith.constant 1 : i32
      %dma_wait3A_352 = arith.constant 0 : i32
      %dma_wait3A_353 = arith.constant 0 : i32
      %dma_wait3A_354 = tpu.memref_slice %arg7[%dma_wait3A_351, %dma_wait3A_352, %dma_wait3A_353] : memref<4x128x128xf32, #tpu.memory_space<vmem>> -> memref<1x128x128xf32, #tpu.memory_space<vmem>>
      %dma_wait3A_355 = tpu.memref_squeeze %dma_wait3A_354 : memref<1x128x128xf32, #tpu.memory_space<vmem>> -> memref<128x128xf32, #tpu.memory_space<vmem>>
      %dma_wait3A_356 = arith.constant 0 : i32
      %dma_wait3A_357 = tpu.memref_slice %arg2[%add3A_144, %dma_wait3A_356] : memref<16384x128xf32, #tpu.memory_space<hbm>> -> memref<128x128xf32, #tpu.memory_space<hbm>>
      %dma_wait3A_358 = arith.constant 0 : i32
      %dma_wait3A_359 = arith.constant 0 : i32
      %dma_wait3A_360 = tpu.memref_slice %arg7[%dma_wait3A_351, %dma_wait3A_358, %dma_wait3A_359] : memref<4x128x128xf32, #tpu.memory_space<vmem>> -> memref<1x128x128xf32, #tpu.memory_space<vmem>>
      %dma_wait3A_361 = tpu.memref_squeeze %dma_wait3A_360 : memref<1x128x128xf32, #tpu.memory_space<vmem>> -> memref<128x128xf32, #tpu.memory_space<vmem>>
      %dma_wait3A_362 = arith.constant 0 : i32
      %dma_wait3A_363 = tpu.memref_slice %arg2[%add3A_144, %dma_wait3A_362] : memref<16384x128xf32, #tpu.memory_space<hbm>> -> memref<128x128xf32, #tpu.memory_space<hbm>>
      tpu.wait_dma2 semaphore(%arg10 : memref<!tpu.dma_semaphore, #tpu.memory_space<semaphore_mem>>) src(%dma_wait3A_363 : memref<128x128xf32, #tpu.memory_space<hbm>>) dst(%dma_wait3A_361 : memref<128x128xf32, #tpu.memory_space<vmem>>)
      %dma_wait3A_364 = arith.constant 2 : i32
      %dma_wait3A_365 = arith.constant 0 : i32
      %dma_wait3A_366 = tpu.memref_slice %arg6[%dma_wait3A_364, %dma_wait3A_365] : memref<4x128xi32, #tpu.memory_space<vmem>> -> memref<1x128xi32, #tpu.memory_space<vmem>>
      %dma_wait3A_367 = tpu.memref_squeeze %dma_wait3A_366 : memref<1x128xi32, #tpu.memory_space<vmem>> -> memref<128xi32, #tpu.memory_space<vmem>>
      %dma_wait3A_368 = tpu.memref_slice %arg3[%mul3A_222] : memref<131072xi32, #tpu.memory_space<hbm>> -> memref<128xi32, #tpu.memory_space<hbm>>
      %dma_wait3A_369 = arith.constant 0 : i32
      %dma_wait3A_370 = tpu.memref_slice %arg6[%dma_wait3A_364, %dma_wait3A_369] : memref<4x128xi32, #tpu.memory_space<vmem>> -> memref<1x128xi32, #tpu.memory_space<vmem>>
      %dma_wait3A_371 = tpu.memref_squeeze %dma_wait3A_370 : memref<1x128xi32, #tpu.memory_space<vmem>> -> memref<128xi32, #tpu.memory_space<vmem>>
      %dma_wait3A_372 = tpu.memref_slice %arg3[%mul3A_222] : memref<131072xi32, #tpu.memory_space<hbm>> -> memref<128xi32, #tpu.memory_space<hbm>>
      tpu.wait_dma2 semaphore(%arg10 : memref<!tpu.dma_semaphore, #tpu.memory_space<semaphore_mem>>) src(%dma_wait3A_372 : memref<128xi32, #tpu.memory_space<hbm>>) dst(%dma_wait3A_371 : memref<128xi32, #tpu.memory_space<vmem>>)
      %dma_wait3A_373 = arith.constant 2 : i32
      %dma_wait3A_374 = arith.constant 0 : i32
      %dma_wait3A_375 = arith.constant 0 : i32
      %dma_wait3A_376 = tpu.memref_slice %arg7[%dma_wait3A_373, %dma_wait3A_374, %dma_wait3A_375] : memref<4x128x128xf32, #tpu.memory_space<vmem>> -> memref<1x128x128xf32, #tpu.memory_space<vmem>>
      %dma_wait3A_377 = tpu.memref_squeeze %dma_wait3A_376 : memref<1x128x128xf32, #tpu.memory_space<vmem>> -> memref<128x128xf32, #tpu.memory_space<vmem>>
      %dma_wait3A_378 = arith.constant 0 : i32
      %dma_wait3A_379 = tpu.memref_slice %arg2[%add3A_220, %dma_wait3A_378] : memref<16384x128xf32, #tpu.memory_space<hbm>> -> memref<128x128xf32, #tpu.memory_space<hbm>>
      %dma_wait3A_380 = arith.constant 0 : i32
      %dma_wait3A_381 = arith.constant 0 : i32
      %dma_wait3A_382 = tpu.memref_slice %arg7[%dma_wait3A_373, %dma_wait3A_380, %dma_wait3A_381] : memref<4x128x128xf32, #tpu.memory_space<vmem>> -> memref<1x128x128xf32, #tpu.memory_space<vmem>>
      %dma_wait3A_383 = tpu.memref_squeeze %dma_wait3A_382 : memref<1x128x128xf32, #tpu.memory_space<vmem>> -> memref<128x128xf32, #tpu.memory_space<vmem>>
      %dma_wait3A_384 = arith.constant 0 : i32
      %dma_wait3A_385 = tpu.memref_slice %arg2[%add3A_220, %dma_wait3A_384] : memref<16384x128xf32, #tpu.memory_space<hbm>> -> memref<128x128xf32, #tpu.memory_space<hbm>>
      tpu.wait_dma2 semaphore(%arg10 : memref<!tpu.dma_semaphore, #tpu.memory_space<semaphore_mem>>) src(%dma_wait3A_385 : memref<128x128xf32, #tpu.memory_space<hbm>>) dst(%dma_wait3A_383 : memref<128x128xf32, #tpu.memory_space<vmem>>)
      %dma_wait3A_386 = arith.constant 3 : i32
      %dma_wait3A_387 = arith.constant 0 : i32
      %dma_wait3A_388 = tpu.memref_slice %arg6[%dma_wait3A_386, %dma_wait3A_387] : memref<4x128xi32, #tpu.memory_space<vmem>> -> memref<1x128xi32, #tpu.memory_space<vmem>>
      %dma_wait3A_389 = tpu.memref_squeeze %dma_wait3A_388 : memref<1x128xi32, #tpu.memory_space<vmem>> -> memref<128xi32, #tpu.memory_space<vmem>>
      %dma_wait3A_390 = tpu.memref_slice %arg3[%mul3A_298] : memref<131072xi32, #tpu.memory_space<hbm>> -> memref<128xi32, #tpu.memory_space<hbm>>
      %dma_wait3A_391 = arith.constant 0 : i32
      %dma_wait3A_392 = tpu.memref_slice %arg6[%dma_wait3A_386, %dma_wait3A_391] : memref<4x128xi32, #tpu.memory_space<vmem>> -> memref<1x128xi32, #tpu.memory_space<vmem>>
      %dma_wait3A_393 = tpu.memref_squeeze %dma_wait3A_392 : memref<1x128xi32, #tpu.memory_space<vmem>> -> memref<128xi32, #tpu.memory_space<vmem>>
      %dma_wait3A_394 = tpu.memref_slice %arg3[%mul3A_298] : memref<131072xi32, #tpu.memory_space<hbm>> -> memref<128xi32, #tpu.memory_space<hbm>>
      tpu.wait_dma2 semaphore(%arg10 : memref<!tpu.dma_semaphore, #tpu.memory_space<semaphore_mem>>) src(%dma_wait3A_394 : memref<128xi32, #tpu.memory_space<hbm>>) dst(%dma_wait3A_393 : memref<128xi32, #tpu.memory_space<vmem>>)
      %dma_wait3A_395 = arith.constant 3 : i32
      %dma_wait3A_396 = arith.constant 0 : i32
      %dma_wait3A_397 = arith.constant 0 : i32
      %dma_wait3A_398 = tpu.memref_slice %arg7[%dma_wait3A_395, %dma_wait3A_396, %dma_wait3A_397] : memref<4x128x128xf32, #tpu.memory_space<vmem>> -> memref<1x128x128xf32, #tpu.memory_space<vmem>>
      %dma_wait3A_399 = tpu.memref_squeeze %dma_wait3A_398 : memref<1x128x128xf32, #tpu.memory_space<vmem>> -> memref<128x128xf32, #tpu.memory_space<vmem>>
      %dma_wait3A_400 = arith.constant 0 : i32
      %dma_wait3A_401 = tpu.memref_slice %arg2[%add3A_296, %dma_wait3A_400] : memref<16384x128xf32, #tpu.memory_space<hbm>> -> memref<128x128xf32, #tpu.memory_space<hbm>>
      %dma_wait3A_402 = arith.constant 0 : i32
      %dma_wait3A_403 = arith.constant 0 : i32
      %dma_wait3A_404 = tpu.memref_slice %arg7[%dma_wait3A_395, %dma_wait3A_402, %dma_wait3A_403] : memref<4x128x128xf32, #tpu.memory_space<vmem>> -> memref<1x128x128xf32, #tpu.memory_space<vmem>>
      %dma_wait3A_405 = tpu.memref_squeeze %dma_wait3A_404 : memref<1x128x128xf32, #tpu.memory_space<vmem>> -> memref<128x128xf32, #tpu.memory_space<vmem>>
      %dma_wait3A_406 = arith.constant 0 : i32
      %dma_wait3A_407 = tpu.memref_slice %arg2[%add3A_296, %dma_wait3A_406] : memref<16384x128xf32, #tpu.memory_space<hbm>> -> memref<128x128xf32, #tpu.memory_space<hbm>>
      tpu.wait_dma2 semaphore(%arg10 : memref<!tpu.dma_semaphore, #tpu.memory_space<semaphore_mem>>) src(%dma_wait3A_407 : memref<128x128xf32, #tpu.memory_space<hbm>>) dst(%dma_wait3A_405 : memref<128x128xf32, #tpu.memory_space<vmem>>)
      %dma_start3A_408 = arith.constant 0 : i32
      %dma_start3A_409 = arith.constant 0 : i32
      %dma_start3A_410 = arith.constant 0 : i32
      %dma_start3A_411 = arith.constant 0 : i32
      %dma_start3A_412 = tpu.memref_slice %arg7[%dma_start3A_408, %dma_start3A_410, %dma_start3A_411] : memref<4x128x128xf32, #tpu.memory_space<vmem>> -> memref<1x128x128xf32, #tpu.memory_space<vmem>>
      %dma_start3A_413 = tpu.memref_squeeze %dma_start3A_412 : memref<1x128x128xf32, #tpu.memory_space<vmem>> -> memref<128x128xf32, #tpu.memory_space<vmem>>
      %dma_start3A_414 = arith.constant 0 : i32
      %dma_start3A_415 = tpu.memref_slice %arg6[%dma_start3A_409, %dma_start3A_414] : memref<4x128xi32, #tpu.memory_space<vmem>> -> memref<1x128xi32, #tpu.memory_space<vmem>>
      %dma_start3A_416 = tpu.memref_squeeze %dma_start3A_415 : memref<1x128xi32, #tpu.memory_space<vmem>> -> memref<128xi32, #tpu.memory_space<vmem>>
      %dma_start3A_417 = arith.constant 0 : i32
      %dma_start3A_418 = arith.constant 0 : i32
      %dma_start3A_419 = tpu.memref_slice %arg4[%dma_start3A_417, %dma_start3A_418] : memref<131072x128xf32, #tpu.memory_space<hbm>> -> memref<131072x128xf32, #tpu.memory_space<hbm>>
      tpu.enqueue_indirect_dma source(%dma_start3A_413 : memref<128x128xf32, #tpu.memory_space<vmem>>) target(%dma_start3A_419 : memref<131072x128xf32, #tpu.memory_space<hbm>>) offsets(%dma_start3A_416 : memref<128xi32, #tpu.memory_space<vmem>>) semaphore(%arg11 : memref<!tpu.dma_semaphore, #tpu.memory_space<semaphore_mem>>)
      %dma_start3A_420 = arith.constant 1 : i32
      %dma_start3A_421 = arith.constant 1 : i32
      %dma_start3A_422 = arith.constant 0 : i32
      %dma_start3A_423 = arith.constant 0 : i32
      %dma_start3A_424 = tpu.memref_slice %arg7[%dma_start3A_420, %dma_start3A_422, %dma_start3A_423] : memref<4x128x128xf32, #tpu.memory_space<vmem>> -> memref<1x128x128xf32, #tpu.memory_space<vmem>>
      %dma_start3A_425 = tpu.memref_squeeze %dma_start3A_424 : memref<1x128x128xf32, #tpu.memory_space<vmem>> -> memref<128x128xf32, #tpu.memory_space<vmem>>
      %dma_start3A_426 = arith.constant 0 : i32
      %dma_start3A_427 = tpu.memref_slice %arg6[%dma_start3A_421, %dma_start3A_426] : memref<4x128xi32, #tpu.memory_space<vmem>> -> memref<1x128xi32, #tpu.memory_space<vmem>>
      %dma_start3A_428 = tpu.memref_squeeze %dma_start3A_427 : memref<1x128xi32, #tpu.memory_space<vmem>> -> memref<128xi32, #tpu.memory_space<vmem>>
      %dma_start3A_429 = arith.constant 0 : i32
      %dma_start3A_430 = arith.constant 0 : i32
      %dma_start3A_431 = tpu.memref_slice %arg4[%dma_start3A_429, %dma_start3A_430] : memref<131072x128xf32, #tpu.memory_space<hbm>> -> memref<131072x128xf32, #tpu.memory_space<hbm>>
      tpu.enqueue_indirect_dma source(%dma_start3A_425 : memref<128x128xf32, #tpu.memory_space<vmem>>) target(%dma_start3A_431 : memref<131072x128xf32, #tpu.memory_space<hbm>>) offsets(%dma_start3A_428 : memref<128xi32, #tpu.memory_space<vmem>>) semaphore(%arg11 : memref<!tpu.dma_semaphore, #tpu.memory_space<semaphore_mem>>)
      %dma_start3A_432 = arith.constant 2 : i32
      %dma_start3A_433 = arith.constant 2 : i32
      %dma_start3A_434 = arith.constant 0 : i32
      %dma_start3A_435 = arith.constant 0 : i32
      %dma_start3A_436 = tpu.memref_slice %arg7[%dma_start3A_432, %dma_start3A_434, %dma_start3A_435] : memref<4x128x128xf32, #tpu.memory_space<vmem>> -> memref<1x128x128xf32, #tpu.memory_space<vmem>>
      %dma_start3A_437 = tpu.memref_squeeze %dma_start3A_436 : memref<1x128x128xf32, #tpu.memory_space<vmem>> -> memref<128x128xf32, #tpu.memory_space<vmem>>
      %dma_start3A_438 = arith.constant 0 : i32
      %dma_start3A_439 = tpu.memref_slice %arg6[%dma_start3A_433, %dma_start3A_438] : memref<4x128xi32, #tpu.memory_space<vmem>> -> memref<1x128xi32, #tpu.memory_space<vmem>>
      %dma_start3A_440 = tpu.memref_squeeze %dma_start3A_439 : memref<1x128xi32, #tpu.memory_space<vmem>> -> memref<128xi32, #tpu.memory_space<vmem>>
      %dma_start3A_441 = arith.constant 0 : i32
      %dma_start3A_442 = arith.constant 0 : i32
      %dma_start3A_443 = tpu.memref_slice %arg4[%dma_start3A_441, %dma_start3A_442] : memref<131072x128xf32, #tpu.memory_space<hbm>> -> memref<131072x128xf32, #tpu.memory_space<hbm>>
      tpu.enqueue_indirect_dma source(%dma_start3A_437 : memref<128x128xf32, #tpu.memory_space<vmem>>) target(%dma_start3A_443 : memref<131072x128xf32, #tpu.memory_space<hbm>>) offsets(%dma_start3A_440 : memref<128xi32, #tpu.memory_space<vmem>>) semaphore(%arg11 : memref<!tpu.dma_semaphore, #tpu.memory_space<semaphore_mem>>)
      %dma_start3A_444 = arith.constant 3 : i32
      %dma_start3A_445 = arith.constant 3 : i32
      %dma_start3A_446 = arith.constant 0 : i32
      %dma_start3A_447 = arith.constant 0 : i32
      %dma_start3A_448 = tpu.memref_slice %arg7[%dma_start3A_444, %dma_start3A_446, %dma_start3A_447] : memref<4x128x128xf32, #tpu.memory_space<vmem>> -> memref<1x128x128xf32, #tpu.memory_space<vmem>>
      %dma_start3A_449 = tpu.memref_squeeze %dma_start3A_448 : memref<1x128x128xf32, #tpu.memory_space<vmem>> -> memref<128x128xf32, #tpu.memory_space<vmem>>
      %dma_start3A_450 = arith.constant 0 : i32
      %dma_start3A_451 = tpu.memref_slice %arg6[%dma_start3A_445, %dma_start3A_450] : memref<4x128xi32, #tpu.memory_space<vmem>> -> memref<1x128xi32, #tpu.memory_space<vmem>>
      %dma_start3A_452 = tpu.memref_squeeze %dma_start3A_451 : memref<1x128xi32, #tpu.memory_space<vmem>> -> memref<128xi32, #tpu.memory_space<vmem>>
      %dma_start3A_453 = arith.constant 0 : i32
      %dma_start3A_454 = arith.constant 0 : i32
      %dma_start3A_455 = tpu.memref_slice %arg4[%dma_start3A_453, %dma_start3A_454] : memref<131072x128xf32, #tpu.memory_space<hbm>> -> memref<131072x128xf32, #tpu.memory_space<hbm>>
      tpu.enqueue_indirect_dma source(%dma_start3A_449 : memref<128x128xf32, #tpu.memory_space<vmem>>) target(%dma_start3A_455 : memref<131072x128xf32, #tpu.memory_space<hbm>>) offsets(%dma_start3A_452 : memref<128xi32, #tpu.memory_space<vmem>>) semaphore(%arg11 : memref<!tpu.dma_semaphore, #tpu.memory_space<semaphore_mem>>)
      %dma_wait3A_456 = arith.constant 0 : i32
      %dma_wait3A_457 = arith.constant 0 : i32
      %dma_wait3A_458 = arith.constant 0 : i32
      %dma_wait3A_459 = arith.constant 0 : i32
      %dma_wait3A_460 = tpu.memref_slice %arg7[%dma_wait3A_456, %dma_wait3A_458, %dma_wait3A_459] : memref<4x128x128xf32, #tpu.memory_space<vmem>> -> memref<1x128x128xf32, #tpu.memory_space<vmem>>
      %dma_wait3A_461 = tpu.memref_squeeze %dma_wait3A_460 : memref<1x128x128xf32, #tpu.memory_space<vmem>> -> memref<128x128xf32, #tpu.memory_space<vmem>>
      %dma_wait3A_462 = arith.constant 0 : i32
      %dma_wait3A_463 = tpu.memref_slice %arg6[%dma_wait3A_457, %dma_wait3A_462] : memref<4x128xi32, #tpu.memory_space<vmem>> -> memref<1x128xi32, #tpu.memory_space<vmem>>
      %dma_wait3A_464 = tpu.memref_squeeze %dma_wait3A_463 : memref<1x128xi32, #tpu.memory_space<vmem>> -> memref<128xi32, #tpu.memory_space<vmem>>
      %dma_wait3A_465 = arith.constant 0 : i32
      %dma_wait3A_466 = arith.constant 0 : i32
      %dma_wait3A_467 = tpu.memref_slice %arg4[%dma_wait3A_465, %dma_wait3A_466] : memref<131072x128xf32, #tpu.memory_space<hbm>> -> memref<131072x128xf32, #tpu.memory_space<hbm>>
      tpu.wait_indirect_dma semaphore(%arg11 : memref<!tpu.dma_semaphore, #tpu.memory_space<semaphore_mem>>) src(%dma_wait3A_461 : memref<128x128xf32, #tpu.memory_space<vmem>>) dst(%dma_wait3A_467 : memref<131072x128xf32, #tpu.memory_space<hbm>>)
      %dma_wait3A_468 = arith.constant 1 : i32
      %dma_wait3A_469 = arith.constant 1 : i32
      %dma_wait3A_470 = arith.constant 0 : i32
      %dma_wait3A_471 = arith.constant 0 : i32
      %dma_wait3A_472 = tpu.memref_slice %arg7[%dma_wait3A_468, %dma_wait3A_470, %dma_wait3A_471] : memref<4x128x128xf32, #tpu.memory_space<vmem>> -> memref<1x128x128xf32, #tpu.memory_space<vmem>>
      %dma_wait3A_473 = tpu.memref_squeeze %dma_wait3A_472 : memref<1x128x128xf32, #tpu.memory_space<vmem>> -> memref<128x128xf32, #tpu.memory_space<vmem>>
      %dma_wait3A_474 = arith.constant 0 : i32
      %dma_wait3A_475 = tpu.memref_slice %arg6[%dma_wait3A_469, %dma_wait3A_474] : memref<4x128xi32, #tpu.memory_space<vmem>> -> memref<1x128xi32, #tpu.memory_space<vmem>>
      %dma_wait3A_476 = tpu.memref_squeeze %dma_wait3A_475 : memref<1x128xi32, #tpu.memory_space<vmem>> -> memref<128xi32, #tpu.memory_space<vmem>>
      %dma_wait3A_477 = arith.constant 0 : i32
      %dma_wait3A_478 = arith.constant 0 : i32
      %dma_wait3A_479 = tpu.memref_slice %arg4[%dma_wait3A_477, %dma_wait3A_478] : memref<131072x128xf32, #tpu.memory_space<hbm>> -> memref<131072x128xf32, #tpu.memory_space<hbm>>
      tpu.wait_indirect_dma semaphore(%arg11 : memref<!tpu.dma_semaphore, #tpu.memory_space<semaphore_mem>>) src(%dma_wait3A_473 : memref<128x128xf32, #tpu.memory_space<vmem>>) dst(%dma_wait3A_479 : memref<131072x128xf32, #tpu.memory_space<hbm>>)
      %dma_wait3A_480 = arith.constant 2 : i32
      %dma_wait3A_481 = arith.constant 2 : i32
      %dma_wait3A_482 = arith.constant 0 : i32
      %dma_wait3A_483 = arith.constant 0 : i32
      %dma_wait3A_484 = tpu.memref_slice %arg7[%dma_wait3A_480, %dma_wait3A_482, %dma_wait3A_483] : memref<4x128x128xf32, #tpu.memory_space<vmem>> -> memref<1x128x128xf32, #tpu.memory_space<vmem>>
      %dma_wait3A_485 = tpu.memref_squeeze %dma_wait3A_484 : memref<1x128x128xf32, #tpu.memory_space<vmem>> -> memref<128x128xf32, #tpu.memory_space<vmem>>
      %dma_wait3A_486 = arith.constant 0 : i32
      %dma_wait3A_487 = tpu.memref_slice %arg6[%dma_wait3A_481, %dma_wait3A_486] : memref<4x128xi32, #tpu.memory_space<vmem>> -> memref<1x128xi32, #tpu.memory_space<vmem>>
      %dma_wait3A_488 = tpu.memref_squeeze %dma_wait3A_487 : memref<1x128xi32, #tpu.memory_space<vmem>> -> memref<128xi32, #tpu.memory_space<vmem>>
      %dma_wait3A_489 = arith.constant 0 : i32
      %dma_wait3A_490 = arith.constant 0 : i32
      %dma_wait3A_491 = tpu.memref_slice %arg4[%dma_wait3A_489, %dma_wait3A_490] : memref<131072x128xf32, #tpu.memory_space<hbm>> -> memref<131072x128xf32, #tpu.memory_space<hbm>>
      tpu.wait_indirect_dma semaphore(%arg11 : memref<!tpu.dma_semaphore, #tpu.memory_space<semaphore_mem>>) src(%dma_wait3A_485 : memref<128x128xf32, #tpu.memory_space<vmem>>) dst(%dma_wait3A_491 : memref<131072x128xf32, #tpu.memory_space<hbm>>)
      %dma_wait3A_492 = arith.constant 3 : i32
      %dma_wait3A_493 = arith.constant 3 : i32
      %dma_wait3A_494 = arith.constant 0 : i32
      %dma_wait3A_495 = arith.constant 0 : i32
      %dma_wait3A_496 = tpu.memref_slice %arg7[%dma_wait3A_492, %dma_wait3A_494, %dma_wait3A_495] : memref<4x128x128xf32, #tpu.memory_space<vmem>> -> memref<1x128x128xf32, #tpu.memory_space<vmem>>
      %dma_wait3A_497 = tpu.memref_squeeze %dma_wait3A_496 : memref<1x128x128xf32, #tpu.memory_space<vmem>> -> memref<128x128xf32, #tpu.memory_space<vmem>>
      %dma_wait3A_498 = arith.constant 0 : i32
      %dma_wait3A_499 = tpu.memref_slice %arg6[%dma_wait3A_493, %dma_wait3A_498] : memref<4x128xi32, #tpu.memory_space<vmem>> -> memref<1x128xi32, #tpu.memory_space<vmem>>
      %dma_wait3A_500 = tpu.memref_squeeze %dma_wait3A_499 : memref<1x128xi32, #tpu.memory_space<vmem>> -> memref<128xi32, #tpu.memory_space<vmem>>
      %dma_wait3A_501 = arith.constant 0 : i32
      %dma_wait3A_502 = arith.constant 0 : i32
      %dma_wait3A_503 = tpu.memref_slice %arg4[%dma_wait3A_501, %dma_wait3A_502] : memref<131072x128xf32, #tpu.memory_space<hbm>> -> memref<131072x128xf32, #tpu.memory_space<hbm>>
      tpu.wait_indirect_dma semaphore(%arg11 : memref<!tpu.dma_semaphore, #tpu.memory_space<semaphore_mem>>) src(%dma_wait3A_497 : memref<128x128xf32, #tpu.memory_space<vmem>>) dst(%dma_wait3A_503 : memref<131072x128xf32, #tpu.memory_space<hbm>>)
    }
    %scan3A_4 = arith.constant 8 : i32
    %scan3A_5 = arith.constant 0 : i32
    %mul3A_6 = arith.constant 1 : i32
    %mul3A_7 = arith.muli %scan3A_5, %mul3A_6 : i32
    %add3A_8 = arith.constant 0 : i32
    %add3A_9 = arith.addi %add3A_8, %mul3A_7 : i32
    %mul3A_10 = arith.constant 32 : i32
    %mul3A_11 = arith.muli %add3A_9, %mul3A_10 : i32
    %add3A_12 = arith.addi %add3A, %mul3A_11 : i32
    %mul3A_13 = arith.constant 4096 : i32
    %mul3A_14 = arith.muli %add3A_12, %mul3A_13 : i32
    "tpu.region"() ({
      %run_scoped3A = tpu.sem_alloc : memref<!tpu.dma_semaphore, #tpu.memory_space<semaphore_mem>>
      %dma_start3A = tpu.memref_slice %arg3[%mul3A_14] : memref<131072xi32, #tpu.memory_space<hbm>> -> memref<4096xi32, #tpu.memory_space<hbm>>
      %dma_start3A_23 = tpu.memref_slice %arg3[%mul3A_14] : memref<131072xi32, #tpu.memory_space<hbm>> -> memref<4096xi32, #tpu.memory_space<hbm>>
      tpu.enqueue_dma source(%dma_start3A_23 : memref<4096xi32, #tpu.memory_space<hbm>>) target(%arg8 : memref<4096xi32, #tpu.memory_space<vmem>>) target_semaphore(%run_scoped3A : memref<!tpu.dma_semaphore, #tpu.memory_space<semaphore_mem>>)
      %dma_wait3A = tpu.memref_slice %arg3[%mul3A_14] : memref<131072xi32, #tpu.memory_space<hbm>> -> memref<4096xi32, #tpu.memory_space<hbm>>
      %dma_wait3A_24 = tpu.memref_slice %arg3[%mul3A_14] : memref<131072xi32, #tpu.memory_space<hbm>> -> memref<4096xi32, #tpu.memory_space<hbm>>
      tpu.wait_dma2 semaphore(%run_scoped3A : memref<!tpu.dma_semaphore, #tpu.memory_space<semaphore_mem>>) src(%dma_wait3A_24 : memref<4096xi32, #tpu.memory_space<hbm>>) dst(%arg8 : memref<4096xi32, #tpu.memory_space<vmem>>)
      tpu.yield
    }) : () -> ()
    %mul3A_15 = arith.constant 4096 : i32
    %mul3A_16 = arith.muli %add3A_12, %mul3A_15 : i32
    %scan3A_17 = arith.constant 0 : i32
    %scan3A_18 = arith.constant 256 : i32
    %scan3A_19 = arith.addi %scan3A_17, %scan3A_18 : i32
    %scan3A_20 = arith.constant 1 : i32
    scf.for %scan3A_23 = %scan3A_17 to %scan3A_19 step %scan3A_20  : i32 {
      %mul3A_24 = arith.constant 1 : i32
      %mul3A_25 = arith.muli %scan3A_23, %mul3A_24 : i32
      %add3A_26 = arith.constant 0 : i32
      %add3A_27 = arith.addi %add3A_26, %mul3A_25 : i32
      %mul3A_28 = arith.constant 16 : i32
      %mul3A_29 = arith.muli %add3A_27, %mul3A_28 : i32
      %get3A = arith.index_cast %mul3A_29 : i32 to index
      %get3A_30 = tpu.vector_load %arg8[%get3A] {strides = array<i32>} : memref<4096xi32, #tpu.memory_space<vmem>>, vector<16xi32>,
      %sub3A = vector.broadcast %mul3A_16 : i32 to vector<16xi32>
      %sub3A_31 = arith.subi %get3A_30, %sub3A : vector<16xi32>
      %iota3A = tpu.iota {dimensions = array<i32: 0>} : vector<16xi32>
      %mul3A_32 = arith.constant 16 : i32
      %mul3A_33 = arith.muli %add3A_27, %mul3A_32 : i32
      %add3A_34 = vector.broadcast %mul3A_33 : i32 to vector<16xi32>
      %add3A_35 = arith.addi %iota3A, %add3A_34 : vector<16xi32>
      tpu.vector_store_idx %arg9[%sub3A_31], %add3A_35 : memref<4096xi32, #tpu.memory_space<vmem>>[vector<16xi32>], vector<16xi32>,
    }
    %scan3A_21 = arith.constant 256 : i32
    "tpu.region"() ({
      %run_scoped3A = tpu.sem_alloc : memref<!tpu.dma_semaphore, #tpu.memory_space<semaphore_mem>>
      %dma_start3A = tpu.memref_slice %arg5[%mul3A_16] : memref<131072xi32, #tpu.memory_space<hbm>> -> memref<4096xi32, #tpu.memory_space<hbm>>
      %dma_start3A_23 = tpu.memref_slice %arg5[%mul3A_16] : memref<131072xi32, #tpu.memory_space<hbm>> -> memref<4096xi32, #tpu.memory_space<hbm>>
      tpu.enqueue_dma source(%arg9 : memref<4096xi32, #tpu.memory_space<vmem>>) target(%dma_start3A_23 : memref<4096xi32, #tpu.memory_space<hbm>>) target_semaphore(%run_scoped3A : memref<!tpu.dma_semaphore, #tpu.memory_space<semaphore_mem>>)
      %dma_wait3A = tpu.memref_slice %arg5[%mul3A_16] : memref<131072xi32, #tpu.memory_space<hbm>> -> memref<4096xi32, #tpu.memory_space<hbm>>
      %dma_wait3A_24 = tpu.memref_slice %arg5[%mul3A_16] : memref<131072xi32, #tpu.memory_space<hbm>> -> memref<4096xi32, #tpu.memory_space<hbm>>
      tpu.wait_dma2 semaphore(%run_scoped3A : memref<!tpu.dma_semaphore, #tpu.memory_space<semaphore_mem>>) src(%arg9 : memref<4096xi32, #tpu.memory_space<vmem>>) dst(%dma_wait3A_24 : memref<4096xi32, #tpu.memory_space<hbm>>)
      tpu.yield
    }) : () -> ()
    %scan3A_22 = arith.constant 1 : i32
    return
  }
}

#map = affine_map<(d0, d1) -> (0, 0)>
#map1 = affine_map<(d0, d1) -> (0)>
module attributes {stable_mosaic.version = 14 : i64} {
  func.func @body(%arg0: i32, %arg1: i32, %arg2: memref<131072x128xf32, #tpu.memory_space<hbm>>, %arg3: memref<131072xi32, #tpu.memory_space<hbm>>, %arg4: memref<131072x128xf32, #tpu.memory_space<hbm>>, %arg5: memref<4x128xi32, #tpu.memory_space<vmem>>, %arg6: memref<4x128x128xf32, #tpu.memory_space<vmem>>, %arg7: memref<!tpu.dma_semaphore, #tpu.memory_space<semaphore_mem>>, %arg8: memref<!tpu.dma_semaphore, #tpu.memory_space<semaphore_mem>>) attributes {dimension_semantics = [#tpu.dimension_semantics<core_parallel>, #tpu.dimension_semantics<subcore_parallel>], iteration_bounds = array<i64: 2, 16>, scalar_prefetch = 0 : i64, scratch_operands = 4 : i64, tpu.core_type = #tpu.core_type<sc_vector_subcore>, window_params = [{transform_indices = #map}, {transform_indices = #map1}, {transform_indices = #map}]} {
    %mul3A = arith.constant 2 : i32
    %mul3A_0 = arith.muli %arg1, %mul3A : i32
    %add3A = arith.addi %mul3A_0, %arg0 : i32
    %scan3A = arith.constant 0 : i32
    %scan3A_1 = arith.constant 8 : i32
    %scan3A_2 = arith.addi %scan3A, %scan3A_1 : i32
    %scan3A_3 = arith.constant 1 : i32
    scf.for %scan3A_5 = %scan3A to %scan3A_2 step %scan3A_3  : i32 {
      %mul3A_6 = arith.constant 1 : i32
      %mul3A_7 = arith.muli %scan3A_5, %mul3A_6 : i32
      %add3A_8 = arith.constant 0 : i32
      %add3A_9 = arith.addi %add3A_8, %mul3A_7 : i32
      %mul3A_10 = arith.constant 4 : i32
      %mul3A_11 = arith.muli %add3A_9, %mul3A_10 : i32
      %add3A_12 = arith.constant 0 : i32
      %add3A_13 = arith.addi %mul3A_11, %add3A_12 : i32
      %mul3A_14 = arith.constant 32 : i32
      %mul3A_15 = arith.muli %add3A_13, %mul3A_14 : i32
      %add3A_16 = arith.addi %add3A, %mul3A_15 : i32
      %mul3A_17 = arith.constant 128 : i32
      %mul3A_18 = arith.muli %add3A_16, %mul3A_17 : i32
      %dma_start3A = arith.constant 0 : i32
      %dma_start3A_19 = arith.constant 0 : i32
      %dma_start3A_20 = tpu.memref_slice %arg5[%dma_start3A, %dma_start3A_19] : memref<4x128xi32, #tpu.memory_space<vmem>> -> memref<1x128xi32, #tpu.memory_space<vmem>>
      %dma_start3A_21 = tpu.memref_squeeze %dma_start3A_20 : memref<1x128xi32, #tpu.memory_space<vmem>> -> memref<128xi32, #tpu.memory_space<vmem>>
      %dma_start3A_22 = tpu.memref_slice %arg3[%mul3A_18] : memref<131072xi32, #tpu.memory_space<hbm>> -> memref<128xi32, #tpu.memory_space<hbm>>
      %dma_start3A_23 = arith.constant 0 : i32
      %dma_start3A_24 = tpu.memref_slice %arg5[%dma_start3A, %dma_start3A_23] : memref<4x128xi32, #tpu.memory_space<vmem>> -> memref<1x128xi32, #tpu.memory_space<vmem>>
      %dma_start3A_25 = tpu.memref_squeeze %dma_start3A_24 : memref<1x128xi32, #tpu.memory_space<vmem>> -> memref<128xi32, #tpu.memory_space<vmem>>
      %dma_start3A_26 = tpu.memref_slice %arg3[%mul3A_18] : memref<131072xi32, #tpu.memory_space<hbm>> -> memref<128xi32, #tpu.memory_space<hbm>>
      tpu.enqueue_dma source(%dma_start3A_26 : memref<128xi32, #tpu.memory_space<hbm>>) target(%dma_start3A_25 : memref<128xi32, #tpu.memory_space<vmem>>) target_semaphore(%arg7 : memref<!tpu.dma_semaphore, #tpu.memory_space<semaphore_mem>>)
      %mul3A_27 = arith.constant 4 : i32
      %mul3A_28 = arith.muli %add3A_9, %mul3A_27 : i32
      %add3A_29 = arith.constant 1 : i32
      %add3A_30 = arith.addi %mul3A_28, %add3A_29 : i32
      %mul3A_31 = arith.constant 32 : i32
      %mul3A_32 = arith.muli %add3A_30, %mul3A_31 : i32
      %add3A_33 = arith.addi %add3A, %mul3A_32 : i32
      %mul3A_34 = arith.constant 128 : i32
      %mul3A_35 = arith.muli %add3A_33, %mul3A_34 : i32
      %dma_start3A_36 = arith.constant 1 : i32
      %dma_start3A_37 = arith.constant 0 : i32
      %dma_start3A_38 = tpu.memref_slice %arg5[%dma_start3A_36, %dma_start3A_37] : memref<4x128xi32, #tpu.memory_space<vmem>> -> memref<1x128xi32, #tpu.memory_space<vmem>>
      %dma_start3A_39 = tpu.memref_squeeze %dma_start3A_38 : memref<1x128xi32, #tpu.memory_space<vmem>> -> memref<128xi32, #tpu.memory_space<vmem>>
      %dma_start3A_40 = tpu.memref_slice %arg3[%mul3A_35] : memref<131072xi32, #tpu.memory_space<hbm>> -> memref<128xi32, #tpu.memory_space<hbm>>
      %dma_start3A_41 = arith.constant 0 : i32
      %dma_start3A_42 = tpu.memref_slice %arg5[%dma_start3A_36, %dma_start3A_41] : memref<4x128xi32, #tpu.memory_space<vmem>> -> memref<1x128xi32, #tpu.memory_space<vmem>>
      %dma_start3A_43 = tpu.memref_squeeze %dma_start3A_42 : memref<1x128xi32, #tpu.memory_space<vmem>> -> memref<128xi32, #tpu.memory_space<vmem>>
      %dma_start3A_44 = tpu.memref_slice %arg3[%mul3A_35] : memref<131072xi32, #tpu.memory_space<hbm>> -> memref<128xi32, #tpu.memory_space<hbm>>
      tpu.enqueue_dma source(%dma_start3A_44 : memref<128xi32, #tpu.memory_space<hbm>>) target(%dma_start3A_43 : memref<128xi32, #tpu.memory_space<vmem>>) target_semaphore(%arg7 : memref<!tpu.dma_semaphore, #tpu.memory_space<semaphore_mem>>)
      %mul3A_45 = arith.constant 4 : i32
      %mul3A_46 = arith.muli %add3A_9, %mul3A_45 : i32
      %add3A_47 = arith.constant 2 : i32
      %add3A_48 = arith.addi %mul3A_46, %add3A_47 : i32
      %mul3A_49 = arith.constant 32 : i32
      %mul3A_50 = arith.muli %add3A_48, %mul3A_49 : i32
      %add3A_51 = arith.addi %add3A, %mul3A_50 : i32
      %mul3A_52 = arith.constant 128 : i32
      %mul3A_53 = arith.muli %add3A_51, %mul3A_52 : i32
      %dma_start3A_54 = arith.constant 2 : i32
      %dma_start3A_55 = arith.constant 0 : i32
      %dma_start3A_56 = tpu.memref_slice %arg5[%dma_start3A_54, %dma_start3A_55] : memref<4x128xi32, #tpu.memory_space<vmem>> -> memref<1x128xi32, #tpu.memory_space<vmem>>
      %dma_start3A_57 = tpu.memref_squeeze %dma_start3A_56 : memref<1x128xi32, #tpu.memory_space<vmem>> -> memref<128xi32, #tpu.memory_space<vmem>>
      %dma_start3A_58 = tpu.memref_slice %arg3[%mul3A_53] : memref<131072xi32, #tpu.memory_space<hbm>> -> memref<128xi32, #tpu.memory_space<hbm>>
      %dma_start3A_59 = arith.constant 0 : i32
      %dma_start3A_60 = tpu.memref_slice %arg5[%dma_start3A_54, %dma_start3A_59] : memref<4x128xi32, #tpu.memory_space<vmem>> -> memref<1x128xi32, #tpu.memory_space<vmem>>
      %dma_start3A_61 = tpu.memref_squeeze %dma_start3A_60 : memref<1x128xi32, #tpu.memory_space<vmem>> -> memref<128xi32, #tpu.memory_space<vmem>>
      %dma_start3A_62 = tpu.memref_slice %arg3[%mul3A_53] : memref<131072xi32, #tpu.memory_space<hbm>> -> memref<128xi32, #tpu.memory_space<hbm>>
      tpu.enqueue_dma source(%dma_start3A_62 : memref<128xi32, #tpu.memory_space<hbm>>) target(%dma_start3A_61 : memref<128xi32, #tpu.memory_space<vmem>>) target_semaphore(%arg7 : memref<!tpu.dma_semaphore, #tpu.memory_space<semaphore_mem>>)
      %mul3A_63 = arith.constant 4 : i32
      %mul3A_64 = arith.muli %add3A_9, %mul3A_63 : i32
      %add3A_65 = arith.constant 3 : i32
      %add3A_66 = arith.addi %mul3A_64, %add3A_65 : i32
      %mul3A_67 = arith.constant 32 : i32
      %mul3A_68 = arith.muli %add3A_66, %mul3A_67 : i32
      %add3A_69 = arith.addi %add3A, %mul3A_68 : i32
      %mul3A_70 = arith.constant 128 : i32
      %mul3A_71 = arith.muli %add3A_69, %mul3A_70 : i32
      %dma_start3A_72 = arith.constant 3 : i32
      %dma_start3A_73 = arith.constant 0 : i32
      %dma_start3A_74 = tpu.memref_slice %arg5[%dma_start3A_72, %dma_start3A_73] : memref<4x128xi32, #tpu.memory_space<vmem>> -> memref<1x128xi32, #tpu.memory_space<vmem>>
      %dma_start3A_75 = tpu.memref_squeeze %dma_start3A_74 : memref<1x128xi32, #tpu.memory_space<vmem>> -> memref<128xi32, #tpu.memory_space<vmem>>
      %dma_start3A_76 = tpu.memref_slice %arg3[%mul3A_71] : memref<131072xi32, #tpu.memory_space<hbm>> -> memref<128xi32, #tpu.memory_space<hbm>>
      %dma_start3A_77 = arith.constant 0 : i32
      %dma_start3A_78 = tpu.memref_slice %arg5[%dma_start3A_72, %dma_start3A_77] : memref<4x128xi32, #tpu.memory_space<vmem>> -> memref<1x128xi32, #tpu.memory_space<vmem>>
      %dma_start3A_79 = tpu.memref_squeeze %dma_start3A_78 : memref<1x128xi32, #tpu.memory_space<vmem>> -> memref<128xi32, #tpu.memory_space<vmem>>
      %dma_start3A_80 = tpu.memref_slice %arg3[%mul3A_71] : memref<131072xi32, #tpu.memory_space<hbm>> -> memref<128xi32, #tpu.memory_space<hbm>>
      tpu.enqueue_dma source(%dma_start3A_80 : memref<128xi32, #tpu.memory_space<hbm>>) target(%dma_start3A_79 : memref<128xi32, #tpu.memory_space<vmem>>) target_semaphore(%arg7 : memref<!tpu.dma_semaphore, #tpu.memory_space<semaphore_mem>>)
      %dma_wait3A = arith.constant 0 : i32
      %dma_wait3A_81 = arith.constant 0 : i32
      %dma_wait3A_82 = tpu.memref_slice %arg5[%dma_wait3A, %dma_wait3A_81] : memref<4x128xi32, #tpu.memory_space<vmem>> -> memref<1x128xi32, #tpu.memory_space<vmem>>
      %dma_wait3A_83 = tpu.memref_squeeze %dma_wait3A_82 : memref<1x128xi32, #tpu.memory_space<vmem>> -> memref<128xi32, #tpu.memory_space<vmem>>
      %dma_wait3A_84 = tpu.memref_slice %arg3[%mul3A_18] : memref<131072xi32, #tpu.memory_space<hbm>> -> memref<128xi32, #tpu.memory_space<hbm>>
      %dma_wait3A_85 = arith.constant 0 : i32
      %dma_wait3A_86 = tpu.memref_slice %arg5[%dma_wait3A, %dma_wait3A_85] : memref<4x128xi32, #tpu.memory_space<vmem>> -> memref<1x128xi32, #tpu.memory_space<vmem>>
      %dma_wait3A_87 = tpu.memref_squeeze %dma_wait3A_86 : memref<1x128xi32, #tpu.memory_space<vmem>> -> memref<128xi32, #tpu.memory_space<vmem>>
      %dma_wait3A_88 = tpu.memref_slice %arg3[%mul3A_18] : memref<131072xi32, #tpu.memory_space<hbm>> -> memref<128xi32, #tpu.memory_space<hbm>>
      tpu.wait_dma2 semaphore(%arg7 : memref<!tpu.dma_semaphore, #tpu.memory_space<semaphore_mem>>) src(%dma_wait3A_88 : memref<128xi32, #tpu.memory_space<hbm>>) dst(%dma_wait3A_87 : memref<128xi32, #tpu.memory_space<vmem>>)
      %dma_wait3A_89 = arith.constant 1 : i32
      %dma_wait3A_90 = arith.constant 0 : i32
      %dma_wait3A_91 = tpu.memref_slice %arg5[%dma_wait3A_89, %dma_wait3A_90] : memref<4x128xi32, #tpu.memory_space<vmem>> -> memref<1x128xi32, #tpu.memory_space<vmem>>
      %dma_wait3A_92 = tpu.memref_squeeze %dma_wait3A_91 : memref<1x128xi32, #tpu.memory_space<vmem>> -> memref<128xi32, #tpu.memory_space<vmem>>
      %dma_wait3A_93 = tpu.memref_slice %arg3[%mul3A_35] : memref<131072xi32, #tpu.memory_space<hbm>> -> memref<128xi32, #tpu.memory_space<hbm>>
      %dma_wait3A_94 = arith.constant 0 : i32
      %dma_wait3A_95 = tpu.memref_slice %arg5[%dma_wait3A_89, %dma_wait3A_94] : memref<4x128xi32, #tpu.memory_space<vmem>> -> memref<1x128xi32, #tpu.memory_space<vmem>>
      %dma_wait3A_96 = tpu.memref_squeeze %dma_wait3A_95 : memref<1x128xi32, #tpu.memory_space<vmem>> -> memref<128xi32, #tpu.memory_space<vmem>>
      %dma_wait3A_97 = tpu.memref_slice %arg3[%mul3A_35] : memref<131072xi32, #tpu.memory_space<hbm>> -> memref<128xi32, #tpu.memory_space<hbm>>
      tpu.wait_dma2 semaphore(%arg7 : memref<!tpu.dma_semaphore, #tpu.memory_space<semaphore_mem>>) src(%dma_wait3A_97 : memref<128xi32, #tpu.memory_space<hbm>>) dst(%dma_wait3A_96 : memref<128xi32, #tpu.memory_space<vmem>>)
      %dma_wait3A_98 = arith.constant 2 : i32
      %dma_wait3A_99 = arith.constant 0 : i32
      %dma_wait3A_100 = tpu.memref_slice %arg5[%dma_wait3A_98, %dma_wait3A_99] : memref<4x128xi32, #tpu.memory_space<vmem>> -> memref<1x128xi32, #tpu.memory_space<vmem>>
      %dma_wait3A_101 = tpu.memref_squeeze %dma_wait3A_100 : memref<1x128xi32, #tpu.memory_space<vmem>> -> memref<128xi32, #tpu.memory_space<vmem>>
      %dma_wait3A_102 = tpu.memref_slice %arg3[%mul3A_53] : memref<131072xi32, #tpu.memory_space<hbm>> -> memref<128xi32, #tpu.memory_space<hbm>>
      %dma_wait3A_103 = arith.constant 0 : i32
      %dma_wait3A_104 = tpu.memref_slice %arg5[%dma_wait3A_98, %dma_wait3A_103] : memref<4x128xi32, #tpu.memory_space<vmem>> -> memref<1x128xi32, #tpu.memory_space<vmem>>
      %dma_wait3A_105 = tpu.memref_squeeze %dma_wait3A_104 : memref<1x128xi32, #tpu.memory_space<vmem>> -> memref<128xi32, #tpu.memory_space<vmem>>
      %dma_wait3A_106 = tpu.memref_slice %arg3[%mul3A_53] : memref<131072xi32, #tpu.memory_space<hbm>> -> memref<128xi32, #tpu.memory_space<hbm>>
      tpu.wait_dma2 semaphore(%arg7 : memref<!tpu.dma_semaphore, #tpu.memory_space<semaphore_mem>>) src(%dma_wait3A_106 : memref<128xi32, #tpu.memory_space<hbm>>) dst(%dma_wait3A_105 : memref<128xi32, #tpu.memory_space<vmem>>)
      %dma_wait3A_107 = arith.constant 3 : i32
      %dma_wait3A_108 = arith.constant 0 : i32
      %dma_wait3A_109 = tpu.memref_slice %arg5[%dma_wait3A_107, %dma_wait3A_108] : memref<4x128xi32, #tpu.memory_space<vmem>> -> memref<1x128xi32, #tpu.memory_space<vmem>>
      %dma_wait3A_110 = tpu.memref_squeeze %dma_wait3A_109 : memref<1x128xi32, #tpu.memory_space<vmem>> -> memref<128xi32, #tpu.memory_space<vmem>>
      %dma_wait3A_111 = tpu.memref_slice %arg3[%mul3A_71] : memref<131072xi32, #tpu.memory_space<hbm>> -> memref<128xi32, #tpu.memory_space<hbm>>
      %dma_wait3A_112 = arith.constant 0 : i32
      %dma_wait3A_113 = tpu.memref_slice %arg5[%dma_wait3A_107, %dma_wait3A_112] : memref<4x128xi32, #tpu.memory_space<vmem>> -> memref<1x128xi32, #tpu.memory_space<vmem>>
      %dma_wait3A_114 = tpu.memref_squeeze %dma_wait3A_113 : memref<1x128xi32, #tpu.memory_space<vmem>> -> memref<128xi32, #tpu.memory_space<vmem>>
      %dma_wait3A_115 = tpu.memref_slice %arg3[%mul3A_71] : memref<131072xi32, #tpu.memory_space<hbm>> -> memref<128xi32, #tpu.memory_space<hbm>>
      tpu.wait_dma2 semaphore(%arg7 : memref<!tpu.dma_semaphore, #tpu.memory_space<semaphore_mem>>) src(%dma_wait3A_115 : memref<128xi32, #tpu.memory_space<hbm>>) dst(%dma_wait3A_114 : memref<128xi32, #tpu.memory_space<vmem>>)
      %dma_start3A_116 = arith.constant 0 : i32
      %dma_start3A_117 = arith.constant 0 : i32
      %dma_start3A_118 = arith.constant 0 : i32
      %dma_start3A_119 = arith.constant 0 : i32
      %dma_start3A_120 = tpu.memref_slice %arg6[%dma_start3A_117, %dma_start3A_118, %dma_start3A_119] : memref<4x128x128xf32, #tpu.memory_space<vmem>> -> memref<1x128x128xf32, #tpu.memory_space<vmem>>
      %dma_start3A_121 = tpu.memref_squeeze %dma_start3A_120 : memref<1x128x128xf32, #tpu.memory_space<vmem>> -> memref<128x128xf32, #tpu.memory_space<vmem>>
      %dma_start3A_122 = arith.constant 0 : i32
      %dma_start3A_123 = tpu.memref_slice %arg5[%dma_start3A_116, %dma_start3A_122] : memref<4x128xi32, #tpu.memory_space<vmem>> -> memref<1x128xi32, #tpu.memory_space<vmem>>
      %dma_start3A_124 = tpu.memref_squeeze %dma_start3A_123 : memref<1x128xi32, #tpu.memory_space<vmem>> -> memref<128xi32, #tpu.memory_space<vmem>>
      %dma_start3A_125 = arith.constant 0 : i32
      %dma_start3A_126 = arith.constant 0 : i32
      %dma_start3A_127 = tpu.memref_slice %arg2[%dma_start3A_125, %dma_start3A_126] : memref<131072x128xf32, #tpu.memory_space<hbm>> -> memref<131072x128xf32, #tpu.memory_space<hbm>>
      tpu.enqueue_indirect_dma source(%dma_start3A_127 : memref<131072x128xf32, #tpu.memory_space<hbm>>) target(%dma_start3A_121 : memref<128x128xf32, #tpu.memory_space<vmem>>) offsets(%dma_start3A_124 : memref<128xi32, #tpu.memory_space<vmem>>) semaphore(%arg7 : memref<!tpu.dma_semaphore, #tpu.memory_space<semaphore_mem>>)
      %dma_start3A_128 = arith.constant 1 : i32
      %dma_start3A_129 = arith.constant 1 : i32
      %dma_start3A_130 = arith.constant 0 : i32
      %dma_start3A_131 = arith.constant 0 : i32
      %dma_start3A_132 = tpu.memref_slice %arg6[%dma_start3A_129, %dma_start3A_130, %dma_start3A_131] : memref<4x128x128xf32, #tpu.memory_space<vmem>> -> memref<1x128x128xf32, #tpu.memory_space<vmem>>
      %dma_start3A_133 = tpu.memref_squeeze %dma_start3A_132 : memref<1x128x128xf32, #tpu.memory_space<vmem>> -> memref<128x128xf32, #tpu.memory_space<vmem>>
      %dma_start3A_134 = arith.constant 0 : i32
      %dma_start3A_135 = tpu.memref_slice %arg5[%dma_start3A_128, %dma_start3A_134] : memref<4x128xi32, #tpu.memory_space<vmem>> -> memref<1x128xi32, #tpu.memory_space<vmem>>
      %dma_start3A_136 = tpu.memref_squeeze %dma_start3A_135 : memref<1x128xi32, #tpu.memory_space<vmem>> -> memref<128xi32, #tpu.memory_space<vmem>>
      %dma_start3A_137 = arith.constant 0 : i32
      %dma_start3A_138 = arith.constant 0 : i32
      %dma_start3A_139 = tpu.memref_slice %arg2[%dma_start3A_137, %dma_start3A_138] : memref<131072x128xf32, #tpu.memory_space<hbm>> -> memref<131072x128xf32, #tpu.memory_space<hbm>>
      tpu.enqueue_indirect_dma source(%dma_start3A_139 : memref<131072x128xf32, #tpu.memory_space<hbm>>) target(%dma_start3A_133 : memref<128x128xf32, #tpu.memory_space<vmem>>) offsets(%dma_start3A_136 : memref<128xi32, #tpu.memory_space<vmem>>) semaphore(%arg7 : memref<!tpu.dma_semaphore, #tpu.memory_space<semaphore_mem>>)
      %dma_start3A_140 = arith.constant 2 : i32
      %dma_start3A_141 = arith.constant 2 : i32
      %dma_start3A_142 = arith.constant 0 : i32
      %dma_start3A_143 = arith.constant 0 : i32
      %dma_start3A_144 = tpu.memref_slice %arg6[%dma_start3A_141, %dma_start3A_142, %dma_start3A_143] : memref<4x128x128xf32, #tpu.memory_space<vmem>> -> memref<1x128x128xf32, #tpu.memory_space<vmem>>
      %dma_start3A_145 = tpu.memref_squeeze %dma_start3A_144 : memref<1x128x128xf32, #tpu.memory_space<vmem>> -> memref<128x128xf32, #tpu.memory_space<vmem>>
      %dma_start3A_146 = arith.constant 0 : i32
      %dma_start3A_147 = tpu.memref_slice %arg5[%dma_start3A_140, %dma_start3A_146] : memref<4x128xi32, #tpu.memory_space<vmem>> -> memref<1x128xi32, #tpu.memory_space<vmem>>
      %dma_start3A_148 = tpu.memref_squeeze %dma_start3A_147 : memref<1x128xi32, #tpu.memory_space<vmem>> -> memref<128xi32, #tpu.memory_space<vmem>>
      %dma_start3A_149 = arith.constant 0 : i32
      %dma_start3A_150 = arith.constant 0 : i32
      %dma_start3A_151 = tpu.memref_slice %arg2[%dma_start3A_149, %dma_start3A_150] : memref<131072x128xf32, #tpu.memory_space<hbm>> -> memref<131072x128xf32, #tpu.memory_space<hbm>>
      tpu.enqueue_indirect_dma source(%dma_start3A_151 : memref<131072x128xf32, #tpu.memory_space<hbm>>) target(%dma_start3A_145 : memref<128x128xf32, #tpu.memory_space<vmem>>) offsets(%dma_start3A_148 : memref<128xi32, #tpu.memory_space<vmem>>) semaphore(%arg7 : memref<!tpu.dma_semaphore, #tpu.memory_space<semaphore_mem>>)
      %dma_start3A_152 = arith.constant 3 : i32
      %dma_start3A_153 = arith.constant 3 : i32
      %dma_start3A_154 = arith.constant 0 : i32
      %dma_start3A_155 = arith.constant 0 : i32
      %dma_start3A_156 = tpu.memref_slice %arg6[%dma_start3A_153, %dma_start3A_154, %dma_start3A_155] : memref<4x128x128xf32, #tpu.memory_space<vmem>> -> memref<1x128x128xf32, #tpu.memory_space<vmem>>
      %dma_start3A_157 = tpu.memref_squeeze %dma_start3A_156 : memref<1x128x128xf32, #tpu.memory_space<vmem>> -> memref<128x128xf32, #tpu.memory_space<vmem>>
      %dma_start3A_158 = arith.constant 0 : i32
      %dma_start3A_159 = tpu.memref_slice %arg5[%dma_start3A_152, %dma_start3A_158] : memref<4x128xi32, #tpu.memory_space<vmem>> -> memref<1x128xi32, #tpu.memory_space<vmem>>
      %dma_start3A_160 = tpu.memref_squeeze %dma_start3A_159 : memref<1x128xi32, #tpu.memory_space<vmem>> -> memref<128xi32, #tpu.memory_space<vmem>>
      %dma_start3A_161 = arith.constant 0 : i32
      %dma_start3A_162 = arith.constant 0 : i32
      %dma_start3A_163 = tpu.memref_slice %arg2[%dma_start3A_161, %dma_start3A_162] : memref<131072x128xf32, #tpu.memory_space<hbm>> -> memref<131072x128xf32, #tpu.memory_space<hbm>>
      tpu.enqueue_indirect_dma source(%dma_start3A_163 : memref<131072x128xf32, #tpu.memory_space<hbm>>) target(%dma_start3A_157 : memref<128x128xf32, #tpu.memory_space<vmem>>) offsets(%dma_start3A_160 : memref<128xi32, #tpu.memory_space<vmem>>) semaphore(%arg7 : memref<!tpu.dma_semaphore, #tpu.memory_space<semaphore_mem>>)
      %dma_wait3A_164 = arith.constant 0 : i32
      %dma_wait3A_165 = arith.constant 0 : i32
      %dma_wait3A_166 = arith.constant 0 : i32
      %dma_wait3A_167 = arith.constant 0 : i32
      %dma_wait3A_168 = tpu.memref_slice %arg6[%dma_wait3A_165, %dma_wait3A_166, %dma_wait3A_167] : memref<4x128x128xf32, #tpu.memory_space<vmem>> -> memref<1x128x128xf32, #tpu.memory_space<vmem>>
      %dma_wait3A_169 = tpu.memref_squeeze %dma_wait3A_168 : memref<1x128x128xf32, #tpu.memory_space<vmem>> -> memref<128x128xf32, #tpu.memory_space<vmem>>
      %dma_wait3A_170 = arith.constant 0 : i32
      %dma_wait3A_171 = tpu.memref_slice %arg5[%dma_wait3A_164, %dma_wait3A_170] : memref<4x128xi32, #tpu.memory_space<vmem>> -> memref<1x128xi32, #tpu.memory_space<vmem>>
      %dma_wait3A_172 = tpu.memref_squeeze %dma_wait3A_171 : memref<1x128xi32, #tpu.memory_space<vmem>> -> memref<128xi32, #tpu.memory_space<vmem>>
      %dma_wait3A_173 = arith.constant 0 : i32
      %dma_wait3A_174 = arith.constant 0 : i32
      %dma_wait3A_175 = tpu.memref_slice %arg2[%dma_wait3A_173, %dma_wait3A_174] : memref<131072x128xf32, #tpu.memory_space<hbm>> -> memref<131072x128xf32, #tpu.memory_space<hbm>>
      tpu.wait_indirect_dma semaphore(%arg7 : memref<!tpu.dma_semaphore, #tpu.memory_space<semaphore_mem>>) src(%dma_wait3A_175 : memref<131072x128xf32, #tpu.memory_space<hbm>>) dst(%dma_wait3A_169 : memref<128x128xf32, #tpu.memory_space<vmem>>)
      %dma_wait3A_176 = arith.constant 1 : i32
      %dma_wait3A_177 = arith.constant 1 : i32
      %dma_wait3A_178 = arith.constant 0 : i32
      %dma_wait3A_179 = arith.constant 0 : i32
      %dma_wait3A_180 = tpu.memref_slice %arg6[%dma_wait3A_177, %dma_wait3A_178, %dma_wait3A_179] : memref<4x128x128xf32, #tpu.memory_space<vmem>> -> memref<1x128x128xf32, #tpu.memory_space<vmem>>
      %dma_wait3A_181 = tpu.memref_squeeze %dma_wait3A_180 : memref<1x128x128xf32, #tpu.memory_space<vmem>> -> memref<128x128xf32, #tpu.memory_space<vmem>>
      %dma_wait3A_182 = arith.constant 0 : i32
      %dma_wait3A_183 = tpu.memref_slice %arg5[%dma_wait3A_176, %dma_wait3A_182] : memref<4x128xi32, #tpu.memory_space<vmem>> -> memref<1x128xi32, #tpu.memory_space<vmem>>
      %dma_wait3A_184 = tpu.memref_squeeze %dma_wait3A_183 : memref<1x128xi32, #tpu.memory_space<vmem>> -> memref<128xi32, #tpu.memory_space<vmem>>
      %dma_wait3A_185 = arith.constant 0 : i32
      %dma_wait3A_186 = arith.constant 0 : i32
      %dma_wait3A_187 = tpu.memref_slice %arg2[%dma_wait3A_185, %dma_wait3A_186] : memref<131072x128xf32, #tpu.memory_space<hbm>> -> memref<131072x128xf32, #tpu.memory_space<hbm>>
      tpu.wait_indirect_dma semaphore(%arg7 : memref<!tpu.dma_semaphore, #tpu.memory_space<semaphore_mem>>) src(%dma_wait3A_187 : memref<131072x128xf32, #tpu.memory_space<hbm>>) dst(%dma_wait3A_181 : memref<128x128xf32, #tpu.memory_space<vmem>>)
      %dma_wait3A_188 = arith.constant 2 : i32
      %dma_wait3A_189 = arith.constant 2 : i32
      %dma_wait3A_190 = arith.constant 0 : i32
      %dma_wait3A_191 = arith.constant 0 : i32
      %dma_wait3A_192 = tpu.memref_slice %arg6[%dma_wait3A_189, %dma_wait3A_190, %dma_wait3A_191] : memref<4x128x128xf32, #tpu.memory_space<vmem>> -> memref<1x128x128xf32, #tpu.memory_space<vmem>>
      %dma_wait3A_193 = tpu.memref_squeeze %dma_wait3A_192 : memref<1x128x128xf32, #tpu.memory_space<vmem>> -> memref<128x128xf32, #tpu.memory_space<vmem>>
      %dma_wait3A_194 = arith.constant 0 : i32
      %dma_wait3A_195 = tpu.memref_slice %arg5[%dma_wait3A_188, %dma_wait3A_194] : memref<4x128xi32, #tpu.memory_space<vmem>> -> memref<1x128xi32, #tpu.memory_space<vmem>>
      %dma_wait3A_196 = tpu.memref_squeeze %dma_wait3A_195 : memref<1x128xi32, #tpu.memory_space<vmem>> -> memref<128xi32, #tpu.memory_space<vmem>>
      %dma_wait3A_197 = arith.constant 0 : i32
      %dma_wait3A_198 = arith.constant 0 : i32
      %dma_wait3A_199 = tpu.memref_slice %arg2[%dma_wait3A_197, %dma_wait3A_198] : memref<131072x128xf32, #tpu.memory_space<hbm>> -> memref<131072x128xf32, #tpu.memory_space<hbm>>
      tpu.wait_indirect_dma semaphore(%arg7 : memref<!tpu.dma_semaphore, #tpu.memory_space<semaphore_mem>>) src(%dma_wait3A_199 : memref<131072x128xf32, #tpu.memory_space<hbm>>) dst(%dma_wait3A_193 : memref<128x128xf32, #tpu.memory_space<vmem>>)
      %dma_wait3A_200 = arith.constant 3 : i32
      %dma_wait3A_201 = arith.constant 3 : i32
      %dma_wait3A_202 = arith.constant 0 : i32
      %dma_wait3A_203 = arith.constant 0 : i32
      %dma_wait3A_204 = tpu.memref_slice %arg6[%dma_wait3A_201, %dma_wait3A_202, %dma_wait3A_203] : memref<4x128x128xf32, #tpu.memory_space<vmem>> -> memref<1x128x128xf32, #tpu.memory_space<vmem>>
      %dma_wait3A_205 = tpu.memref_squeeze %dma_wait3A_204 : memref<1x128x128xf32, #tpu.memory_space<vmem>> -> memref<128x128xf32, #tpu.memory_space<vmem>>
      %dma_wait3A_206 = arith.constant 0 : i32
      %dma_wait3A_207 = tpu.memref_slice %arg5[%dma_wait3A_200, %dma_wait3A_206] : memref<4x128xi32, #tpu.memory_space<vmem>> -> memref<1x128xi32, #tpu.memory_space<vmem>>
      %dma_wait3A_208 = tpu.memref_squeeze %dma_wait3A_207 : memref<1x128xi32, #tpu.memory_space<vmem>> -> memref<128xi32, #tpu.memory_space<vmem>>
      %dma_wait3A_209 = arith.constant 0 : i32
      %dma_wait3A_210 = arith.constant 0 : i32
      %dma_wait3A_211 = tpu.memref_slice %arg2[%dma_wait3A_209, %dma_wait3A_210] : memref<131072x128xf32, #tpu.memory_space<hbm>> -> memref<131072x128xf32, #tpu.memory_space<hbm>>
      tpu.wait_indirect_dma semaphore(%arg7 : memref<!tpu.dma_semaphore, #tpu.memory_space<semaphore_mem>>) src(%dma_wait3A_211 : memref<131072x128xf32, #tpu.memory_space<hbm>>) dst(%dma_wait3A_205 : memref<128x128xf32, #tpu.memory_space<vmem>>)
      %mul3A_212 = arith.constant 4 : i32
      %mul3A_213 = arith.muli %add3A_9, %mul3A_212 : i32
      %add3A_214 = arith.constant 0 : i32
      %add3A_215 = arith.addi %mul3A_213, %add3A_214 : i32
      %mul3A_216 = arith.constant 32 : i32
      %mul3A_217 = arith.muli %add3A_215, %mul3A_216 : i32
      %add3A_218 = arith.addi %add3A, %mul3A_217 : i32
      %mul3A_219 = arith.constant 128 : i32
      %mul3A_220 = arith.muli %add3A_218, %mul3A_219 : i32
      %dma_start3A_221 = arith.constant 0 : i32
      %dma_start3A_222 = arith.constant 0 : i32
      %dma_start3A_223 = arith.constant 0 : i32
      %dma_start3A_224 = tpu.memref_slice %arg6[%dma_start3A_221, %dma_start3A_222, %dma_start3A_223] : memref<4x128x128xf32, #tpu.memory_space<vmem>> -> memref<1x128x128xf32, #tpu.memory_space<vmem>>
      %dma_start3A_225 = tpu.memref_squeeze %dma_start3A_224 : memref<1x128x128xf32, #tpu.memory_space<vmem>> -> memref<128x128xf32, #tpu.memory_space<vmem>>
      %dma_start3A_226 = arith.constant 0 : i32
      %dma_start3A_227 = tpu.memref_slice %arg4[%mul3A_220, %dma_start3A_226] : memref<131072x128xf32, #tpu.memory_space<hbm>> -> memref<128x128xf32, #tpu.memory_space<hbm>>
      %dma_start3A_228 = arith.constant 0 : i32
      %dma_start3A_229 = tpu.memref_slice %arg4[%mul3A_220, %dma_start3A_228] : memref<131072x128xf32, #tpu.memory_space<hbm>> -> memref<128x128xf32, #tpu.memory_space<hbm>>
      %dma_start3A_230 = arith.constant 0 : i32
      %dma_start3A_231 = arith.constant 0 : i32
      %dma_start3A_232 = tpu.memref_slice %arg6[%dma_start3A_221, %dma_start3A_230, %dma_start3A_231] : memref<4x128x128xf32, #tpu.memory_space<vmem>> -> memref<1x128x128xf32, #tpu.memory_space<vmem>>
      %dma_start3A_233 = tpu.memref_squeeze %dma_start3A_232 : memref<1x128x128xf32, #tpu.memory_space<vmem>> -> memref<128x128xf32, #tpu.memory_space<vmem>>
      tpu.enqueue_dma source(%dma_start3A_233 : memref<128x128xf32, #tpu.memory_space<vmem>>) target(%dma_start3A_229 : memref<128x128xf32, #tpu.memory_space<hbm>>) target_semaphore(%arg8 : memref<!tpu.dma_semaphore, #tpu.memory_space<semaphore_mem>>)
      %mul3A_234 = arith.constant 4 : i32
      %mul3A_235 = arith.muli %add3A_9, %mul3A_234 : i32
      %add3A_236 = arith.constant 1 : i32
      %add3A_237 = arith.addi %mul3A_235, %add3A_236 : i32
      %mul3A_238 = arith.constant 32 : i32
      %mul3A_239 = arith.muli %add3A_237, %mul3A_238 : i32
      %add3A_240 = arith.addi %add3A, %mul3A_239 : i32
      %mul3A_241 = arith.constant 128 : i32
      %mul3A_242 = arith.muli %add3A_240, %mul3A_241 : i32
      %dma_start3A_243 = arith.constant 1 : i32
      %dma_start3A_244 = arith.constant 0 : i32
      %dma_start3A_245 = arith.constant 0 : i32
      %dma_start3A_246 = tpu.memref_slice %arg6[%dma_start3A_243, %dma_start3A_244, %dma_start3A_245] : memref<4x128x128xf32, #tpu.memory_space<vmem>> -> memref<1x128x128xf32, #tpu.memory_space<vmem>>
      %dma_start3A_247 = tpu.memref_squeeze %dma_start3A_246 : memref<1x128x128xf32, #tpu.memory_space<vmem>> -> memref<128x128xf32, #tpu.memory_space<vmem>>
      %dma_start3A_248 = arith.constant 0 : i32
      %dma_start3A_249 = tpu.memref_slice %arg4[%mul3A_242, %dma_start3A_248] : memref<131072x128xf32, #tpu.memory_space<hbm>> -> memref<128x128xf32, #tpu.memory_space<hbm>>
      %dma_start3A_250 = arith.constant 0 : i32
      %dma_start3A_251 = tpu.memref_slice %arg4[%mul3A_242, %dma_start3A_250] : memref<131072x128xf32, #tpu.memory_space<hbm>> -> memref<128x128xf32, #tpu.memory_space<hbm>>
      %dma_start3A_252 = arith.constant 0 : i32
      %dma_start3A_253 = arith.constant 0 : i32
      %dma_start3A_254 = tpu.memref_slice %arg6[%dma_start3A_243, %dma_start3A_252, %dma_start3A_253] : memref<4x128x128xf32, #tpu.memory_space<vmem>> -> memref<1x128x128xf32, #tpu.memory_space<vmem>>
      %dma_start3A_255 = tpu.memref_squeeze %dma_start3A_254 : memref<1x128x128xf32, #tpu.memory_space<vmem>> -> memref<128x128xf32, #tpu.memory_space<vmem>>
      tpu.enqueue_dma source(%dma_start3A_255 : memref<128x128xf32, #tpu.memory_space<vmem>>) target(%dma_start3A_251 : memref<128x128xf32, #tpu.memory_space<hbm>>) target_semaphore(%arg8 : memref<!tpu.dma_semaphore, #tpu.memory_space<semaphore_mem>>)
      %mul3A_256 = arith.constant 4 : i32
      %mul3A_257 = arith.muli %add3A_9, %mul3A_256 : i32
      %add3A_258 = arith.constant 2 : i32
      %add3A_259 = arith.addi %mul3A_257, %add3A_258 : i32
      %mul3A_260 = arith.constant 32 : i32
      %mul3A_261 = arith.muli %add3A_259, %mul3A_260 : i32
      %add3A_262 = arith.addi %add3A, %mul3A_261 : i32
      %mul3A_263 = arith.constant 128 : i32
      %mul3A_264 = arith.muli %add3A_262, %mul3A_263 : i32
      %dma_start3A_265 = arith.constant 2 : i32
      %dma_start3A_266 = arith.constant 0 : i32
      %dma_start3A_267 = arith.constant 0 : i32
      %dma_start3A_268 = tpu.memref_slice %arg6[%dma_start3A_265, %dma_start3A_266, %dma_start3A_267] : memref<4x128x128xf32, #tpu.memory_space<vmem>> -> memref<1x128x128xf32, #tpu.memory_space<vmem>>
      %dma_start3A_269 = tpu.memref_squeeze %dma_start3A_268 : memref<1x128x128xf32, #tpu.memory_space<vmem>> -> memref<128x128xf32, #tpu.memory_space<vmem>>
      %dma_start3A_270 = arith.constant 0 : i32
      %dma_start3A_271 = tpu.memref_slice %arg4[%mul3A_264, %dma_start3A_270] : memref<131072x128xf32, #tpu.memory_space<hbm>> -> memref<128x128xf32, #tpu.memory_space<hbm>>
      %dma_start3A_272 = arith.constant 0 : i32
      %dma_start3A_273 = tpu.memref_slice %arg4[%mul3A_264, %dma_start3A_272] : memref<131072x128xf32, #tpu.memory_space<hbm>> -> memref<128x128xf32, #tpu.memory_space<hbm>>
      %dma_start3A_274 = arith.constant 0 : i32
      %dma_start3A_275 = arith.constant 0 : i32
      %dma_start3A_276 = tpu.memref_slice %arg6[%dma_start3A_265, %dma_start3A_274, %dma_start3A_275] : memref<4x128x128xf32, #tpu.memory_space<vmem>> -> memref<1x128x128xf32, #tpu.memory_space<vmem>>
      %dma_start3A_277 = tpu.memref_squeeze %dma_start3A_276 : memref<1x128x128xf32, #tpu.memory_space<vmem>> -> memref<128x128xf32, #tpu.memory_space<vmem>>
      tpu.enqueue_dma source(%dma_start3A_277 : memref<128x128xf32, #tpu.memory_space<vmem>>) target(%dma_start3A_273 : memref<128x128xf32, #tpu.memory_space<hbm>>) target_semaphore(%arg8 : memref<!tpu.dma_semaphore, #tpu.memory_space<semaphore_mem>>)
      %mul3A_278 = arith.constant 4 : i32
      %mul3A_279 = arith.muli %add3A_9, %mul3A_278 : i32
      %add3A_280 = arith.constant 3 : i32
      %add3A_281 = arith.addi %mul3A_279, %add3A_280 : i32
      %mul3A_282 = arith.constant 32 : i32
      %mul3A_283 = arith.muli %add3A_281, %mul3A_282 : i32
      %add3A_284 = arith.addi %add3A, %mul3A_283 : i32
      %mul3A_285 = arith.constant 128 : i32
      %mul3A_286 = arith.muli %add3A_284, %mul3A_285 : i32
      %dma_start3A_287 = arith.constant 3 : i32
      %dma_start3A_288 = arith.constant 0 : i32
      %dma_start3A_289 = arith.constant 0 : i32
      %dma_start3A_290 = tpu.memref_slice %arg6[%dma_start3A_287, %dma_start3A_288, %dma_start3A_289] : memref<4x128x128xf32, #tpu.memory_space<vmem>> -> memref<1x128x128xf32, #tpu.memory_space<vmem>>
      %dma_start3A_291 = tpu.memref_squeeze %dma_start3A_290 : memref<1x128x128xf32, #tpu.memory_space<vmem>> -> memref<128x128xf32, #tpu.memory_space<vmem>>
      %dma_start3A_292 = arith.constant 0 : i32
      %dma_start3A_293 = tpu.memref_slice %arg4[%mul3A_286, %dma_start3A_292] : memref<131072x128xf32, #tpu.memory_space<hbm>> -> memref<128x128xf32, #tpu.memory_space<hbm>>
      %dma_start3A_294 = arith.constant 0 : i32
      %dma_start3A_295 = tpu.memref_slice %arg4[%mul3A_286, %dma_start3A_294] : memref<131072x128xf32, #tpu.memory_space<hbm>> -> memref<128x128xf32, #tpu.memory_space<hbm>>
      %dma_start3A_296 = arith.constant 0 : i32
      %dma_start3A_297 = arith.constant 0 : i32
      %dma_start3A_298 = tpu.memref_slice %arg6[%dma_start3A_287, %dma_start3A_296, %dma_start3A_297] : memref<4x128x128xf32, #tpu.memory_space<vmem>> -> memref<1x128x128xf32, #tpu.memory_space<vmem>>
      %dma_start3A_299 = tpu.memref_squeeze %dma_start3A_298 : memref<1x128x128xf32, #tpu.memory_space<vmem>> -> memref<128x128xf32, #tpu.memory_space<vmem>>
      tpu.enqueue_dma source(%dma_start3A_299 : memref<128x128xf32, #tpu.memory_space<vmem>>) target(%dma_start3A_295 : memref<128x128xf32, #tpu.memory_space<hbm>>) target_semaphore(%arg8 : memref<!tpu.dma_semaphore, #tpu.memory_space<semaphore_mem>>)
      %dma_wait3A_300 = arith.constant 0 : i32
      %dma_wait3A_301 = arith.constant 0 : i32
      %dma_wait3A_302 = arith.constant 0 : i32
      %dma_wait3A_303 = tpu.memref_slice %arg6[%dma_wait3A_300, %dma_wait3A_301, %dma_wait3A_302] : memref<4x128x128xf32, #tpu.memory_space<vmem>> -> memref<1x128x128xf32, #tpu.memory_space<vmem>>
      %dma_wait3A_304 = tpu.memref_squeeze %dma_wait3A_303 : memref<1x128x128xf32, #tpu.memory_space<vmem>> -> memref<128x128xf32, #tpu.memory_space<vmem>>
      %dma_wait3A_305 = arith.constant 0 : i32
      %dma_wait3A_306 = tpu.memref_slice %arg4[%mul3A_220, %dma_wait3A_305] : memref<131072x128xf32, #tpu.memory_space<hbm>> -> memref<128x128xf32, #tpu.memory_space<hbm>>
      %dma_wait3A_307 = arith.constant 0 : i32
      %dma_wait3A_308 = tpu.memref_slice %arg4[%mul3A_220, %dma_wait3A_307] : memref<131072x128xf32, #tpu.memory_space<hbm>> -> memref<128x128xf32, #tpu.memory_space<hbm>>
      %dma_wait3A_309 = arith.constant 0 : i32
      %dma_wait3A_310 = arith.constant 0 : i32
      %dma_wait3A_311 = tpu.memref_slice %arg6[%dma_wait3A_300, %dma_wait3A_309, %dma_wait3A_310] : memref<4x128x128xf32, #tpu.memory_space<vmem>> -> memref<1x128x128xf32, #tpu.memory_space<vmem>>
      %dma_wait3A_312 = tpu.memref_squeeze %dma_wait3A_311 : memref<1x128x128xf32, #tpu.memory_space<vmem>> -> memref<128x128xf32, #tpu.memory_space<vmem>>
      tpu.wait_dma2 semaphore(%arg8 : memref<!tpu.dma_semaphore, #tpu.memory_space<semaphore_mem>>) src(%dma_wait3A_312 : memref<128x128xf32, #tpu.memory_space<vmem>>) dst(%dma_wait3A_308 : memref<128x128xf32, #tpu.memory_space<hbm>>)
      %dma_wait3A_313 = arith.constant 1 : i32
      %dma_wait3A_314 = arith.constant 0 : i32
      %dma_wait3A_315 = arith.constant 0 : i32
      %dma_wait3A_316 = tpu.memref_slice %arg6[%dma_wait3A_313, %dma_wait3A_314, %dma_wait3A_315] : memref<4x128x128xf32, #tpu.memory_space<vmem>> -> memref<1x128x128xf32, #tpu.memory_space<vmem>>
      %dma_wait3A_317 = tpu.memref_squeeze %dma_wait3A_316 : memref<1x128x128xf32, #tpu.memory_space<vmem>> -> memref<128x128xf32, #tpu.memory_space<vmem>>
      %dma_wait3A_318 = arith.constant 0 : i32
      %dma_wait3A_319 = tpu.memref_slice %arg4[%mul3A_242, %dma_wait3A_318] : memref<131072x128xf32, #tpu.memory_space<hbm>> -> memref<128x128xf32, #tpu.memory_space<hbm>>
      %dma_wait3A_320 = arith.constant 0 : i32
      %dma_wait3A_321 = tpu.memref_slice %arg4[%mul3A_242, %dma_wait3A_320] : memref<131072x128xf32, #tpu.memory_space<hbm>> -> memref<128x128xf32, #tpu.memory_space<hbm>>
      %dma_wait3A_322 = arith.constant 0 : i32
      %dma_wait3A_323 = arith.constant 0 : i32
      %dma_wait3A_324 = tpu.memref_slice %arg6[%dma_wait3A_313, %dma_wait3A_322, %dma_wait3A_323] : memref<4x128x128xf32, #tpu.memory_space<vmem>> -> memref<1x128x128xf32, #tpu.memory_space<vmem>>
      %dma_wait3A_325 = tpu.memref_squeeze %dma_wait3A_324 : memref<1x128x128xf32, #tpu.memory_space<vmem>> -> memref<128x128xf32, #tpu.memory_space<vmem>>
      tpu.wait_dma2 semaphore(%arg8 : memref<!tpu.dma_semaphore, #tpu.memory_space<semaphore_mem>>) src(%dma_wait3A_325 : memref<128x128xf32, #tpu.memory_space<vmem>>) dst(%dma_wait3A_321 : memref<128x128xf32, #tpu.memory_space<hbm>>)
      %dma_wait3A_326 = arith.constant 2 : i32
      %dma_wait3A_327 = arith.constant 0 : i32
      %dma_wait3A_328 = arith.constant 0 : i32
      %dma_wait3A_329 = tpu.memref_slice %arg6[%dma_wait3A_326, %dma_wait3A_327, %dma_wait3A_328] : memref<4x128x128xf32, #tpu.memory_space<vmem>> -> memref<1x128x128xf32, #tpu.memory_space<vmem>>
      %dma_wait3A_330 = tpu.memref_squeeze %dma_wait3A_329 : memref<1x128x128xf32, #tpu.memory_space<vmem>> -> memref<128x128xf32, #tpu.memory_space<vmem>>
      %dma_wait3A_331 = arith.constant 0 : i32
      %dma_wait3A_332 = tpu.memref_slice %arg4[%mul3A_264, %dma_wait3A_331] : memref<131072x128xf32, #tpu.memory_space<hbm>> -> memref<128x128xf32, #tpu.memory_space<hbm>>
      %dma_wait3A_333 = arith.constant 0 : i32
      %dma_wait3A_334 = tpu.memref_slice %arg4[%mul3A_264, %dma_wait3A_333] : memref<131072x128xf32, #tpu.memory_space<hbm>> -> memref<128x128xf32, #tpu.memory_space<hbm>>
      %dma_wait3A_335 = arith.constant 0 : i32
      %dma_wait3A_336 = arith.constant 0 : i32
      %dma_wait3A_337 = tpu.memref_slice %arg6[%dma_wait3A_326, %dma_wait3A_335, %dma_wait3A_336] : memref<4x128x128xf32, #tpu.memory_space<vmem>> -> memref<1x128x128xf32, #tpu.memory_space<vmem>>
      %dma_wait3A_338 = tpu.memref_squeeze %dma_wait3A_337 : memref<1x128x128xf32, #tpu.memory_space<vmem>> -> memref<128x128xf32, #tpu.memory_space<vmem>>
      tpu.wait_dma2 semaphore(%arg8 : memref<!tpu.dma_semaphore, #tpu.memory_space<semaphore_mem>>) src(%dma_wait3A_338 : memref<128x128xf32, #tpu.memory_space<vmem>>) dst(%dma_wait3A_334 : memref<128x128xf32, #tpu.memory_space<hbm>>)
      %dma_wait3A_339 = arith.constant 3 : i32
      %dma_wait3A_340 = arith.constant 0 : i32
      %dma_wait3A_341 = arith.constant 0 : i32
      %dma_wait3A_342 = tpu.memref_slice %arg6[%dma_wait3A_339, %dma_wait3A_340, %dma_wait3A_341] : memref<4x128x128xf32, #tpu.memory_space<vmem>> -> memref<1x128x128xf32, #tpu.memory_space<vmem>>
      %dma_wait3A_343 = tpu.memref_squeeze %dma_wait3A_342 : memref<1x128x128xf32, #tpu.memory_space<vmem>> -> memref<128x128xf32, #tpu.memory_space<vmem>>
      %dma_wait3A_344 = arith.constant 0 : i32
      %dma_wait3A_345 = tpu.memref_slice %arg4[%mul3A_286, %dma_wait3A_344] : memref<131072x128xf32, #tpu.memory_space<hbm>> -> memref<128x128xf32, #tpu.memory_space<hbm>>
      %dma_wait3A_346 = arith.constant 0 : i32
      %dma_wait3A_347 = tpu.memref_slice %arg4[%mul3A_286, %dma_wait3A_346] : memref<131072x128xf32, #tpu.memory_space<hbm>> -> memref<128x128xf32, #tpu.memory_space<hbm>>
      %dma_wait3A_348 = arith.constant 0 : i32
      %dma_wait3A_349 = arith.constant 0 : i32
      %dma_wait3A_350 = tpu.memref_slice %arg6[%dma_wait3A_339, %dma_wait3A_348, %dma_wait3A_349] : memref<4x128x128xf32, #tpu.memory_space<vmem>> -> memref<1x128x128xf32, #tpu.memory_space<vmem>>
      %dma_wait3A_351 = tpu.memref_squeeze %dma_wait3A_350 : memref<1x128x128xf32, #tpu.memory_space<vmem>> -> memref<128x128xf32, #tpu.memory_space<vmem>>
      tpu.wait_dma2 semaphore(%arg8 : memref<!tpu.dma_semaphore, #tpu.memory_space<semaphore_mem>>) src(%dma_wait3A_351 : memref<128x128xf32, #tpu.memory_space<vmem>>) dst(%dma_wait3A_347 : memref<128x128xf32, #tpu.memory_space<hbm>>)
    }
    %scan3A_4 = arith.constant 8 : i32
    return
  }
}

#map = affine_map<(d0, d1) -> (0, 0)>
#map1 = affine_map<(d0, d1) -> (0)>
module attributes {stable_mosaic.version = 14 : i64} {
  func.func @body(%arg0: i32, %arg1: i32, %arg2: memref<131072x128xf32, #tpu.memory_space<hbm>>, %arg3: memref<131072xi32, #tpu.memory_space<hbm>>, %arg4: memref<131072x128xf32, #tpu.memory_space<hbm>>, %arg5: memref<4x128xi32, #tpu.memory_space<vmem>>, %arg6: memref<4x128x128xf32, #tpu.memory_space<vmem>>, %arg7: memref<!tpu.dma_semaphore, #tpu.memory_space<semaphore_mem>>, %arg8: memref<!tpu.dma_semaphore, #tpu.memory_space<semaphore_mem>>) attributes {dimension_semantics = [#tpu.dimension_semantics<core_parallel>, #tpu.dimension_semantics<subcore_parallel>], iteration_bounds = array<i64: 2, 16>, scalar_prefetch = 0 : i64, scratch_operands = 4 : i64, tpu.core_type = #tpu.core_type<sc_vector_subcore>, window_params = [{transform_indices = #map}, {transform_indices = #map1}, {transform_indices = #map}]} {
    %mul3A = arith.constant 2 : i32
    %mul3A_0 = arith.muli %arg1, %mul3A : i32
    %add3A = arith.addi %mul3A_0, %arg0 : i32
    %scan3A = arith.constant 0 : i32
    %scan3A_1 = arith.constant 8 : i32
    %scan3A_2 = arith.addi %scan3A, %scan3A_1 : i32
    %scan3A_3 = arith.constant 1 : i32
    scf.for %scan3A_5 = %scan3A to %scan3A_2 step %scan3A_3  : i32 {
      %mul3A_6 = arith.constant 1 : i32
      %mul3A_7 = arith.muli %scan3A_5, %mul3A_6 : i32
      %add3A_8 = arith.constant 0 : i32
      %add3A_9 = arith.addi %add3A_8, %mul3A_7 : i32
      %mul3A_10 = arith.constant 4 : i32
      %mul3A_11 = arith.muli %add3A_9, %mul3A_10 : i32
      %add3A_12 = arith.constant 0 : i32
      %add3A_13 = arith.addi %mul3A_11, %add3A_12 : i32
      %mul3A_14 = arith.constant 32 : i32
      %mul3A_15 = arith.muli %add3A_13, %mul3A_14 : i32
      %add3A_16 = arith.addi %add3A, %mul3A_15 : i32
      %mul3A_17 = arith.constant 128 : i32
      %mul3A_18 = arith.muli %add3A_16, %mul3A_17 : i32
      %dma_start3A = arith.constant 0 : i32
      %dma_start3A_19 = arith.constant 0 : i32
      %dma_start3A_20 = tpu.memref_slice %arg5[%dma_start3A, %dma_start3A_19] : memref<4x128xi32, #tpu.memory_space<vmem>> -> memref<1x128xi32, #tpu.memory_space<vmem>>
      %dma_start3A_21 = tpu.memref_squeeze %dma_start3A_20 : memref<1x128xi32, #tpu.memory_space<vmem>> -> memref<128xi32, #tpu.memory_space<vmem>>
      %dma_start3A_22 = tpu.memref_slice %arg3[%mul3A_18] : memref<131072xi32, #tpu.memory_space<hbm>> -> memref<128xi32, #tpu.memory_space<hbm>>
      %dma_start3A_23 = arith.constant 0 : i32
      %dma_start3A_24 = tpu.memref_slice %arg5[%dma_start3A, %dma_start3A_23] : memref<4x128xi32, #tpu.memory_space<vmem>> -> memref<1x128xi32, #tpu.memory_space<vmem>>
      %dma_start3A_25 = tpu.memref_squeeze %dma_start3A_24 : memref<1x128xi32, #tpu.memory_space<vmem>> -> memref<128xi32, #tpu.memory_space<vmem>>
      %dma_start3A_26 = tpu.memref_slice %arg3[%mul3A_18] : memref<131072xi32, #tpu.memory_space<hbm>> -> memref<128xi32, #tpu.memory_space<hbm>>
      tpu.enqueue_dma source(%dma_start3A_26 : memref<128xi32, #tpu.memory_space<hbm>>) target(%dma_start3A_25 : memref<128xi32, #tpu.memory_space<vmem>>) target_semaphore(%arg7 : memref<!tpu.dma_semaphore, #tpu.memory_space<semaphore_mem>>)
      %mul3A_27 = arith.constant 4 : i32
      %mul3A_28 = arith.muli %add3A_9, %mul3A_27 : i32
      %add3A_29 = arith.constant 1 : i32
      %add3A_30 = arith.addi %mul3A_28, %add3A_29 : i32
      %mul3A_31 = arith.constant 32 : i32
      %mul3A_32 = arith.muli %add3A_30, %mul3A_31 : i32
      %add3A_33 = arith.addi %add3A, %mul3A_32 : i32
      %mul3A_34 = arith.constant 128 : i32
      %mul3A_35 = arith.muli %add3A_33, %mul3A_34 : i32
      %dma_start3A_36 = arith.constant 1 : i32
      %dma_start3A_37 = arith.constant 0 : i32
      %dma_start3A_38 = tpu.memref_slice %arg5[%dma_start3A_36, %dma_start3A_37] : memref<4x128xi32, #tpu.memory_space<vmem>> -> memref<1x128xi32, #tpu.memory_space<vmem>>
      %dma_start3A_39 = tpu.memref_squeeze %dma_start3A_38 : memref<1x128xi32, #tpu.memory_space<vmem>> -> memref<128xi32, #tpu.memory_space<vmem>>
      %dma_start3A_40 = tpu.memref_slice %arg3[%mul3A_35] : memref<131072xi32, #tpu.memory_space<hbm>> -> memref<128xi32, #tpu.memory_space<hbm>>
      %dma_start3A_41 = arith.constant 0 : i32
      %dma_start3A_42 = tpu.memref_slice %arg5[%dma_start3A_36, %dma_start3A_41] : memref<4x128xi32, #tpu.memory_space<vmem>> -> memref<1x128xi32, #tpu.memory_space<vmem>>
      %dma_start3A_43 = tpu.memref_squeeze %dma_start3A_42 : memref<1x128xi32, #tpu.memory_space<vmem>> -> memref<128xi32, #tpu.memory_space<vmem>>
      %dma_start3A_44 = tpu.memref_slice %arg3[%mul3A_35] : memref<131072xi32, #tpu.memory_space<hbm>> -> memref<128xi32, #tpu.memory_space<hbm>>
      tpu.enqueue_dma source(%dma_start3A_44 : memref<128xi32, #tpu.memory_space<hbm>>) target(%dma_start3A_43 : memref<128xi32, #tpu.memory_space<vmem>>) target_semaphore(%arg7 : memref<!tpu.dma_semaphore, #tpu.memory_space<semaphore_mem>>)
      %mul3A_45 = arith.constant 4 : i32
      %mul3A_46 = arith.muli %add3A_9, %mul3A_45 : i32
      %add3A_47 = arith.constant 2 : i32
      %add3A_48 = arith.addi %mul3A_46, %add3A_47 : i32
      %mul3A_49 = arith.constant 32 : i32
      %mul3A_50 = arith.muli %add3A_48, %mul3A_49 : i32
      %add3A_51 = arith.addi %add3A, %mul3A_50 : i32
      %mul3A_52 = arith.constant 128 : i32
      %mul3A_53 = arith.muli %add3A_51, %mul3A_52 : i32
      %dma_start3A_54 = arith.constant 2 : i32
      %dma_start3A_55 = arith.constant 0 : i32
      %dma_start3A_56 = tpu.memref_slice %arg5[%dma_start3A_54, %dma_start3A_55] : memref<4x128xi32, #tpu.memory_space<vmem>> -> memref<1x128xi32, #tpu.memory_space<vmem>>
      %dma_start3A_57 = tpu.memref_squeeze %dma_start3A_56 : memref<1x128xi32, #tpu.memory_space<vmem>> -> memref<128xi32, #tpu.memory_space<vmem>>
      %dma_start3A_58 = tpu.memref_slice %arg3[%mul3A_53] : memref<131072xi32, #tpu.memory_space<hbm>> -> memref<128xi32, #tpu.memory_space<hbm>>
      %dma_start3A_59 = arith.constant 0 : i32
      %dma_start3A_60 = tpu.memref_slice %arg5[%dma_start3A_54, %dma_start3A_59] : memref<4x128xi32, #tpu.memory_space<vmem>> -> memref<1x128xi32, #tpu.memory_space<vmem>>
      %dma_start3A_61 = tpu.memref_squeeze %dma_start3A_60 : memref<1x128xi32, #tpu.memory_space<vmem>> -> memref<128xi32, #tpu.memory_space<vmem>>
      %dma_start3A_62 = tpu.memref_slice %arg3[%mul3A_53] : memref<131072xi32, #tpu.memory_space<hbm>> -> memref<128xi32, #tpu.memory_space<hbm>>
      tpu.enqueue_dma source(%dma_start3A_62 : memref<128xi32, #tpu.memory_space<hbm>>) target(%dma_start3A_61 : memref<128xi32, #tpu.memory_space<vmem>>) target_semaphore(%arg7 : memref<!tpu.dma_semaphore, #tpu.memory_space<semaphore_mem>>)
      %mul3A_63 = arith.constant 4 : i32
      %mul3A_64 = arith.muli %add3A_9, %mul3A_63 : i32
      %add3A_65 = arith.constant 3 : i32
      %add3A_66 = arith.addi %mul3A_64, %add3A_65 : i32
      %mul3A_67 = arith.constant 32 : i32
      %mul3A_68 = arith.muli %add3A_66, %mul3A_67 : i32
      %add3A_69 = arith.addi %add3A, %mul3A_68 : i32
      %mul3A_70 = arith.constant 128 : i32
      %mul3A_71 = arith.muli %add3A_69, %mul3A_70 : i32
      %dma_start3A_72 = arith.constant 3 : i32
      %dma_start3A_73 = arith.constant 0 : i32
      %dma_start3A_74 = tpu.memref_slice %arg5[%dma_start3A_72, %dma_start3A_73] : memref<4x128xi32, #tpu.memory_space<vmem>> -> memref<1x128xi32, #tpu.memory_space<vmem>>
      %dma_start3A_75 = tpu.memref_squeeze %dma_start3A_74 : memref<1x128xi32, #tpu.memory_space<vmem>> -> memref<128xi32, #tpu.memory_space<vmem>>
      %dma_start3A_76 = tpu.memref_slice %arg3[%mul3A_71] : memref<131072xi32, #tpu.memory_space<hbm>> -> memref<128xi32, #tpu.memory_space<hbm>>
      %dma_start3A_77 = arith.constant 0 : i32
      %dma_start3A_78 = tpu.memref_slice %arg5[%dma_start3A_72, %dma_start3A_77] : memref<4x128xi32, #tpu.memory_space<vmem>> -> memref<1x128xi32, #tpu.memory_space<vmem>>
      %dma_start3A_79 = tpu.memref_squeeze %dma_start3A_78 : memref<1x128xi32, #tpu.memory_space<vmem>> -> memref<128xi32, #tpu.memory_space<vmem>>
      %dma_start3A_80 = tpu.memref_slice %arg3[%mul3A_71] : memref<131072xi32, #tpu.memory_space<hbm>> -> memref<128xi32, #tpu.memory_space<hbm>>
      tpu.enqueue_dma source(%dma_start3A_80 : memref<128xi32, #tpu.memory_space<hbm>>) target(%dma_start3A_79 : memref<128xi32, #tpu.memory_space<vmem>>) target_semaphore(%arg7 : memref<!tpu.dma_semaphore, #tpu.memory_space<semaphore_mem>>)
      %dma_wait3A = arith.constant 0 : i32
      %dma_wait3A_81 = arith.constant 0 : i32
      %dma_wait3A_82 = tpu.memref_slice %arg5[%dma_wait3A, %dma_wait3A_81] : memref<4x128xi32, #tpu.memory_space<vmem>> -> memref<1x128xi32, #tpu.memory_space<vmem>>
      %dma_wait3A_83 = tpu.memref_squeeze %dma_wait3A_82 : memref<1x128xi32, #tpu.memory_space<vmem>> -> memref<128xi32, #tpu.memory_space<vmem>>
      %dma_wait3A_84 = tpu.memref_slice %arg3[%mul3A_18] : memref<131072xi32, #tpu.memory_space<hbm>> -> memref<128xi32, #tpu.memory_space<hbm>>
      %dma_wait3A_85 = arith.constant 0 : i32
      %dma_wait3A_86 = tpu.memref_slice %arg5[%dma_wait3A, %dma_wait3A_85] : memref<4x128xi32, #tpu.memory_space<vmem>> -> memref<1x128xi32, #tpu.memory_space<vmem>>
      %dma_wait3A_87 = tpu.memref_squeeze %dma_wait3A_86 : memref<1x128xi32, #tpu.memory_space<vmem>> -> memref<128xi32, #tpu.memory_space<vmem>>
      %dma_wait3A_88 = tpu.memref_slice %arg3[%mul3A_18] : memref<131072xi32, #tpu.memory_space<hbm>> -> memref<128xi32, #tpu.memory_space<hbm>>
      tpu.wait_dma2 semaphore(%arg7 : memref<!tpu.dma_semaphore, #tpu.memory_space<semaphore_mem>>) src(%dma_wait3A_88 : memref<128xi32, #tpu.memory_space<hbm>>) dst(%dma_wait3A_87 : memref<128xi32, #tpu.memory_space<vmem>>)
      %dma_wait3A_89 = arith.constant 1 : i32
      %dma_wait3A_90 = arith.constant 0 : i32
      %dma_wait3A_91 = tpu.memref_slice %arg5[%dma_wait3A_89, %dma_wait3A_90] : memref<4x128xi32, #tpu.memory_space<vmem>> -> memref<1x128xi32, #tpu.memory_space<vmem>>
      %dma_wait3A_92 = tpu.memref_squeeze %dma_wait3A_91 : memref<1x128xi32, #tpu.memory_space<vmem>> -> memref<128xi32, #tpu.memory_space<vmem>>
      %dma_wait3A_93 = tpu.memref_slice %arg3[%mul3A_35] : memref<131072xi32, #tpu.memory_space<hbm>> -> memref<128xi32, #tpu.memory_space<hbm>>
      %dma_wait3A_94 = arith.constant 0 : i32
      %dma_wait3A_95 = tpu.memref_slice %arg5[%dma_wait3A_89, %dma_wait3A_94] : memref<4x128xi32, #tpu.memory_space<vmem>> -> memref<1x128xi32, #tpu.memory_space<vmem>>
      %dma_wait3A_96 = tpu.memref_squeeze %dma_wait3A_95 : memref<1x128xi32, #tpu.memory_space<vmem>> -> memref<128xi32, #tpu.memory_space<vmem>>
      %dma_wait3A_97 = tpu.memref_slice %arg3[%mul3A_35] : memref<131072xi32, #tpu.memory_space<hbm>> -> memref<128xi32, #tpu.memory_space<hbm>>
      tpu.wait_dma2 semaphore(%arg7 : memref<!tpu.dma_semaphore, #tpu.memory_space<semaphore_mem>>) src(%dma_wait3A_97 : memref<128xi32, #tpu.memory_space<hbm>>) dst(%dma_wait3A_96 : memref<128xi32, #tpu.memory_space<vmem>>)
      %dma_wait3A_98 = arith.constant 2 : i32
      %dma_wait3A_99 = arith.constant 0 : i32
      %dma_wait3A_100 = tpu.memref_slice %arg5[%dma_wait3A_98, %dma_wait3A_99] : memref<4x128xi32, #tpu.memory_space<vmem>> -> memref<1x128xi32, #tpu.memory_space<vmem>>
      %dma_wait3A_101 = tpu.memref_squeeze %dma_wait3A_100 : memref<1x128xi32, #tpu.memory_space<vmem>> -> memref<128xi32, #tpu.memory_space<vmem>>
      %dma_wait3A_102 = tpu.memref_slice %arg3[%mul3A_53] : memref<131072xi32, #tpu.memory_space<hbm>> -> memref<128xi32, #tpu.memory_space<hbm>>
      %dma_wait3A_103 = arith.constant 0 : i32
      %dma_wait3A_104 = tpu.memref_slice %arg5[%dma_wait3A_98, %dma_wait3A_103] : memref<4x128xi32, #tpu.memory_space<vmem>> -> memref<1x128xi32, #tpu.memory_space<vmem>>
      %dma_wait3A_105 = tpu.memref_squeeze %dma_wait3A_104 : memref<1x128xi32, #tpu.memory_space<vmem>> -> memref<128xi32, #tpu.memory_space<vmem>>
      %dma_wait3A_106 = tpu.memref_slice %arg3[%mul3A_53] : memref<131072xi32, #tpu.memory_space<hbm>> -> memref<128xi32, #tpu.memory_space<hbm>>
      tpu.wait_dma2 semaphore(%arg7 : memref<!tpu.dma_semaphore, #tpu.memory_space<semaphore_mem>>) src(%dma_wait3A_106 : memref<128xi32, #tpu.memory_space<hbm>>) dst(%dma_wait3A_105 : memref<128xi32, #tpu.memory_space<vmem>>)
      %dma_wait3A_107 = arith.constant 3 : i32
      %dma_wait3A_108 = arith.constant 0 : i32
      %dma_wait3A_109 = tpu.memref_slice %arg5[%dma_wait3A_107, %dma_wait3A_108] : memref<4x128xi32, #tpu.memory_space<vmem>> -> memref<1x128xi32, #tpu.memory_space<vmem>>
      %dma_wait3A_110 = tpu.memref_squeeze %dma_wait3A_109 : memref<1x128xi32, #tpu.memory_space<vmem>> -> memref<128xi32, #tpu.memory_space<vmem>>
      %dma_wait3A_111 = tpu.memref_slice %arg3[%mul3A_71] : memref<131072xi32, #tpu.memory_space<hbm>> -> memref<128xi32, #tpu.memory_space<hbm>>
      %dma_wait3A_112 = arith.constant 0 : i32
      %dma_wait3A_113 = tpu.memref_slice %arg5[%dma_wait3A_107, %dma_wait3A_112] : memref<4x128xi32, #tpu.memory_space<vmem>> -> memref<1x128xi32, #tpu.memory_space<vmem>>
      %dma_wait3A_114 = tpu.memref_squeeze %dma_wait3A_113 : memref<1x128xi32, #tpu.memory_space<vmem>> -> memref<128xi32, #tpu.memory_space<vmem>>
      %dma_wait3A_115 = tpu.memref_slice %arg3[%mul3A_71] : memref<131072xi32, #tpu.memory_space<hbm>> -> memref<128xi32, #tpu.memory_space<hbm>>
      tpu.wait_dma2 semaphore(%arg7 : memref<!tpu.dma_semaphore, #tpu.memory_space<semaphore_mem>>) src(%dma_wait3A_115 : memref<128xi32, #tpu.memory_space<hbm>>) dst(%dma_wait3A_114 : memref<128xi32, #tpu.memory_space<vmem>>)
      %dma_start3A_116 = arith.constant 0 : i32
      %dma_start3A_117 = arith.constant 0 : i32
      %dma_start3A_118 = arith.constant 0 : i32
      %dma_start3A_119 = arith.constant 0 : i32
      %dma_start3A_120 = tpu.memref_slice %arg6[%dma_start3A_117, %dma_start3A_118, %dma_start3A_119] : memref<4x128x128xf32, #tpu.memory_space<vmem>> -> memref<1x128x128xf32, #tpu.memory_space<vmem>>
      %dma_start3A_121 = tpu.memref_squeeze %dma_start3A_120 : memref<1x128x128xf32, #tpu.memory_space<vmem>> -> memref<128x128xf32, #tpu.memory_space<vmem>>
      %dma_start3A_122 = arith.constant 0 : i32
      %dma_start3A_123 = tpu.memref_slice %arg5[%dma_start3A_116, %dma_start3A_122] : memref<4x128xi32, #tpu.memory_space<vmem>> -> memref<1x128xi32, #tpu.memory_space<vmem>>
      %dma_start3A_124 = tpu.memref_squeeze %dma_start3A_123 : memref<1x128xi32, #tpu.memory_space<vmem>> -> memref<128xi32, #tpu.memory_space<vmem>>
      %dma_start3A_125 = arith.constant 0 : i32
      %dma_start3A_126 = arith.constant 0 : i32
      %dma_start3A_127 = tpu.memref_slice %arg2[%dma_start3A_125, %dma_start3A_126] : memref<131072x128xf32, #tpu.memory_space<hbm>> -> memref<131072x128xf32, #tpu.memory_space<hbm>>
      tpu.enqueue_indirect_dma source(%dma_start3A_127 : memref<131072x128xf32, #tpu.memory_space<hbm>>) target(%dma_start3A_121 : memref<128x128xf32, #tpu.memory_space<vmem>>) offsets(%dma_start3A_124 : memref<128xi32, #tpu.memory_space<vmem>>) semaphore(%arg7 : memref<!tpu.dma_semaphore, #tpu.memory_space<semaphore_mem>>)
      %dma_start3A_128 = arith.constant 1 : i32
      %dma_start3A_129 = arith.constant 1 : i32
      %dma_start3A_130 = arith.constant 0 : i32
      %dma_start3A_131 = arith.constant 0 : i32
      %dma_start3A_132 = tpu.memref_slice %arg6[%dma_start3A_129, %dma_start3A_130, %dma_start3A_131] : memref<4x128x128xf32, #tpu.memory_space<vmem>> -> memref<1x128x128xf32, #tpu.memory_space<vmem>>
      %dma_start3A_133 = tpu.memref_squeeze %dma_start3A_132 : memref<1x128x128xf32, #tpu.memory_space<vmem>> -> memref<128x128xf32, #tpu.memory_space<vmem>>
      %dma_start3A_134 = arith.constant 0 : i32
      %dma_start3A_135 = tpu.memref_slice %arg5[%dma_start3A_128, %dma_start3A_134] : memref<4x128xi32, #tpu.memory_space<vmem>> -> memref<1x128xi32, #tpu.memory_space<vmem>>
      %dma_start3A_136 = tpu.memref_squeeze %dma_start3A_135 : memref<1x128xi32, #tpu.memory_space<vmem>> -> memref<128xi32, #tpu.memory_space<vmem>>
      %dma_start3A_137 = arith.constant 0 : i32
      %dma_start3A_138 = arith.constant 0 : i32
      %dma_start3A_139 = tpu.memref_slice %arg2[%dma_start3A_137, %dma_start3A_138] : memref<131072x128xf32, #tpu.memory_space<hbm>> -> memref<131072x128xf32, #tpu.memory_space<hbm>>
      tpu.enqueue_indirect_dma source(%dma_start3A_139 : memref<131072x128xf32, #tpu.memory_space<hbm>>) target(%dma_start3A_133 : memref<128x128xf32, #tpu.memory_space<vmem>>) offsets(%dma_start3A_136 : memref<128xi32, #tpu.memory_space<vmem>>) semaphore(%arg7 : memref<!tpu.dma_semaphore, #tpu.memory_space<semaphore_mem>>)
      %dma_start3A_140 = arith.constant 2 : i32
      %dma_start3A_141 = arith.constant 2 : i32
      %dma_start3A_142 = arith.constant 0 : i32
      %dma_start3A_143 = arith.constant 0 : i32
      %dma_start3A_144 = tpu.memref_slice %arg6[%dma_start3A_141, %dma_start3A_142, %dma_start3A_143] : memref<4x128x128xf32, #tpu.memory_space<vmem>> -> memref<1x128x128xf32, #tpu.memory_space<vmem>>
      %dma_start3A_145 = tpu.memref_squeeze %dma_start3A_144 : memref<1x128x128xf32, #tpu.memory_space<vmem>> -> memref<128x128xf32, #tpu.memory_space<vmem>>
      %dma_start3A_146 = arith.constant 0 : i32
      %dma_start3A_147 = tpu.memref_slice %arg5[%dma_start3A_140, %dma_start3A_146] : memref<4x128xi32, #tpu.memory_space<vmem>> -> memref<1x128xi32, #tpu.memory_space<vmem>>
      %dma_start3A_148 = tpu.memref_squeeze %dma_start3A_147 : memref<1x128xi32, #tpu.memory_space<vmem>> -> memref<128xi32, #tpu.memory_space<vmem>>
      %dma_start3A_149 = arith.constant 0 : i32
      %dma_start3A_150 = arith.constant 0 : i32
      %dma_start3A_151 = tpu.memref_slice %arg2[%dma_start3A_149, %dma_start3A_150] : memref<131072x128xf32, #tpu.memory_space<hbm>> -> memref<131072x128xf32, #tpu.memory_space<hbm>>
      tpu.enqueue_indirect_dma source(%dma_start3A_151 : memref<131072x128xf32, #tpu.memory_space<hbm>>) target(%dma_start3A_145 : memref<128x128xf32, #tpu.memory_space<vmem>>) offsets(%dma_start3A_148 : memref<128xi32, #tpu.memory_space<vmem>>) semaphore(%arg7 : memref<!tpu.dma_semaphore, #tpu.memory_space<semaphore_mem>>)
      %dma_start3A_152 = arith.constant 3 : i32
      %dma_start3A_153 = arith.constant 3 : i32
      %dma_start3A_154 = arith.constant 0 : i32
      %dma_start3A_155 = arith.constant 0 : i32
      %dma_start3A_156 = tpu.memref_slice %arg6[%dma_start3A_153, %dma_start3A_154, %dma_start3A_155] : memref<4x128x128xf32, #tpu.memory_space<vmem>> -> memref<1x128x128xf32, #tpu.memory_space<vmem>>
      %dma_start3A_157 = tpu.memref_squeeze %dma_start3A_156 : memref<1x128x128xf32, #tpu.memory_space<vmem>> -> memref<128x128xf32, #tpu.memory_space<vmem>>
      %dma_start3A_158 = arith.constant 0 : i32
      %dma_start3A_159 = tpu.memref_slice %arg5[%dma_start3A_152, %dma_start3A_158] : memref<4x128xi32, #tpu.memory_space<vmem>> -> memref<1x128xi32, #tpu.memory_space<vmem>>
      %dma_start3A_160 = tpu.memref_squeeze %dma_start3A_159 : memref<1x128xi32, #tpu.memory_space<vmem>> -> memref<128xi32, #tpu.memory_space<vmem>>
      %dma_start3A_161 = arith.constant 0 : i32
      %dma_start3A_162 = arith.constant 0 : i32
      %dma_start3A_163 = tpu.memref_slice %arg2[%dma_start3A_161, %dma_start3A_162] : memref<131072x128xf32, #tpu.memory_space<hbm>> -> memref<131072x128xf32, #tpu.memory_space<hbm>>
      tpu.enqueue_indirect_dma source(%dma_start3A_163 : memref<131072x128xf32, #tpu.memory_space<hbm>>) target(%dma_start3A_157 : memref<128x128xf32, #tpu.memory_space<vmem>>) offsets(%dma_start3A_160 : memref<128xi32, #tpu.memory_space<vmem>>) semaphore(%arg7 : memref<!tpu.dma_semaphore, #tpu.memory_space<semaphore_mem>>)
      %dma_wait3A_164 = arith.constant 0 : i32
      %dma_wait3A_165 = arith.constant 0 : i32
      %dma_wait3A_166 = arith.constant 0 : i32
      %dma_wait3A_167 = arith.constant 0 : i32
      %dma_wait3A_168 = tpu.memref_slice %arg6[%dma_wait3A_165, %dma_wait3A_166, %dma_wait3A_167] : memref<4x128x128xf32, #tpu.memory_space<vmem>> -> memref<1x128x128xf32, #tpu.memory_space<vmem>>
      %dma_wait3A_169 = tpu.memref_squeeze %dma_wait3A_168 : memref<1x128x128xf32, #tpu.memory_space<vmem>> -> memref<128x128xf32, #tpu.memory_space<vmem>>
      %dma_wait3A_170 = arith.constant 0 : i32
      %dma_wait3A_171 = tpu.memref_slice %arg5[%dma_wait3A_164, %dma_wait3A_170] : memref<4x128xi32, #tpu.memory_space<vmem>> -> memref<1x128xi32, #tpu.memory_space<vmem>>
      %dma_wait3A_172 = tpu.memref_squeeze %dma_wait3A_171 : memref<1x128xi32, #tpu.memory_space<vmem>> -> memref<128xi32, #tpu.memory_space<vmem>>
      %dma_wait3A_173 = arith.constant 0 : i32
      %dma_wait3A_174 = arith.constant 0 : i32
      %dma_wait3A_175 = tpu.memref_slice %arg2[%dma_wait3A_173, %dma_wait3A_174] : memref<131072x128xf32, #tpu.memory_space<hbm>> -> memref<131072x128xf32, #tpu.memory_space<hbm>>
      tpu.wait_indirect_dma semaphore(%arg7 : memref<!tpu.dma_semaphore, #tpu.memory_space<semaphore_mem>>) src(%dma_wait3A_175 : memref<131072x128xf32, #tpu.memory_space<hbm>>) dst(%dma_wait3A_169 : memref<128x128xf32, #tpu.memory_space<vmem>>)
      %dma_wait3A_176 = arith.constant 1 : i32
      %dma_wait3A_177 = arith.constant 1 : i32
      %dma_wait3A_178 = arith.constant 0 : i32
      %dma_wait3A_179 = arith.constant 0 : i32
      %dma_wait3A_180 = tpu.memref_slice %arg6[%dma_wait3A_177, %dma_wait3A_178, %dma_wait3A_179] : memref<4x128x128xf32, #tpu.memory_space<vmem>> -> memref<1x128x128xf32, #tpu.memory_space<vmem>>
      %dma_wait3A_181 = tpu.memref_squeeze %dma_wait3A_180 : memref<1x128x128xf32, #tpu.memory_space<vmem>> -> memref<128x128xf32, #tpu.memory_space<vmem>>
      %dma_wait3A_182 = arith.constant 0 : i32
      %dma_wait3A_183 = tpu.memref_slice %arg5[%dma_wait3A_176, %dma_wait3A_182] : memref<4x128xi32, #tpu.memory_space<vmem>> -> memref<1x128xi32, #tpu.memory_space<vmem>>
      %dma_wait3A_184 = tpu.memref_squeeze %dma_wait3A_183 : memref<1x128xi32, #tpu.memory_space<vmem>> -> memref<128xi32, #tpu.memory_space<vmem>>
      %dma_wait3A_185 = arith.constant 0 : i32
      %dma_wait3A_186 = arith.constant 0 : i32
      %dma_wait3A_187 = tpu.memref_slice %arg2[%dma_wait3A_185, %dma_wait3A_186] : memref<131072x128xf32, #tpu.memory_space<hbm>> -> memref<131072x128xf32, #tpu.memory_space<hbm>>
      tpu.wait_indirect_dma semaphore(%arg7 : memref<!tpu.dma_semaphore, #tpu.memory_space<semaphore_mem>>) src(%dma_wait3A_187 : memref<131072x128xf32, #tpu.memory_space<hbm>>) dst(%dma_wait3A_181 : memref<128x128xf32, #tpu.memory_space<vmem>>)
      %dma_wait3A_188 = arith.constant 2 : i32
      %dma_wait3A_189 = arith.constant 2 : i32
      %dma_wait3A_190 = arith.constant 0 : i32
      %dma_wait3A_191 = arith.constant 0 : i32
      %dma_wait3A_192 = tpu.memref_slice %arg6[%dma_wait3A_189, %dma_wait3A_190, %dma_wait3A_191] : memref<4x128x128xf32, #tpu.memory_space<vmem>> -> memref<1x128x128xf32, #tpu.memory_space<vmem>>
      %dma_wait3A_193 = tpu.memref_squeeze %dma_wait3A_192 : memref<1x128x128xf32, #tpu.memory_space<vmem>> -> memref<128x128xf32, #tpu.memory_space<vmem>>
      %dma_wait3A_194 = arith.constant 0 : i32
      %dma_wait3A_195 = tpu.memref_slice %arg5[%dma_wait3A_188, %dma_wait3A_194] : memref<4x128xi32, #tpu.memory_space<vmem>> -> memref<1x128xi32, #tpu.memory_space<vmem>>
      %dma_wait3A_196 = tpu.memref_squeeze %dma_wait3A_195 : memref<1x128xi32, #tpu.memory_space<vmem>> -> memref<128xi32, #tpu.memory_space<vmem>>
      %dma_wait3A_197 = arith.constant 0 : i32
      %dma_wait3A_198 = arith.constant 0 : i32
      %dma_wait3A_199 = tpu.memref_slice %arg2[%dma_wait3A_197, %dma_wait3A_198] : memref<131072x128xf32, #tpu.memory_space<hbm>> -> memref<131072x128xf32, #tpu.memory_space<hbm>>
      tpu.wait_indirect_dma semaphore(%arg7 : memref<!tpu.dma_semaphore, #tpu.memory_space<semaphore_mem>>) src(%dma_wait3A_199 : memref<131072x128xf32, #tpu.memory_space<hbm>>) dst(%dma_wait3A_193 : memref<128x128xf32, #tpu.memory_space<vmem>>)
      %dma_wait3A_200 = arith.constant 3 : i32
      %dma_wait3A_201 = arith.constant 3 : i32
      %dma_wait3A_202 = arith.constant 0 : i32
      %dma_wait3A_203 = arith.constant 0 : i32
      %dma_wait3A_204 = tpu.memref_slice %arg6[%dma_wait3A_201, %dma_wait3A_202, %dma_wait3A_203] : memref<4x128x128xf32, #tpu.memory_space<vmem>> -> memref<1x128x128xf32, #tpu.memory_space<vmem>>
      %dma_wait3A_205 = tpu.memref_squeeze %dma_wait3A_204 : memref<1x128x128xf32, #tpu.memory_space<vmem>> -> memref<128x128xf32, #tpu.memory_space<vmem>>
      %dma_wait3A_206 = arith.constant 0 : i32
      %dma_wait3A_207 = tpu.memref_slice %arg5[%dma_wait3A_200, %dma_wait3A_206] : memref<4x128xi32, #tpu.memory_space<vmem>> -> memref<1x128xi32, #tpu.memory_space<vmem>>
      %dma_wait3A_208 = tpu.memref_squeeze %dma_wait3A_207 : memref<1x128xi32, #tpu.memory_space<vmem>> -> memref<128xi32, #tpu.memory_space<vmem>>
      %dma_wait3A_209 = arith.constant 0 : i32
      %dma_wait3A_210 = arith.constant 0 : i32
      %dma_wait3A_211 = tpu.memref_slice %arg2[%dma_wait3A_209, %dma_wait3A_210] : memref<131072x128xf32, #tpu.memory_space<hbm>> -> memref<131072x128xf32, #tpu.memory_space<hbm>>
      tpu.wait_indirect_dma semaphore(%arg7 : memref<!tpu.dma_semaphore, #tpu.memory_space<semaphore_mem>>) src(%dma_wait3A_211 : memref<131072x128xf32, #tpu.memory_space<hbm>>) dst(%dma_wait3A_205 : memref<128x128xf32, #tpu.memory_space<vmem>>)
      %mul3A_212 = arith.constant 4 : i32
      %mul3A_213 = arith.muli %add3A_9, %mul3A_212 : i32
      %add3A_214 = arith.constant 0 : i32
      %add3A_215 = arith.addi %mul3A_213, %add3A_214 : i32
      %mul3A_216 = arith.constant 32 : i32
      %mul3A_217 = arith.muli %add3A_215, %mul3A_216 : i32
      %add3A_218 = arith.addi %add3A, %mul3A_217 : i32
      %mul3A_219 = arith.constant 128 : i32
      %mul3A_220 = arith.muli %add3A_218, %mul3A_219 : i32
      %dma_start3A_221 = arith.constant 0 : i32
      %dma_start3A_222 = arith.constant 0 : i32
      %dma_start3A_223 = arith.constant 0 : i32
      %dma_start3A_224 = tpu.memref_slice %arg6[%dma_start3A_221, %dma_start3A_222, %dma_start3A_223] : memref<4x128x128xf32, #tpu.memory_space<vmem>> -> memref<1x128x128xf32, #tpu.memory_space<vmem>>
      %dma_start3A_225 = tpu.memref_squeeze %dma_start3A_224 : memref<1x128x128xf32, #tpu.memory_space<vmem>> -> memref<128x128xf32, #tpu.memory_space<vmem>>
      %dma_start3A_226 = arith.constant 0 : i32
      %dma_start3A_227 = tpu.memref_slice %arg4[%mul3A_220, %dma_start3A_226] : memref<131072x128xf32, #tpu.memory_space<hbm>> -> memref<128x128xf32, #tpu.memory_space<hbm>>
      %dma_start3A_228 = arith.constant 0 : i32
      %dma_start3A_229 = tpu.memref_slice %arg4[%mul3A_220, %dma_start3A_228] : memref<131072x128xf32, #tpu.memory_space<hbm>> -> memref<128x128xf32, #tpu.memory_space<hbm>>
      %dma_start3A_230 = arith.constant 0 : i32
      %dma_start3A_231 = arith.constant 0 : i32
      %dma_start3A_232 = tpu.memref_slice %arg6[%dma_start3A_221, %dma_start3A_230, %dma_start3A_231] : memref<4x128x128xf32, #tpu.memory_space<vmem>> -> memref<1x128x128xf32, #tpu.memory_space<vmem>>
      %dma_start3A_233 = tpu.memref_squeeze %dma_start3A_232 : memref<1x128x128xf32, #tpu.memory_space<vmem>> -> memref<128x128xf32, #tpu.memory_space<vmem>>
      tpu.enqueue_dma source(%dma_start3A_233 : memref<128x128xf32, #tpu.memory_space<vmem>>) target(%dma_start3A_229 : memref<128x128xf32, #tpu.memory_space<hbm>>) target_semaphore(%arg8 : memref<!tpu.dma_semaphore, #tpu.memory_space<semaphore_mem>>)
      %mul3A_234 = arith.constant 4 : i32
      %mul3A_235 = arith.muli %add3A_9, %mul3A_234 : i32
      %add3A_236 = arith.constant 1 : i32
      %add3A_237 = arith.addi %mul3A_235, %add3A_236 : i32
      %mul3A_238 = arith.constant 32 : i32
      %mul3A_239 = arith.muli %add3A_237, %mul3A_238 : i32
      %add3A_240 = arith.addi %add3A, %mul3A_239 : i32
      %mul3A_241 = arith.constant 128 : i32
      %mul3A_242 = arith.muli %add3A_240, %mul3A_241 : i32
      %dma_start3A_243 = arith.constant 1 : i32
      %dma_start3A_244 = arith.constant 0 : i32
      %dma_start3A_245 = arith.constant 0 : i32
      %dma_start3A_246 = tpu.memref_slice %arg6[%dma_start3A_243, %dma_start3A_244, %dma_start3A_245] : memref<4x128x128xf32, #tpu.memory_space<vmem>> -> memref<1x128x128xf32, #tpu.memory_space<vmem>>
      %dma_start3A_247 = tpu.memref_squeeze %dma_start3A_246 : memref<1x128x128xf32, #tpu.memory_space<vmem>> -> memref<128x128xf32, #tpu.memory_space<vmem>>
      %dma_start3A_248 = arith.constant 0 : i32
      %dma_start3A_249 = tpu.memref_slice %arg4[%mul3A_242, %dma_start3A_248] : memref<131072x128xf32, #tpu.memory_space<hbm>> -> memref<128x128xf32, #tpu.memory_space<hbm>>
      %dma_start3A_250 = arith.constant 0 : i32
      %dma_start3A_251 = tpu.memref_slice %arg4[%mul3A_242, %dma_start3A_250] : memref<131072x128xf32, #tpu.memory_space<hbm>> -> memref<128x128xf32, #tpu.memory_space<hbm>>
      %dma_start3A_252 = arith.constant 0 : i32
      %dma_start3A_253 = arith.constant 0 : i32
      %dma_start3A_254 = tpu.memref_slice %arg6[%dma_start3A_243, %dma_start3A_252, %dma_start3A_253] : memref<4x128x128xf32, #tpu.memory_space<vmem>> -> memref<1x128x128xf32, #tpu.memory_space<vmem>>
      %dma_start3A_255 = tpu.memref_squeeze %dma_start3A_254 : memref<1x128x128xf32, #tpu.memory_space<vmem>> -> memref<128x128xf32, #tpu.memory_space<vmem>>
      tpu.enqueue_dma source(%dma_start3A_255 : memref<128x128xf32, #tpu.memory_space<vmem>>) target(%dma_start3A_251 : memref<128x128xf32, #tpu.memory_space<hbm>>) target_semaphore(%arg8 : memref<!tpu.dma_semaphore, #tpu.memory_space<semaphore_mem>>)
      %mul3A_256 = arith.constant 4 : i32
      %mul3A_257 = arith.muli %add3A_9, %mul3A_256 : i32
      %add3A_258 = arith.constant 2 : i32
      %add3A_259 = arith.addi %mul3A_257, %add3A_258 : i32
      %mul3A_260 = arith.constant 32 : i32
      %mul3A_261 = arith.muli %add3A_259, %mul3A_260 : i32
      %add3A_262 = arith.addi %add3A, %mul3A_261 : i32
      %mul3A_263 = arith.constant 128 : i32
      %mul3A_264 = arith.muli %add3A_262, %mul3A_263 : i32
      %dma_start3A_265 = arith.constant 2 : i32
      %dma_start3A_266 = arith.constant 0 : i32
      %dma_start3A_267 = arith.constant 0 : i32
      %dma_start3A_268 = tpu.memref_slice %arg6[%dma_start3A_265, %dma_start3A_266, %dma_start3A_267] : memref<4x128x128xf32, #tpu.memory_space<vmem>> -> memref<1x128x128xf32, #tpu.memory_space<vmem>>
      %dma_start3A_269 = tpu.memref_squeeze %dma_start3A_268 : memref<1x128x128xf32, #tpu.memory_space<vmem>> -> memref<128x128xf32, #tpu.memory_space<vmem>>
      %dma_start3A_270 = arith.constant 0 : i32
      %dma_start3A_271 = tpu.memref_slice %arg4[%mul3A_264, %dma_start3A_270] : memref<131072x128xf32, #tpu.memory_space<hbm>> -> memref<128x128xf32, #tpu.memory_space<hbm>>
      %dma_start3A_272 = arith.constant 0 : i32
      %dma_start3A_273 = tpu.memref_slice %arg4[%mul3A_264, %dma_start3A_272] : memref<131072x128xf32, #tpu.memory_space<hbm>> -> memref<128x128xf32, #tpu.memory_space<hbm>>
      %dma_start3A_274 = arith.constant 0 : i32
      %dma_start3A_275 = arith.constant 0 : i32
      %dma_start3A_276 = tpu.memref_slice %arg6[%dma_start3A_265, %dma_start3A_274, %dma_start3A_275] : memref<4x128x128xf32, #tpu.memory_space<vmem>> -> memref<1x128x128xf32, #tpu.memory_space<vmem>>
      %dma_start3A_277 = tpu.memref_squeeze %dma_start3A_276 : memref<1x128x128xf32, #tpu.memory_space<vmem>> -> memref<128x128xf32, #tpu.memory_space<vmem>>
      tpu.enqueue_dma source(%dma_start3A_277 : memref<128x128xf32, #tpu.memory_space<vmem>>) target(%dma_start3A_273 : memref<128x128xf32, #tpu.memory_space<hbm>>) target_semaphore(%arg8 : memref<!tpu.dma_semaphore, #tpu.memory_space<semaphore_mem>>)
      %mul3A_278 = arith.constant 4 : i32
      %mul3A_279 = arith.muli %add3A_9, %mul3A_278 : i32
      %add3A_280 = arith.constant 3 : i32
      %add3A_281 = arith.addi %mul3A_279, %add3A_280 : i32
      %mul3A_282 = arith.constant 32 : i32
      %mul3A_283 = arith.muli %add3A_281, %mul3A_282 : i32
      %add3A_284 = arith.addi %add3A, %mul3A_283 : i32
      %mul3A_285 = arith.constant 128 : i32
      %mul3A_286 = arith.muli %add3A_284, %mul3A_285 : i32
      %dma_start3A_287 = arith.constant 3 : i32
      %dma_start3A_288 = arith.constant 0 : i32
      %dma_start3A_289 = arith.constant 0 : i32
      %dma_start3A_290 = tpu.memref_slice %arg6[%dma_start3A_287, %dma_start3A_288, %dma_start3A_289] : memref<4x128x128xf32, #tpu.memory_space<vmem>> -> memref<1x128x128xf32, #tpu.memory_space<vmem>>
      %dma_start3A_291 = tpu.memref_squeeze %dma_start3A_290 : memref<1x128x128xf32, #tpu.memory_space<vmem>> -> memref<128x128xf32, #tpu.memory_space<vmem>>
      %dma_start3A_292 = arith.constant 0 : i32
      %dma_start3A_293 = tpu.memref_slice %arg4[%mul3A_286, %dma_start3A_292] : memref<131072x128xf32, #tpu.memory_space<hbm>> -> memref<128x128xf32, #tpu.memory_space<hbm>>
      %dma_start3A_294 = arith.constant 0 : i32
      %dma_start3A_295 = tpu.memref_slice %arg4[%mul3A_286, %dma_start3A_294] : memref<131072x128xf32, #tpu.memory_space<hbm>> -> memref<128x128xf32, #tpu.memory_space<hbm>>
      %dma_start3A_296 = arith.constant 0 : i32
      %dma_start3A_297 = arith.constant 0 : i32
      %dma_start3A_298 = tpu.memref_slice %arg6[%dma_start3A_287, %dma_start3A_296, %dma_start3A_297] : memref<4x128x128xf32, #tpu.memory_space<vmem>> -> memref<1x128x128xf32, #tpu.memory_space<vmem>>
      %dma_start3A_299 = tpu.memref_squeeze %dma_start3A_298 : memref<1x128x128xf32, #tpu.memory_space<vmem>> -> memref<128x128xf32, #tpu.memory_space<vmem>>
      tpu.enqueue_dma source(%dma_start3A_299 : memref<128x128xf32, #tpu.memory_space<vmem>>) target(%dma_start3A_295 : memref<128x128xf32, #tpu.memory_space<hbm>>) target_semaphore(%arg8 : memref<!tpu.dma_semaphore, #tpu.memory_space<semaphore_mem>>)
      %dma_wait3A_300 = arith.constant 0 : i32
      %dma_wait3A_301 = arith.constant 0 : i32
      %dma_wait3A_302 = arith.constant 0 : i32
      %dma_wait3A_303 = tpu.memref_slice %arg6[%dma_wait3A_300, %dma_wait3A_301, %dma_wait3A_302] : memref<4x128x128xf32, #tpu.memory_space<vmem>> -> memref<1x128x128xf32, #tpu.memory_space<vmem>>
      %dma_wait3A_304 = tpu.memref_squeeze %dma_wait3A_303 : memref<1x128x128xf32, #tpu.memory_space<vmem>> -> memref<128x128xf32, #tpu.memory_space<vmem>>
      %dma_wait3A_305 = arith.constant 0 : i32
      %dma_wait3A_306 = tpu.memref_slice %arg4[%mul3A_220, %dma_wait3A_305] : memref<131072x128xf32, #tpu.memory_space<hbm>> -> memref<128x128xf32, #tpu.memory_space<hbm>>
      %dma_wait3A_307 = arith.constant 0 : i32
      %dma_wait3A_308 = tpu.memref_slice %arg4[%mul3A_220, %dma_wait3A_307] : memref<131072x128xf32, #tpu.memory_space<hbm>> -> memref<128x128xf32, #tpu.memory_space<hbm>>
      %dma_wait3A_309 = arith.constant 0 : i32
      %dma_wait3A_310 = arith.constant 0 : i32
      %dma_wait3A_311 = tpu.memref_slice %arg6[%dma_wait3A_300, %dma_wait3A_309, %dma_wait3A_310] : memref<4x128x128xf32, #tpu.memory_space<vmem>> -> memref<1x128x128xf32, #tpu.memory_space<vmem>>
      %dma_wait3A_312 = tpu.memref_squeeze %dma_wait3A_311 : memref<1x128x128xf32, #tpu.memory_space<vmem>> -> memref<128x128xf32, #tpu.memory_space<vmem>>
      tpu.wait_dma2 semaphore(%arg8 : memref<!tpu.dma_semaphore, #tpu.memory_space<semaphore_mem>>) src(%dma_wait3A_312 : memref<128x128xf32, #tpu.memory_space<vmem>>) dst(%dma_wait3A_308 : memref<128x128xf32, #tpu.memory_space<hbm>>)
      %dma_wait3A_313 = arith.constant 1 : i32
      %dma_wait3A_314 = arith.constant 0 : i32
      %dma_wait3A_315 = arith.constant 0 : i32
      %dma_wait3A_316 = tpu.memref_slice %arg6[%dma_wait3A_313, %dma_wait3A_314, %dma_wait3A_315] : memref<4x128x128xf32, #tpu.memory_space<vmem>> -> memref<1x128x128xf32, #tpu.memory_space<vmem>>
      %dma_wait3A_317 = tpu.memref_squeeze %dma_wait3A_316 : memref<1x128x128xf32, #tpu.memory_space<vmem>> -> memref<128x128xf32, #tpu.memory_space<vmem>>
      %dma_wait3A_318 = arith.constant 0 : i32
      %dma_wait3A_319 = tpu.memref_slice %arg4[%mul3A_242, %dma_wait3A_318] : memref<131072x128xf32, #tpu.memory_space<hbm>> -> memref<128x128xf32, #tpu.memory_space<hbm>>
      %dma_wait3A_320 = arith.constant 0 : i32
      %dma_wait3A_321 = tpu.memref_slice %arg4[%mul3A_242, %dma_wait3A_320] : memref<131072x128xf32, #tpu.memory_space<hbm>> -> memref<128x128xf32, #tpu.memory_space<hbm>>
      %dma_wait3A_322 = arith.constant 0 : i32
      %dma_wait3A_323 = arith.constant 0 : i32
      %dma_wait3A_324 = tpu.memref_slice %arg6[%dma_wait3A_313, %dma_wait3A_322, %dma_wait3A_323] : memref<4x128x128xf32, #tpu.memory_space<vmem>> -> memref<1x128x128xf32, #tpu.memory_space<vmem>>
      %dma_wait3A_325 = tpu.memref_squeeze %dma_wait3A_324 : memref<1x128x128xf32, #tpu.memory_space<vmem>> -> memref<128x128xf32, #tpu.memory_space<vmem>>
      tpu.wait_dma2 semaphore(%arg8 : memref<!tpu.dma_semaphore, #tpu.memory_space<semaphore_mem>>) src(%dma_wait3A_325 : memref<128x128xf32, #tpu.memory_space<vmem>>) dst(%dma_wait3A_321 : memref<128x128xf32, #tpu.memory_space<hbm>>)
      %dma_wait3A_326 = arith.constant 2 : i32
      %dma_wait3A_327 = arith.constant 0 : i32
      %dma_wait3A_328 = arith.constant 0 : i32
      %dma_wait3A_329 = tpu.memref_slice %arg6[%dma_wait3A_326, %dma_wait3A_327, %dma_wait3A_328] : memref<4x128x128xf32, #tpu.memory_space<vmem>> -> memref<1x128x128xf32, #tpu.memory_space<vmem>>
      %dma_wait3A_330 = tpu.memref_squeeze %dma_wait3A_329 : memref<1x128x128xf32, #tpu.memory_space<vmem>> -> memref<128x128xf32, #tpu.memory_space<vmem>>
      %dma_wait3A_331 = arith.constant 0 : i32
      %dma_wait3A_332 = tpu.memref_slice %arg4[%mul3A_264, %dma_wait3A_331] : memref<131072x128xf32, #tpu.memory_space<hbm>> -> memref<128x128xf32, #tpu.memory_space<hbm>>
      %dma_wait3A_333 = arith.constant 0 : i32
      %dma_wait3A_334 = tpu.memref_slice %arg4[%mul3A_264, %dma_wait3A_333] : memref<131072x128xf32, #tpu.memory_space<hbm>> -> memref<128x128xf32, #tpu.memory_space<hbm>>
      %dma_wait3A_335 = arith.constant 0 : i32
      %dma_wait3A_336 = arith.constant 0 : i32
      %dma_wait3A_337 = tpu.memref_slice %arg6[%dma_wait3A_326, %dma_wait3A_335, %dma_wait3A_336] : memref<4x128x128xf32, #tpu.memory_space<vmem>> -> memref<1x128x128xf32, #tpu.memory_space<vmem>>
      %dma_wait3A_338 = tpu.memref_squeeze %dma_wait3A_337 : memref<1x128x128xf32, #tpu.memory_space<vmem>> -> memref<128x128xf32, #tpu.memory_space<vmem>>
      tpu.wait_dma2 semaphore(%arg8 : memref<!tpu.dma_semaphore, #tpu.memory_space<semaphore_mem>>) src(%dma_wait3A_338 : memref<128x128xf32, #tpu.memory_space<vmem>>) dst(%dma_wait3A_334 : memref<128x128xf32, #tpu.memory_space<hbm>>)
      %dma_wait3A_339 = arith.constant 3 : i32
      %dma_wait3A_340 = arith.constant 0 : i32
      %dma_wait3A_341 = arith.constant 0 : i32
      %dma_wait3A_342 = tpu.memref_slice %arg6[%dma_wait3A_339, %dma_wait3A_340, %dma_wait3A_341] : memref<4x128x128xf32, #tpu.memory_space<vmem>> -> memref<1x128x128xf32, #tpu.memory_space<vmem>>
      %dma_wait3A_343 = tpu.memref_squeeze %dma_wait3A_342 : memref<1x128x128xf32, #tpu.memory_space<vmem>> -> memref<128x128xf32, #tpu.memory_space<vmem>>
      %dma_wait3A_344 = arith.constant 0 : i32
      %dma_wait3A_345 = tpu.memref_slice %arg4[%mul3A_286, %dma_wait3A_344] : memref<131072x128xf32, #tpu.memory_space<hbm>> -> memref<128x128xf32, #tpu.memory_space<hbm>>
      %dma_wait3A_346 = arith.constant 0 : i32
      %dma_wait3A_347 = tpu.memref_slice %arg4[%mul3A_286, %dma_wait3A_346] : memref<131072x128xf32, #tpu.memory_space<hbm>> -> memref<128x128xf32, #tpu.memory_space<hbm>>
      %dma_wait3A_348 = arith.constant 0 : i32
      %dma_wait3A_349 = arith.constant 0 : i32
      %dma_wait3A_350 = tpu.memref_slice %arg6[%dma_wait3A_339, %dma_wait3A_348, %dma_wait3A_349] : memref<4x128x128xf32, #tpu.memory_space<vmem>> -> memref<1x128x128xf32, #tpu.memory_space<vmem>>
      %dma_wait3A_351 = tpu.memref_squeeze %dma_wait3A_350 : memref<1x128x128xf32, #tpu.memory_space<vmem>> -> memref<128x128xf32, #tpu.memory_space<vmem>>
      tpu.wait_dma2 semaphore(%arg8 : memref<!tpu.dma_semaphore, #tpu.memory_space<semaphore_mem>>) src(%dma_wait3A_351 : memref<128x128xf32, #tpu.memory_space<vmem>>) dst(%dma_wait3A_347 : memref<128x128xf32, #tpu.memory_space<hbm>>)
    }
    %scan3A_4 = arith.constant 8 : i32
    return
  }
}

module attributes {stable_mosaic.version = 14 : i64} {
  func.func @_hash_sort_body(%arg0: i32, %arg1: memref<1x4096x64xf32, #tpu.memory_space<vmem>>, %arg2: memref<1x64x32xf32, #tpu.memory_space<vmem>>, %arg3: memref<1x1x4096xi32, #tpu.memory_space<vmem>>) attributes {dimension_semantics = [#tpu.dimension_semantics<arbitrary>], iteration_bounds = array<i64: 64>, scalar_prefetch = 0 : i64, scratch_operands = 0 : i64, tpu.core_type = #tpu.core_type<tc>, window_params = [{transform_indices = @transform_0, window_bounds = array<i64: 1, 4096, 64>}, {transform_indices = @transform_1, window_bounds = array<i64: 1, 64, 32>}, {transform_indices = @transform_2, window_bounds = array<i64: 1, 1, 4096>}]} {
    %get3A = arith.constant 0 : index
    %get3A_0 = arith.constant 0 : index
    %get3A_1 = arith.constant 0 : index
    %get3A_2 = vector.load %arg1[%get3A, %get3A_0, %get3A_1] : memref<1x4096x64xf32, #tpu.memory_space<vmem>>, vector<1x4096x64xf32>
    %get3A_3 = vector.shape_cast %get3A_2 : vector<1x4096x64xf32> to vector<4096x64xf32>
    %get3A_4 = arith.constant 0 : index
    %get3A_5 = arith.constant 0 : index
    %get3A_6 = arith.constant 0 : index
    %get3A_7 = vector.load %arg2[%get3A_4, %get3A_5, %get3A_6] : memref<1x64x32xf32, #tpu.memory_space<vmem>>, vector<1x64x32xf32>
    %get3A_8 = vector.shape_cast %get3A_7 : vector<1x64x32xf32> to vector<64x32xf32>
    %convert_element_type3A = arith.truncf %get3A_8 : vector<64x32xf32> to vector<64x32xbf16>
    %convert_element_type3A_9 = arith.truncf %get3A_3 : vector<4096x64xf32> to vector<4096x64xbf16>
    %dot_general3A = arith.constant dense<0.000000e+00> : vector<32x4096xf32>
    %dot_general3A_10 = tpu.matmul %convert_element_type3A, %convert_element_type3A_9, %dot_general3A {dimension_numbers = #tpu.dot_dimension_numbers<[0], [1], [1], [0], [0, 1, 1, 0], [], []>, transpose_lhs_hint = false} : vector<64x32xbf16>, vector<4096x64xbf16>, vector<32x4096xf32> -> vector<32x4096xf32>
    %reduce_max3A = arith.constant dense<0xFF800000> : vector<4096xf32>
    %reduce_max3A_11 = vector.multi_reduction <maximumf>, %dot_general3A_10, %reduce_max3A [0] : vector<32x4096xf32> to vector<4096xf32>
    %broadcast_in_dim3A = vector.shape_cast %reduce_max3A_11 : vector<4096xf32> to vector<1x4096xf32>
    %neg3A = arith.constant 0.000000e+00 : f32
    %neg3A_12 = vector.broadcast %neg3A : f32 to vector<32x4096xf32>
    %neg3A_13 = arith.subf %neg3A_12, %dot_general3A_10 : vector<32x4096xf32>
    %reduce_max3A_14 = arith.constant dense<0xFF800000> : vector<4096xf32>
    %reduce_max3A_15 = vector.multi_reduction <maximumf>, %neg3A_13, %reduce_max3A_14 [0] : vector<32x4096xf32> to vector<4096xf32>
    %broadcast_in_dim3A_16 = vector.shape_cast %reduce_max3A_15 : vector<4096xf32> to vector<1x4096xf32>
    %iota3A = tpu.iota {dimensions = array<i32: 0>} : vector<32x4096xi32>
    %eq3A = vector.broadcast %broadcast_in_dim3A : vector<1x4096xf32> to vector<32x4096xf32>
    %eq3A_17 = arith.cmpf oeq, %dot_general3A_10, %eq3A : vector<32x4096xf32>
    %jit3A = arith.constant 64 : i32
    %broadcast_in_dim3A_18 = vector.broadcast %jit3A : i32 to vector<32x4096xi32>
    %select_n3A = arith.select %eq3A_17, %iota3A, %broadcast_in_dim3A_18 : vector<32x4096xi1>, vector<32x4096xi32>
    %reduce_min3A = arith.constant dense<2147483647> : vector<4096xi32>
    %reduce_min3A_19 = vector.multi_reduction <minsi>, %select_n3A, %reduce_min3A [0] : vector<32x4096xi32> to vector<4096xi32>
    %broadcast_in_dim3A_20 = vector.shape_cast %reduce_min3A_19 : vector<4096xi32> to vector<1x4096xi32>
    %neg3A_21 = arith.constant 0.000000e+00 : f32
    %neg3A_22 = vector.broadcast %neg3A_21 : f32 to vector<32x4096xf32>
    %neg3A_23 = arith.subf %neg3A_22, %dot_general3A_10 : vector<32x4096xf32>
    %eq3A_24 = vector.broadcast %broadcast_in_dim3A_16 : vector<1x4096xf32> to vector<32x4096xf32>
    %eq3A_25 = arith.cmpf oeq, %neg3A_23, %eq3A_24 : vector<32x4096xf32>
    %jit3A_26 = arith.constant 64 : i32
    %broadcast_in_dim3A_27 = vector.broadcast %jit3A_26 : i32 to vector<32x4096xi32>
    %select_n3A_28 = arith.select %eq3A_25, %iota3A, %broadcast_in_dim3A_27 : vector<32x4096xi1>, vector<32x4096xi32>
    %reduce_min3A_29 = arith.constant dense<2147483647> : vector<4096xi32>
    %reduce_min3A_30 = vector.multi_reduction <minsi>, %select_n3A_28, %reduce_min3A_29 [0] : vector<32x4096xi32> to vector<4096xi32>
    %broadcast_in_dim3A_31 = vector.shape_cast %reduce_min3A_30 : vector<4096xi32> to vector<1x4096xi32>
    %ge3A = arith.cmpf oge, %broadcast_in_dim3A, %broadcast_in_dim3A_16 : vector<1x4096xf32>
    %add3A = arith.constant 32 : i32
    %add3A_32 = vector.broadcast %add3A : i32 to vector<1x4096xi32>
    %add3A_33 = arith.addi %broadcast_in_dim3A_31, %add3A_32 : vector<1x4096xi32>
    %select_n3A_34 = arith.select %ge3A, %broadcast_in_dim3A_20, %add3A_33 : vector<1x4096xi1>, vector<1x4096xi32>
    %iota3A_35 = tpu.iota {dimensions = array<i32: 0>} : vector<64x4096xi32>
    %eq3A_36 = vector.broadcast %select_n3A_34 : vector<1x4096xi32> to vector<64x4096xi32>
    %eq3A_37 = arith.cmpi eq, %iota3A_35, %eq3A_36 : vector<64x4096xi32>
    %convert_element_type3A_38 = arith.extui %eq3A_37 : vector<64x4096xi1> to vector<64x4096xi32>
    %convert_element_type3A_39 = arith.sitofp %convert_element_type3A_38 : vector<64x4096xi32> to vector<64x4096xf32>
    %convert_element_type3A_40 = arith.extui %eq3A_37 : vector<64x4096xi1> to vector<64x4096xi32>
    %convert_element_type3A_41 = arith.sitofp %convert_element_type3A_40 : vector<64x4096xi32> to vector<64x4096xf32>
    %convert_element_type3A_42 = arith.truncf %convert_element_type3A_41 : vector<64x4096xf32> to vector<64x4096xbf16>
    %reduce_sum3A = arith.constant dense<0.000000e+00> : vector<64xf32>
    %reduce_sum3A_43 = vector.multi_reduction <add>, %convert_element_type3A_39, %reduce_sum3A [1] : vector<64x4096xf32> to vector<64xf32>
    %broadcast_in_dim3A_44 = vector.shape_cast %reduce_sum3A_43 : vector<64xf32> to vector<64x1xf32>
    %broadcast_in_dim3A_45 = arith.constant 0.000000e+00 : f32
    %broadcast_in_dim3A_46 = vector.broadcast %broadcast_in_dim3A_45 : f32 to vector<1x1xf32>
    %slice3A = vector.extract_strided_slice %broadcast_in_dim3A_44 {offsets = [0, 0], sizes = [63, 1], strides = [1, 1]} : vector<64x1xf32> to vector<63x1xf32>
    %concatenate3A = tpu.concatenate %broadcast_in_dim3A_46, %slice3A in 0 : vector<1x1xf32>, vector<63x1xf32> -> vector<64x1xf32>
    %add3A_47 = arith.addf %broadcast_in_dim3A_44, %concatenate3A : vector<64x1xf32>
    %broadcast_in_dim3A_48 = arith.constant 0.000000e+00 : f32
    %broadcast_in_dim3A_49 = vector.broadcast %broadcast_in_dim3A_48 : f32 to vector<2x1xf32>
    %slice3A_50 = vector.extract_strided_slice %add3A_47 {offsets = [0, 0], sizes = [62, 1], strides = [1, 1]} : vector<64x1xf32> to vector<62x1xf32>
    %concatenate3A_51 = tpu.concatenate %broadcast_in_dim3A_49, %slice3A_50 in 0 : vector<2x1xf32>, vector<62x1xf32> -> vector<64x1xf32>
    %add3A_52 = arith.addf %add3A_47, %concatenate3A_51 : vector<64x1xf32>
    %broadcast_in_dim3A_53 = arith.constant 0.000000e+00 : f32
    %broadcast_in_dim3A_54 = vector.broadcast %broadcast_in_dim3A_53 : f32 to vector<4x1xf32>
    %slice3A_55 = vector.extract_strided_slice %add3A_52 {offsets = [0, 0], sizes = [60, 1], strides = [1, 1]} : vector<64x1xf32> to vector<60x1xf32>
    %concatenate3A_56 = tpu.concatenate %broadcast_in_dim3A_54, %slice3A_55 in 0 : vector<4x1xf32>, vector<60x1xf32> -> vector<64x1xf32>
    %add3A_57 = arith.addf %add3A_52, %concatenate3A_56 : vector<64x1xf32>
    %broadcast_in_dim3A_58 = arith.constant 0.000000e+00 : f32
    %broadcast_in_dim3A_59 = vector.broadcast %broadcast_in_dim3A_58 : f32 to vector<8x1xf32>
    %slice3A_60 = vector.extract_strided_slice %add3A_57 {offsets = [0, 0], sizes = [56, 1], strides = [1, 1]} : vector<64x1xf32> to vector<56x1xf32>
    %concatenate3A_61 = tpu.concatenate %broadcast_in_dim3A_59, %slice3A_60 in 0 : vector<8x1xf32>, vector<56x1xf32> -> vector<64x1xf32>
    %add3A_62 = arith.addf %add3A_57, %concatenate3A_61 : vector<64x1xf32>
    %broadcast_in_dim3A_63 = arith.constant 0.000000e+00 : f32
    %broadcast_in_dim3A_64 = vector.broadcast %broadcast_in_dim3A_63 : f32 to vector<16x1xf32>
    %slice3A_65 = vector.extract_strided_slice %add3A_62 {offsets = [0, 0], sizes = [48, 1], strides = [1, 1]} : vector<64x1xf32> to vector<48x1xf32>
    %concatenate3A_66 = tpu.concatenate %broadcast_in_dim3A_64, %slice3A_65 in 0 : vector<16x1xf32>, vector<48x1xf32> -> vector<64x1xf32>
    %add3A_67 = arith.addf %add3A_62, %concatenate3A_66 : vector<64x1xf32>
    %broadcast_in_dim3A_68 = arith.constant 0.000000e+00 : f32
    %broadcast_in_dim3A_69 = vector.broadcast %broadcast_in_dim3A_68 : f32 to vector<32x1xf32>
    %slice3A_70 = vector.extract_strided_slice %add3A_67 {offsets = [0, 0], sizes = [32, 1], strides = [1, 1]} : vector<64x1xf32> to vector<32x1xf32>
    %concatenate3A_71 = tpu.concatenate %broadcast_in_dim3A_69, %slice3A_70 in 0 : vector<32x1xf32>, vector<32x1xf32> -> vector<64x1xf32>
    %add3A_72 = arith.addf %add3A_67, %concatenate3A_71 : vector<64x1xf32>
    %sub3A = arith.subf %add3A_72, %broadcast_in_dim3A_44 : vector<64x1xf32>
    %iota3A_73 = tpu.iota {dimensions = array<i32: 0>} : vector<256x256xi32>
    %iota3A_74 = tpu.iota {dimensions = array<i32: 1>} : vector<256x256xi32>
    %lt3A = arith.cmpi slt, %iota3A_73, %iota3A_74 : vector<256x256xi32>
    %convert_element_type3A_75 = arith.extui %lt3A : vector<256x256xi1> to vector<256x256xi32>
    %convert_element_type3A_76 = arith.sitofp %convert_element_type3A_75 : vector<256x256xi32> to vector<256x256xf32>
    %convert_element_type3A_77 = arith.truncf %convert_element_type3A_76 : vector<256x256xf32> to vector<256x256xbf16>
    %broadcast_in_dim3A_78 = arith.constant 0.000000e+00 : f32
    %broadcast_in_dim3A_79 = vector.broadcast %broadcast_in_dim3A_78 : f32 to vector<64x1xf32>
    %slice3A_80 = vector.extract_strided_slice %convert_element_type3A_42 {offsets = [0, 0], sizes = [64, 256], strides = [1, 1]} : vector<64x4096xbf16> to vector<64x256xbf16>
    %slice3A_81 = vector.extract_strided_slice %convert_element_type3A_39 {offsets = [0, 0], sizes = [64, 256], strides = [1, 1]} : vector<64x4096xf32> to vector<64x256xf32>
    %dot_general3A_82 = arith.constant dense<0.000000e+00> : vector<64x256xf32>
    %dot_general3A_83 = tpu.matmul %slice3A_80, %convert_element_type3A_77, %dot_general3A_82 {dimension_numbers = #tpu.dot_dimension_numbers<[1], [0], [0], [1], [0, 0, 1, 1], [], []>, transpose_lhs_hint = false} : vector<64x256xbf16>, vector<256x256xbf16>, vector<64x256xf32> -> vector<64x256xf32>
    %add3A_84 = vector.broadcast %broadcast_in_dim3A_79 : vector<64x1xf32> to vector<64x256xf32>
    %add3A_85 = arith.addf %dot_general3A_83, %add3A_84 : vector<64x256xf32>
    %add3A_86 = vector.broadcast %sub3A : vector<64x1xf32> to vector<64x256xf32>
    %add3A_87 = arith.addf %add3A_85, %add3A_86 : vector<64x256xf32>
    %mul3A = arith.mulf %slice3A_81, %add3A_87 : vector<64x256xf32>
    %reduce_sum3A_88 = arith.constant dense<0.000000e+00> : vector<256xf32>
    %reduce_sum3A_89 = vector.multi_reduction <add>, %mul3A, %reduce_sum3A_88 [0] : vector<64x256xf32> to vector<256xf32>
    %broadcast_in_dim3A_90 = vector.shape_cast %reduce_sum3A_89 : vector<256xf32> to vector<1x256xf32>
    %convert_element_type3A_91 = arith.fptosi %broadcast_in_dim3A_90 : vector<1x256xf32> to vector<1x256xi32>
    %jit3A_92 = arith.constant 32 : i32
    %eq3A_93 = arith.constant 0 : i32
    %eq3A_94 = arith.cmpi eq, %jit3A_92, %eq3A_93 : i32
    %jit3A_95 = arith.constant 1 : i32
    %select_n3A_96 = arith.select %eq3A_94, %jit3A_95, %jit3A_92 : i32
    %rem3A = arith.remsi %arg0, %select_n3A_96 : i32
    %ne3A = arith.constant 0 : i32
    %ne3A_97 = arith.cmpi ne, %rem3A, %ne3A : i32
    %lt3A_98 = arith.constant 0 : i32
    %lt3A_99 = arith.cmpi slt, %rem3A, %lt3A_98 : i32
    %lt3A_100 = arith.constant 0 : i32
    %lt3A_101 = arith.cmpi slt, %select_n3A_96, %lt3A_100 : i32
    %ne3A_102 = arith.xori %lt3A_99, %lt3A_101 : i1
    %and3A = arith.andi %ne3A_102, %ne3A_97 : i1
    %add3A_103 = arith.addi %rem3A, %select_n3A_96 : i32
    %select_n3A_104 = arith.select %and3A, %add3A_103, %rem3A : i32
    %mul3A_105 = arith.constant 4096 : i32
    %mul3A_106 = arith.muli %select_n3A_104, %mul3A_105 : i32
    %add3A_107 = vector.broadcast %mul3A_106 : i32 to vector<1x256xi32>
    %add3A_108 = arith.addi %convert_element_type3A_91, %add3A_107 : vector<1x256xi32>
    %swap3A = arith.constant 0 : index
    %swap3A_109 = arith.constant 0 : index
    %swap3A_110 = arith.constant 0 : index
    %swap3A_111 = vector.load %arg3[%swap3A, %swap3A_109, %swap3A_110] : memref<1x1x4096xi32, #tpu.memory_space<vmem>>, vector<1x1x256xi32>
    %swap3A_112 = vector.shape_cast %swap3A_111 : vector<1x1x256xi32> to vector<1x256xi32>
    %swap3A_113 = vector.shape_cast %add3A_108 : vector<1x256xi32> to vector<1x1x256xi32>
    tpu.vector_store %arg3[%swap3A, %swap3A_109, %swap3A_110], %swap3A_113 {strides = array<i32>} : memref<1x1x4096xi32, #tpu.memory_space<vmem>>, vector<1x1x256xi32>,
    %reduce_sum3A_114 = arith.constant dense<0.000000e+00> : vector<64xf32>
    %reduce_sum3A_115 = vector.multi_reduction <add>, %slice3A_81, %reduce_sum3A_114 [1] : vector<64x256xf32> to vector<64xf32>
    %broadcast_in_dim3A_116 = vector.shape_cast %reduce_sum3A_115 : vector<64xf32> to vector<64x1xf32>
    %add3A_117 = arith.addf %broadcast_in_dim3A_79, %broadcast_in_dim3A_116 : vector<64x1xf32>
    %slice3A_118 = vector.extract_strided_slice %convert_element_type3A_42 {offsets = [0, 256], sizes = [64, 256], strides = [1, 1]} : vector<64x4096xbf16> to vector<64x256xbf16>
    %slice3A_119 = vector.extract_strided_slice %convert_element_type3A_39 {offsets = [0, 256], sizes = [64, 256], strides = [1, 1]} : vector<64x4096xf32> to vector<64x256xf32>
    %dot_general3A_120 = arith.constant dense<0.000000e+00> : vector<64x256xf32>
    %dot_general3A_121 = tpu.matmul %slice3A_118, %convert_element_type3A_77, %dot_general3A_120 {dimension_numbers = #tpu.dot_dimension_numbers<[1], [0], [0], [1], [0, 0, 1, 1], [], []>, transpose_lhs_hint = false} : vector<64x256xbf16>, vector<256x256xbf16>, vector<64x256xf32> -> vector<64x256xf32>
    %add3A_122 = vector.broadcast %add3A_117 : vector<64x1xf32> to vector<64x256xf32>
    %add3A_123 = arith.addf %dot_general3A_121, %add3A_122 : vector<64x256xf32>
    %add3A_124 = vector.broadcast %sub3A : vector<64x1xf32> to vector<64x256xf32>
    %add3A_125 = arith.addf %add3A_123, %add3A_124 : vector<64x256xf32>
    %mul3A_126 = arith.mulf %slice3A_119, %add3A_125 : vector<64x256xf32>
    %reduce_sum3A_127 = arith.constant dense<0.000000e+00> : vector<256xf32>
    %reduce_sum3A_128 = vector.multi_reduction <add>, %mul3A_126, %reduce_sum3A_127 [0] : vector<64x256xf32> to vector<256xf32>
    %broadcast_in_dim3A_129 = vector.shape_cast %reduce_sum3A_128 : vector<256xf32> to vector<1x256xf32>
    %convert_element_type3A_130 = arith.fptosi %broadcast_in_dim3A_129 : vector<1x256xf32> to vector<1x256xi32>
    %jit3A_131 = arith.constant 32 : i32
    %eq3A_132 = arith.constant 0 : i32
    %eq3A_133 = arith.cmpi eq, %jit3A_131, %eq3A_132 : i32
    %jit3A_134 = arith.constant 1 : i32
    %select_n3A_135 = arith.select %eq3A_133, %jit3A_134, %jit3A_131 : i32
    %rem3A_136 = arith.remsi %arg0, %select_n3A_135 : i32
    %ne3A_137 = arith.constant 0 : i32
    %ne3A_138 = arith.cmpi ne, %rem3A_136, %ne3A_137 : i32
    %lt3A_139 = arith.constant 0 : i32
    %lt3A_140 = arith.cmpi slt, %rem3A_136, %lt3A_139 : i32
    %lt3A_141 = arith.constant 0 : i32
    %lt3A_142 = arith.cmpi slt, %select_n3A_135, %lt3A_141 : i32
    %ne3A_143 = arith.xori %lt3A_140, %lt3A_142 : i1
    %and3A_144 = arith.andi %ne3A_143, %ne3A_138 : i1
    %add3A_145 = arith.addi %rem3A_136, %select_n3A_135 : i32
    %select_n3A_146 = arith.select %and3A_144, %add3A_145, %rem3A_136 : i32
    %mul3A_147 = arith.constant 4096 : i32
    %mul3A_148 = arith.muli %select_n3A_146, %mul3A_147 : i32
    %add3A_149 = vector.broadcast %mul3A_148 : i32 to vector<1x256xi32>
    %add3A_150 = arith.addi %convert_element_type3A_130, %add3A_149 : vector<1x256xi32>
    %swap3A_151 = arith.constant 0 : index
    %swap3A_152 = arith.constant 0 : index
    %swap3A_153 = arith.constant 256 : index
    %swap3A_154 = vector.load %arg3[%swap3A_151, %swap3A_152, %swap3A_153] : memref<1x1x4096xi32, #tpu.memory_space<vmem>>, vector<1x1x256xi32>
    %swap3A_155 = vector.shape_cast %swap3A_154 : vector<1x1x256xi32> to vector<1x256xi32>
    %swap3A_156 = vector.shape_cast %add3A_150 : vector<1x256xi32> to vector<1x1x256xi32>
    tpu.vector_store %arg3[%swap3A_151, %swap3A_152, %swap3A_153], %swap3A_156 {strides = array<i32>} : memref<1x1x4096xi32, #tpu.memory_space<vmem>>, vector<1x1x256xi32>,
    %reduce_sum3A_157 = arith.constant dense<0.000000e+00> : vector<64xf32>
    %reduce_sum3A_158 = vector.multi_reduction <add>, %slice3A_119, %reduce_sum3A_157 [1] : vector<64x256xf32> to vector<64xf32>
    %broadcast_in_dim3A_159 = vector.shape_cast %reduce_sum3A_158 : vector<64xf32> to vector<64x1xf32>
    %add3A_160 = arith.addf %add3A_117, %broadcast_in_dim3A_159 : vector<64x1xf32>
    %slice3A_161 = vector.extract_strided_slice %convert_element_type3A_42 {offsets = [0, 512], sizes = [64, 256], strides = [1, 1]} : vector<64x4096xbf16> to vector<64x256xbf16>
    %slice3A_162 = vector.extract_strided_slice %convert_element_type3A_39 {offsets = [0, 512], sizes = [64, 256], strides = [1, 1]} : vector<64x4096xf32> to vector<64x256xf32>
    %dot_general3A_163 = arith.constant dense<0.000000e+00> : vector<64x256xf32>
    %dot_general3A_164 = tpu.matmul %slice3A_161, %convert_element_type3A_77, %dot_general3A_163 {dimension_numbers = #tpu.dot_dimension_numbers<[1], [0], [0], [1], [0, 0, 1, 1], [], []>, transpose_lhs_hint = false} : vector<64x256xbf16>, vector<256x256xbf16>, vector<64x256xf32> -> vector<64x256xf32>
    %add3A_165 = vector.broadcast %add3A_160 : vector<64x1xf32> to vector<64x256xf32>
    %add3A_166 = arith.addf %dot_general3A_164, %add3A_165 : vector<64x256xf32>
    %add3A_167 = vector.broadcast %sub3A : vector<64x1xf32> to vector<64x256xf32>
    %add3A_168 = arith.addf %add3A_166, %add3A_167 : vector<64x256xf32>
    %mul3A_169 = arith.mulf %slice3A_162, %add3A_168 : vector<64x256xf32>
    %reduce_sum3A_170 = arith.constant dense<0.000000e+00> : vector<256xf32>
    %reduce_sum3A_171 = vector.multi_reduction <add>, %mul3A_169, %reduce_sum3A_170 [0] : vector<64x256xf32> to vector<256xf32>
    %broadcast_in_dim3A_172 = vector.shape_cast %reduce_sum3A_171 : vector<256xf32> to vector<1x256xf32>
    %convert_element_type3A_173 = arith.fptosi %broadcast_in_dim3A_172 : vector<1x256xf32> to vector<1x256xi32>
    %jit3A_174 = arith.constant 32 : i32
    %eq3A_175 = arith.constant 0 : i32
    %eq3A_176 = arith.cmpi eq, %jit3A_174, %eq3A_175 : i32
    %jit3A_177 = arith.constant 1 : i32
    %select_n3A_178 = arith.select %eq3A_176, %jit3A_177, %jit3A_174 : i32
    %rem3A_179 = arith.remsi %arg0, %select_n3A_178 : i32
    %ne3A_180 = arith.constant 0 : i32
    %ne3A_181 = arith.cmpi ne, %rem3A_179, %ne3A_180 : i32
    %lt3A_182 = arith.constant 0 : i32
    %lt3A_183 = arith.cmpi slt, %rem3A_179, %lt3A_182 : i32
    %lt3A_184 = arith.constant 0 : i32
    %lt3A_185 = arith.cmpi slt, %select_n3A_178, %lt3A_184 : i32
    %ne3A_186 = arith.xori %lt3A_183, %lt3A_185 : i1
    %and3A_187 = arith.andi %ne3A_186, %ne3A_181 : i1
    %add3A_188 = arith.addi %rem3A_179, %select_n3A_178 : i32
    %select_n3A_189 = arith.select %and3A_187, %add3A_188, %rem3A_179 : i32
    %mul3A_190 = arith.constant 4096 : i32
    %mul3A_191 = arith.muli %select_n3A_189, %mul3A_190 : i32
    %add3A_192 = vector.broadcast %mul3A_191 : i32 to vector<1x256xi32>
    %add3A_193 = arith.addi %convert_element_type3A_173, %add3A_192 : vector<1x256xi32>
    %swap3A_194 = arith.constant 0 : index
    %swap3A_195 = arith.constant 0 : index
    %swap3A_196 = arith.constant 512 : index
    %swap3A_197 = vector.load %arg3[%swap3A_194, %swap3A_195, %swap3A_196] : memref<1x1x4096xi32, #tpu.memory_space<vmem>>, vector<1x1x256xi32>
    %swap3A_198 = vector.shape_cast %swap3A_197 : vector<1x1x256xi32> to vector<1x256xi32>
    %swap3A_199 = vector.shape_cast %add3A_193 : vector<1x256xi32> to vector<1x1x256xi32>
    tpu.vector_store %arg3[%swap3A_194, %swap3A_195, %swap3A_196], %swap3A_199 {strides = array<i32>} : memref<1x1x4096xi32, #tpu.memory_space<vmem>>, vector<1x1x256xi32>,
    %reduce_sum3A_200 = arith.constant dense<0.000000e+00> : vector<64xf32>
    %reduce_sum3A_201 = vector.multi_reduction <add>, %slice3A_162, %reduce_sum3A_200 [1] : vector<64x256xf32> to vector<64xf32>
    %broadcast_in_dim3A_202 = vector.shape_cast %reduce_sum3A_201 : vector<64xf32> to vector<64x1xf32>
    %add3A_203 = arith.addf %add3A_160, %broadcast_in_dim3A_202 : vector<64x1xf32>
    %slice3A_204 = vector.extract_strided_slice %convert_element_type3A_42 {offsets = [0, 768], sizes = [64, 256], strides = [1, 1]} : vector<64x4096xbf16> to vector<64x256xbf16>
    %slice3A_205 = vector.extract_strided_slice %convert_element_type3A_39 {offsets = [0, 768], sizes = [64, 256], strides = [1, 1]} : vector<64x4096xf32> to vector<64x256xf32>
    %dot_general3A_206 = arith.constant dense<0.000000e+00> : vector<64x256xf32>
    %dot_general3A_207 = tpu.matmul %slice3A_204, %convert_element_type3A_77, %dot_general3A_206 {dimension_numbers = #tpu.dot_dimension_numbers<[1], [0], [0], [1], [0, 0, 1, 1], [], []>, transpose_lhs_hint = false} : vector<64x256xbf16>, vector<256x256xbf16>, vector<64x256xf32> -> vector<64x256xf32>
    %add3A_208 = vector.broadcast %add3A_203 : vector<64x1xf32> to vector<64x256xf32>
    %add3A_209 = arith.addf %dot_general3A_207, %add3A_208 : vector<64x256xf32>
    %add3A_210 = vector.broadcast %sub3A : vector<64x1xf32> to vector<64x256xf32>
    %add3A_211 = arith.addf %add3A_209, %add3A_210 : vector<64x256xf32>
    %mul3A_212 = arith.mulf %slice3A_205, %add3A_211 : vector<64x256xf32>
    %reduce_sum3A_213 = arith.constant dense<0.000000e+00> : vector<256xf32>
    %reduce_sum3A_214 = vector.multi_reduction <add>, %mul3A_212, %reduce_sum3A_213 [0] : vector<64x256xf32> to vector<256xf32>
    %broadcast_in_dim3A_215 = vector.shape_cast %reduce_sum3A_214 : vector<256xf32> to vector<1x256xf32>
    %convert_element_type3A_216 = arith.fptosi %broadcast_in_dim3A_215 : vector<1x256xf32> to vector<1x256xi32>
    %jit3A_217 = arith.constant 32 : i32
    %eq3A_218 = arith.constant 0 : i32
    %eq3A_219 = arith.cmpi eq, %jit3A_217, %eq3A_218 : i32
    %jit3A_220 = arith.constant 1 : i32
    %select_n3A_221 = arith.select %eq3A_219, %jit3A_220, %jit3A_217 : i32
    %rem3A_222 = arith.remsi %arg0, %select_n3A_221 : i32
    %ne3A_223 = arith.constant 0 : i32
    %ne3A_224 = arith.cmpi ne, %rem3A_222, %ne3A_223 : i32
    %lt3A_225 = arith.constant 0 : i32
    %lt3A_226 = arith.cmpi slt, %rem3A_222, %lt3A_225 : i32
    %lt3A_227 = arith.constant 0 : i32
    %lt3A_228 = arith.cmpi slt, %select_n3A_221, %lt3A_227 : i32
    %ne3A_229 = arith.xori %lt3A_226, %lt3A_228 : i1
    %and3A_230 = arith.andi %ne3A_229, %ne3A_224 : i1
    %add3A_231 = arith.addi %rem3A_222, %select_n3A_221 : i32
    %select_n3A_232 = arith.select %and3A_230, %add3A_231, %rem3A_222 : i32
    %mul3A_233 = arith.constant 4096 : i32
    %mul3A_234 = arith.muli %select_n3A_232, %mul3A_233 : i32
    %add3A_235 = vector.broadcast %mul3A_234 : i32 to vector<1x256xi32>
    %add3A_236 = arith.addi %convert_element_type3A_216, %add3A_235 : vector<1x256xi32>
    %swap3A_237 = arith.constant 0 : index
    %swap3A_238 = arith.constant 0 : index
    %swap3A_239 = arith.constant 768 : index
    %swap3A_240 = vector.load %arg3[%swap3A_237, %swap3A_238, %swap3A_239] : memref<1x1x4096xi32, #tpu.memory_space<vmem>>, vector<1x1x256xi32>
    %swap3A_241 = vector.shape_cast %swap3A_240 : vector<1x1x256xi32> to vector<1x256xi32>
    %swap3A_242 = vector.shape_cast %add3A_236 : vector<1x256xi32> to vector<1x1x256xi32>
    tpu.vector_store %arg3[%swap3A_237, %swap3A_238, %swap3A_239], %swap3A_242 {strides = array<i32>} : memref<1x1x4096xi32, #tpu.memory_space<vmem>>, vector<1x1x256xi32>,
    %reduce_sum3A_243 = arith.constant dense<0.000000e+00> : vector<64xf32>
    %reduce_sum3A_244 = vector.multi_reduction <add>, %slice3A_205, %reduce_sum3A_243 [1] : vector<64x256xf32> to vector<64xf32>
    %broadcast_in_dim3A_245 = vector.shape_cast %reduce_sum3A_244 : vector<64xf32> to vector<64x1xf32>
    %add3A_246 = arith.addf %add3A_203, %broadcast_in_dim3A_245 : vector<64x1xf32>
    %slice3A_247 = vector.extract_strided_slice %convert_element_type3A_42 {offsets = [0, 1024], sizes = [64, 256], strides = [1, 1]} : vector<64x4096xbf16> to vector<64x256xbf16>
    %slice3A_248 = vector.extract_strided_slice %convert_element_type3A_39 {offsets = [0, 1024], sizes = [64, 256], strides = [1, 1]} : vector<64x4096xf32> to vector<64x256xf32>
    %dot_general3A_249 = arith.constant dense<0.000000e+00> : vector<64x256xf32>
    %dot_general3A_250 = tpu.matmul %slice3A_247, %convert_element_type3A_77, %dot_general3A_249 {dimension_numbers = #tpu.dot_dimension_numbers<[1], [0], [0], [1], [0, 0, 1, 1], [], []>, transpose_lhs_hint = false} : vector<64x256xbf16>, vector<256x256xbf16>, vector<64x256xf32> -> vector<64x256xf32>
    %add3A_251 = vector.broadcast %add3A_246 : vector<64x1xf32> to vector<64x256xf32>
    %add3A_252 = arith.addf %dot_general3A_250, %add3A_251 : vector<64x256xf32>
    %add3A_253 = vector.broadcast %sub3A : vector<64x1xf32> to vector<64x256xf32>
    %add3A_254 = arith.addf %add3A_252, %add3A_253 : vector<64x256xf32>
    %mul3A_255 = arith.mulf %slice3A_248, %add3A_254 : vector<64x256xf32>
    %reduce_sum3A_256 = arith.constant dense<0.000000e+00> : vector<256xf32>
    %reduce_sum3A_257 = vector.multi_reduction <add>, %mul3A_255, %reduce_sum3A_256 [0] : vector<64x256xf32> to vector<256xf32>
    %broadcast_in_dim3A_258 = vector.shape_cast %reduce_sum3A_257 : vector<256xf32> to vector<1x256xf32>
    %convert_element_type3A_259 = arith.fptosi %broadcast_in_dim3A_258 : vector<1x256xf32> to vector<1x256xi32>
    %jit3A_260 = arith.constant 32 : i32
    %eq3A_261 = arith.constant 0 : i32
    %eq3A_262 = arith.cmpi eq, %jit3A_260, %eq3A_261 : i32
    %jit3A_263 = arith.constant 1 : i32
    %select_n3A_264 = arith.select %eq3A_262, %jit3A_263, %jit3A_260 : i32
    %rem3A_265 = arith.remsi %arg0, %select_n3A_264 : i32
    %ne3A_266 = arith.constant 0 : i32
    %ne3A_267 = arith.cmpi ne, %rem3A_265, %ne3A_266 : i32
    %lt3A_268 = arith.constant 0 : i32
    %lt3A_269 = arith.cmpi slt, %rem3A_265, %lt3A_268 : i32
    %lt3A_270 = arith.constant 0 : i32
    %lt3A_271 = arith.cmpi slt, %select_n3A_264, %lt3A_270 : i32
    %ne3A_272 = arith.xori %lt3A_269, %lt3A_271 : i1
    %and3A_273 = arith.andi %ne3A_272, %ne3A_267 : i1
    %add3A_274 = arith.addi %rem3A_265, %select_n3A_264 : i32
    %select_n3A_275 = arith.select %and3A_273, %add3A_274, %rem3A_265 : i32
    %mul3A_276 = arith.constant 4096 : i32
    %mul3A_277 = arith.muli %select_n3A_275, %mul3A_276 : i32
    %add3A_278 = vector.broadcast %mul3A_277 : i32 to vector<1x256xi32>
    %add3A_279 = arith.addi %convert_element_type3A_259, %add3A_278 : vector<1x256xi32>
    %swap3A_280 = arith.constant 0 : index
    %swap3A_281 = arith.constant 0 : index
    %swap3A_282 = arith.constant 1024 : index
    %swap3A_283 = vector.load %arg3[%swap3A_280, %swap3A_281, %swap3A_282] : memref<1x1x4096xi32, #tpu.memory_space<vmem>>, vector<1x1x256xi32>
    %swap3A_284 = vector.shape_cast %swap3A_283 : vector<1x1x256xi32> to vector<1x256xi32>
    %swap3A_285 = vector.shape_cast %add3A_279 : vector<1x256xi32> to vector<1x1x256xi32>
    tpu.vector_store %arg3[%swap3A_280, %swap3A_281, %swap3A_282], %swap3A_285 {strides = array<i32>} : memref<1x1x4096xi32, #tpu.memory_space<vmem>>, vector<1x1x256xi32>,
    %reduce_sum3A_286 = arith.constant dense<0.000000e+00> : vector<64xf32>
    %reduce_sum3A_287 = vector.multi_reduction <add>, %slice3A_248, %reduce_sum3A_286 [1] : vector<64x256xf32> to vector<64xf32>
    %broadcast_in_dim3A_288 = vector.shape_cast %reduce_sum3A_287 : vector<64xf32> to vector<64x1xf32>
    %add3A_289 = arith.addf %add3A_246, %broadcast_in_dim3A_288 : vector<64x1xf32>
    %slice3A_290 = vector.extract_strided_slice %convert_element_type3A_42 {offsets = [0, 1280], sizes = [64, 256], strides = [1, 1]} : vector<64x4096xbf16> to vector<64x256xbf16>
    %slice3A_291 = vector.extract_strided_slice %convert_element_type3A_39 {offsets = [0, 1280], sizes = [64, 256], strides = [1, 1]} : vector<64x4096xf32> to vector<64x256xf32>
    %dot_general3A_292 = arith.constant dense<0.000000e+00> : vector<64x256xf32>
    %dot_general3A_293 = tpu.matmul %slice3A_290, %convert_element_type3A_77, %dot_general3A_292 {dimension_numbers = #tpu.dot_dimension_numbers<[1], [0], [0], [1], [0, 0, 1, 1], [], []>, transpose_lhs_hint = false} : vector<64x256xbf16>, vector<256x256xbf16>, vector<64x256xf32> -> vector<64x256xf32>
    %add3A_294 = vector.broadcast %add3A_289 : vector<64x1xf32> to vector<64x256xf32>
    %add3A_295 = arith.addf %dot_general3A_293, %add3A_294 : vector<64x256xf32>
    %add3A_296 = vector.broadcast %sub3A : vector<64x1xf32> to vector<64x256xf32>
    %add3A_297 = arith.addf %add3A_295, %add3A_296 : vector<64x256xf32>
    %mul3A_298 = arith.mulf %slice3A_291, %add3A_297 : vector<64x256xf32>
    %reduce_sum3A_299 = arith.constant dense<0.000000e+00> : vector<256xf32>
    %reduce_sum3A_300 = vector.multi_reduction <add>, %mul3A_298, %reduce_sum3A_299 [0] : vector<64x256xf32> to vector<256xf32>
    %broadcast_in_dim3A_301 = vector.shape_cast %reduce_sum3A_300 : vector<256xf32> to vector<1x256xf32>
    %convert_element_type3A_302 = arith.fptosi %broadcast_in_dim3A_301 : vector<1x256xf32> to vector<1x256xi32>
    %jit3A_303 = arith.constant 32 : i32
    %eq3A_304 = arith.constant 0 : i32
    %eq3A_305 = arith.cmpi eq, %jit3A_303, %eq3A_304 : i32
    %jit3A_306 = arith.constant 1 : i32
    %select_n3A_307 = arith.select %eq3A_305, %jit3A_306, %jit3A_303 : i32
    %rem3A_308 = arith.remsi %arg0, %select_n3A_307 : i32
    %ne3A_309 = arith.constant 0 : i32
    %ne3A_310 = arith.cmpi ne, %rem3A_308, %ne3A_309 : i32
    %lt3A_311 = arith.constant 0 : i32
    %lt3A_312 = arith.cmpi slt, %rem3A_308, %lt3A_311 : i32
    %lt3A_313 = arith.constant 0 : i32
    %lt3A_314 = arith.cmpi slt, %select_n3A_307, %lt3A_313 : i32
    %ne3A_315 = arith.xori %lt3A_312, %lt3A_314 : i1
    %and3A_316 = arith.andi %ne3A_315, %ne3A_310 : i1
    %add3A_317 = arith.addi %rem3A_308, %select_n3A_307 : i32
    %select_n3A_318 = arith.select %and3A_316, %add3A_317, %rem3A_308 : i32
    %mul3A_319 = arith.constant 4096 : i32
    %mul3A_320 = arith.muli %select_n3A_318, %mul3A_319 : i32
    %add3A_321 = vector.broadcast %mul3A_320 : i32 to vector<1x256xi32>
    %add3A_322 = arith.addi %convert_element_type3A_302, %add3A_321 : vector<1x256xi32>
    %swap3A_323 = arith.constant 0 : index
    %swap3A_324 = arith.constant 0 : index
    %swap3A_325 = arith.constant 1280 : index
    %swap3A_326 = vector.load %arg3[%swap3A_323, %swap3A_324, %swap3A_325] : memref<1x1x4096xi32, #tpu.memory_space<vmem>>, vector<1x1x256xi32>
    %swap3A_327 = vector.shape_cast %swap3A_326 : vector<1x1x256xi32> to vector<1x256xi32>
    %swap3A_328 = vector.shape_cast %add3A_322 : vector<1x256xi32> to vector<1x1x256xi32>
    tpu.vector_store %arg3[%swap3A_323, %swap3A_324, %swap3A_325], %swap3A_328 {strides = array<i32>} : memref<1x1x4096xi32, #tpu.memory_space<vmem>>, vector<1x1x256xi32>,
    %reduce_sum3A_329 = arith.constant dense<0.000000e+00> : vector<64xf32>
    %reduce_sum3A_330 = vector.multi_reduction <add>, %slice3A_291, %reduce_sum3A_329 [1] : vector<64x256xf32> to vector<64xf32>
    %broadcast_in_dim3A_331 = vector.shape_cast %reduce_sum3A_330 : vector<64xf32> to vector<64x1xf32>
    %add3A_332 = arith.addf %add3A_289, %broadcast_in_dim3A_331 : vector<64x1xf32>
    %slice3A_333 = vector.extract_strided_slice %convert_element_type3A_42 {offsets = [0, 1536], sizes = [64, 256], strides = [1, 1]} : vector<64x4096xbf16> to vector<64x256xbf16>
    %slice3A_334 = vector.extract_strided_slice %convert_element_type3A_39 {offsets = [0, 1536], sizes = [64, 256], strides = [1, 1]} : vector<64x4096xf32> to vector<64x256xf32>
    %dot_general3A_335 = arith.constant dense<0.000000e+00> : vector<64x256xf32>
    %dot_general3A_336 = tpu.matmul %slice3A_333, %convert_element_type3A_77, %dot_general3A_335 {dimension_numbers = #tpu.dot_dimension_numbers<[1], [0], [0], [1], [0, 0, 1, 1], [], []>, transpose_lhs_hint = false} : vector<64x256xbf16>, vector<256x256xbf16>, vector<64x256xf32> -> vector<64x256xf32>
    %add3A_337 = vector.broadcast %add3A_332 : vector<64x1xf32> to vector<64x256xf32>
    %add3A_338 = arith.addf %dot_general3A_336, %add3A_337 : vector<64x256xf32>
    %add3A_339 = vector.broadcast %sub3A : vector<64x1xf32> to vector<64x256xf32>
    %add3A_340 = arith.addf %add3A_338, %add3A_339 : vector<64x256xf32>
    %mul3A_341 = arith.mulf %slice3A_334, %add3A_340 : vector<64x256xf32>
    %reduce_sum3A_342 = arith.constant dense<0.000000e+00> : vector<256xf32>
    %reduce_sum3A_343 = vector.multi_reduction <add>, %mul3A_341, %reduce_sum3A_342 [0] : vector<64x256xf32> to vector<256xf32>
    %broadcast_in_dim3A_344 = vector.shape_cast %reduce_sum3A_343 : vector<256xf32> to vector<1x256xf32>
    %convert_element_type3A_345 = arith.fptosi %broadcast_in_dim3A_344 : vector<1x256xf32> to vector<1x256xi32>
    %jit3A_346 = arith.constant 32 : i32
    %eq3A_347 = arith.constant 0 : i32
    %eq3A_348 = arith.cmpi eq, %jit3A_346, %eq3A_347 : i32
    %jit3A_349 = arith.constant 1 : i32
    %select_n3A_350 = arith.select %eq3A_348, %jit3A_349, %jit3A_346 : i32
    %rem3A_351 = arith.remsi %arg0, %select_n3A_350 : i32
    %ne3A_352 = arith.constant 0 : i32
    %ne3A_353 = arith.cmpi ne, %rem3A_351, %ne3A_352 : i32
    %lt3A_354 = arith.constant 0 : i32
    %lt3A_355 = arith.cmpi slt, %rem3A_351, %lt3A_354 : i32
    %lt3A_356 = arith.constant 0 : i32
    %lt3A_357 = arith.cmpi slt, %select_n3A_350, %lt3A_356 : i32
    %ne3A_358 = arith.xori %lt3A_355, %lt3A_357 : i1
    %and3A_359 = arith.andi %ne3A_358, %ne3A_353 : i1
    %add3A_360 = arith.addi %rem3A_351, %select_n3A_350 : i32
    %select_n3A_361 = arith.select %and3A_359, %add3A_360, %rem3A_351 : i32
    %mul3A_362 = arith.constant 4096 : i32
    %mul3A_363 = arith.muli %select_n3A_361, %mul3A_362 : i32
    %add3A_364 = vector.broadcast %mul3A_363 : i32 to vector<1x256xi32>
    %add3A_365 = arith.addi %convert_element_type3A_345, %add3A_364 : vector<1x256xi32>
    %swap3A_366 = arith.constant 0 : index
    %swap3A_367 = arith.constant 0 : index
    %swap3A_368 = arith.constant 1536 : index
    %swap3A_369 = vector.load %arg3[%swap3A_366, %swap3A_367, %swap3A_368] : memref<1x1x4096xi32, #tpu.memory_space<vmem>>, vector<1x1x256xi32>
    %swap3A_370 = vector.shape_cast %swap3A_369 : vector<1x1x256xi32> to vector<1x256xi32>
    %swap3A_371 = vector.shape_cast %add3A_365 : vector<1x256xi32> to vector<1x1x256xi32>
    tpu.vector_store %arg3[%swap3A_366, %swap3A_367, %swap3A_368], %swap3A_371 {strides = array<i32>} : memref<1x1x4096xi32, #tpu.memory_space<vmem>>, vector<1x1x256xi32>,
    %reduce_sum3A_372 = arith.constant dense<0.000000e+00> : vector<64xf32>
    %reduce_sum3A_373 = vector.multi_reduction <add>, %slice3A_334, %reduce_sum3A_372 [1] : vector<64x256xf32> to vector<64xf32>
    %broadcast_in_dim3A_374 = vector.shape_cast %reduce_sum3A_373 : vector<64xf32> to vector<64x1xf32>
    %add3A_375 = arith.addf %add3A_332, %broadcast_in_dim3A_374 : vector<64x1xf32>
    %slice3A_376 = vector.extract_strided_slice %convert_element_type3A_42 {offsets = [0, 1792], sizes = [64, 256], strides = [1, 1]} : vector<64x4096xbf16> to vector<64x256xbf16>
    %slice3A_377 = vector.extract_strided_slice %convert_element_type3A_39 {offsets = [0, 1792], sizes = [64, 256], strides = [1, 1]} : vector<64x4096xf32> to vector<64x256xf32>
    %dot_general3A_378 = arith.constant dense<0.000000e+00> : vector<64x256xf32>
    %dot_general3A_379 = tpu.matmul %slice3A_376, %convert_element_type3A_77, %dot_general3A_378 {dimension_numbers = #tpu.dot_dimension_numbers<[1], [0], [0], [1], [0, 0, 1, 1], [], []>, transpose_lhs_hint = false} : vector<64x256xbf16>, vector<256x256xbf16>, vector<64x256xf32> -> vector<64x256xf32>
    %add3A_380 = vector.broadcast %add3A_375 : vector<64x1xf32> to vector<64x256xf32>
    %add3A_381 = arith.addf %dot_general3A_379, %add3A_380 : vector<64x256xf32>
    %add3A_382 = vector.broadcast %sub3A : vector<64x1xf32> to vector<64x256xf32>
    %add3A_383 = arith.addf %add3A_381, %add3A_382 : vector<64x256xf32>
    %mul3A_384 = arith.mulf %slice3A_377, %add3A_383 : vector<64x256xf32>
    %reduce_sum3A_385 = arith.constant dense<0.000000e+00> : vector<256xf32>
    %reduce_sum3A_386 = vector.multi_reduction <add>, %mul3A_384, %reduce_sum3A_385 [0] : vector<64x256xf32> to vector<256xf32>
    %broadcast_in_dim3A_387 = vector.shape_cast %reduce_sum3A_386 : vector<256xf32> to vector<1x256xf32>
    %convert_element_type3A_388 = arith.fptosi %broadcast_in_dim3A_387 : vector<1x256xf32> to vector<1x256xi32>
    %jit3A_389 = arith.constant 32 : i32
    %eq3A_390 = arith.constant 0 : i32
    %eq3A_391 = arith.cmpi eq, %jit3A_389, %eq3A_390 : i32
    %jit3A_392 = arith.constant 1 : i32
    %select_n3A_393 = arith.select %eq3A_391, %jit3A_392, %jit3A_389 : i32
    %rem3A_394 = arith.remsi %arg0, %select_n3A_393 : i32
    %ne3A_395 = arith.constant 0 : i32
    %ne3A_396 = arith.cmpi ne, %rem3A_394, %ne3A_395 : i32
    %lt3A_397 = arith.constant 0 : i32
    %lt3A_398 = arith.cmpi slt, %rem3A_394, %lt3A_397 : i32
    %lt3A_399 = arith.constant 0 : i32
    %lt3A_400 = arith.cmpi slt, %select_n3A_393, %lt3A_399 : i32
    %ne3A_401 = arith.xori %lt3A_398, %lt3A_400 : i1
    %and3A_402 = arith.andi %ne3A_401, %ne3A_396 : i1
    %add3A_403 = arith.addi %rem3A_394, %select_n3A_393 : i32
    %select_n3A_404 = arith.select %and3A_402, %add3A_403, %rem3A_394 : i32
    %mul3A_405 = arith.constant 4096 : i32
    %mul3A_406 = arith.muli %select_n3A_404, %mul3A_405 : i32
    %add3A_407 = vector.broadcast %mul3A_406 : i32 to vector<1x256xi32>
    %add3A_408 = arith.addi %convert_element_type3A_388, %add3A_407 : vector<1x256xi32>
    %swap3A_409 = arith.constant 0 : index
    %swap3A_410 = arith.constant 0 : index
    %swap3A_411 = arith.constant 1792 : index
    %swap3A_412 = vector.load %arg3[%swap3A_409, %swap3A_410, %swap3A_411] : memref<1x1x4096xi32, #tpu.memory_space<vmem>>, vector<1x1x256xi32>
    %swap3A_413 = vector.shape_cast %swap3A_412 : vector<1x1x256xi32> to vector<1x256xi32>
    %swap3A_414 = vector.shape_cast %add3A_408 : vector<1x256xi32> to vector<1x1x256xi32>
    tpu.vector_store %arg3[%swap3A_409, %swap3A_410, %swap3A_411], %swap3A_414 {strides = array<i32>} : memref<1x1x4096xi32, #tpu.memory_space<vmem>>, vector<1x1x256xi32>,
    %reduce_sum3A_415 = arith.constant dense<0.000000e+00> : vector<64xf32>
    %reduce_sum3A_416 = vector.multi_reduction <add>, %slice3A_377, %reduce_sum3A_415 [1] : vector<64x256xf32> to vector<64xf32>
    %broadcast_in_dim3A_417 = vector.shape_cast %reduce_sum3A_416 : vector<64xf32> to vector<64x1xf32>
    %add3A_418 = arith.addf %add3A_375, %broadcast_in_dim3A_417 : vector<64x1xf32>
    %slice3A_419 = vector.extract_strided_slice %convert_element_type3A_42 {offsets = [0, 2048], sizes = [64, 256], strides = [1, 1]} : vector<64x4096xbf16> to vector<64x256xbf16>
    %slice3A_420 = vector.extract_strided_slice %convert_element_type3A_39 {offsets = [0, 2048], sizes = [64, 256], strides = [1, 1]} : vector<64x4096xf32> to vector<64x256xf32>
    %dot_general3A_421 = arith.constant dense<0.000000e+00> : vector<64x256xf32>
    %dot_general3A_422 = tpu.matmul %slice3A_419, %convert_element_type3A_77, %dot_general3A_421 {dimension_numbers = #tpu.dot_dimension_numbers<[1], [0], [0], [1], [0, 0, 1, 1], [], []>, transpose_lhs_hint = false} : vector<64x256xbf16>, vector<256x256xbf16>, vector<64x256xf32> -> vector<64x256xf32>
    %add3A_423 = vector.broadcast %add3A_418 : vector<64x1xf32> to vector<64x256xf32>
    %add3A_424 = arith.addf %dot_general3A_422, %add3A_423 : vector<64x256xf32>
    %add3A_425 = vector.broadcast %sub3A : vector<64x1xf32> to vector<64x256xf32>
    %add3A_426 = arith.addf %add3A_424, %add3A_425 : vector<64x256xf32>
    %mul3A_427 = arith.mulf %slice3A_420, %add3A_426 : vector<64x256xf32>
    %reduce_sum3A_428 = arith.constant dense<0.000000e+00> : vector<256xf32>
    %reduce_sum3A_429 = vector.multi_reduction <add>, %mul3A_427, %reduce_sum3A_428 [0] : vector<64x256xf32> to vector<256xf32>
    %broadcast_in_dim3A_430 = vector.shape_cast %reduce_sum3A_429 : vector<256xf32> to vector<1x256xf32>
    %convert_element_type3A_431 = arith.fptosi %broadcast_in_dim3A_430 : vector<1x256xf32> to vector<1x256xi32>
    %jit3A_432 = arith.constant 32 : i32
    %eq3A_433 = arith.constant 0 : i32
    %eq3A_434 = arith.cmpi eq, %jit3A_432, %eq3A_433 : i32
    %jit3A_435 = arith.constant 1 : i32
    %select_n3A_436 = arith.select %eq3A_434, %jit3A_435, %jit3A_432 : i32
    %rem3A_437 = arith.remsi %arg0, %select_n3A_436 : i32
    %ne3A_438 = arith.constant 0 : i32
    %ne3A_439 = arith.cmpi ne, %rem3A_437, %ne3A_438 : i32
    %lt3A_440 = arith.constant 0 : i32
    %lt3A_441 = arith.cmpi slt, %rem3A_437, %lt3A_440 : i32
    %lt3A_442 = arith.constant 0 : i32
    %lt3A_443 = arith.cmpi slt, %select_n3A_436, %lt3A_442 : i32
    %ne3A_444 = arith.xori %lt3A_441, %lt3A_443 : i1
    %and3A_445 = arith.andi %ne3A_444, %ne3A_439 : i1
    %add3A_446 = arith.addi %rem3A_437, %select_n3A_436 : i32
    %select_n3A_447 = arith.select %and3A_445, %add3A_446, %rem3A_437 : i32
    %mul3A_448 = arith.constant 4096 : i32
    %mul3A_449 = arith.muli %select_n3A_447, %mul3A_448 : i32
    %add3A_450 = vector.broadcast %mul3A_449 : i32 to vector<1x256xi32>
    %add3A_451 = arith.addi %convert_element_type3A_431, %add3A_450 : vector<1x256xi32>
    %swap3A_452 = arith.constant 0 : index
    %swap3A_453 = arith.constant 0 : index
    %swap3A_454 = arith.constant 2048 : index
    %swap3A_455 = vector.load %arg3[%swap3A_452, %swap3A_453, %swap3A_454] : memref<1x1x4096xi32, #tpu.memory_space<vmem>>, vector<1x1x256xi32>
    %swap3A_456 = vector.shape_cast %swap3A_455 : vector<1x1x256xi32> to vector<1x256xi32>
    %swap3A_457 = vector.shape_cast %add3A_451 : vector<1x256xi32> to vector<1x1x256xi32>
    tpu.vector_store %arg3[%swap3A_452, %swap3A_453, %swap3A_454], %swap3A_457 {strides = array<i32>} : memref<1x1x4096xi32, #tpu.memory_space<vmem>>, vector<1x1x256xi32>,
    %reduce_sum3A_458 = arith.constant dense<0.000000e+00> : vector<64xf32>
    %reduce_sum3A_459 = vector.multi_reduction <add>, %slice3A_420, %reduce_sum3A_458 [1] : vector<64x256xf32> to vector<64xf32>
    %broadcast_in_dim3A_460 = vector.shape_cast %reduce_sum3A_459 : vector<64xf32> to vector<64x1xf32>
    %add3A_461 = arith.addf %add3A_418, %broadcast_in_dim3A_460 : vector<64x1xf32>
    %slice3A_462 = vector.extract_strided_slice %convert_element_type3A_42 {offsets = [0, 2304], sizes = [64, 256], strides = [1, 1]} : vector<64x4096xbf16> to vector<64x256xbf16>
    %slice3A_463 = vector.extract_strided_slice %convert_element_type3A_39 {offsets = [0, 2304], sizes = [64, 256], strides = [1, 1]} : vector<64x4096xf32> to vector<64x256xf32>
    %dot_general3A_464 = arith.constant dense<0.000000e+00> : vector<64x256xf32>
    %dot_general3A_465 = tpu.matmul %slice3A_462, %convert_element_type3A_77, %dot_general3A_464 {dimension_numbers = #tpu.dot_dimension_numbers<[1], [0], [0], [1], [0, 0, 1, 1], [], []>, transpose_lhs_hint = false} : vector<64x256xbf16>, vector<256x256xbf16>, vector<64x256xf32> -> vector<64x256xf32>
    %add3A_466 = vector.broadcast %add3A_461 : vector<64x1xf32> to vector<64x256xf32>
    %add3A_467 = arith.addf %dot_general3A_465, %add3A_466 : vector<64x256xf32>
    %add3A_468 = vector.broadcast %sub3A : vector<64x1xf32> to vector<64x256xf32>
    %add3A_469 = arith.addf %add3A_467, %add3A_468 : vector<64x256xf32>
    %mul3A_470 = arith.mulf %slice3A_463, %add3A_469 : vector<64x256xf32>
    %reduce_sum3A_471 = arith.constant dense<0.000000e+00> : vector<256xf32>
    %reduce_sum3A_472 = vector.multi_reduction <add>, %mul3A_470, %reduce_sum3A_471 [0] : vector<64x256xf32> to vector<256xf32>
    %broadcast_in_dim3A_473 = vector.shape_cast %reduce_sum3A_472 : vector<256xf32> to vector<1x256xf32>
    %convert_element_type3A_474 = arith.fptosi %broadcast_in_dim3A_473 : vector<1x256xf32> to vector<1x256xi32>
    %jit3A_475 = arith.constant 32 : i32
    %eq3A_476 = arith.constant 0 : i32
    %eq3A_477 = arith.cmpi eq, %jit3A_475, %eq3A_476 : i32
    %jit3A_478 = arith.constant 1 : i32
    %select_n3A_479 = arith.select %eq3A_477, %jit3A_478, %jit3A_475 : i32
    %rem3A_480 = arith.remsi %arg0, %select_n3A_479 : i32
    %ne3A_481 = arith.constant 0 : i32
    %ne3A_482 = arith.cmpi ne, %rem3A_480, %ne3A_481 : i32
    %lt3A_483 = arith.constant 0 : i32
    %lt3A_484 = arith.cmpi slt, %rem3A_480, %lt3A_483 : i32
    %lt3A_485 = arith.constant 0 : i32
    %lt3A_486 = arith.cmpi slt, %select_n3A_479, %lt3A_485 : i32
    %ne3A_487 = arith.xori %lt3A_484, %lt3A_486 : i1
    %and3A_488 = arith.andi %ne3A_487, %ne3A_482 : i1
    %add3A_489 = arith.addi %rem3A_480, %select_n3A_479 : i32
    %select_n3A_490 = arith.select %and3A_488, %add3A_489, %rem3A_480 : i32
    %mul3A_491 = arith.constant 4096 : i32
    %mul3A_492 = arith.muli %select_n3A_490, %mul3A_491 : i32
    %add3A_493 = vector.broadcast %mul3A_492 : i32 to vector<1x256xi32>
    %add3A_494 = arith.addi %convert_element_type3A_474, %add3A_493 : vector<1x256xi32>
    %swap3A_495 = arith.constant 0 : index
    %swap3A_496 = arith.constant 0 : index
    %swap3A_497 = arith.constant 2304 : index
    %swap3A_498 = vector.load %arg3[%swap3A_495, %swap3A_496, %swap3A_497] : memref<1x1x4096xi32, #tpu.memory_space<vmem>>, vector<1x1x256xi32>
    %swap3A_499 = vector.shape_cast %swap3A_498 : vector<1x1x256xi32> to vector<1x256xi32>
    %swap3A_500 = vector.shape_cast %add3A_494 : vector<1x256xi32> to vector<1x1x256xi32>
    tpu.vector_store %arg3[%swap3A_495, %swap3A_496, %swap3A_497], %swap3A_500 {strides = array<i32>} : memref<1x1x4096xi32, #tpu.memory_space<vmem>>, vector<1x1x256xi32>,
    %reduce_sum3A_501 = arith.constant dense<0.000000e+00> : vector<64xf32>
    %reduce_sum3A_502 = vector.multi_reduction <add>, %slice3A_463, %reduce_sum3A_501 [1] : vector<64x256xf32> to vector<64xf32>
    %broadcast_in_dim3A_503 = vector.shape_cast %reduce_sum3A_502 : vector<64xf32> to vector<64x1xf32>
    %add3A_504 = arith.addf %add3A_461, %broadcast_in_dim3A_503 : vector<64x1xf32>
    %slice3A_505 = vector.extract_strided_slice %convert_element_type3A_42 {offsets = [0, 2560], sizes = [64, 256], strides = [1, 1]} : vector<64x4096xbf16> to vector<64x256xbf16>
    %slice3A_506 = vector.extract_strided_slice %convert_element_type3A_39 {offsets = [0, 2560], sizes = [64, 256], strides = [1, 1]} : vector<64x4096xf32> to vector<64x256xf32>
    %dot_general3A_507 = arith.constant dense<0.000000e+00> : vector<64x256xf32>
    %dot_general3A_508 = tpu.matmul %slice3A_505, %convert_element_type3A_77, %dot_general3A_507 {dimension_numbers = #tpu.dot_dimension_numbers<[1], [0], [0], [1], [0, 0, 1, 1], [], []>, transpose_lhs_hint = false} : vector<64x256xbf16>, vector<256x256xbf16>, vector<64x256xf32> -> vector<64x256xf32>
    %add3A_509 = vector.broadcast %add3A_504 : vector<64x1xf32> to vector<64x256xf32>
    %add3A_510 = arith.addf %dot_general3A_508, %add3A_509 : vector<64x256xf32>
    %add3A_511 = vector.broadcast %sub3A : vector<64x1xf32> to vector<64x256xf32>
    %add3A_512 = arith.addf %add3A_510, %add3A_511 : vector<64x256xf32>
    %mul3A_513 = arith.mulf %slice3A_506, %add3A_512 : vector<64x256xf32>
    %reduce_sum3A_514 = arith.constant dense<0.000000e+00> : vector<256xf32>
    %reduce_sum3A_515 = vector.multi_reduction <add>, %mul3A_513, %reduce_sum3A_514 [0] : vector<64x256xf32> to vector<256xf32>
    %broadcast_in_dim3A_516 = vector.shape_cast %reduce_sum3A_515 : vector<256xf32> to vector<1x256xf32>
    %convert_element_type3A_517 = arith.fptosi %broadcast_in_dim3A_516 : vector<1x256xf32> to vector<1x256xi32>
    %jit3A_518 = arith.constant 32 : i32
    %eq3A_519 = arith.constant 0 : i32
    %eq3A_520 = arith.cmpi eq, %jit3A_518, %eq3A_519 : i32
    %jit3A_521 = arith.constant 1 : i32
    %select_n3A_522 = arith.select %eq3A_520, %jit3A_521, %jit3A_518 : i32
    %rem3A_523 = arith.remsi %arg0, %select_n3A_522 : i32
    %ne3A_524 = arith.constant 0 : i32
    %ne3A_525 = arith.cmpi ne, %rem3A_523, %ne3A_524 : i32
    %lt3A_526 = arith.constant 0 : i32
    %lt3A_527 = arith.cmpi slt, %rem3A_523, %lt3A_526 : i32
    %lt3A_528 = arith.constant 0 : i32
    %lt3A_529 = arith.cmpi slt, %select_n3A_522, %lt3A_528 : i32
    %ne3A_530 = arith.xori %lt3A_527, %lt3A_529 : i1
    %and3A_531 = arith.andi %ne3A_530, %ne3A_525 : i1
    %add3A_532 = arith.addi %rem3A_523, %select_n3A_522 : i32
    %select_n3A_533 = arith.select %and3A_531, %add3A_532, %rem3A_523 : i32
    %mul3A_534 = arith.constant 4096 : i32
    %mul3A_535 = arith.muli %select_n3A_533, %mul3A_534 : i32
    %add3A_536 = vector.broadcast %mul3A_535 : i32 to vector<1x256xi32>
    %add3A_537 = arith.addi %convert_element_type3A_517, %add3A_536 : vector<1x256xi32>
    %swap3A_538 = arith.constant 0 : index
    %swap3A_539 = arith.constant 0 : index
    %swap3A_540 = arith.constant 2560 : index
    %swap3A_541 = vector.load %arg3[%swap3A_538, %swap3A_539, %swap3A_540] : memref<1x1x4096xi32, #tpu.memory_space<vmem>>, vector<1x1x256xi32>
    %swap3A_542 = vector.shape_cast %swap3A_541 : vector<1x1x256xi32> to vector<1x256xi32>
    %swap3A_543 = vector.shape_cast %add3A_537 : vector<1x256xi32> to vector<1x1x256xi32>
    tpu.vector_store %arg3[%swap3A_538, %swap3A_539, %swap3A_540], %swap3A_543 {strides = array<i32>} : memref<1x1x4096xi32, #tpu.memory_space<vmem>>, vector<1x1x256xi32>,
    %reduce_sum3A_544 = arith.constant dense<0.000000e+00> : vector<64xf32>
    %reduce_sum3A_545 = vector.multi_reduction <add>, %slice3A_506, %reduce_sum3A_544 [1] : vector<64x256xf32> to vector<64xf32>
    %broadcast_in_dim3A_546 = vector.shape_cast %reduce_sum3A_545 : vector<64xf32> to vector<64x1xf32>
    %add3A_547 = arith.addf %add3A_504, %broadcast_in_dim3A_546 : vector<64x1xf32>
    %slice3A_548 = vector.extract_strided_slice %convert_element_type3A_42 {offsets = [0, 2816], sizes = [64, 256], strides = [1, 1]} : vector<64x4096xbf16> to vector<64x256xbf16>
    %slice3A_549 = vector.extract_strided_slice %convert_element_type3A_39 {offsets = [0, 2816], sizes = [64, 256], strides = [1, 1]} : vector<64x4096xf32> to vector<64x256xf32>
    %dot_general3A_550 = arith.constant dense<0.000000e+00> : vector<64x256xf32>
    %dot_general3A_551 = tpu.matmul %slice3A_548, %convert_element_type3A_77, %dot_general3A_550 {dimension_numbers = #tpu.dot_dimension_numbers<[1], [0], [0], [1], [0, 0, 1, 1], [], []>, transpose_lhs_hint = false} : vector<64x256xbf16>, vector<256x256xbf16>, vector<64x256xf32> -> vector<64x256xf32>
    %add3A_552 = vector.broadcast %add3A_547 : vector<64x1xf32> to vector<64x256xf32>
    %add3A_553 = arith.addf %dot_general3A_551, %add3A_552 : vector<64x256xf32>
    %add3A_554 = vector.broadcast %sub3A : vector<64x1xf32> to vector<64x256xf32>
    %add3A_555 = arith.addf %add3A_553, %add3A_554 : vector<64x256xf32>
    %mul3A_556 = arith.mulf %slice3A_549, %add3A_555 : vector<64x256xf32>
    %reduce_sum3A_557 = arith.constant dense<0.000000e+00> : vector<256xf32>
    %reduce_sum3A_558 = vector.multi_reduction <add>, %mul3A_556, %reduce_sum3A_557 [0] : vector<64x256xf32> to vector<256xf32>
    %broadcast_in_dim3A_559 = vector.shape_cast %reduce_sum3A_558 : vector<256xf32> to vector<1x256xf32>
    %convert_element_type3A_560 = arith.fptosi %broadcast_in_dim3A_559 : vector<1x256xf32> to vector<1x256xi32>
    %jit3A_561 = arith.constant 32 : i32
    %eq3A_562 = arith.constant 0 : i32
    %eq3A_563 = arith.cmpi eq, %jit3A_561, %eq3A_562 : i32
    %jit3A_564 = arith.constant 1 : i32
    %select_n3A_565 = arith.select %eq3A_563, %jit3A_564, %jit3A_561 : i32
    %rem3A_566 = arith.remsi %arg0, %select_n3A_565 : i32
    %ne3A_567 = arith.constant 0 : i32
    %ne3A_568 = arith.cmpi ne, %rem3A_566, %ne3A_567 : i32
    %lt3A_569 = arith.constant 0 : i32
    %lt3A_570 = arith.cmpi slt, %rem3A_566, %lt3A_569 : i32
    %lt3A_571 = arith.constant 0 : i32
    %lt3A_572 = arith.cmpi slt, %select_n3A_565, %lt3A_571 : i32
    %ne3A_573 = arith.xori %lt3A_570, %lt3A_572 : i1
    %and3A_574 = arith.andi %ne3A_573, %ne3A_568 : i1
    %add3A_575 = arith.addi %rem3A_566, %select_n3A_565 : i32
    %select_n3A_576 = arith.select %and3A_574, %add3A_575, %rem3A_566 : i32
    %mul3A_577 = arith.constant 4096 : i32
    %mul3A_578 = arith.muli %select_n3A_576, %mul3A_577 : i32
    %add3A_579 = vector.broadcast %mul3A_578 : i32 to vector<1x256xi32>
    %add3A_580 = arith.addi %convert_element_type3A_560, %add3A_579 : vector<1x256xi32>
    %swap3A_581 = arith.constant 0 : index
    %swap3A_582 = arith.constant 0 : index
    %swap3A_583 = arith.constant 2816 : index
    %swap3A_584 = vector.load %arg3[%swap3A_581, %swap3A_582, %swap3A_583] : memref<1x1x4096xi32, #tpu.memory_space<vmem>>, vector<1x1x256xi32>
    %swap3A_585 = vector.shape_cast %swap3A_584 : vector<1x1x256xi32> to vector<1x256xi32>
    %swap3A_586 = vector.shape_cast %add3A_580 : vector<1x256xi32> to vector<1x1x256xi32>
    tpu.vector_store %arg3[%swap3A_581, %swap3A_582, %swap3A_583], %swap3A_586 {strides = array<i32>} : memref<1x1x4096xi32, #tpu.memory_space<vmem>>, vector<1x1x256xi32>,
    %reduce_sum3A_587 = arith.constant dense<0.000000e+00> : vector<64xf32>
    %reduce_sum3A_588 = vector.multi_reduction <add>, %slice3A_549, %reduce_sum3A_587 [1] : vector<64x256xf32> to vector<64xf32>
    %broadcast_in_dim3A_589 = vector.shape_cast %reduce_sum3A_588 : vector<64xf32> to vector<64x1xf32>
    %add3A_590 = arith.addf %add3A_547, %broadcast_in_dim3A_589 : vector<64x1xf32>
    %slice3A_591 = vector.extract_strided_slice %convert_element_type3A_42 {offsets = [0, 3072], sizes = [64, 256], strides = [1, 1]} : vector<64x4096xbf16> to vector<64x256xbf16>
    %slice3A_592 = vector.extract_strided_slice %convert_element_type3A_39 {offsets = [0, 3072], sizes = [64, 256], strides = [1, 1]} : vector<64x4096xf32> to vector<64x256xf32>
    %dot_general3A_593 = arith.constant dense<0.000000e+00> : vector<64x256xf32>
    %dot_general3A_594 = tpu.matmul %slice3A_591, %convert_element_type3A_77, %dot_general3A_593 {dimension_numbers = #tpu.dot_dimension_numbers<[1], [0], [0], [1], [0, 0, 1, 1], [], []>, transpose_lhs_hint = false} : vector<64x256xbf16>, vector<256x256xbf16>, vector<64x256xf32> -> vector<64x256xf32>
    %add3A_595 = vector.broadcast %add3A_590 : vector<64x1xf32> to vector<64x256xf32>
    %add3A_596 = arith.addf %dot_general3A_594, %add3A_595 : vector<64x256xf32>
    %add3A_597 = vector.broadcast %sub3A : vector<64x1xf32> to vector<64x256xf32>
    %add3A_598 = arith.addf %add3A_596, %add3A_597 : vector<64x256xf32>
    %mul3A_599 = arith.mulf %slice3A_592, %add3A_598 : vector<64x256xf32>
    %reduce_sum3A_600 = arith.constant dense<0.000000e+00> : vector<256xf32>
    %reduce_sum3A_601 = vector.multi_reduction <add>, %mul3A_599, %reduce_sum3A_600 [0] : vector<64x256xf32> to vector<256xf32>
    %broadcast_in_dim3A_602 = vector.shape_cast %reduce_sum3A_601 : vector<256xf32> to vector<1x256xf32>
    %convert_element_type3A_603 = arith.fptosi %broadcast_in_dim3A_602 : vector<1x256xf32> to vector<1x256xi32>
    %jit3A_604 = arith.constant 32 : i32
    %eq3A_605 = arith.constant 0 : i32
    %eq3A_606 = arith.cmpi eq, %jit3A_604, %eq3A_605 : i32
    %jit3A_607 = arith.constant 1 : i32
    %select_n3A_608 = arith.select %eq3A_606, %jit3A_607, %jit3A_604 : i32
    %rem3A_609 = arith.remsi %arg0, %select_n3A_608 : i32
    %ne3A_610 = arith.constant 0 : i32
    %ne3A_611 = arith.cmpi ne, %rem3A_609, %ne3A_610 : i32
    %lt3A_612 = arith.constant 0 : i32
    %lt3A_613 = arith.cmpi slt, %rem3A_609, %lt3A_612 : i32
    %lt3A_614 = arith.constant 0 : i32
    %lt3A_615 = arith.cmpi slt, %select_n3A_608, %lt3A_614 : i32
    %ne3A_616 = arith.xori %lt3A_613, %lt3A_615 : i1
    %and3A_617 = arith.andi %ne3A_616, %ne3A_611 : i1
    %add3A_618 = arith.addi %rem3A_609, %select_n3A_608 : i32
    %select_n3A_619 = arith.select %and3A_617, %add3A_618, %rem3A_609 : i32
    %mul3A_620 = arith.constant 4096 : i32
    %mul3A_621 = arith.muli %select_n3A_619, %mul3A_620 : i32
    %add3A_622 = vector.broadcast %mul3A_621 : i32 to vector<1x256xi32>
    %add3A_623 = arith.addi %convert_element_type3A_603, %add3A_622 : vector<1x256xi32>
    %swap3A_624 = arith.constant 0 : index
    %swap3A_625 = arith.constant 0 : index
    %swap3A_626 = arith.constant 3072 : index
    %swap3A_627 = vector.load %arg3[%swap3A_624, %swap3A_625, %swap3A_626] : memref<1x1x4096xi32, #tpu.memory_space<vmem>>, vector<1x1x256xi32>
    %swap3A_628 = vector.shape_cast %swap3A_627 : vector<1x1x256xi32> to vector<1x256xi32>
    %swap3A_629 = vector.shape_cast %add3A_623 : vector<1x256xi32> to vector<1x1x256xi32>
    tpu.vector_store %arg3[%swap3A_624, %swap3A_625, %swap3A_626], %swap3A_629 {strides = array<i32>} : memref<1x1x4096xi32, #tpu.memory_space<vmem>>, vector<1x1x256xi32>,
    %reduce_sum3A_630 = arith.constant dense<0.000000e+00> : vector<64xf32>
    %reduce_sum3A_631 = vector.multi_reduction <add>, %slice3A_592, %reduce_sum3A_630 [1] : vector<64x256xf32> to vector<64xf32>
    %broadcast_in_dim3A_632 = vector.shape_cast %reduce_sum3A_631 : vector<64xf32> to vector<64x1xf32>
    %add3A_633 = arith.addf %add3A_590, %broadcast_in_dim3A_632 : vector<64x1xf32>
    %slice3A_634 = vector.extract_strided_slice %convert_element_type3A_42 {offsets = [0, 3328], sizes = [64, 256], strides = [1, 1]} : vector<64x4096xbf16> to vector<64x256xbf16>
    %slice3A_635 = vector.extract_strided_slice %convert_element_type3A_39 {offsets = [0, 3328], sizes = [64, 256], strides = [1, 1]} : vector<64x4096xf32> to vector<64x256xf32>
    %dot_general3A_636 = arith.constant dense<0.000000e+00> : vector<64x256xf32>
    %dot_general3A_637 = tpu.matmul %slice3A_634, %convert_element_type3A_77, %dot_general3A_636 {dimension_numbers = #tpu.dot_dimension_numbers<[1], [0], [0], [1], [0, 0, 1, 1], [], []>, transpose_lhs_hint = false} : vector<64x256xbf16>, vector<256x256xbf16>, vector<64x256xf32> -> vector<64x256xf32>
    %add3A_638 = vector.broadcast %add3A_633 : vector<64x1xf32> to vector<64x256xf32>
    %add3A_639 = arith.addf %dot_general3A_637, %add3A_638 : vector<64x256xf32>
    %add3A_640 = vector.broadcast %sub3A : vector<64x1xf32> to vector<64x256xf32>
    %add3A_641 = arith.addf %add3A_639, %add3A_640 : vector<64x256xf32>
    %mul3A_642 = arith.mulf %slice3A_635, %add3A_641 : vector<64x256xf32>
    %reduce_sum3A_643 = arith.constant dense<0.000000e+00> : vector<256xf32>
    %reduce_sum3A_644 = vector.multi_reduction <add>, %mul3A_642, %reduce_sum3A_643 [0] : vector<64x256xf32> to vector<256xf32>
    %broadcast_in_dim3A_645 = vector.shape_cast %reduce_sum3A_644 : vector<256xf32> to vector<1x256xf32>
    %convert_element_type3A_646 = arith.fptosi %broadcast_in_dim3A_645 : vector<1x256xf32> to vector<1x256xi32>
    %jit3A_647 = arith.constant 32 : i32
    %eq3A_648 = arith.constant 0 : i32
    %eq3A_649 = arith.cmpi eq, %jit3A_647, %eq3A_648 : i32
    %jit3A_650 = arith.constant 1 : i32
    %select_n3A_651 = arith.select %eq3A_649, %jit3A_650, %jit3A_647 : i32
    %rem3A_652 = arith.remsi %arg0, %select_n3A_651 : i32
    %ne3A_653 = arith.constant 0 : i32
    %ne3A_654 = arith.cmpi ne, %rem3A_652, %ne3A_653 : i32
    %lt3A_655 = arith.constant 0 : i32
    %lt3A_656 = arith.cmpi slt, %rem3A_652, %lt3A_655 : i32
    %lt3A_657 = arith.constant 0 : i32
    %lt3A_658 = arith.cmpi slt, %select_n3A_651, %lt3A_657 : i32
    %ne3A_659 = arith.xori %lt3A_656, %lt3A_658 : i1
    %and3A_660 = arith.andi %ne3A_659, %ne3A_654 : i1
    %add3A_661 = arith.addi %rem3A_652, %select_n3A_651 : i32
    %select_n3A_662 = arith.select %and3A_660, %add3A_661, %rem3A_652 : i32
    %mul3A_663 = arith.constant 4096 : i32
    %mul3A_664 = arith.muli %select_n3A_662, %mul3A_663 : i32
    %add3A_665 = vector.broadcast %mul3A_664 : i32 to vector<1x256xi32>
    %add3A_666 = arith.addi %convert_element_type3A_646, %add3A_665 : vector<1x256xi32>
    %swap3A_667 = arith.constant 0 : index
    %swap3A_668 = arith.constant 0 : index
    %swap3A_669 = arith.constant 3328 : index
    %swap3A_670 = vector.load %arg3[%swap3A_667, %swap3A_668, %swap3A_669] : memref<1x1x4096xi32, #tpu.memory_space<vmem>>, vector<1x1x256xi32>
    %swap3A_671 = vector.shape_cast %swap3A_670 : vector<1x1x256xi32> to vector<1x256xi32>
    %swap3A_672 = vector.shape_cast %add3A_666 : vector<1x256xi32> to vector<1x1x256xi32>
    tpu.vector_store %arg3[%swap3A_667, %swap3A_668, %swap3A_669], %swap3A_672 {strides = array<i32>} : memref<1x1x4096xi32, #tpu.memory_space<vmem>>, vector<1x1x256xi32>,
    %reduce_sum3A_673 = arith.constant dense<0.000000e+00> : vector<64xf32>
    %reduce_sum3A_674 = vector.multi_reduction <add>, %slice3A_635, %reduce_sum3A_673 [1] : vector<64x256xf32> to vector<64xf32>
    %broadcast_in_dim3A_675 = vector.shape_cast %reduce_sum3A_674 : vector<64xf32> to vector<64x1xf32>
    %add3A_676 = arith.addf %add3A_633, %broadcast_in_dim3A_675 : vector<64x1xf32>
    %slice3A_677 = vector.extract_strided_slice %convert_element_type3A_42 {offsets = [0, 3584], sizes = [64, 256], strides = [1, 1]} : vector<64x4096xbf16> to vector<64x256xbf16>
    %slice3A_678 = vector.extract_strided_slice %convert_element_type3A_39 {offsets = [0, 3584], sizes = [64, 256], strides = [1, 1]} : vector<64x4096xf32> to vector<64x256xf32>
    %dot_general3A_679 = arith.constant dense<0.000000e+00> : vector<64x256xf32>
    %dot_general3A_680 = tpu.matmul %slice3A_677, %convert_element_type3A_77, %dot_general3A_679 {dimension_numbers = #tpu.dot_dimension_numbers<[1], [0], [0], [1], [0, 0, 1, 1], [], []>, transpose_lhs_hint = false} : vector<64x256xbf16>, vector<256x256xbf16>, vector<64x256xf32> -> vector<64x256xf32>
    %add3A_681 = vector.broadcast %add3A_676 : vector<64x1xf32> to vector<64x256xf32>
    %add3A_682 = arith.addf %dot_general3A_680, %add3A_681 : vector<64x256xf32>
    %add3A_683 = vector.broadcast %sub3A : vector<64x1xf32> to vector<64x256xf32>
    %add3A_684 = arith.addf %add3A_682, %add3A_683 : vector<64x256xf32>
    %mul3A_685 = arith.mulf %slice3A_678, %add3A_684 : vector<64x256xf32>
    %reduce_sum3A_686 = arith.constant dense<0.000000e+00> : vector<256xf32>
    %reduce_sum3A_687 = vector.multi_reduction <add>, %mul3A_685, %reduce_sum3A_686 [0] : vector<64x256xf32> to vector<256xf32>
    %broadcast_in_dim3A_688 = vector.shape_cast %reduce_sum3A_687 : vector<256xf32> to vector<1x256xf32>
    %convert_element_type3A_689 = arith.fptosi %broadcast_in_dim3A_688 : vector<1x256xf32> to vector<1x256xi32>
    %jit3A_690 = arith.constant 32 : i32
    %eq3A_691 = arith.constant 0 : i32
    %eq3A_692 = arith.cmpi eq, %jit3A_690, %eq3A_691 : i32
    %jit3A_693 = arith.constant 1 : i32
    %select_n3A_694 = arith.select %eq3A_692, %jit3A_693, %jit3A_690 : i32
    %rem3A_695 = arith.remsi %arg0, %select_n3A_694 : i32
    %ne3A_696 = arith.constant 0 : i32
    %ne3A_697 = arith.cmpi ne, %rem3A_695, %ne3A_696 : i32
    %lt3A_698 = arith.constant 0 : i32
    %lt3A_699 = arith.cmpi slt, %rem3A_695, %lt3A_698 : i32
    %lt3A_700 = arith.constant 0 : i32
    %lt3A_701 = arith.cmpi slt, %select_n3A_694, %lt3A_700 : i32
    %ne3A_702 = arith.xori %lt3A_699, %lt3A_701 : i1
    %and3A_703 = arith.andi %ne3A_702, %ne3A_697 : i1
    %add3A_704 = arith.addi %rem3A_695, %select_n3A_694 : i32
    %select_n3A_705 = arith.select %and3A_703, %add3A_704, %rem3A_695 : i32
    %mul3A_706 = arith.constant 4096 : i32
    %mul3A_707 = arith.muli %select_n3A_705, %mul3A_706 : i32
    %add3A_708 = vector.broadcast %mul3A_707 : i32 to vector<1x256xi32>
    %add3A_709 = arith.addi %convert_element_type3A_689, %add3A_708 : vector<1x256xi32>
    %swap3A_710 = arith.constant 0 : index
    %swap3A_711 = arith.constant 0 : index
    %swap3A_712 = arith.constant 3584 : index
    %swap3A_713 = vector.load %arg3[%swap3A_710, %swap3A_711, %swap3A_712] : memref<1x1x4096xi32, #tpu.memory_space<vmem>>, vector<1x1x256xi32>
    %swap3A_714 = vector.shape_cast %swap3A_713 : vector<1x1x256xi32> to vector<1x256xi32>
    %swap3A_715 = vector.shape_cast %add3A_709 : vector<1x256xi32> to vector<1x1x256xi32>
    tpu.vector_store %arg3[%swap3A_710, %swap3A_711, %swap3A_712], %swap3A_715 {strides = array<i32>} : memref<1x1x4096xi32, #tpu.memory_space<vmem>>, vector<1x1x256xi32>,
    %reduce_sum3A_716 = arith.constant dense<0.000000e+00> : vector<64xf32>
    %reduce_sum3A_717 = vector.multi_reduction <add>, %slice3A_678, %reduce_sum3A_716 [1] : vector<64x256xf32> to vector<64xf32>
    %broadcast_in_dim3A_718 = vector.shape_cast %reduce_sum3A_717 : vector<64xf32> to vector<64x1xf32>
    %add3A_719 = arith.addf %add3A_676, %broadcast_in_dim3A_718 : vector<64x1xf32>
    %slice3A_720 = vector.extract_strided_slice %convert_element_type3A_42 {offsets = [0, 3840], sizes = [64, 256], strides = [1, 1]} : vector<64x4096xbf16> to vector<64x256xbf16>
    %slice3A_721 = vector.extract_strided_slice %convert_element_type3A_39 {offsets = [0, 3840], sizes = [64, 256], strides = [1, 1]} : vector<64x4096xf32> to vector<64x256xf32>
    %dot_general3A_722 = arith.constant dense<0.000000e+00> : vector<64x256xf32>
    %dot_general3A_723 = tpu.matmul %slice3A_720, %convert_element_type3A_77, %dot_general3A_722 {dimension_numbers = #tpu.dot_dimension_numbers<[1], [0], [0], [1], [0, 0, 1, 1], [], []>, transpose_lhs_hint = false} : vector<64x256xbf16>, vector<256x256xbf16>, vector<64x256xf32> -> vector<64x256xf32>
    %add3A_724 = vector.broadcast %add3A_719 : vector<64x1xf32> to vector<64x256xf32>
    %add3A_725 = arith.addf %dot_general3A_723, %add3A_724 : vector<64x256xf32>
    %add3A_726 = vector.broadcast %sub3A : vector<64x1xf32> to vector<64x256xf32>
    %add3A_727 = arith.addf %add3A_725, %add3A_726 : vector<64x256xf32>
    %mul3A_728 = arith.mulf %slice3A_721, %add3A_727 : vector<64x256xf32>
    %reduce_sum3A_729 = arith.constant dense<0.000000e+00> : vector<256xf32>
    %reduce_sum3A_730 = vector.multi_reduction <add>, %mul3A_728, %reduce_sum3A_729 [0] : vector<64x256xf32> to vector<256xf32>
    %broadcast_in_dim3A_731 = vector.shape_cast %reduce_sum3A_730 : vector<256xf32> to vector<1x256xf32>
    %convert_element_type3A_732 = arith.fptosi %broadcast_in_dim3A_731 : vector<1x256xf32> to vector<1x256xi32>
    %jit3A_733 = arith.constant 32 : i32
    %eq3A_734 = arith.constant 0 : i32
    %eq3A_735 = arith.cmpi eq, %jit3A_733, %eq3A_734 : i32
    %jit3A_736 = arith.constant 1 : i32
    %select_n3A_737 = arith.select %eq3A_735, %jit3A_736, %jit3A_733 : i32
    %rem3A_738 = arith.remsi %arg0, %select_n3A_737 : i32
    %ne3A_739 = arith.constant 0 : i32
    %ne3A_740 = arith.cmpi ne, %rem3A_738, %ne3A_739 : i32
    %lt3A_741 = arith.constant 0 : i32
    %lt3A_742 = arith.cmpi slt, %rem3A_738, %lt3A_741 : i32
    %lt3A_743 = arith.constant 0 : i32
    %lt3A_744 = arith.cmpi slt, %select_n3A_737, %lt3A_743 : i32
    %ne3A_745 = arith.xori %lt3A_742, %lt3A_744 : i1
    %and3A_746 = arith.andi %ne3A_745, %ne3A_740 : i1
    %add3A_747 = arith.addi %rem3A_738, %select_n3A_737 : i32
    %select_n3A_748 = arith.select %and3A_746, %add3A_747, %rem3A_738 : i32
    %mul3A_749 = arith.constant 4096 : i32
    %mul3A_750 = arith.muli %select_n3A_748, %mul3A_749 : i32
    %add3A_751 = vector.broadcast %mul3A_750 : i32 to vector<1x256xi32>
    %add3A_752 = arith.addi %convert_element_type3A_732, %add3A_751 : vector<1x256xi32>
    %swap3A_753 = arith.constant 0 : index
    %swap3A_754 = arith.constant 0 : index
    %swap3A_755 = arith.constant 3840 : index
    %swap3A_756 = vector.load %arg3[%swap3A_753, %swap3A_754, %swap3A_755] : memref<1x1x4096xi32, #tpu.memory_space<vmem>>, vector<1x1x256xi32>
    %swap3A_757 = vector.shape_cast %swap3A_756 : vector<1x1x256xi32> to vector<1x256xi32>
    %swap3A_758 = vector.shape_cast %add3A_752 : vector<1x256xi32> to vector<1x1x256xi32>
    tpu.vector_store %arg3[%swap3A_753, %swap3A_754, %swap3A_755], %swap3A_758 {strides = array<i32>} : memref<1x1x4096xi32, #tpu.memory_space<vmem>>, vector<1x1x256xi32>,
    return
  }
  func.func @transform_0(%arg0: i32) -> (i32, i32, i32) {
    %jit3A = arith.constant 8 : i32
    %div3A = arith.divsi %arg0, %jit3A : i32
    %sign3A = arith.constant 0 : i32
    %sign3A_0 = arith.cmpi sgt, %arg0, %sign3A : i32
    %sign3A_1 = arith.extui %sign3A_0 : i1 to i32
    %sign3A_2 = arith.constant 0 : i32
    %sign3A_3 = arith.cmpi slt, %arg0, %sign3A_2 : i32
    %sign3A_4 = arith.extui %sign3A_3 : i1 to i32
    %sign3A_5 = arith.subi %sign3A_1, %sign3A_4 : i32
    %sign3A_6 = arith.constant 0 : i32
    %sign3A_7 = arith.cmpi sgt, %jit3A, %sign3A_6 : i32
    %sign3A_8 = arith.extui %sign3A_7 : i1 to i32
    %sign3A_9 = arith.constant 0 : i32
    %sign3A_10 = arith.cmpi slt, %jit3A, %sign3A_9 : i32
    %sign3A_11 = arith.extui %sign3A_10 : i1 to i32
    %sign3A_12 = arith.subi %sign3A_8, %sign3A_11 : i32
    %ne3A = arith.cmpi ne, %sign3A_5, %sign3A_12 : i32
    %rem3A = arith.remsi %arg0, %jit3A : i32
    %ne3A_13 = arith.constant 0 : i32
    %ne3A_14 = arith.cmpi ne, %rem3A, %ne3A_13 : i32
    %and3A = arith.andi %ne3A, %ne3A_14 : i1
    %sub3A = arith.constant 1 : i32
    %sub3A_15 = arith.subi %div3A, %sub3A : i32
    %select_n3A = arith.select %and3A, %sub3A_15, %div3A : i32
    %c0_i32 = arith.constant 0 : i32
    %c0_i32_16 = arith.constant 0 : i32
    %c0_i32_17 = arith.constant 0 : i32
    return %select_n3A, %c0_i32, %c0_i32_16 : i32, i32, i32
  }
  func.func @transform_1(%arg0: i32) -> (i32, i32, i32) {
    %jit3A = arith.constant 8 : i32
    %eq3A = arith.constant 0 : i32
    %eq3A_0 = arith.cmpi eq, %jit3A, %eq3A : i32
    %jit3A_1 = arith.constant 1 : i32
    %select_n3A = arith.select %eq3A_0, %jit3A_1, %jit3A : i32
    %rem3A = arith.remsi %arg0, %select_n3A : i32
    %ne3A = arith.constant 0 : i32
    %ne3A_2 = arith.cmpi ne, %rem3A, %ne3A : i32
    %lt3A = arith.constant 0 : i32
    %lt3A_3 = arith.cmpi slt, %rem3A, %lt3A : i32
    %lt3A_4 = arith.constant 0 : i32
    %lt3A_5 = arith.cmpi slt, %select_n3A, %lt3A_4 : i32
    %ne3A_6 = arith.xori %lt3A_3, %lt3A_5 : i1
    %and3A = arith.andi %ne3A_6, %ne3A_2 : i1
    %add3A = arith.addi %rem3A, %select_n3A : i32
    %select_n3A_7 = arith.select %and3A, %add3A, %rem3A : i32
    %c0_i32 = arith.constant 0 : i32
    %c0_i32_8 = arith.constant 0 : i32
    %c0_i32_9 = arith.constant 0 : i32
    return %select_n3A_7, %c0_i32, %c0_i32_8 : i32, i32, i32
  }
  func.func @transform_2(%arg0: i32) -> (i32, i32, i32) {
    %c0_i32 = arith.constant 0 : i32
    %c0_i32_0 = arith.constant 0 : i32
    %c0_i32_1 = arith.constant 0 : i32
    return %arg0, %c0_i32, %c0_i32_0 : i32, i32, i32
  }
}

module attributes {stable_mosaic.version = 14 : i64} {
  func.func @_attn_body(%arg0: i32, %arg1: memref<16x64x128xf32, #tpu.memory_space<vmem>>, %arg2: memref<1x64x128xf32, #tpu.memory_space<vmem>>, %arg3: memref<16x64x1xi32, #tpu.memory_space<vmem>>, %arg4: memref<16x1x64xi32, #tpu.memory_space<vmem>>, %arg5: memref<1x1x64xi32, #tpu.memory_space<vmem>>, %arg6: memref<16x64x128xf32, #tpu.memory_space<vmem>>) attributes {dimension_semantics = [#tpu.dimension_semantics<arbitrary>], iteration_bounds = array<i64: 128>, scalar_prefetch = 0 : i64, scratch_operands = 0 : i64, tpu.core_type = #tpu.core_type<tc>, window_params = [{transform_indices = @transform_0, window_bounds = array<i64: 16, 64, 128>}, {transform_indices = @transform_1, window_bounds = array<i64: 1, 64, 128>}, {transform_indices = @transform_2, window_bounds = array<i64: 16, 64, 1>}, {transform_indices = @transform_3, window_bounds = array<i64: 16, 1, 64>}, {transform_indices = @transform_4, window_bounds = array<i64: 1, 1, 64>}, {transform_indices = @transform_5, window_bounds = array<i64: 16, 64, 128>}]} {
    %get3A = arith.constant 0 : index
    %get3A_0 = arith.constant 0 : index
    %get3A_1 = arith.constant 0 : index
    %get3A_2 = vector.load %arg1[%get3A, %get3A_0, %get3A_1] : memref<16x64x128xf32, #tpu.memory_space<vmem>>, vector<4x64x128xf32>
    %reshape3A = vector.shape_cast %get3A_2 : vector<4x64x128xf32> to vector<256x128xf32>
    %get3A_3 = arith.constant 0 : index
    %get3A_4 = arith.constant 0 : index
    %get3A_5 = arith.constant 0 : index
    %get3A_6 = vector.load %arg2[%get3A_3, %get3A_4, %get3A_5] : memref<1x64x128xf32, #tpu.memory_space<vmem>>, vector<1x64x128xf32>
    %reshape3A_7 = vector.shape_cast %get3A_6 : vector<1x64x128xf32> to vector<64x128xf32>
    %get3A_8 = arith.constant 0 : index
    %get3A_9 = arith.constant 0 : index
    %get3A_10 = arith.constant 0 : index
    %get3A_11 = vector.load %arg5[%get3A_8, %get3A_9, %get3A_10] : memref<1x1x64xi32, #tpu.memory_space<vmem>>, vector<1x1x64xi32>
    %reshape3A_12 = vector.shape_cast %get3A_11 : vector<1x1x64xi32> to vector<1x64xi32>
    %slice3A = vector.extract_strided_slice %reshape3A {offsets = [0, 0], sizes = [256, 64], strides = [1, 1]} : vector<256x128xf32> to vector<256x64xf32>
    %slice3A_13 = vector.extract_strided_slice %reshape3A_7 {offsets = [0, 0], sizes = [64, 64], strides = [1, 1]} : vector<64x128xf32> to vector<64x64xf32>
    %concatenate3A = tpu.concatenate %slice3A_13, %slice3A in 0 : vector<64x64xf32>, vector<256x64xf32> -> vector<320x64xf32>
    %slice3A_14 = vector.extract_strided_slice %reshape3A_7 {offsets = [0, 64], sizes = [64, 64], strides = [1, 1]} : vector<64x128xf32> to vector<64x64xf32>
    %slice3A_15 = vector.extract_strided_slice %reshape3A {offsets = [0, 64], sizes = [256, 64], strides = [1, 1]} : vector<256x128xf32> to vector<256x64xf32>
    %concatenate3A_16 = tpu.concatenate %slice3A_14, %slice3A_15 in 0 : vector<64x64xf32>, vector<256x64xf32> -> vector<320x64xf32>
    %get3A_17 = arith.constant 0 : index
    %get3A_18 = arith.constant 0 : index
    %get3A_19 = arith.constant 0 : index
    %get3A_20 = vector.load %arg3[%get3A_17, %get3A_18, %get3A_19] : memref<16x64x1xi32, #tpu.memory_space<vmem>>, vector<4x64x1xi32>
    %reshape3A_21 = vector.shape_cast %get3A_20 : vector<4x64x1xi32> to vector<256x1xi32>
    %get3A_22 = arith.constant 0 : index
    %get3A_23 = arith.constant 0 : index
    %get3A_24 = arith.constant 0 : index
    %get3A_25 = vector.load %arg4[%get3A_22, %get3A_23, %get3A_24] : memref<16x1x64xi32, #tpu.memory_space<vmem>>, vector<4x1x64xi32>
    %mul3A = arith.mulf %concatenate3A, %concatenate3A : vector<320x64xf32>
    %reduce_sum3A = arith.constant dense<0.000000e+00> : vector<320xf32>
    %reduce_sum3A_26 = vector.multi_reduction <add>, %mul3A, %reduce_sum3A [1] : vector<320x64xf32> to vector<320xf32>
    %broadcast_in_dim3A = vector.shape_cast %reduce_sum3A_26 : vector<320xf32> to vector<320x1xf32>
    %sqrt3A = math.sqrt %broadcast_in_dim3A : vector<320x1xf32>
    %max3A = arith.constant 9.99999996E-13 : f32
    %max3A_27 = vector.broadcast %max3A : f32 to vector<320x1xf32>
    %max3A_28 = arith.maximumf %sqrt3A, %max3A_27 : vector<320x1xf32>
    %div3A = vector.broadcast %max3A_28 : vector<320x1xf32> to vector<320x64xf32>
    %div3A_29 = arith.divf %concatenate3A, %div3A : vector<320x64xf32>
    %convert_element_type3A = arith.truncf %div3A_29 : vector<320x64xf32> to vector<320x64xbf16>
    %convert_element_type3A_30 = arith.truncf %slice3A : vector<256x64xf32> to vector<256x64xbf16>
    %dot_general3A = arith.constant dense<0.000000e+00> : vector<256x320xf32>
    %dot_general3A_31 = tpu.matmul %convert_element_type3A_30, %convert_element_type3A, %dot_general3A {dimension_numbers = #tpu.dot_dimension_numbers<[1], [1], [0], [0], [0, 0, 1, 0], [], []>, transpose_lhs_hint = false} : vector<256x64xbf16>, vector<320x64xbf16>, vector<256x320xf32> -> vector<256x320xf32>
    %mul3A_32 = arith.constant 1.250000e-01 : f32
    %mul3A_33 = vector.broadcast %mul3A_32 : f32 to vector<256x320xf32>
    %mul3A_34 = arith.mulf %dot_general3A_31, %mul3A_33 : vector<256x320xf32>
    %iota3A = tpu.iota {dimensions = array<i32: 0>} : vector<256x1xi32>
    %eq3A = vector.broadcast %reshape3A_21 : vector<256x1xi32> to vector<256x64xi32>
    %eq3A_35 = vector.broadcast %reshape3A_12 : vector<1x64xi32> to vector<256x64xi32>
    %eq3A_36 = arith.cmpi eq, %eq3A, %eq3A_35 : vector<256x64xi32>
    %slice3A_37 = vector.extract_strided_slice %mul3A_34 {offsets = [0, 0], sizes = [256, 64], strides = [1, 1]} : vector<256x320xf32> to vector<256x64xf32>
    %jit3A = arith.constant -5.000000e+04 : f32
    %broadcast_in_dim3A_38 = vector.broadcast %jit3A : f32 to vector<256x64xf32>
    %select_n3A = arith.select %eq3A_36, %broadcast_in_dim3A_38, %slice3A_37 : vector<256x64xi1>, vector<256x64xf32>
    %ge3A = arith.constant -64 : i32
    %ge3A_39 = vector.broadcast %ge3A : i32 to vector<256x1xi32>
    %ge3A_40 = arith.cmpi sge, %iota3A, %ge3A_39 : vector<256x1xi32>
    %lt3A = arith.constant 64 : i32
    %lt3A_41 = vector.broadcast %lt3A : i32 to vector<256x1xi32>
    %lt3A_42 = arith.cmpi slt, %iota3A, %lt3A_41 : vector<256x1xi32>
    %and3A = arith.andi %ge3A_40, %lt3A_42 : vector<256x1xi1>
    %jit3A_43 = arith.constant -1.000000e+30 : f32
    %broadcast_in_dim3A_44 = vector.shape_cast %and3A : vector<256x1xi1> to vector<256x1xi1>
    %broadcast_in_dim3A_45 = vector.broadcast %broadcast_in_dim3A_44 : vector<256x1xi1> to vector<256x64xi1>
    %broadcast_in_dim3A_46 = vector.broadcast %jit3A_43 : f32 to vector<256x64xf32>
    %select_n3A_47 = arith.select %broadcast_in_dim3A_45, %select_n3A, %broadcast_in_dim3A_46 : vector<256x64xi1>, vector<256x64xf32>
    %slice3A_48 = vector.extract_strided_slice %get3A_25 {offsets = [0, 0, 0], sizes = [1, 1, 64], strides = [1, 1, 1]} : vector<4x1x64xi32> to vector<1x1x64xi32>
    %squeeze3A = vector.shape_cast %slice3A_48 : vector<1x1x64xi32> to vector<1x64xi32>
    %eq3A_49 = vector.broadcast %reshape3A_21 : vector<256x1xi32> to vector<256x64xi32>
    %eq3A_50 = vector.broadcast %squeeze3A : vector<1x64xi32> to vector<256x64xi32>
    %eq3A_51 = arith.cmpi eq, %eq3A_49, %eq3A_50 : vector<256x64xi32>
    %slice3A_52 = vector.extract_strided_slice %mul3A_34 {offsets = [0, 64], sizes = [256, 64], strides = [1, 1]} : vector<256x320xf32> to vector<256x64xf32>
    %jit3A_53 = arith.constant -5.000000e+04 : f32
    %broadcast_in_dim3A_54 = vector.broadcast %jit3A_53 : f32 to vector<256x64xf32>
    %select_n3A_55 = arith.select %eq3A_51, %broadcast_in_dim3A_54, %slice3A_52 : vector<256x64xi1>, vector<256x64xf32>
    %ge3A_56 = arith.constant 0 : i32
    %ge3A_57 = vector.broadcast %ge3A_56 : i32 to vector<256x1xi32>
    %ge3A_58 = arith.cmpi sge, %iota3A, %ge3A_57 : vector<256x1xi32>
    %lt3A_59 = arith.constant 128 : i32
    %lt3A_60 = vector.broadcast %lt3A_59 : i32 to vector<256x1xi32>
    %lt3A_61 = arith.cmpi slt, %iota3A, %lt3A_60 : vector<256x1xi32>
    %and3A_62 = arith.andi %ge3A_58, %lt3A_61 : vector<256x1xi1>
    %jit3A_63 = arith.constant -1.000000e+30 : f32
    %broadcast_in_dim3A_64 = vector.shape_cast %and3A_62 : vector<256x1xi1> to vector<256x1xi1>
    %broadcast_in_dim3A_65 = vector.broadcast %broadcast_in_dim3A_64 : vector<256x1xi1> to vector<256x64xi1>
    %broadcast_in_dim3A_66 = vector.broadcast %jit3A_63 : f32 to vector<256x64xf32>
    %select_n3A_67 = arith.select %broadcast_in_dim3A_65, %select_n3A_55, %broadcast_in_dim3A_66 : vector<256x64xi1>, vector<256x64xf32>
    %slice3A_68 = vector.extract_strided_slice %get3A_25 {offsets = [1, 0, 0], sizes = [1, 1, 64], strides = [1, 1, 1]} : vector<4x1x64xi32> to vector<1x1x64xi32>
    %squeeze3A_69 = vector.shape_cast %slice3A_68 : vector<1x1x64xi32> to vector<1x64xi32>
    %eq3A_70 = vector.broadcast %reshape3A_21 : vector<256x1xi32> to vector<256x64xi32>
    %eq3A_71 = vector.broadcast %squeeze3A_69 : vector<1x64xi32> to vector<256x64xi32>
    %eq3A_72 = arith.cmpi eq, %eq3A_70, %eq3A_71 : vector<256x64xi32>
    %slice3A_73 = vector.extract_strided_slice %mul3A_34 {offsets = [0, 128], sizes = [256, 64], strides = [1, 1]} : vector<256x320xf32> to vector<256x64xf32>
    %jit3A_74 = arith.constant -5.000000e+04 : f32
    %broadcast_in_dim3A_75 = vector.broadcast %jit3A_74 : f32 to vector<256x64xf32>
    %select_n3A_76 = arith.select %eq3A_72, %broadcast_in_dim3A_75, %slice3A_73 : vector<256x64xi1>, vector<256x64xf32>
    %ge3A_77 = arith.constant 64 : i32
    %ge3A_78 = vector.broadcast %ge3A_77 : i32 to vector<256x1xi32>
    %ge3A_79 = arith.cmpi sge, %iota3A, %ge3A_78 : vector<256x1xi32>
    %lt3A_80 = arith.constant 192 : i32
    %lt3A_81 = vector.broadcast %lt3A_80 : i32 to vector<256x1xi32>
    %lt3A_82 = arith.cmpi slt, %iota3A, %lt3A_81 : vector<256x1xi32>
    %and3A_83 = arith.andi %ge3A_79, %lt3A_82 : vector<256x1xi1>
    %jit3A_84 = arith.constant -1.000000e+30 : f32
    %broadcast_in_dim3A_85 = vector.shape_cast %and3A_83 : vector<256x1xi1> to vector<256x1xi1>
    %broadcast_in_dim3A_86 = vector.broadcast %broadcast_in_dim3A_85 : vector<256x1xi1> to vector<256x64xi1>
    %broadcast_in_dim3A_87 = vector.broadcast %jit3A_84 : f32 to vector<256x64xf32>
    %select_n3A_88 = arith.select %broadcast_in_dim3A_86, %select_n3A_76, %broadcast_in_dim3A_87 : vector<256x64xi1>, vector<256x64xf32>
    %slice3A_89 = vector.extract_strided_slice %get3A_25 {offsets = [2, 0, 0], sizes = [1, 1, 64], strides = [1, 1, 1]} : vector<4x1x64xi32> to vector<1x1x64xi32>
    %squeeze3A_90 = vector.shape_cast %slice3A_89 : vector<1x1x64xi32> to vector<1x64xi32>
    %eq3A_91 = vector.broadcast %reshape3A_21 : vector<256x1xi32> to vector<256x64xi32>
    %eq3A_92 = vector.broadcast %squeeze3A_90 : vector<1x64xi32> to vector<256x64xi32>
    %eq3A_93 = arith.cmpi eq, %eq3A_91, %eq3A_92 : vector<256x64xi32>
    %slice3A_94 = vector.extract_strided_slice %mul3A_34 {offsets = [0, 192], sizes = [256, 64], strides = [1, 1]} : vector<256x320xf32> to vector<256x64xf32>
    %jit3A_95 = arith.constant -5.000000e+04 : f32
    %broadcast_in_dim3A_96 = vector.broadcast %jit3A_95 : f32 to vector<256x64xf32>
    %select_n3A_97 = arith.select %eq3A_93, %broadcast_in_dim3A_96, %slice3A_94 : vector<256x64xi1>, vector<256x64xf32>
    %ge3A_98 = arith.constant 128 : i32
    %ge3A_99 = vector.broadcast %ge3A_98 : i32 to vector<256x1xi32>
    %ge3A_100 = arith.cmpi sge, %iota3A, %ge3A_99 : vector<256x1xi32>
    %lt3A_101 = arith.constant 256 : i32
    %lt3A_102 = vector.broadcast %lt3A_101 : i32 to vector<256x1xi32>
    %lt3A_103 = arith.cmpi slt, %iota3A, %lt3A_102 : vector<256x1xi32>
    %and3A_104 = arith.andi %ge3A_100, %lt3A_103 : vector<256x1xi1>
    %jit3A_105 = arith.constant -1.000000e+30 : f32
    %broadcast_in_dim3A_106 = vector.shape_cast %and3A_104 : vector<256x1xi1> to vector<256x1xi1>
    %broadcast_in_dim3A_107 = vector.broadcast %broadcast_in_dim3A_106 : vector<256x1xi1> to vector<256x64xi1>
    %broadcast_in_dim3A_108 = vector.broadcast %jit3A_105 : f32 to vector<256x64xf32>
    %select_n3A_109 = arith.select %broadcast_in_dim3A_107, %select_n3A_97, %broadcast_in_dim3A_108 : vector<256x64xi1>, vector<256x64xf32>
    %slice3A_110 = vector.extract_strided_slice %get3A_25 {offsets = [3, 0, 0], sizes = [1, 1, 64], strides = [1, 1, 1]} : vector<4x1x64xi32> to vector<1x1x64xi32>
    %squeeze3A_111 = vector.shape_cast %slice3A_110 : vector<1x1x64xi32> to vector<1x64xi32>
    %eq3A_112 = vector.broadcast %reshape3A_21 : vector<256x1xi32> to vector<256x64xi32>
    %eq3A_113 = vector.broadcast %squeeze3A_111 : vector<1x64xi32> to vector<256x64xi32>
    %eq3A_114 = arith.cmpi eq, %eq3A_112, %eq3A_113 : vector<256x64xi32>
    %slice3A_115 = vector.extract_strided_slice %mul3A_34 {offsets = [0, 256], sizes = [256, 64], strides = [1, 1]} : vector<256x320xf32> to vector<256x64xf32>
    %jit3A_116 = arith.constant -5.000000e+04 : f32
    %broadcast_in_dim3A_117 = vector.broadcast %jit3A_116 : f32 to vector<256x64xf32>
    %select_n3A_118 = arith.select %eq3A_114, %broadcast_in_dim3A_117, %slice3A_115 : vector<256x64xi1>, vector<256x64xf32>
    %ge3A_119 = arith.constant 192 : i32
    %ge3A_120 = vector.broadcast %ge3A_119 : i32 to vector<256x1xi32>
    %ge3A_121 = arith.cmpi sge, %iota3A, %ge3A_120 : vector<256x1xi32>
    %lt3A_122 = arith.constant 320 : i32
    %lt3A_123 = vector.broadcast %lt3A_122 : i32 to vector<256x1xi32>
    %lt3A_124 = arith.cmpi slt, %iota3A, %lt3A_123 : vector<256x1xi32>
    %and3A_125 = arith.andi %ge3A_121, %lt3A_124 : vector<256x1xi1>
    %jit3A_126 = arith.constant -1.000000e+30 : f32
    %broadcast_in_dim3A_127 = vector.shape_cast %and3A_125 : vector<256x1xi1> to vector<256x1xi1>
    %broadcast_in_dim3A_128 = vector.broadcast %broadcast_in_dim3A_127 : vector<256x1xi1> to vector<256x64xi1>
    %broadcast_in_dim3A_129 = vector.broadcast %jit3A_126 : f32 to vector<256x64xf32>
    %select_n3A_130 = arith.select %broadcast_in_dim3A_128, %select_n3A_118, %broadcast_in_dim3A_129 : vector<256x64xi1>, vector<256x64xf32>
    %concatenate3A_131 = tpu.concatenate %select_n3A_47, %select_n3A_67, %select_n3A_88, %select_n3A_109, %select_n3A_130 in 1 : vector<256x64xf32>, vector<256x64xf32>, vector<256x64xf32>, vector<256x64xf32>, vector<256x64xf32> -> vector<256x320xf32>
    %reduce_max3A = arith.constant dense<0xFF800000> : vector<256xf32>
    %reduce_max3A_132 = vector.multi_reduction <maximumf>, %concatenate3A_131, %reduce_max3A [1] : vector<256x320xf32> to vector<256xf32>
    %broadcast_in_dim3A_133 = vector.shape_cast %reduce_max3A_132 : vector<256xf32> to vector<256x1xf32>
    %sub3A = vector.broadcast %broadcast_in_dim3A_133 : vector<256x1xf32> to vector<256x320xf32>
    %sub3A_134 = arith.subf %concatenate3A_131, %sub3A : vector<256x320xf32>
    %exp3A = math.exp %sub3A_134 : vector<256x320xf32>
    %reduce_sum3A_135 = arith.constant dense<0.000000e+00> : vector<256xf32>
    %reduce_sum3A_136 = vector.multi_reduction <add>, %exp3A, %reduce_sum3A_135 [1] : vector<256x320xf32> to vector<256xf32>
    %broadcast_in_dim3A_137 = vector.shape_cast %reduce_sum3A_136 : vector<256xf32> to vector<256x1xf32>
    %log3A = math.log %broadcast_in_dim3A_137 : vector<256x1xf32>
    %add3A = arith.addf %broadcast_in_dim3A_133, %log3A : vector<256x1xf32>
    %div3A_138 = vector.broadcast %broadcast_in_dim3A_137 : vector<256x1xf32> to vector<256x320xf32>
    %div3A_139 = arith.divf %exp3A, %div3A_138 : vector<256x320xf32>
    %convert_element_type3A_140 = arith.truncf %div3A_139 : vector<256x320xf32> to vector<256x320xbf16>
    %convert_element_type3A_141 = arith.truncf %concatenate3A_16 : vector<320x64xf32> to vector<320x64xbf16>
    %dot_general3A_142 = arith.constant dense<0.000000e+00> : vector<256x64xf32>
    %dot_general3A_143 = tpu.matmul %convert_element_type3A_140, %convert_element_type3A_141, %dot_general3A_142 {dimension_numbers = #tpu.dot_dimension_numbers<[1], [0], [0], [1], [0, 0, 1, 1], [], []>, transpose_lhs_hint = false} : vector<256x320xbf16>, vector<320x64xbf16>, vector<256x64xf32> -> vector<256x64xf32>
    %broadcast_in_dim3A_144 = arith.constant 0.000000e+00 : f32
    %broadcast_in_dim3A_145 = vector.broadcast %broadcast_in_dim3A_144 : f32 to vector<256x63xf32>
    %concatenate3A_146 = tpu.concatenate %dot_general3A_143, %add3A, %broadcast_in_dim3A_145 in 1 : vector<256x64xf32>, vector<256x1xf32>, vector<256x63xf32> -> vector<256x128xf32>
    %reshape3A_147 = vector.shape_cast %concatenate3A_146 : vector<256x128xf32> to vector<4x64x128xf32>
    %swap3A = arith.constant 0 : index
    %swap3A_148 = arith.constant 0 : index
    %swap3A_149 = arith.constant 0 : index
    %swap3A_150 = vector.load %arg6[%swap3A, %swap3A_148, %swap3A_149] : memref<16x64x128xf32, #tpu.memory_space<vmem>>, vector<4x64x128xf32>
    tpu.vector_store %arg6[%swap3A, %swap3A_148, %swap3A_149], %reshape3A_147 {strides = array<i32>} : memref<16x64x128xf32, #tpu.memory_space<vmem>>, vector<4x64x128xf32>,
    %get3A_151 = arith.constant 4 : index
    %get3A_152 = arith.constant 0 : index
    %get3A_153 = arith.constant 0 : index
    %get3A_154 = vector.load %arg1[%get3A_151, %get3A_152, %get3A_153] : memref<16x64x128xf32, #tpu.memory_space<vmem>>, vector<4x64x128xf32>
    %reshape3A_155 = vector.shape_cast %get3A_154 : vector<4x64x128xf32> to vector<256x128xf32>
    %get3A_156 = arith.constant 3 : index
    %get3A_157 = arith.constant 0 : index
    %get3A_158 = arith.constant 0 : index
    %get3A_159 = vector.load %arg1[%get3A_156, %get3A_157, %get3A_158] : memref<16x64x128xf32, #tpu.memory_space<vmem>>, vector<1x64x128xf32>
    %get3A_160 = vector.shape_cast %get3A_159 : vector<1x64x128xf32> to vector<64x128xf32>
    %get3A_161 = arith.constant 3 : index
    %get3A_162 = arith.constant 0 : index
    %get3A_163 = arith.constant 0 : index
    %get3A_164 = vector.load %arg4[%get3A_161, %get3A_162, %get3A_163] : memref<16x1x64xi32, #tpu.memory_space<vmem>>, vector<1x1x64xi32>
    %get3A_165 = vector.shape_cast %get3A_164 : vector<1x1x64xi32> to vector<1x64xi32>
    %slice3A_166 = vector.extract_strided_slice %reshape3A_155 {offsets = [0, 0], sizes = [256, 64], strides = [1, 1]} : vector<256x128xf32> to vector<256x64xf32>
    %slice3A_167 = vector.extract_strided_slice %get3A_160 {offsets = [0, 0], sizes = [64, 64], strides = [1, 1]} : vector<64x128xf32> to vector<64x64xf32>
    %concatenate3A_168 = tpu.concatenate %slice3A_167, %slice3A_166 in 0 : vector<64x64xf32>, vector<256x64xf32> -> vector<320x64xf32>
    %slice3A_169 = vector.extract_strided_slice %get3A_160 {offsets = [0, 64], sizes = [64, 64], strides = [1, 1]} : vector<64x128xf32> to vector<64x64xf32>
    %slice3A_170 = vector.extract_strided_slice %reshape3A_155 {offsets = [0, 64], sizes = [256, 64], strides = [1, 1]} : vector<256x128xf32> to vector<256x64xf32>
    %concatenate3A_171 = tpu.concatenate %slice3A_169, %slice3A_170 in 0 : vector<64x64xf32>, vector<256x64xf32> -> vector<320x64xf32>
    %get3A_172 = arith.constant 4 : index
    %get3A_173 = arith.constant 0 : index
    %get3A_174 = arith.constant 0 : index
    %get3A_175 = vector.load %arg3[%get3A_172, %get3A_173, %get3A_174] : memref<16x64x1xi32, #tpu.memory_space<vmem>>, vector<4x64x1xi32>
    %reshape3A_176 = vector.shape_cast %get3A_175 : vector<4x64x1xi32> to vector<256x1xi32>
    %get3A_177 = arith.constant 4 : index
    %get3A_178 = arith.constant 0 : index
    %get3A_179 = arith.constant 0 : index
    %get3A_180 = vector.load %arg4[%get3A_177, %get3A_178, %get3A_179] : memref<16x1x64xi32, #tpu.memory_space<vmem>>, vector<4x1x64xi32>
    %mul3A_181 = arith.mulf %concatenate3A_168, %concatenate3A_168 : vector<320x64xf32>
    %reduce_sum3A_182 = arith.constant dense<0.000000e+00> : vector<320xf32>
    %reduce_sum3A_183 = vector.multi_reduction <add>, %mul3A_181, %reduce_sum3A_182 [1] : vector<320x64xf32> to vector<320xf32>
    %broadcast_in_dim3A_184 = vector.shape_cast %reduce_sum3A_183 : vector<320xf32> to vector<320x1xf32>
    %sqrt3A_185 = math.sqrt %broadcast_in_dim3A_184 : vector<320x1xf32>
    %max3A_186 = arith.constant 9.99999996E-13 : f32
    %max3A_187 = vector.broadcast %max3A_186 : f32 to vector<320x1xf32>
    %max3A_188 = arith.maximumf %sqrt3A_185, %max3A_187 : vector<320x1xf32>
    %div3A_189 = vector.broadcast %max3A_188 : vector<320x1xf32> to vector<320x64xf32>
    %div3A_190 = arith.divf %concatenate3A_168, %div3A_189 : vector<320x64xf32>
    %convert_element_type3A_191 = arith.truncf %div3A_190 : vector<320x64xf32> to vector<320x64xbf16>
    %convert_element_type3A_192 = arith.truncf %slice3A_166 : vector<256x64xf32> to vector<256x64xbf16>
    %dot_general3A_193 = arith.constant dense<0.000000e+00> : vector<256x320xf32>
    %dot_general3A_194 = tpu.matmul %convert_element_type3A_192, %convert_element_type3A_191, %dot_general3A_193 {dimension_numbers = #tpu.dot_dimension_numbers<[1], [1], [0], [0], [0, 0, 1, 0], [], []>, transpose_lhs_hint = false} : vector<256x64xbf16>, vector<320x64xbf16>, vector<256x320xf32> -> vector<256x320xf32>
    %mul3A_195 = arith.constant 1.250000e-01 : f32
    %mul3A_196 = vector.broadcast %mul3A_195 : f32 to vector<256x320xf32>
    %mul3A_197 = arith.mulf %dot_general3A_194, %mul3A_196 : vector<256x320xf32>
    %iota3A_198 = tpu.iota {dimensions = array<i32: 0>} : vector<256x1xi32>
    %eq3A_199 = vector.broadcast %reshape3A_176 : vector<256x1xi32> to vector<256x64xi32>
    %eq3A_200 = vector.broadcast %get3A_165 : vector<1x64xi32> to vector<256x64xi32>
    %eq3A_201 = arith.cmpi eq, %eq3A_199, %eq3A_200 : vector<256x64xi32>
    %slice3A_202 = vector.extract_strided_slice %mul3A_197 {offsets = [0, 0], sizes = [256, 64], strides = [1, 1]} : vector<256x320xf32> to vector<256x64xf32>
    %jit3A_203 = arith.constant -5.000000e+04 : f32
    %broadcast_in_dim3A_204 = vector.broadcast %jit3A_203 : f32 to vector<256x64xf32>
    %select_n3A_205 = arith.select %eq3A_201, %broadcast_in_dim3A_204, %slice3A_202 : vector<256x64xi1>, vector<256x64xf32>
    %ge3A_206 = arith.constant -64 : i32
    %ge3A_207 = vector.broadcast %ge3A_206 : i32 to vector<256x1xi32>
    %ge3A_208 = arith.cmpi sge, %iota3A_198, %ge3A_207 : vector<256x1xi32>
    %lt3A_209 = arith.constant 64 : i32
    %lt3A_210 = vector.broadcast %lt3A_209 : i32 to vector<256x1xi32>
    %lt3A_211 = arith.cmpi slt, %iota3A_198, %lt3A_210 : vector<256x1xi32>
    %and3A_212 = arith.andi %ge3A_208, %lt3A_211 : vector<256x1xi1>
    %jit3A_213 = arith.constant -1.000000e+30 : f32
    %broadcast_in_dim3A_214 = vector.shape_cast %and3A_212 : vector<256x1xi1> to vector<256x1xi1>
    %broadcast_in_dim3A_215 = vector.broadcast %broadcast_in_dim3A_214 : vector<256x1xi1> to vector<256x64xi1>
    %broadcast_in_dim3A_216 = vector.broadcast %jit3A_213 : f32 to vector<256x64xf32>
    %select_n3A_217 = arith.select %broadcast_in_dim3A_215, %select_n3A_205, %broadcast_in_dim3A_216 : vector<256x64xi1>, vector<256x64xf32>
    %slice3A_218 = vector.extract_strided_slice %get3A_180 {offsets = [0, 0, 0], sizes = [1, 1, 64], strides = [1, 1, 1]} : vector<4x1x64xi32> to vector<1x1x64xi32>
    %squeeze3A_219 = vector.shape_cast %slice3A_218 : vector<1x1x64xi32> to vector<1x64xi32>
    %eq3A_220 = vector.broadcast %reshape3A_176 : vector<256x1xi32> to vector<256x64xi32>
    %eq3A_221 = vector.broadcast %squeeze3A_219 : vector<1x64xi32> to vector<256x64xi32>
    %eq3A_222 = arith.cmpi eq, %eq3A_220, %eq3A_221 : vector<256x64xi32>
    %slice3A_223 = vector.extract_strided_slice %mul3A_197 {offsets = [0, 64], sizes = [256, 64], strides = [1, 1]} : vector<256x320xf32> to vector<256x64xf32>
    %jit3A_224 = arith.constant -5.000000e+04 : f32
    %broadcast_in_dim3A_225 = vector.broadcast %jit3A_224 : f32 to vector<256x64xf32>
    %select_n3A_226 = arith.select %eq3A_222, %broadcast_in_dim3A_225, %slice3A_223 : vector<256x64xi1>, vector<256x64xf32>
    %ge3A_227 = arith.constant 0 : i32
    %ge3A_228 = vector.broadcast %ge3A_227 : i32 to vector<256x1xi32>
    %ge3A_229 = arith.cmpi sge, %iota3A_198, %ge3A_228 : vector<256x1xi32>
    %lt3A_230 = arith.constant 128 : i32
    %lt3A_231 = vector.broadcast %lt3A_230 : i32 to vector<256x1xi32>
    %lt3A_232 = arith.cmpi slt, %iota3A_198, %lt3A_231 : vector<256x1xi32>
    %and3A_233 = arith.andi %ge3A_229, %lt3A_232 : vector<256x1xi1>
    %jit3A_234 = arith.constant -1.000000e+30 : f32
    %broadcast_in_dim3A_235 = vector.shape_cast %and3A_233 : vector<256x1xi1> to vector<256x1xi1>
    %broadcast_in_dim3A_236 = vector.broadcast %broadcast_in_dim3A_235 : vector<256x1xi1> to vector<256x64xi1>
    %broadcast_in_dim3A_237 = vector.broadcast %jit3A_234 : f32 to vector<256x64xf32>
    %select_n3A_238 = arith.select %broadcast_in_dim3A_236, %select_n3A_226, %broadcast_in_dim3A_237 : vector<256x64xi1>, vector<256x64xf32>
    %slice3A_239 = vector.extract_strided_slice %get3A_180 {offsets = [1, 0, 0], sizes = [1, 1, 64], strides = [1, 1, 1]} : vector<4x1x64xi32> to vector<1x1x64xi32>
    %squeeze3A_240 = vector.shape_cast %slice3A_239 : vector<1x1x64xi32> to vector<1x64xi32>
    %eq3A_241 = vector.broadcast %reshape3A_176 : vector<256x1xi32> to vector<256x64xi32>
    %eq3A_242 = vector.broadcast %squeeze3A_240 : vector<1x64xi32> to vector<256x64xi32>
    %eq3A_243 = arith.cmpi eq, %eq3A_241, %eq3A_242 : vector<256x64xi32>
    %slice3A_244 = vector.extract_strided_slice %mul3A_197 {offsets = [0, 128], sizes = [256, 64], strides = [1, 1]} : vector<256x320xf32> to vector<256x64xf32>
    %jit3A_245 = arith.constant -5.000000e+04 : f32
    %broadcast_in_dim3A_246 = vector.broadcast %jit3A_245 : f32 to vector<256x64xf32>
    %select_n3A_247 = arith.select %eq3A_243, %broadcast_in_dim3A_246, %slice3A_244 : vector<256x64xi1>, vector<256x64xf32>
    %ge3A_248 = arith.constant 64 : i32
    %ge3A_249 = vector.broadcast %ge3A_248 : i32 to vector<256x1xi32>
    %ge3A_250 = arith.cmpi sge, %iota3A_198, %ge3A_249 : vector<256x1xi32>
    %lt3A_251 = arith.constant 192 : i32
    %lt3A_252 = vector.broadcast %lt3A_251 : i32 to vector<256x1xi32>
    %lt3A_253 = arith.cmpi slt, %iota3A_198, %lt3A_252 : vector<256x1xi32>
    %and3A_254 = arith.andi %ge3A_250, %lt3A_253 : vector<256x1xi1>
    %jit3A_255 = arith.constant -1.000000e+30 : f32
    %broadcast_in_dim3A_256 = vector.shape_cast %and3A_254 : vector<256x1xi1> to vector<256x1xi1>
    %broadcast_in_dim3A_257 = vector.broadcast %broadcast_in_dim3A_256 : vector<256x1xi1> to vector<256x64xi1>
    %broadcast_in_dim3A_258 = vector.broadcast %jit3A_255 : f32 to vector<256x64xf32>
    %select_n3A_259 = arith.select %broadcast_in_dim3A_257, %select_n3A_247, %broadcast_in_dim3A_258 : vector<256x64xi1>, vector<256x64xf32>
    %slice3A_260 = vector.extract_strided_slice %get3A_180 {offsets = [2, 0, 0], sizes = [1, 1, 64], strides = [1, 1, 1]} : vector<4x1x64xi32> to vector<1x1x64xi32>
    %squeeze3A_261 = vector.shape_cast %slice3A_260 : vector<1x1x64xi32> to vector<1x64xi32>
    %eq3A_262 = vector.broadcast %reshape3A_176 : vector<256x1xi32> to vector<256x64xi32>
    %eq3A_263 = vector.broadcast %squeeze3A_261 : vector<1x64xi32> to vector<256x64xi32>
    %eq3A_264 = arith.cmpi eq, %eq3A_262, %eq3A_263 : vector<256x64xi32>
    %slice3A_265 = vector.extract_strided_slice %mul3A_197 {offsets = [0, 192], sizes = [256, 64], strides = [1, 1]} : vector<256x320xf32> to vector<256x64xf32>
    %jit3A_266 = arith.constant -5.000000e+04 : f32
    %broadcast_in_dim3A_267 = vector.broadcast %jit3A_266 : f32 to vector<256x64xf32>
    %select_n3A_268 = arith.select %eq3A_264, %broadcast_in_dim3A_267, %slice3A_265 : vector<256x64xi1>, vector<256x64xf32>
    %ge3A_269 = arith.constant 128 : i32
    %ge3A_270 = vector.broadcast %ge3A_269 : i32 to vector<256x1xi32>
    %ge3A_271 = arith.cmpi sge, %iota3A_198, %ge3A_270 : vector<256x1xi32>
    %lt3A_272 = arith.constant 256 : i32
    %lt3A_273 = vector.broadcast %lt3A_272 : i32 to vector<256x1xi32>
    %lt3A_274 = arith.cmpi slt, %iota3A_198, %lt3A_273 : vector<256x1xi32>
    %and3A_275 = arith.andi %ge3A_271, %lt3A_274 : vector<256x1xi1>
    %jit3A_276 = arith.constant -1.000000e+30 : f32
    %broadcast_in_dim3A_277 = vector.shape_cast %and3A_275 : vector<256x1xi1> to vector<256x1xi1>
    %broadcast_in_dim3A_278 = vector.broadcast %broadcast_in_dim3A_277 : vector<256x1xi1> to vector<256x64xi1>
    %broadcast_in_dim3A_279 = vector.broadcast %jit3A_276 : f32 to vector<256x64xf32>
    %select_n3A_280 = arith.select %broadcast_in_dim3A_278, %select_n3A_268, %broadcast_in_dim3A_279 : vector<256x64xi1>, vector<256x64xf32>
    %slice3A_281 = vector.extract_strided_slice %get3A_180 {offsets = [3, 0, 0], sizes = [1, 1, 64], strides = [1, 1, 1]} : vector<4x1x64xi32> to vector<1x1x64xi32>
    %squeeze3A_282 = vector.shape_cast %slice3A_281 : vector<1x1x64xi32> to vector<1x64xi32>
    %eq3A_283 = vector.broadcast %reshape3A_176 : vector<256x1xi32> to vector<256x64xi32>
    %eq3A_284 = vector.broadcast %squeeze3A_282 : vector<1x64xi32> to vector<256x64xi32>
    %eq3A_285 = arith.cmpi eq, %eq3A_283, %eq3A_284 : vector<256x64xi32>
    %slice3A_286 = vector.extract_strided_slice %mul3A_197 {offsets = [0, 256], sizes = [256, 64], strides = [1, 1]} : vector<256x320xf32> to vector<256x64xf32>
    %jit3A_287 = arith.constant -5.000000e+04 : f32
    %broadcast_in_dim3A_288 = vector.broadcast %jit3A_287 : f32 to vector<256x64xf32>
    %select_n3A_289 = arith.select %eq3A_285, %broadcast_in_dim3A_288, %slice3A_286 : vector<256x64xi1>, vector<256x64xf32>
    %ge3A_290 = arith.constant 192 : i32
    %ge3A_291 = vector.broadcast %ge3A_290 : i32 to vector<256x1xi32>
    %ge3A_292 = arith.cmpi sge, %iota3A_198, %ge3A_291 : vector<256x1xi32>
    %lt3A_293 = arith.constant 320 : i32
    %lt3A_294 = vector.broadcast %lt3A_293 : i32 to vector<256x1xi32>
    %lt3A_295 = arith.cmpi slt, %iota3A_198, %lt3A_294 : vector<256x1xi32>
    %and3A_296 = arith.andi %ge3A_292, %lt3A_295 : vector<256x1xi1>
    %jit3A_297 = arith.constant -1.000000e+30 : f32
    %broadcast_in_dim3A_298 = vector.shape_cast %and3A_296 : vector<256x1xi1> to vector<256x1xi1>
    %broadcast_in_dim3A_299 = vector.broadcast %broadcast_in_dim3A_298 : vector<256x1xi1> to vector<256x64xi1>
    %broadcast_in_dim3A_300 = vector.broadcast %jit3A_297 : f32 to vector<256x64xf32>
    %select_n3A_301 = arith.select %broadcast_in_dim3A_299, %select_n3A_289, %broadcast_in_dim3A_300 : vector<256x64xi1>, vector<256x64xf32>
    %concatenate3A_302 = tpu.concatenate %select_n3A_217, %select_n3A_238, %select_n3A_259, %select_n3A_280, %select_n3A_301 in 1 : vector<256x64xf32>, vector<256x64xf32>, vector<256x64xf32>, vector<256x64xf32>, vector<256x64xf32> -> vector<256x320xf32>
    %reduce_max3A_303 = arith.constant dense<0xFF800000> : vector<256xf32>
    %reduce_max3A_304 = vector.multi_reduction <maximumf>, %concatenate3A_302, %reduce_max3A_303 [1] : vector<256x320xf32> to vector<256xf32>
    %broadcast_in_dim3A_305 = vector.shape_cast %reduce_max3A_304 : vector<256xf32> to vector<256x1xf32>
    %sub3A_306 = vector.broadcast %broadcast_in_dim3A_305 : vector<256x1xf32> to vector<256x320xf32>
    %sub3A_307 = arith.subf %concatenate3A_302, %sub3A_306 : vector<256x320xf32>
    %exp3A_308 = math.exp %sub3A_307 : vector<256x320xf32>
    %reduce_sum3A_309 = arith.constant dense<0.000000e+00> : vector<256xf32>
    %reduce_sum3A_310 = vector.multi_reduction <add>, %exp3A_308, %reduce_sum3A_309 [1] : vector<256x320xf32> to vector<256xf32>
    %broadcast_in_dim3A_311 = vector.shape_cast %reduce_sum3A_310 : vector<256xf32> to vector<256x1xf32>
    %log3A_312 = math.log %broadcast_in_dim3A_311 : vector<256x1xf32>
    %add3A_313 = arith.addf %broadcast_in_dim3A_305, %log3A_312 : vector<256x1xf32>
    %div3A_314 = vector.broadcast %broadcast_in_dim3A_311 : vector<256x1xf32> to vector<256x320xf32>
    %div3A_315 = arith.divf %exp3A_308, %div3A_314 : vector<256x320xf32>
    %convert_element_type3A_316 = arith.truncf %div3A_315 : vector<256x320xf32> to vector<256x320xbf16>
    %convert_element_type3A_317 = arith.truncf %concatenate3A_171 : vector<320x64xf32> to vector<320x64xbf16>
    %dot_general3A_318 = arith.constant dense<0.000000e+00> : vector<256x64xf32>
    %dot_general3A_319 = tpu.matmul %convert_element_type3A_316, %convert_element_type3A_317, %dot_general3A_318 {dimension_numbers = #tpu.dot_dimension_numbers<[1], [0], [0], [1], [0, 0, 1, 1], [], []>, transpose_lhs_hint = false} : vector<256x320xbf16>, vector<320x64xbf16>, vector<256x64xf32> -> vector<256x64xf32>
    %broadcast_in_dim3A_320 = arith.constant 0.000000e+00 : f32
    %broadcast_in_dim3A_321 = vector.broadcast %broadcast_in_dim3A_320 : f32 to vector<256x63xf32>
    %concatenate3A_322 = tpu.concatenate %dot_general3A_319, %add3A_313, %broadcast_in_dim3A_321 in 1 : vector<256x64xf32>, vector<256x1xf32>, vector<256x63xf32> -> vector<256x128xf32>
    %reshape3A_323 = vector.shape_cast %concatenate3A_322 : vector<256x128xf32> to vector<4x64x128xf32>
    %swap3A_324 = arith.constant 4 : index
    %swap3A_325 = arith.constant 0 : index
    %swap3A_326 = arith.constant 0 : index
    %swap3A_327 = vector.load %arg6[%swap3A_324, %swap3A_325, %swap3A_326] : memref<16x64x128xf32, #tpu.memory_space<vmem>>, vector<4x64x128xf32>
    tpu.vector_store %arg6[%swap3A_324, %swap3A_325, %swap3A_326], %reshape3A_323 {strides = array<i32>} : memref<16x64x128xf32, #tpu.memory_space<vmem>>, vector<4x64x128xf32>,
    %get3A_328 = arith.constant 8 : index
    %get3A_329 = arith.constant 0 : index
    %get3A_330 = arith.constant 0 : index
    %get3A_331 = vector.load %arg1[%get3A_328, %get3A_329, %get3A_330] : memref<16x64x128xf32, #tpu.memory_space<vmem>>, vector<4x64x128xf32>
    %reshape3A_332 = vector.shape_cast %get3A_331 : vector<4x64x128xf32> to vector<256x128xf32>
    %get3A_333 = arith.constant 7 : index
    %get3A_334 = arith.constant 0 : index
    %get3A_335 = arith.constant 0 : index
    %get3A_336 = vector.load %arg1[%get3A_333, %get3A_334, %get3A_335] : memref<16x64x128xf32, #tpu.memory_space<vmem>>, vector<1x64x128xf32>
    %get3A_337 = vector.shape_cast %get3A_336 : vector<1x64x128xf32> to vector<64x128xf32>
    %get3A_338 = arith.constant 7 : index
    %get3A_339 = arith.constant 0 : index
    %get3A_340 = arith.constant 0 : index
    %get3A_341 = vector.load %arg4[%get3A_338, %get3A_339, %get3A_340] : memref<16x1x64xi32, #tpu.memory_space<vmem>>, vector<1x1x64xi32>
    %get3A_342 = vector.shape_cast %get3A_341 : vector<1x1x64xi32> to vector<1x64xi32>
    %slice3A_343 = vector.extract_strided_slice %reshape3A_332 {offsets = [0, 0], sizes = [256, 64], strides = [1, 1]} : vector<256x128xf32> to vector<256x64xf32>
    %slice3A_344 = vector.extract_strided_slice %get3A_337 {offsets = [0, 0], sizes = [64, 64], strides = [1, 1]} : vector<64x128xf32> to vector<64x64xf32>
    %concatenate3A_345 = tpu.concatenate %slice3A_344, %slice3A_343 in 0 : vector<64x64xf32>, vector<256x64xf32> -> vector<320x64xf32>
    %slice3A_346 = vector.extract_strided_slice %get3A_337 {offsets = [0, 64], sizes = [64, 64], strides = [1, 1]} : vector<64x128xf32> to vector<64x64xf32>
    %slice3A_347 = vector.extract_strided_slice %reshape3A_332 {offsets = [0, 64], sizes = [256, 64], strides = [1, 1]} : vector<256x128xf32> to vector<256x64xf32>
    %concatenate3A_348 = tpu.concatenate %slice3A_346, %slice3A_347 in 0 : vector<64x64xf32>, vector<256x64xf32> -> vector<320x64xf32>
    %get3A_349 = arith.constant 8 : index
    %get3A_350 = arith.constant 0 : index
    %get3A_351 = arith.constant 0 : index
    %get3A_352 = vector.load %arg3[%get3A_349, %get3A_350, %get3A_351] : memref<16x64x1xi32, #tpu.memory_space<vmem>>, vector<4x64x1xi32>
    %reshape3A_353 = vector.shape_cast %get3A_352 : vector<4x64x1xi32> to vector<256x1xi32>
    %get3A_354 = arith.constant 8 : index
    %get3A_355 = arith.constant 0 : index
    %get3A_356 = arith.constant 0 : index
    %get3A_357 = vector.load %arg4[%get3A_354, %get3A_355, %get3A_356] : memref<16x1x64xi32, #tpu.memory_space<vmem>>, vector<4x1x64xi32>
    %mul3A_358 = arith.mulf %concatenate3A_345, %concatenate3A_345 : vector<320x64xf32>
    %reduce_sum3A_359 = arith.constant dense<0.000000e+00> : vector<320xf32>
    %reduce_sum3A_360 = vector.multi_reduction <add>, %mul3A_358, %reduce_sum3A_359 [1] : vector<320x64xf32> to vector<320xf32>
    %broadcast_in_dim3A_361 = vector.shape_cast %reduce_sum3A_360 : vector<320xf32> to vector<320x1xf32>
    %sqrt3A_362 = math.sqrt %broadcast_in_dim3A_361 : vector<320x1xf32>
    %max3A_363 = arith.constant 9.99999996E-13 : f32
    %max3A_364 = vector.broadcast %max3A_363 : f32 to vector<320x1xf32>
    %max3A_365 = arith.maximumf %sqrt3A_362, %max3A_364 : vector<320x1xf32>
    %div3A_366 = vector.broadcast %max3A_365 : vector<320x1xf32> to vector<320x64xf32>
    %div3A_367 = arith.divf %concatenate3A_345, %div3A_366 : vector<320x64xf32>
    %convert_element_type3A_368 = arith.truncf %div3A_367 : vector<320x64xf32> to vector<320x64xbf16>
    %convert_element_type3A_369 = arith.truncf %slice3A_343 : vector<256x64xf32> to vector<256x64xbf16>
    %dot_general3A_370 = arith.constant dense<0.000000e+00> : vector<256x320xf32>
    %dot_general3A_371 = tpu.matmul %convert_element_type3A_369, %convert_element_type3A_368, %dot_general3A_370 {dimension_numbers = #tpu.dot_dimension_numbers<[1], [1], [0], [0], [0, 0, 1, 0], [], []>, transpose_lhs_hint = false} : vector<256x64xbf16>, vector<320x64xbf16>, vector<256x320xf32> -> vector<256x320xf32>
    %mul3A_372 = arith.constant 1.250000e-01 : f32
    %mul3A_373 = vector.broadcast %mul3A_372 : f32 to vector<256x320xf32>
    %mul3A_374 = arith.mulf %dot_general3A_371, %mul3A_373 : vector<256x320xf32>
    %iota3A_375 = tpu.iota {dimensions = array<i32: 0>} : vector<256x1xi32>
    %eq3A_376 = vector.broadcast %reshape3A_353 : vector<256x1xi32> to vector<256x64xi32>
    %eq3A_377 = vector.broadcast %get3A_342 : vector<1x64xi32> to vector<256x64xi32>
    %eq3A_378 = arith.cmpi eq, %eq3A_376, %eq3A_377 : vector<256x64xi32>
    %slice3A_379 = vector.extract_strided_slice %mul3A_374 {offsets = [0, 0], sizes = [256, 64], strides = [1, 1]} : vector<256x320xf32> to vector<256x64xf32>
    %jit3A_380 = arith.constant -5.000000e+04 : f32
    %broadcast_in_dim3A_381 = vector.broadcast %jit3A_380 : f32 to vector<256x64xf32>
    %select_n3A_382 = arith.select %eq3A_378, %broadcast_in_dim3A_381, %slice3A_379 : vector<256x64xi1>, vector<256x64xf32>
    %ge3A_383 = arith.constant -64 : i32
    %ge3A_384 = vector.broadcast %ge3A_383 : i32 to vector<256x1xi32>
    %ge3A_385 = arith.cmpi sge, %iota3A_375, %ge3A_384 : vector<256x1xi32>
    %lt3A_386 = arith.constant 64 : i32
    %lt3A_387 = vector.broadcast %lt3A_386 : i32 to vector<256x1xi32>
    %lt3A_388 = arith.cmpi slt, %iota3A_375, %lt3A_387 : vector<256x1xi32>
    %and3A_389 = arith.andi %ge3A_385, %lt3A_388 : vector<256x1xi1>
    %jit3A_390 = arith.constant -1.000000e+30 : f32
    %broadcast_in_dim3A_391 = vector.shape_cast %and3A_389 : vector<256x1xi1> to vector<256x1xi1>
    %broadcast_in_dim3A_392 = vector.broadcast %broadcast_in_dim3A_391 : vector<256x1xi1> to vector<256x64xi1>
    %broadcast_in_dim3A_393 = vector.broadcast %jit3A_390 : f32 to vector<256x64xf32>
    %select_n3A_394 = arith.select %broadcast_in_dim3A_392, %select_n3A_382, %broadcast_in_dim3A_393 : vector<256x64xi1>, vector<256x64xf32>
    %slice3A_395 = vector.extract_strided_slice %get3A_357 {offsets = [0, 0, 0], sizes = [1, 1, 64], strides = [1, 1, 1]} : vector<4x1x64xi32> to vector<1x1x64xi32>
    %squeeze3A_396 = vector.shape_cast %slice3A_395 : vector<1x1x64xi32> to vector<1x64xi32>
    %eq3A_397 = vector.broadcast %reshape3A_353 : vector<256x1xi32> to vector<256x64xi32>
    %eq3A_398 = vector.broadcast %squeeze3A_396 : vector<1x64xi32> to vector<256x64xi32>
    %eq3A_399 = arith.cmpi eq, %eq3A_397, %eq3A_398 : vector<256x64xi32>
    %slice3A_400 = vector.extract_strided_slice %mul3A_374 {offsets = [0, 64], sizes = [256, 64], strides = [1, 1]} : vector<256x320xf32> to vector<256x64xf32>
    %jit3A_401 = arith.constant -5.000000e+04 : f32
    %broadcast_in_dim3A_402 = vector.broadcast %jit3A_401 : f32 to vector<256x64xf32>
    %select_n3A_403 = arith.select %eq3A_399, %broadcast_in_dim3A_402, %slice3A_400 : vector<256x64xi1>, vector<256x64xf32>
    %ge3A_404 = arith.constant 0 : i32
    %ge3A_405 = vector.broadcast %ge3A_404 : i32 to vector<256x1xi32>
    %ge3A_406 = arith.cmpi sge, %iota3A_375, %ge3A_405 : vector<256x1xi32>
    %lt3A_407 = arith.constant 128 : i32
    %lt3A_408 = vector.broadcast %lt3A_407 : i32 to vector<256x1xi32>
    %lt3A_409 = arith.cmpi slt, %iota3A_375, %lt3A_408 : vector<256x1xi32>
    %and3A_410 = arith.andi %ge3A_406, %lt3A_409 : vector<256x1xi1>
    %jit3A_411 = arith.constant -1.000000e+30 : f32
    %broadcast_in_dim3A_412 = vector.shape_cast %and3A_410 : vector<256x1xi1> to vector<256x1xi1>
    %broadcast_in_dim3A_413 = vector.broadcast %broadcast_in_dim3A_412 : vector<256x1xi1> to vector<256x64xi1>
    %broadcast_in_dim3A_414 = vector.broadcast %jit3A_411 : f32 to vector<256x64xf32>
    %select_n3A_415 = arith.select %broadcast_in_dim3A_413, %select_n3A_403, %broadcast_in_dim3A_414 : vector<256x64xi1>, vector<256x64xf32>
    %slice3A_416 = vector.extract_strided_slice %get3A_357 {offsets = [1, 0, 0], sizes = [1, 1, 64], strides = [1, 1, 1]} : vector<4x1x64xi32> to vector<1x1x64xi32>
    %squeeze3A_417 = vector.shape_cast %slice3A_416 : vector<1x1x64xi32> to vector<1x64xi32>
    %eq3A_418 = vector.broadcast %reshape3A_353 : vector<256x1xi32> to vector<256x64xi32>
    %eq3A_419 = vector.broadcast %squeeze3A_417 : vector<1x64xi32> to vector<256x64xi32>
    %eq3A_420 = arith.cmpi eq, %eq3A_418, %eq3A_419 : vector<256x64xi32>
    %slice3A_421 = vector.extract_strided_slice %mul3A_374 {offsets = [0, 128], sizes = [256, 64], strides = [1, 1]} : vector<256x320xf32> to vector<256x64xf32>
    %jit3A_422 = arith.constant -5.000000e+04 : f32
    %broadcast_in_dim3A_423 = vector.broadcast %jit3A_422 : f32 to vector<256x64xf32>
    %select_n3A_424 = arith.select %eq3A_420, %broadcast_in_dim3A_423, %slice3A_421 : vector<256x64xi1>, vector<256x64xf32>
    %ge3A_425 = arith.constant 64 : i32
    %ge3A_426 = vector.broadcast %ge3A_425 : i32 to vector<256x1xi32>
    %ge3A_427 = arith.cmpi sge, %iota3A_375, %ge3A_426 : vector<256x1xi32>
    %lt3A_428 = arith.constant 192 : i32
    %lt3A_429 = vector.broadcast %lt3A_428 : i32 to vector<256x1xi32>
    %lt3A_430 = arith.cmpi slt, %iota3A_375, %lt3A_429 : vector<256x1xi32>
    %and3A_431 = arith.andi %ge3A_427, %lt3A_430 : vector<256x1xi1>
    %jit3A_432 = arith.constant -1.000000e+30 : f32
    %broadcast_in_dim3A_433 = vector.shape_cast %and3A_431 : vector<256x1xi1> to vector<256x1xi1>
    %broadcast_in_dim3A_434 = vector.broadcast %broadcast_in_dim3A_433 : vector<256x1xi1> to vector<256x64xi1>
    %broadcast_in_dim3A_435 = vector.broadcast %jit3A_432 : f32 to vector<256x64xf32>
    %select_n3A_436 = arith.select %broadcast_in_dim3A_434, %select_n3A_424, %broadcast_in_dim3A_435 : vector<256x64xi1>, vector<256x64xf32>
    %slice3A_437 = vector.extract_strided_slice %get3A_357 {offsets = [2, 0, 0], sizes = [1, 1, 64], strides = [1, 1, 1]} : vector<4x1x64xi32> to vector<1x1x64xi32>
    %squeeze3A_438 = vector.shape_cast %slice3A_437 : vector<1x1x64xi32> to vector<1x64xi32>
    %eq3A_439 = vector.broadcast %reshape3A_353 : vector<256x1xi32> to vector<256x64xi32>
    %eq3A_440 = vector.broadcast %squeeze3A_438 : vector<1x64xi32> to vector<256x64xi32>
    %eq3A_441 = arith.cmpi eq, %eq3A_439, %eq3A_440 : vector<256x64xi32>
    %slice3A_442 = vector.extract_strided_slice %mul3A_374 {offsets = [0, 192], sizes = [256, 64], strides = [1, 1]} : vector<256x320xf32> to vector<256x64xf32>
    %jit3A_443 = arith.constant -5.000000e+04 : f32
    %broadcast_in_dim3A_444 = vector.broadcast %jit3A_443 : f32 to vector<256x64xf32>
    %select_n3A_445 = arith.select %eq3A_441, %broadcast_in_dim3A_444, %slice3A_442 : vector<256x64xi1>, vector<256x64xf32>
    %ge3A_446 = arith.constant 128 : i32
    %ge3A_447 = vector.broadcast %ge3A_446 : i32 to vector<256x1xi32>
    %ge3A_448 = arith.cmpi sge, %iota3A_375, %ge3A_447 : vector<256x1xi32>
    %lt3A_449 = arith.constant 256 : i32
    %lt3A_450 = vector.broadcast %lt3A_449 : i32 to vector<256x1xi32>
    %lt3A_451 = arith.cmpi slt, %iota3A_375, %lt3A_450 : vector<256x1xi32>
    %and3A_452 = arith.andi %ge3A_448, %lt3A_451 : vector<256x1xi1>
    %jit3A_453 = arith.constant -1.000000e+30 : f32
    %broadcast_in_dim3A_454 = vector.shape_cast %and3A_452 : vector<256x1xi1> to vector<256x1xi1>
    %broadcast_in_dim3A_455 = vector.broadcast %broadcast_in_dim3A_454 : vector<256x1xi1> to vector<256x64xi1>
    %broadcast_in_dim3A_456 = vector.broadcast %jit3A_453 : f32 to vector<256x64xf32>
    %select_n3A_457 = arith.select %broadcast_in_dim3A_455, %select_n3A_445, %broadcast_in_dim3A_456 : vector<256x64xi1>, vector<256x64xf32>
    %slice3A_458 = vector.extract_strided_slice %get3A_357 {offsets = [3, 0, 0], sizes = [1, 1, 64], strides = [1, 1, 1]} : vector<4x1x64xi32> to vector<1x1x64xi32>
    %squeeze3A_459 = vector.shape_cast %slice3A_458 : vector<1x1x64xi32> to vector<1x64xi32>
    %eq3A_460 = vector.broadcast %reshape3A_353 : vector<256x1xi32> to vector<256x64xi32>
    %eq3A_461 = vector.broadcast %squeeze3A_459 : vector<1x64xi32> to vector<256x64xi32>
    %eq3A_462 = arith.cmpi eq, %eq3A_460, %eq3A_461 : vector<256x64xi32>
    %slice3A_463 = vector.extract_strided_slice %mul3A_374 {offsets = [0, 256], sizes = [256, 64], strides = [1, 1]} : vector<256x320xf32> to vector<256x64xf32>
    %jit3A_464 = arith.constant -5.000000e+04 : f32
    %broadcast_in_dim3A_465 = vector.broadcast %jit3A_464 : f32 to vector<256x64xf32>
    %select_n3A_466 = arith.select %eq3A_462, %broadcast_in_dim3A_465, %slice3A_463 : vector<256x64xi1>, vector<256x64xf32>
    %ge3A_467 = arith.constant 192 : i32
    %ge3A_468 = vector.broadcast %ge3A_467 : i32 to vector<256x1xi32>
    %ge3A_469 = arith.cmpi sge, %iota3A_375, %ge3A_468 : vector<256x1xi32>
    %lt3A_470 = arith.constant 320 : i32
    %lt3A_471 = vector.broadcast %lt3A_470 : i32 to vector<256x1xi32>
    %lt3A_472 = arith.cmpi slt, %iota3A_375, %lt3A_471 : vector<256x1xi32>
    %and3A_473 = arith.andi %ge3A_469, %lt3A_472 : vector<256x1xi1>
    %jit3A_474 = arith.constant -1.000000e+30 : f32
    %broadcast_in_dim3A_475 = vector.shape_cast %and3A_473 : vector<256x1xi1> to vector<256x1xi1>
    %broadcast_in_dim3A_476 = vector.broadcast %broadcast_in_dim3A_475 : vector<256x1xi1> to vector<256x64xi1>
    %broadcast_in_dim3A_477 = vector.broadcast %jit3A_474 : f32 to vector<256x64xf32>
    %select_n3A_478 = arith.select %broadcast_in_dim3A_476, %select_n3A_466, %broadcast_in_dim3A_477 : vector<256x64xi1>, vector<256x64xf32>
    %concatenate3A_479 = tpu.concatenate %select_n3A_394, %select_n3A_415, %select_n3A_436, %select_n3A_457, %select_n3A_478 in 1 : vector<256x64xf32>, vector<256x64xf32>, vector<256x64xf32>, vector<256x64xf32>, vector<256x64xf32> -> vector<256x320xf32>
    %reduce_max3A_480 = arith.constant dense<0xFF800000> : vector<256xf32>
    %reduce_max3A_481 = vector.multi_reduction <maximumf>, %concatenate3A_479, %reduce_max3A_480 [1] : vector<256x320xf32> to vector<256xf32>
    %broadcast_in_dim3A_482 = vector.shape_cast %reduce_max3A_481 : vector<256xf32> to vector<256x1xf32>
    %sub3A_483 = vector.broadcast %broadcast_in_dim3A_482 : vector<256x1xf32> to vector<256x320xf32>
    %sub3A_484 = arith.subf %concatenate3A_479, %sub3A_483 : vector<256x320xf32>
    %exp3A_485 = math.exp %sub3A_484 : vector<256x320xf32>
    %reduce_sum3A_486 = arith.constant dense<0.000000e+00> : vector<256xf32>
    %reduce_sum3A_487 = vector.multi_reduction <add>, %exp3A_485, %reduce_sum3A_486 [1] : vector<256x320xf32> to vector<256xf32>
    %broadcast_in_dim3A_488 = vector.shape_cast %reduce_sum3A_487 : vector<256xf32> to vector<256x1xf32>
    %log3A_489 = math.log %broadcast_in_dim3A_488 : vector<256x1xf32>
    %add3A_490 = arith.addf %broadcast_in_dim3A_482, %log3A_489 : vector<256x1xf32>
    %div3A_491 = vector.broadcast %broadcast_in_dim3A_488 : vector<256x1xf32> to vector<256x320xf32>
    %div3A_492 = arith.divf %exp3A_485, %div3A_491 : vector<256x320xf32>
    %convert_element_type3A_493 = arith.truncf %div3A_492 : vector<256x320xf32> to vector<256x320xbf16>
    %convert_element_type3A_494 = arith.truncf %concatenate3A_348 : vector<320x64xf32> to vector<320x64xbf16>
    %dot_general3A_495 = arith.constant dense<0.000000e+00> : vector<256x64xf32>
    %dot_general3A_496 = tpu.matmul %convert_element_type3A_493, %convert_element_type3A_494, %dot_general3A_495 {dimension_numbers = #tpu.dot_dimension_numbers<[1], [0], [0], [1], [0, 0, 1, 1], [], []>, transpose_lhs_hint = false} : vector<256x320xbf16>, vector<320x64xbf16>, vector<256x64xf32> -> vector<256x64xf32>
    %broadcast_in_dim3A_497 = arith.constant 0.000000e+00 : f32
    %broadcast_in_dim3A_498 = vector.broadcast %broadcast_in_dim3A_497 : f32 to vector<256x63xf32>
    %concatenate3A_499 = tpu.concatenate %dot_general3A_496, %add3A_490, %broadcast_in_dim3A_498 in 1 : vector<256x64xf32>, vector<256x1xf32>, vector<256x63xf32> -> vector<256x128xf32>
    %reshape3A_500 = vector.shape_cast %concatenate3A_499 : vector<256x128xf32> to vector<4x64x128xf32>
    %swap3A_501 = arith.constant 8 : index
    %swap3A_502 = arith.constant 0 : index
    %swap3A_503 = arith.constant 0 : index
    %swap3A_504 = vector.load %arg6[%swap3A_501, %swap3A_502, %swap3A_503] : memref<16x64x128xf32, #tpu.memory_space<vmem>>, vector<4x64x128xf32>
    tpu.vector_store %arg6[%swap3A_501, %swap3A_502, %swap3A_503], %reshape3A_500 {strides = array<i32>} : memref<16x64x128xf32, #tpu.memory_space<vmem>>, vector<4x64x128xf32>,
    %get3A_505 = arith.constant 12 : index
    %get3A_506 = arith.constant 0 : index
    %get3A_507 = arith.constant 0 : index
    %get3A_508 = vector.load %arg1[%get3A_505, %get3A_506, %get3A_507] : memref<16x64x128xf32, #tpu.memory_space<vmem>>, vector<4x64x128xf32>
    %reshape3A_509 = vector.shape_cast %get3A_508 : vector<4x64x128xf32> to vector<256x128xf32>
    %get3A_510 = arith.constant 11 : index
    %get3A_511 = arith.constant 0 : index
    %get3A_512 = arith.constant 0 : index
    %get3A_513 = vector.load %arg1[%get3A_510, %get3A_511, %get3A_512] : memref<16x64x128xf32, #tpu.memory_space<vmem>>, vector<1x64x128xf32>
    %get3A_514 = vector.shape_cast %get3A_513 : vector<1x64x128xf32> to vector<64x128xf32>
    %get3A_515 = arith.constant 11 : index
    %get3A_516 = arith.constant 0 : index
    %get3A_517 = arith.constant 0 : index
    %get3A_518 = vector.load %arg4[%get3A_515, %get3A_516, %get3A_517] : memref<16x1x64xi32, #tpu.memory_space<vmem>>, vector<1x1x64xi32>
    %get3A_519 = vector.shape_cast %get3A_518 : vector<1x1x64xi32> to vector<1x64xi32>
    %slice3A_520 = vector.extract_strided_slice %reshape3A_509 {offsets = [0, 0], sizes = [256, 64], strides = [1, 1]} : vector<256x128xf32> to vector<256x64xf32>
    %slice3A_521 = vector.extract_strided_slice %get3A_514 {offsets = [0, 0], sizes = [64, 64], strides = [1, 1]} : vector<64x128xf32> to vector<64x64xf32>
    %concatenate3A_522 = tpu.concatenate %slice3A_521, %slice3A_520 in 0 : vector<64x64xf32>, vector<256x64xf32> -> vector<320x64xf32>
    %slice3A_523 = vector.extract_strided_slice %get3A_514 {offsets = [0, 64], sizes = [64, 64], strides = [1, 1]} : vector<64x128xf32> to vector<64x64xf32>
    %slice3A_524 = vector.extract_strided_slice %reshape3A_509 {offsets = [0, 64], sizes = [256, 64], strides = [1, 1]} : vector<256x128xf32> to vector<256x64xf32>
    %concatenate3A_525 = tpu.concatenate %slice3A_523, %slice3A_524 in 0 : vector<64x64xf32>, vector<256x64xf32> -> vector<320x64xf32>
    %get3A_526 = arith.constant 12 : index
    %get3A_527 = arith.constant 0 : index
    %get3A_528 = arith.constant 0 : index
    %get3A_529 = vector.load %arg3[%get3A_526, %get3A_527, %get3A_528] : memref<16x64x1xi32, #tpu.memory_space<vmem>>, vector<4x64x1xi32>
    %reshape3A_530 = vector.shape_cast %get3A_529 : vector<4x64x1xi32> to vector<256x1xi32>
    %get3A_531 = arith.constant 12 : index
    %get3A_532 = arith.constant 0 : index
    %get3A_533 = arith.constant 0 : index
    %get3A_534 = vector.load %arg4[%get3A_531, %get3A_532, %get3A_533] : memref<16x1x64xi32, #tpu.memory_space<vmem>>, vector<4x1x64xi32>
    %mul3A_535 = arith.mulf %concatenate3A_522, %concatenate3A_522 : vector<320x64xf32>
    %reduce_sum3A_536 = arith.constant dense<0.000000e+00> : vector<320xf32>
    %reduce_sum3A_537 = vector.multi_reduction <add>, %mul3A_535, %reduce_sum3A_536 [1] : vector<320x64xf32> to vector<320xf32>
    %broadcast_in_dim3A_538 = vector.shape_cast %reduce_sum3A_537 : vector<320xf32> to vector<320x1xf32>
    %sqrt3A_539 = math.sqrt %broadcast_in_dim3A_538 : vector<320x1xf32>
    %max3A_540 = arith.constant 9.99999996E-13 : f32
    %max3A_541 = vector.broadcast %max3A_540 : f32 to vector<320x1xf32>
    %max3A_542 = arith.maximumf %sqrt3A_539, %max3A_541 : vector<320x1xf32>
    %div3A_543 = vector.broadcast %max3A_542 : vector<320x1xf32> to vector<320x64xf32>
    %div3A_544 = arith.divf %concatenate3A_522, %div3A_543 : vector<320x64xf32>
    %convert_element_type3A_545 = arith.truncf %div3A_544 : vector<320x64xf32> to vector<320x64xbf16>
    %convert_element_type3A_546 = arith.truncf %slice3A_520 : vector<256x64xf32> to vector<256x64xbf16>
    %dot_general3A_547 = arith.constant dense<0.000000e+00> : vector<256x320xf32>
    %dot_general3A_548 = tpu.matmul %convert_element_type3A_546, %convert_element_type3A_545, %dot_general3A_547 {dimension_numbers = #tpu.dot_dimension_numbers<[1], [1], [0], [0], [0, 0, 1, 0], [], []>, transpose_lhs_hint = false} : vector<256x64xbf16>, vector<320x64xbf16>, vector<256x320xf32> -> vector<256x320xf32>
    %mul3A_549 = arith.constant 1.250000e-01 : f32
    %mul3A_550 = vector.broadcast %mul3A_549 : f32 to vector<256x320xf32>
    %mul3A_551 = arith.mulf %dot_general3A_548, %mul3A_550 : vector<256x320xf32>
    %iota3A_552 = tpu.iota {dimensions = array<i32: 0>} : vector<256x1xi32>
    %eq3A_553 = vector.broadcast %reshape3A_530 : vector<256x1xi32> to vector<256x64xi32>
    %eq3A_554 = vector.broadcast %get3A_519 : vector<1x64xi32> to vector<256x64xi32>
    %eq3A_555 = arith.cmpi eq, %eq3A_553, %eq3A_554 : vector<256x64xi32>
    %slice3A_556 = vector.extract_strided_slice %mul3A_551 {offsets = [0, 0], sizes = [256, 64], strides = [1, 1]} : vector<256x320xf32> to vector<256x64xf32>
    %jit3A_557 = arith.constant -5.000000e+04 : f32
    %broadcast_in_dim3A_558 = vector.broadcast %jit3A_557 : f32 to vector<256x64xf32>
    %select_n3A_559 = arith.select %eq3A_555, %broadcast_in_dim3A_558, %slice3A_556 : vector<256x64xi1>, vector<256x64xf32>
    %ge3A_560 = arith.constant -64 : i32
    %ge3A_561 = vector.broadcast %ge3A_560 : i32 to vector<256x1xi32>
    %ge3A_562 = arith.cmpi sge, %iota3A_552, %ge3A_561 : vector<256x1xi32>
    %lt3A_563 = arith.constant 64 : i32
    %lt3A_564 = vector.broadcast %lt3A_563 : i32 to vector<256x1xi32>
    %lt3A_565 = arith.cmpi slt, %iota3A_552, %lt3A_564 : vector<256x1xi32>
    %and3A_566 = arith.andi %ge3A_562, %lt3A_565 : vector<256x1xi1>
    %jit3A_567 = arith.constant -1.000000e+30 : f32
    %broadcast_in_dim3A_568 = vector.shape_cast %and3A_566 : vector<256x1xi1> to vector<256x1xi1>
    %broadcast_in_dim3A_569 = vector.broadcast %broadcast_in_dim3A_568 : vector<256x1xi1> to vector<256x64xi1>
    %broadcast_in_dim3A_570 = vector.broadcast %jit3A_567 : f32 to vector<256x64xf32>
    %select_n3A_571 = arith.select %broadcast_in_dim3A_569, %select_n3A_559, %broadcast_in_dim3A_570 : vector<256x64xi1>, vector<256x64xf32>
    %slice3A_572 = vector.extract_strided_slice %get3A_534 {offsets = [0, 0, 0], sizes = [1, 1, 64], strides = [1, 1, 1]} : vector<4x1x64xi32> to vector<1x1x64xi32>
    %squeeze3A_573 = vector.shape_cast %slice3A_572 : vector<1x1x64xi32> to vector<1x64xi32>
    %eq3A_574 = vector.broadcast %reshape3A_530 : vector<256x1xi32> to vector<256x64xi32>
    %eq3A_575 = vector.broadcast %squeeze3A_573 : vector<1x64xi32> to vector<256x64xi32>
    %eq3A_576 = arith.cmpi eq, %eq3A_574, %eq3A_575 : vector<256x64xi32>
    %slice3A_577 = vector.extract_strided_slice %mul3A_551 {offsets = [0, 64], sizes = [256, 64], strides = [1, 1]} : vector<256x320xf32> to vector<256x64xf32>
    %jit3A_578 = arith.constant -5.000000e+04 : f32
    %broadcast_in_dim3A_579 = vector.broadcast %jit3A_578 : f32 to vector<256x64xf32>
    %select_n3A_580 = arith.select %eq3A_576, %broadcast_in_dim3A_579, %slice3A_577 : vector<256x64xi1>, vector<256x64xf32>
    %ge3A_581 = arith.constant 0 : i32
    %ge3A_582 = vector.broadcast %ge3A_581 : i32 to vector<256x1xi32>
    %ge3A_583 = arith.cmpi sge, %iota3A_552, %ge3A_582 : vector<256x1xi32>
    %lt3A_584 = arith.constant 128 : i32
    %lt3A_585 = vector.broadcast %lt3A_584 : i32 to vector<256x1xi32>
    %lt3A_586 = arith.cmpi slt, %iota3A_552, %lt3A_585 : vector<256x1xi32>
    %and3A_587 = arith.andi %ge3A_583, %lt3A_586 : vector<256x1xi1>
    %jit3A_588 = arith.constant -1.000000e+30 : f32
    %broadcast_in_dim3A_589 = vector.shape_cast %and3A_587 : vector<256x1xi1> to vector<256x1xi1>
    %broadcast_in_dim3A_590 = vector.broadcast %broadcast_in_dim3A_589 : vector<256x1xi1> to vector<256x64xi1>
    %broadcast_in_dim3A_591 = vector.broadcast %jit3A_588 : f32 to vector<256x64xf32>
    %select_n3A_592 = arith.select %broadcast_in_dim3A_590, %select_n3A_580, %broadcast_in_dim3A_591 : vector<256x64xi1>, vector<256x64xf32>
    %slice3A_593 = vector.extract_strided_slice %get3A_534 {offsets = [1, 0, 0], sizes = [1, 1, 64], strides = [1, 1, 1]} : vector<4x1x64xi32> to vector<1x1x64xi32>
    %squeeze3A_594 = vector.shape_cast %slice3A_593 : vector<1x1x64xi32> to vector<1x64xi32>
    %eq3A_595 = vector.broadcast %reshape3A_530 : vector<256x1xi32> to vector<256x64xi32>
    %eq3A_596 = vector.broadcast %squeeze3A_594 : vector<1x64xi32> to vector<256x64xi32>
    %eq3A_597 = arith.cmpi eq, %eq3A_595, %eq3A_596 : vector<256x64xi32>
    %slice3A_598 = vector.extract_strided_slice %mul3A_551 {offsets = [0, 128], sizes = [256, 64], strides = [1, 1]} : vector<256x320xf32> to vector<256x64xf32>
    %jit3A_599 = arith.constant -5.000000e+04 : f32
    %broadcast_in_dim3A_600 = vector.broadcast %jit3A_599 : f32 to vector<256x64xf32>
    %select_n3A_601 = arith.select %eq3A_597, %broadcast_in_dim3A_600, %slice3A_598 : vector<256x64xi1>, vector<256x64xf32>
    %ge3A_602 = arith.constant 64 : i32
    %ge3A_603 = vector.broadcast %ge3A_602 : i32 to vector<256x1xi32>
    %ge3A_604 = arith.cmpi sge, %iota3A_552, %ge3A_603 : vector<256x1xi32>
    %lt3A_605 = arith.constant 192 : i32
    %lt3A_606 = vector.broadcast %lt3A_605 : i32 to vector<256x1xi32>
    %lt3A_607 = arith.cmpi slt, %iota3A_552, %lt3A_606 : vector<256x1xi32>
    %and3A_608 = arith.andi %ge3A_604, %lt3A_607 : vector<256x1xi1>
    %jit3A_609 = arith.constant -1.000000e+30 : f32
    %broadcast_in_dim3A_610 = vector.shape_cast %and3A_608 : vector<256x1xi1> to vector<256x1xi1>
    %broadcast_in_dim3A_611 = vector.broadcast %broadcast_in_dim3A_610 : vector<256x1xi1> to vector<256x64xi1>
    %broadcast_in_dim3A_612 = vector.broadcast %jit3A_609 : f32 to vector<256x64xf32>
    %select_n3A_613 = arith.select %broadcast_in_dim3A_611, %select_n3A_601, %broadcast_in_dim3A_612 : vector<256x64xi1>, vector<256x64xf32>
    %slice3A_614 = vector.extract_strided_slice %get3A_534 {offsets = [2, 0, 0], sizes = [1, 1, 64], strides = [1, 1, 1]} : vector<4x1x64xi32> to vector<1x1x64xi32>
    %squeeze3A_615 = vector.shape_cast %slice3A_614 : vector<1x1x64xi32> to vector<1x64xi32>
    %eq3A_616 = vector.broadcast %reshape3A_530 : vector<256x1xi32> to vector<256x64xi32>
    %eq3A_617 = vector.broadcast %squeeze3A_615 : vector<1x64xi32> to vector<256x64xi32>
    %eq3A_618 = arith.cmpi eq, %eq3A_616, %eq3A_617 : vector<256x64xi32>
    %slice3A_619 = vector.extract_strided_slice %mul3A_551 {offsets = [0, 192], sizes = [256, 64], strides = [1, 1]} : vector<256x320xf32> to vector<256x64xf32>
    %jit3A_620 = arith.constant -5.000000e+04 : f32
    %broadcast_in_dim3A_621 = vector.broadcast %jit3A_620 : f32 to vector<256x64xf32>
    %select_n3A_622 = arith.select %eq3A_618, %broadcast_in_dim3A_621, %slice3A_619 : vector<256x64xi1>, vector<256x64xf32>
    %ge3A_623 = arith.constant 128 : i32
    %ge3A_624 = vector.broadcast %ge3A_623 : i32 to vector<256x1xi32>
    %ge3A_625 = arith.cmpi sge, %iota3A_552, %ge3A_624 : vector<256x1xi32>
    %lt3A_626 = arith.constant 256 : i32
    %lt3A_627 = vector.broadcast %lt3A_626 : i32 to vector<256x1xi32>
    %lt3A_628 = arith.cmpi slt, %iota3A_552, %lt3A_627 : vector<256x1xi32>
    %and3A_629 = arith.andi %ge3A_625, %lt3A_628 : vector<256x1xi1>
    %jit3A_630 = arith.constant -1.000000e+30 : f32
    %broadcast_in_dim3A_631 = vector.shape_cast %and3A_629 : vector<256x1xi1> to vector<256x1xi1>
    %broadcast_in_dim3A_632 = vector.broadcast %broadcast_in_dim3A_631 : vector<256x1xi1> to vector<256x64xi1>
    %broadcast_in_dim3A_633 = vector.broadcast %jit3A_630 : f32 to vector<256x64xf32>
    %select_n3A_634 = arith.select %broadcast_in_dim3A_632, %select_n3A_622, %broadcast_in_dim3A_633 : vector<256x64xi1>, vector<256x64xf32>
    %slice3A_635 = vector.extract_strided_slice %get3A_534 {offsets = [3, 0, 0], sizes = [1, 1, 64], strides = [1, 1, 1]} : vector<4x1x64xi32> to vector<1x1x64xi32>
    %squeeze3A_636 = vector.shape_cast %slice3A_635 : vector<1x1x64xi32> to vector<1x64xi32>
    %eq3A_637 = vector.broadcast %reshape3A_530 : vector<256x1xi32> to vector<256x64xi32>
    %eq3A_638 = vector.broadcast %squeeze3A_636 : vector<1x64xi32> to vector<256x64xi32>
    %eq3A_639 = arith.cmpi eq, %eq3A_637, %eq3A_638 : vector<256x64xi32>
    %slice3A_640 = vector.extract_strided_slice %mul3A_551 {offsets = [0, 256], sizes = [256, 64], strides = [1, 1]} : vector<256x320xf32> to vector<256x64xf32>
    %jit3A_641 = arith.constant -5.000000e+04 : f32
    %broadcast_in_dim3A_642 = vector.broadcast %jit3A_641 : f32 to vector<256x64xf32>
    %select_n3A_643 = arith.select %eq3A_639, %broadcast_in_dim3A_642, %slice3A_640 : vector<256x64xi1>, vector<256x64xf32>
    %ge3A_644 = arith.constant 192 : i32
    %ge3A_645 = vector.broadcast %ge3A_644 : i32 to vector<256x1xi32>
    %ge3A_646 = arith.cmpi sge, %iota3A_552, %ge3A_645 : vector<256x1xi32>
    %lt3A_647 = arith.constant 320 : i32
    %lt3A_648 = vector.broadcast %lt3A_647 : i32 to vector<256x1xi32>
    %lt3A_649 = arith.cmpi slt, %iota3A_552, %lt3A_648 : vector<256x1xi32>
    %and3A_650 = arith.andi %ge3A_646, %lt3A_649 : vector<256x1xi1>
    %jit3A_651 = arith.constant -1.000000e+30 : f32
    %broadcast_in_dim3A_652 = vector.shape_cast %and3A_650 : vector<256x1xi1> to vector<256x1xi1>
    %broadcast_in_dim3A_653 = vector.broadcast %broadcast_in_dim3A_652 : vector<256x1xi1> to vector<256x64xi1>
    %broadcast_in_dim3A_654 = vector.broadcast %jit3A_651 : f32 to vector<256x64xf32>
    %select_n3A_655 = arith.select %broadcast_in_dim3A_653, %select_n3A_643, %broadcast_in_dim3A_654 : vector<256x64xi1>, vector<256x64xf32>
    %concatenate3A_656 = tpu.concatenate %select_n3A_571, %select_n3A_592, %select_n3A_613, %select_n3A_634, %select_n3A_655 in 1 : vector<256x64xf32>, vector<256x64xf32>, vector<256x64xf32>, vector<256x64xf32>, vector<256x64xf32> -> vector<256x320xf32>
    %reduce_max3A_657 = arith.constant dense<0xFF800000> : vector<256xf32>
    %reduce_max3A_658 = vector.multi_reduction <maximumf>, %concatenate3A_656, %reduce_max3A_657 [1] : vector<256x320xf32> to vector<256xf32>
    %broadcast_in_dim3A_659 = vector.shape_cast %reduce_max3A_658 : vector<256xf32> to vector<256x1xf32>
    %sub3A_660 = vector.broadcast %broadcast_in_dim3A_659 : vector<256x1xf32> to vector<256x320xf32>
    %sub3A_661 = arith.subf %concatenate3A_656, %sub3A_660 : vector<256x320xf32>
    %exp3A_662 = math.exp %sub3A_661 : vector<256x320xf32>
    %reduce_sum3A_663 = arith.constant dense<0.000000e+00> : vector<256xf32>
    %reduce_sum3A_664 = vector.multi_reduction <add>, %exp3A_662, %reduce_sum3A_663 [1] : vector<256x320xf32> to vector<256xf32>
    %broadcast_in_dim3A_665 = vector.shape_cast %reduce_sum3A_664 : vector<256xf32> to vector<256x1xf32>
    %log3A_666 = math.log %broadcast_in_dim3A_665 : vector<256x1xf32>
    %add3A_667 = arith.addf %broadcast_in_dim3A_659, %log3A_666 : vector<256x1xf32>
    %div3A_668 = vector.broadcast %broadcast_in_dim3A_665 : vector<256x1xf32> to vector<256x320xf32>
    %div3A_669 = arith.divf %exp3A_662, %div3A_668 : vector<256x320xf32>
    %convert_element_type3A_670 = arith.truncf %div3A_669 : vector<256x320xf32> to vector<256x320xbf16>
    %convert_element_type3A_671 = arith.truncf %concatenate3A_525 : vector<320x64xf32> to vector<320x64xbf16>
    %dot_general3A_672 = arith.constant dense<0.000000e+00> : vector<256x64xf32>
    %dot_general3A_673 = tpu.matmul %convert_element_type3A_670, %convert_element_type3A_671, %dot_general3A_672 {dimension_numbers = #tpu.dot_dimension_numbers<[1], [0], [0], [1], [0, 0, 1, 1], [], []>, transpose_lhs_hint = false} : vector<256x320xbf16>, vector<320x64xbf16>, vector<256x64xf32> -> vector<256x64xf32>
    %broadcast_in_dim3A_674 = arith.constant 0.000000e+00 : f32
    %broadcast_in_dim3A_675 = vector.broadcast %broadcast_in_dim3A_674 : f32 to vector<256x63xf32>
    %concatenate3A_676 = tpu.concatenate %dot_general3A_673, %add3A_667, %broadcast_in_dim3A_675 in 1 : vector<256x64xf32>, vector<256x1xf32>, vector<256x63xf32> -> vector<256x128xf32>
    %reshape3A_677 = vector.shape_cast %concatenate3A_676 : vector<256x128xf32> to vector<4x64x128xf32>
    %swap3A_678 = arith.constant 12 : index
    %swap3A_679 = arith.constant 0 : index
    %swap3A_680 = arith.constant 0 : index
    %swap3A_681 = vector.load %arg6[%swap3A_678, %swap3A_679, %swap3A_680] : memref<16x64x128xf32, #tpu.memory_space<vmem>>, vector<4x64x128xf32>
    tpu.vector_store %arg6[%swap3A_678, %swap3A_679, %swap3A_680], %reshape3A_677 {strides = array<i32>} : memref<16x64x128xf32, #tpu.memory_space<vmem>>, vector<4x64x128xf32>,
    return
  }
  func.func @transform_0(%arg0: i32) -> (i32, i32, i32) {
    %c0_i32 = arith.constant 0 : i32
    %c0_i32_0 = arith.constant 0 : i32
    %c0_i32_1 = arith.constant 0 : i32
    return %arg0, %c0_i32, %c0_i32_0 : i32, i32, i32
  }
  func.func @transform_1(%arg0: i32) -> (i32, i32, i32) {
    %mul3A = arith.constant 16 : i32
    %mul3A_0 = arith.muli %arg0, %mul3A : i32
    %jit3A = arith.constant 512 : i32
    %eq3A = arith.constant 0 : i32
    %eq3A_1 = arith.cmpi eq, %jit3A, %eq3A : i32
    %jit3A_2 = arith.constant 1 : i32
    %select_n3A = arith.select %eq3A_1, %jit3A_2, %jit3A : i32
    %rem3A = arith.remsi %mul3A_0, %select_n3A : i32
    %ne3A = arith.constant 0 : i32
    %ne3A_3 = arith.cmpi ne, %rem3A, %ne3A : i32
    %lt3A = arith.constant 0 : i32
    %lt3A_4 = arith.cmpi slt, %rem3A, %lt3A : i32
    %lt3A_5 = arith.constant 0 : i32
    %lt3A_6 = arith.cmpi slt, %select_n3A, %lt3A_5 : i32
    %ne3A_7 = arith.xori %lt3A_4, %lt3A_6 : i1
    %and3A = arith.andi %ne3A_7, %ne3A_3 : i1
    %add3A = arith.addi %rem3A, %select_n3A : i32
    %select_n3A_8 = arith.select %and3A, %add3A, %rem3A : i32
    %eq3A_9 = arith.constant 0 : i32
    %eq3A_10 = arith.cmpi eq, %select_n3A_8, %eq3A_9 : i32
    %add3A_11 = arith.constant 512 : i32
    %add3A_12 = arith.addi %mul3A_0, %add3A_11 : i32
    %sub3A = arith.constant 1 : i32
    %sub3A_13 = arith.subi %add3A_12, %sub3A : i32
    %sub3A_14 = arith.constant 1 : i32
    %sub3A_15 = arith.subi %mul3A_0, %sub3A_14 : i32
    %select_n3A_16 = arith.select %eq3A_10, %sub3A_13, %sub3A_15 : i32
    %c0_i32 = arith.constant 0 : i32
    %c0_i32_17 = arith.constant 0 : i32
    %c0_i32_18 = arith.constant 0 : i32
    return %select_n3A_16, %c0_i32, %c0_i32_17 : i32, i32, i32
  }
  func.func @transform_2(%arg0: i32) -> (i32, i32, i32) {
    %c0_i32 = arith.constant 0 : i32
    %c0_i32_0 = arith.constant 0 : i32
    %c0_i32_1 = arith.constant 0 : i32
    return %arg0, %c0_i32, %c0_i32_0 : i32, i32, i32
  }
  func.func @transform_3(%arg0: i32) -> (i32, i32, i32) {
    %c0_i32 = arith.constant 0 : i32
    %c0_i32_0 = arith.constant 0 : i32
    %c0_i32_1 = arith.constant 0 : i32
    return %arg0, %c0_i32, %c0_i32_0 : i32, i32, i32
  }
  func.func @transform_4(%arg0: i32) -> (i32, i32, i32) {
    %mul3A = arith.constant 16 : i32
    %mul3A_0 = arith.muli %arg0, %mul3A : i32
    %jit3A = arith.constant 512 : i32
    %eq3A = arith.constant 0 : i32
    %eq3A_1 = arith.cmpi eq, %jit3A, %eq3A : i32
    %jit3A_2 = arith.constant 1 : i32
    %select_n3A = arith.select %eq3A_1, %jit3A_2, %jit3A : i32
    %rem3A = arith.remsi %mul3A_0, %select_n3A : i32
    %ne3A = arith.constant 0 : i32
    %ne3A_3 = arith.cmpi ne, %rem3A, %ne3A : i32
    %lt3A = arith.constant 0 : i32
    %lt3A_4 = arith.cmpi slt, %rem3A, %lt3A : i32
    %lt3A_5 = arith.constant 0 : i32
    %lt3A_6 = arith.cmpi slt, %select_n3A, %lt3A_5 : i32
    %ne3A_7 = arith.xori %lt3A_4, %lt3A_6 : i1
    %and3A = arith.andi %ne3A_7, %ne3A_3 : i1
    %add3A = arith.addi %rem3A, %select_n3A : i32
    %select_n3A_8 = arith.select %and3A, %add3A, %rem3A : i32
    %eq3A_9 = arith.constant 0 : i32
    %eq3A_10 = arith.cmpi eq, %select_n3A_8, %eq3A_9 : i32
    %add3A_11 = arith.constant 512 : i32
    %add3A_12 = arith.addi %mul3A_0, %add3A_11 : i32
    %sub3A = arith.constant 1 : i32
    %sub3A_13 = arith.subi %add3A_12, %sub3A : i32
    %sub3A_14 = arith.constant 1 : i32
    %sub3A_15 = arith.subi %mul3A_0, %sub3A_14 : i32
    %select_n3A_16 = arith.select %eq3A_10, %sub3A_13, %sub3A_15 : i32
    %c0_i32 = arith.constant 0 : i32
    %c0_i32_17 = arith.constant 0 : i32
    %c0_i32_18 = arith.constant 0 : i32
    return %select_n3A_16, %c0_i32, %c0_i32_17 : i32, i32, i32
  }
  func.func @transform_5(%arg0: i32) -> (i32, i32, i32) {
    %c0_i32 = arith.constant 0 : i32
    %c0_i32_0 = arith.constant 0 : i32
    %c0_i32_1 = arith.constant 0 : i32
    return %arg0, %c0_i32, %c0_i32_0 : i32, i32, i32
  }
}

module attributes {stable_mosaic.version = 14 : i64} {
  func.func @_combine_body(%arg0: i32, %arg1: i32, %arg2: memref<1x8x512x128xf32, #tpu.memory_space<vmem>>, %arg3: memref<1x512x64xf32, #tpu.memory_space<vmem>>) attributes {dimension_semantics = [#tpu.dimension_semantics<arbitrary>, #tpu.dimension_semantics<arbitrary>], iteration_bounds = array<i64: 4, 8>, scalar_prefetch = 0 : i64, scratch_operands = 0 : i64, tpu.core_type = #tpu.core_type<tc>, window_params = [{transform_indices = @transform_0, window_bounds = array<i64: 1, 8, 512, 128>}, {transform_indices = @transform_1, window_bounds = array<i64: 1, 512, 64>}]} {
    %get3A = arith.constant 0 : index
    %get3A_0 = arith.constant 0 : index
    %get3A_1 = arith.constant 0 : index
    %get3A_2 = arith.constant 0 : index
    %get3A_3 = vector.load %arg2[%get3A, %get3A_0, %get3A_1, %get3A_2] : memref<1x8x512x128xf32, #tpu.memory_space<vmem>>, vector<1x8x512x128xf32>
    %get3A_4 = vector.shape_cast %get3A_3 : vector<1x8x512x128xf32> to vector<8x512x128xf32>
    %slice3A = vector.extract_strided_slice %get3A_4 {offsets = [0, 0, 0], sizes = [8, 512, 64], strides = [1, 1, 1]} : vector<8x512x128xf32> to vector<8x512x64xf32>
    %slice3A_5 = vector.extract_strided_slice %get3A_4 {offsets = [0, 0, 64], sizes = [8, 512, 1], strides = [1, 1, 1]} : vector<8x512x128xf32> to vector<8x512x1xf32>
    %reduce_max3A = arith.constant dense<0xFF800000> : vector<512x1xf32>
    %reduce_max3A_6 = vector.multi_reduction <maximumf>, %slice3A_5, %reduce_max3A [0] : vector<8x512x1xf32> to vector<512x1xf32>
    %broadcast_in_dim3A = vector.shape_cast %reduce_max3A_6 : vector<512x1xf32> to vector<1x512x1xf32>
    %sub3A = vector.broadcast %broadcast_in_dim3A : vector<1x512x1xf32> to vector<8x512x1xf32>
    %sub3A_7 = arith.subf %slice3A_5, %sub3A : vector<8x512x1xf32>
    %exp3A = math.exp %sub3A_7 : vector<8x512x1xf32>
    %reduce_sum3A = arith.constant dense<0.000000e+00> : vector<512x1xf32>
    %reduce_sum3A_8 = vector.multi_reduction <add>, %exp3A, %reduce_sum3A [0] : vector<8x512x1xf32> to vector<512x1xf32>
    %broadcast_in_dim3A_9 = vector.shape_cast %reduce_sum3A_8 : vector<512x1xf32> to vector<1x512x1xf32>
    %div3A = vector.broadcast %broadcast_in_dim3A_9 : vector<1x512x1xf32> to vector<8x512x1xf32>
    %div3A_10 = arith.divf %exp3A, %div3A : vector<8x512x1xf32>
    %mul3A = vector.broadcast %div3A_10 : vector<8x512x1xf32> to vector<8x512x64xf32>
    %mul3A_11 = arith.mulf %slice3A, %mul3A : vector<8x512x64xf32>
    %reduce_sum3A_12 = arith.constant dense<0.000000e+00> : vector<512x64xf32>
    %reduce_sum3A_13 = vector.multi_reduction <add>, %mul3A_11, %reduce_sum3A_12 [0] : vector<8x512x64xf32> to vector<512x64xf32>
    %swap3A = arith.constant 0 : index
    %swap3A_14 = arith.constant 0 : index
    %swap3A_15 = arith.constant 0 : index
    %swap3A_16 = vector.load %arg3[%swap3A, %swap3A_14, %swap3A_15] : memref<1x512x64xf32, #tpu.memory_space<vmem>>, vector<1x512x64xf32>
    %swap3A_17 = vector.shape_cast %swap3A_16 : vector<1x512x64xf32> to vector<512x64xf32>
    %swap3A_18 = vector.shape_cast %reduce_sum3A_13 : vector<512x64xf32> to vector<1x512x64xf32>
    tpu.vector_store %arg3[%swap3A, %swap3A_14, %swap3A_15], %swap3A_18 {strides = array<i32>} : memref<1x512x64xf32, #tpu.memory_space<vmem>>, vector<1x512x64xf32>,
    return
  }
  func.func @transform_0(%arg0: i32, %arg1: i32) -> (i32, i32, i32, i32) {
    %c0_i32 = arith.constant 0 : i32
    %c0_i32_0 = arith.constant 0 : i32
    %c0_i32_1 = arith.constant 0 : i32
    return %arg0, %c0_i32, %arg1, %c0_i32_0 : i32, i32, i32, i32
  }
  func.func @transform_1(%arg0: i32, %arg1: i32) -> (i32, i32, i32) {
    %c0_i32 = arith.constant 0 : i32
    %c0_i32_0 = arith.constant 0 : i32
    return %arg0, %arg1, %c0_i32 : i32, i32, i32
  }
}

</mosaic_0001>

<sc_bundles>
// kernel: kernel.11.cloned.1.call-start
scs
__scs_entry_jumppad:
0x0: {  	(pc) =	sbr.rel $0x88, $3  }
0x1: {  	(tag) =	ssettag $0x0;
	lr =	simm.s32 $0x1  }
0x2: {  	[smem:$0x3F9E] =	sst lr;
	_ =	strace $0xD0000000  }
0x3: {  	_ = 	snop  }
0x4: {  	_ = 	snop  }
0x5: {  	_ = 	snop  }
0x6: {  	_ = 	snop  }
0x7: {  	_ = 	snop  }
__scs_overlays_trampoline_lowered:
0x8: {  	[smem:$0x3FAD] =	sst s0  }
0x9: {  	[smem:$0x3FAE] =	sst s1  }
0xa: {  	[smem:$0x3FAF] =	sst s2  }
0xb: {  	[smem:$0x3FB0] =	sst s3  }
0xc: {  	[smem:$0x3FB1] =	sst s4  }
0xd: {  	[smem:$0x3FB2] =	sst s5  }
0xe: {  	[smem:$0x3FB3] =	sst s6  }
0xf: {  	[smem:$0x3FB4] =	sst s7  }
0x10: {  	[smem:$0x3FB5] =	sst s8  }
0x11: {  	[smem:$0x3FB6] =	sst s9;
	s0 =	simm.s32 @!p0 $0x0  }
0x12: {  	s1 =	sld [smem:$0x3F9C];
	s0 =	simm.s32 @p0 $0x1  }
0x13: {  	[smem:$0x3FB7] =	sst s0;
	s0 =	simm.s32 @!p1 $0x0  }
0x14: {  	s2 =	sld [smem:$0x3F9B];
	s0 =	simm.s32 @p1 $0x1  }
0x15: {  	[smem:$0x3FB8] =	sst s0;
	s0 =	simm.s32 @!p2 $0x0  }
0x16: {  	s3 =	sld [smem:$0x3FDB];
	s0 =	simm.s32 @p2 $0x1  }
0x17: {  	s4 =	simm.s32 $0x1BF5;
	[smem:$0x3FBA] =	sst s0  }
0x18: {  	s0 =	sld [smem:$0x3F9D];
	_ =	swait.ge [sflag:s4], $0x0  }
0x19: {  	s7 =	sld [smem:$0x3F9E]  }
0x1a: {  	s8 =	sadd.s32 $0xFFFFE003, lr  }
0x1b: {  	s9 =	sadd.s32 $0xFFFFFEF7, lr;
	s5 =	simm.s32 $0xFFFFFFFF;
	p2 =	slt.u32 s8, $0xFFFFF086  }
0x1c: {  	p1 =	slt.u32 s9, $0xF7A;
	s5 =	simm.s32 @!p2 $0x0  }
0x1d: {  	s5 =	simm.s32 @p1 $0x1;
	p0 =	seq.s32 s7, s2  }
0x1e: {  	s7 =	smul.u32 @!p0 $0xF7A, s2;
	p2 =	seq.s32 @!p0 s5, $0x0  }
0x1f: {  	s9 =	smul.u32 $0xF7A, s1;
	s8 =	simm.s32 @!p0 $0x1BF5;
	p2 =	por !p2, p0  }
0x20: {  	[sflag:s8] =	ssyncset.s32 @!p0 $0xFFFFF086;
	s6 =	sadd.s32 @!p0 s3, s7;
	s7 =	simm.s32 @!p0 $0x108  }
0x21: {  	s3 =	sadd.s32 s3, s9;
	s6 =	sadd.s32 @!p0 $0x88, s6;
	s7 =	simm.s32 @p2 $0x1082  }
0x22: {  	[simem:s7], [sflag:s8] =	dma.local @!p0 [hbm:s6], $0xF7A  }
0x23: {  	s9 =	sor.u32 $0xD0000000, s2;
	s6 =	simm.s32 $0x108;
	_ =	swait.ge @!p0 [sflag:s8], $0x0  }
0x24: {  	s3 =	sadd.s32 $0x88, s3;
	s6 =	simm.s32 @!p1 $0x1082;
	[sflag:s4] =	ssyncset.s32 $0xFFFFF086  }
0x25: {  	[simem:s6], [sflag:s4] =	dma.local [hbm:s3], $0xF7A  }
0x26: {  	[smem:$0x3F9E] =	sst s1;
	(tag) =	ssettag s2;
	_ =	strace s9  }
0x27: {  	s1 =	sld [smem:$0x3FAE]  }
0x28: {  	s2 =	sld [smem:$0x3FAF]  }
0x29: {  	s4 =	sld [smem:$0x3FB1]  }
0x2a: {  	p0 =	seq.s32 s5, $0x0;
	s5 =	sld [smem:$0x3FB2]  }
0x2b: {  	s6 =	sld [smem:$0x3FB3]  }
0x2c: {  	s7 =	sld [smem:$0x3FB4]  }
0x2d: {  	s3 =	simm.s32 $0x108;
	s8 =	sld [smem:$0x3FB5]  }
0x2e: {  	s3 =	simm.s32 @!p0 $0x1082;
	s9 =	sld [smem:$0x3FB6]  }
0x2f: {  	lr =	sadd.s32 s0, s3;
	s0 =	sld [smem:$0x3FAD]  }
0x30: {  	s3 =	sld [smem:$0x3FB0]  }
0x31: {  	[smem:$0x3FB9] =	sst s10  }
0x32: {  	s10 =	sld [smem:$0x3FB7];
	_ =	sdelay $0x3  }
0x33: {  	p0 =	seq.s32 s10, $0x1;
	s10 =	sld [smem:$0x3FB9];
	_ =	sdelay $0x3  }
0x34: {  	[smem:$0x3FB9] =	sst s10  }
0x35: {  	s10 =	sld [smem:$0x3FB8];
	_ =	sdelay $0x3  }
0x36: {  	p1 =	seq.s32 s10, $0x1;
	s10 =	sld [smem:$0x3FB9];
	_ =	sdelay $0x3  }
0x37: {  	[smem:$0x3FB9] =	sst s10  }
0x38: {  	s10 =	sld [smem:$0x3FBA]  }
0x39: {  	_ = 	snop;
	(pc) =	sbr.ind lr, $3  }
0x3a: {  	_ = 	snop  }
0x3b: {  	_ = 	snop  }
0x3c: {  	p2 =	seq.s32 s10, $0x1;
	s10 =	sld [smem:$0x3FB9]  }
0x3d: {  	_ =	shalt  }
0x3e: {  	_ =	shalt  }
0x3f: {  	_ =	shalt  }
0x40: {  	_ =	shalt  }
0x41: {  	_ =	shalt  }
0x42: {  	_ =	shalt  }
0x43: {  	_ =	shalt  }
0x44: {  	_ =	shalt  }
0x45: {  	_ =	shalt  }
0x46: {  	_ =	shalt  }
0x47: {  	_ =	shalt  }
0x48: {  	_ =	shalt  }
0x49: {  	_ =	shalt  }
0x4a: {  	_ =	shalt  }
0x4b: {  	_ =	shalt  }
0x4c: {  	_ =	shalt  }
0x4d: {  	_ =	shalt  }
0x4e: {  	_ =	shalt  }
0x4f: {  	_ =	shalt  }
0x50: {  	_ =	shalt  }
0x51: {  	_ =	shalt  }
0x52: {  	_ =	shalt  }
0x53: {  	_ =	shalt  }
0x54: {  	_ =	shalt  }
0x55: {  	_ =	shalt  }
0x56: {  	_ =	shalt  }
0x57: {  	_ =	shalt  }
0x58: {  	_ =	shalt  }
0x59: {  	_ =	shalt  }
0x5a: {  	_ =	shalt  }
0x5b: {  	_ =	shalt  }
0x5c: {  	_ =	shalt  }
0x5d: {  	_ =	shalt  }
0x5e: {  	_ =	shalt  }
0x5f: {  	_ =	shalt  }
0x60: {  	_ =	shalt  }
0x61: {  	_ =	shalt  }
0x62: {  	_ =	shalt  }
0x63: {  	_ =	shalt  }
0x64: {  	_ =	shalt  }
0x65: {  	_ =	shalt  }
0x66: {  	_ =	shalt  }
0x67: {  	_ =	shalt  }
0x68: {  	_ =	shalt  }
0x69: {  	_ =	shalt  }
0x6a: {  	_ =	shalt  }
0x6b: {  	_ =	shalt  }
0x6c: {  	_ =	shalt  }
0x6d: {  	_ =	shalt  }
0x6e: {  	_ =	shalt  }
0x6f: {  	_ =	shalt  }
0x70: {  	_ =	shalt  }
0x71: {  	_ =	shalt  }
0x72: {  	_ =	shalt  }
0x73: {  	_ =	shalt  }
0x74: {  	_ =	shalt  }
0x75: {  	_ =	shalt  }
0x76: {  	_ =	shalt  }
0x77: {  	_ =	shalt  }
0x78: {  	_ =	shalt  }
0x79: {  	_ =	shalt  }
0x7a: {  	_ =	shalt  }
0x7b: {  	_ =	shalt  }
0x7c: {  	_ =	shalt  }
0x7d: {  	_ =	shalt  }
0x7e: {  	_ =	shalt  }
0x7f: {  	_ =	shalt  }
0x80: {  	_ =	shalt  }
0x81: {  	_ =	shalt  }
0x82: {  	_ =	shalt  }
0x83: {  	_ =	shalt  }
0x84: {  	_ =	shalt  }
0x85: {  	_ =	shalt  }
0x86: {  	_ =	shalt  }
0x87: {  	_ =	shalt  }
.Lfunc_end0:
.L_simem_size_0:
called_computation_lowered:
.L_overlay_start_0:
0x88: {  	s2 =	sld [smem:$0x3FD9]  }
0x89: {  	s3 =	sld [smem:$0x3FFE];
	_ =	sdelay $0x1  }
0x8a: {  	s1 =	srdreg.scid  }
0x8b: {  	s0 =	sand.u32 $0x1, s1  }
0x8c: {  	s17 =	sshll.u32 s0, $0xA;
	s2 =	sadd.s32 s3, s2  }
0x8d: {  	s2 =	sadd.s32 s2, s17  }
0x8e: {  	[smem:$0x3FC5] =	sst s2  }
0x8f: {  	_ = 	snop  }
0x90: {  	s2 =	sld [smem:$0x3FD0];
	(tm) =	ssettm $0x1  }
0x91: {  	s18 =	sld [smem:$0x3FFB];
	_ =	sdelay $0x3  }
0x92: {  	_ =	strace s18  }
0x93: {  	s3 =	sld [smem:$0x3FFC];
	_ =	sdelay $0x3  }
0x94: {  	_ =	strace s3  }
0x95: {  	s3 =	sld [smem:$0x3FFD];
	_ =	sdelay $0x3  }
0x96: {  	_ =	strace s3  }
0x97: {  	_ =	strace $0x8FFFFFFF  }
0x98: {  	s19 =	sld [smem:$0x3FDB];
	_ =	sdelay $0x1  }
0x99: {  	s4 =	simm.s32 $_scs_section_size  }
0x9a: {  	s5 =	simm.s32 $_size__tile_overlayer_lowered;
	s6 =	simm.s32 $_tile_overlayer_lowered  }
0x9b: {  	s22 =	simm.s32 $0x1BFF;
	s21 =	sshll.u32 s6, $0x1;
	s3 =	sadd.s32 s4, s19  }
0x9c: {  	s7 =	simm.s32 $0x0;
	s20 =	sshll.u32 s5, $0x1;
	s5 =	sadd.s32 s21, s3  }
0x9d: {  	[timem:s7], [sflag:s22] =	dma.local [hbm:s5], s20  }
0x9e: {  	_ =	swait.ge [sflag:s22], s20  }
0x9f: {  	s4 =	ssub.s32 $0x0, s20;
	[sflag:s22] =	ssyncset.done $0x0  }
0xa0: {  	[sflag:s22] =	ssyncadd.s32 s4;
	_ =	sdelay $0x1  }
0xa1: {  	s23 =	simm.s32 $0x1B8B  }
0xa2: {  	_ =	swait.ge [sflag:s23], $0x1  }
0xa3: {  	[sflag:s23] =	ssyncset.done $0x0  }
0xa4: {  	s25 =	simm.s32 $0x1B8E;
	s24 =	sld [smem:$0x3FFE];
	[sflag:s23] =	ssyncadd.s32 $0xFFFFFFFF  }
0xa5: {  	s26 =	simm.s32 $execute0_lowered;
	[smem:$0x3FD2] =	sst s25  }
0xa6: {  	s5 =	sshll.u32 s26, $0x1;
	_ =	strace $0x80000046;
	[dreg:$0x1] =	wrdreg $0xFFFFFFFF  }
0xa7: {  	s28 =	simm.s32 $_size_execute0_lowered;
	s3 =	sadd.s32 s3, s5;
	[dreg:$0x0] =	wrdreg $0x0  }
0xa8: {  	s5 =	sshll.u32 s28, $0x1;
	[dreg:$0x2] =	wrdreg s3  }
0xa9: {  	[dreg:$0x3] =	wrdreg s5  }
0xaa: {  	[dreg:$0x4] =	wrdreg $0xC0  }
0xab: {  	_ =	task [dreg:s7], $0x5FFFF  }
0xac: {  	[dreg:$0x1] =	wrdreg $0xFFFFFFFF  }
0xad: {  	[dreg:$0x0] =	wrdreg $0x60  }
0xae: {  	[dreg:$0x2] =	wrdreg s2  }
0xaf: {  	[dreg:$0x3] =	wrdreg s24  }
0xb0: {  	[dreg:$0x4] =	wrdreg $0x9  }
0xb1: {  	_ =	task.clear_ibuf [dreg:s7], $0x5FFFF;
	_ =	strace $0x90000046  }
0xb2: {  	s29 =	simm.s32 $0x9;
	_ =	strace $0x80000048  }
0xb3: {  	_ =	swait.ge [sflag:s29], $0x1  }
0xb4: {  	[sflag:s29] =	ssyncadd.s32 $0xFFFFFFFF  }
0xb5: {  	_ =	strace $0x90000048  }
0xb6: {  	_ =	sfence  }
0xb7: {  	s30 =	sld [smem:$0x0];
	_ =	sdelay $0x2  }
0xb8: {  	s31 =	sshll.u32 s1, $0xD;
	s1 =	sshrl.u32 s1, $0x2  }
0xb9: {  	s3 =	sand.u32 $0x4000, s31;
	s1 =	sadd.s32 s1, s30  }
0xba: {  	s0 =	sor.u32 s3, s0;
	s1 =	sshll.u32 s1, $0x11  }
0xbb: {  	s0 =	sor.u32 s1, s0  }
0xbc: {  	s0 =	sadd.s32 $0x8F2B, s0  }
0xbd: {  	[sflag:s0] =	ssyncadd.remote.s32 $0x1  }
0xbe: {  	_ =	sfence.sel $0xFFFF  }
0xbf: {  	[dreg:$0x0] =	wrdreg $0xFFFFFFFF;
	(pc) =	sbr.abs _section_cstart, $3  }
0xc0: {  	[dreg:$0x1] =	wrdreg $0xFFFFFFFF  }
0xc1: {  	_ =	task.clear_ibuf [dreg:s7], $0x2FFFF;
	_ =	strace $0x9FFFFFFF  }
0xc2: {  	(tm) =	ssettm $0x7FFFFFFF  }
0xc3: {  	_ =	shalt  }
tec
execute0_lowered:
.L_overlay_start_1:
0x0: {  	(tag) =	ssettag $0x1  }
0x1: {  	s4 =	rddreg [dreg:$0x0]  }
0x2: {  	s5 =	rddreg [dreg:$0x1]  }
0x3: {  	s0 =	rddreg [dreg:$0x2];
	s2 =	simm.s32 $0x0  }
0x4: {  	s3 =	srdreg.scid;
	s1 =	stileid.u32;
	s13 =	simm.s32 $0x8200  }
0x5: {  	s14 =	simm.s32 $0x180;
	s15 =	simm.s32 $0xC200;
	s16 =	simm.s32 $0x1  }
0x6: {  	s17 =	simm.s32 $0x2;
	s19 =	simm.s32 $0x11200;
	s20 =	simm.s32 $0x0  }
0x7: {  	[smem:$0x7FF] =	sst s2;
	s6 =	sand.u32 $0x1, s3;
	s28 =	sshll.u32 s1, $0x1  }
0x8: {  	s7 =	sadd.s32 $0x2400, s5;
	s3 =	sadd.s32 $0xCA400, s5;
	s30 =	sshll.u32 s1, $0x5  }
0x9: {  	_ =	strace $0x80000047;
	s8 =	sor.u32 s6, s28;
	s9 =	ssub.s32 $0x2, s6  }
0xa: {  	s31 =	sshll.u32 s6, $0x4;
	s10 =	sshll.u32 s8, $0x9;
	s11 =	sshrl.u32 s9, $0x1  }
0xb: {  	s29 =	sshll.u32 s8, $0xB;
	s18 =	sshll.u32 s8, $0xC;
	s8 =	sadd.s32 s30, s7  }
0xc: {  	s12 =	sadd.s32 s10, s5;
	s9 =	ssub.s32 s9, s11;
	s4 =	sadd.s32 s4, s29  }
0xd: {  	s5 =	sadd.s32 s7, s10;
	s8 =	sadd.s32 s31, s8;
	s10 =	simm.s32 $0x80  }
0xe: {  	s11 =	simm.s32 $0x4200;
	v0 =	vmov s18;
	s18 =	simm.s32 $0x3;
	s6 =	sadd.s32 $0xA400, s12  }
0xf: {  	v1 =	vlaneseq.u32;
	s7 =	smax.u32 s9, $0x1;
	s9 =	simm.s32 $0x200;
	s12 =	simm.s32 $0x100  }
.LBB2_1:
0x10: {  	s21 =	sand.u32 $0x30000, s2;
	s22 =	sadd.s32 $0x0, s8  }
0x11: {  	[tilespmem:s2], [sflag:$0x1] =	stream.linear.gather [hbm4b:s22+s2], $0x80, $0x38;
	[tilespmem:$0x12200] =	vst v63  }
0x12: {  	s21 =	sadd.s32 s21, s4  }
0x13: {  	[tilespmem:s9], [sflag:$0x1] =	stream.linear.gather [hbm4b:s21+s2], $0x4000, $0x38;
	[tilespmem:$0x12200] =	vst v63  }
0x14: {  	s23 =	sadd.s32 $0x200, s22  }
0x15: {  	[tilespmem:s10], [sflag:$0x1] =	stream.linear.gather [hbm4b:s23+s2], $0x80, $0x38;
	[tilespmem:$0x12200] =	vst v63  }
0x16: {  	_ = 	snop  }
0x17: {  	[tilespmem:s11], [sflag:$0x1] =	stream.linear.gather [hbm4b:s21+s2], $0x4000, $0x38;
	[tilespmem:$0x12200] =	vst v63  }
0x18: {  	s31 =	sadd.s32 $0x400, s22  }
0x19: {  	[tilespmem:s12], [sflag:$0x1] =	stream.linear.gather [hbm4b:s31+s2], $0x80, $0x38;
	[tilespmem:$0x12200] =	vst v63  }
0x1a: {  	_ = 	snop  }
0x1b: {  	[tilespmem:s13], [sflag:$0x1] =	stream.linear.gather [hbm4b:s21+s2], $0x4000, $0x38;
	[tilespmem:$0x12200] =	vst v63  }
0x1c: {  	s22 =	sadd.s32 $0x600, s22  }
0x1d: {  	[tilespmem:s14], [sflag:$0x1] =	stream.linear.gather [hbm4b:s22+s2], $0x80, $0x38;
	[tilespmem:$0x12200] =	vst v63  }
0x1e: {  	_ = 	snop  }
0x1f: {  	[tilespmem:s15], [sflag:$0x1] =	stream.linear.gather [hbm4b:s21+s2], $0x4000, $0x38;
	[tilespmem:$0x12200] =	vst v63  }
0x20: {  	_ =	swait.ge [sflag:s16], $0x80  }
0x21: {  	[sflag:s16] =	ssyncset.done $0x0  }
0x22: {  	[sflag:s16] =	ssyncadd.s32 $0xFFFFFF80  }
0x23: {  	_ =	swait.ge [sflag:s16], $0x4000  }
0x24: {  	[sflag:s16] =	ssyncset.done $0x0  }
0x25: {  	[sflag:s16] =	ssyncadd.s32 $0xFFFFC000  }
0x26: {  	_ =	swait.ge [sflag:s16], $0x80  }
0x27: {  	[sflag:s16] =	ssyncset.done $0x0  }
0x28: {  	[sflag:s16] =	ssyncadd.s32 $0xFFFFFF80  }
0x29: {  	_ =	swait.ge [sflag:s16], $0x4000  }
0x2a: {  	[sflag:s16] =	ssyncset.done $0x0  }
0x2b: {  	[sflag:s16] =	ssyncadd.s32 $0xFFFFC000  }
0x2c: {  	_ =	swait.ge [sflag:s16], $0x80  }
0x2d: {  	[sflag:s16] =	ssyncset.done $0x0  }
0x2e: {  	[sflag:s16] =	ssyncadd.s32 $0xFFFFFF80  }
0x2f: {  	_ =	swait.ge [sflag:s16], $0x4000  }
0x30: {  	[sflag:s16] =	ssyncset.done $0x0  }
0x31: {  	[sflag:s16] =	ssyncadd.s32 $0xFFFFC000  }
0x32: {  	_ =	swait.ge [sflag:s16], $0x80  }
0x33: {  	[sflag:s16] =	ssyncset.done $0x0  }
0x34: {  	[sflag:s16] =	ssyncadd.s32 $0xFFFFFF80  }
0x35: {  	_ =	swait.ge [sflag:s16], $0x4000  }
0x36: {  	[sflag:s16] =	ssyncset.done $0x0  }
0x37: {  	[sflag:s16] =	ssyncadd.s32 $0xFFFFC000  }
0x38: {  	[hbm4b:s3+s10] =	stream.indirect.scatter [tilespmem:s9], [sflag:$0x2], $0x80, s2, s10, $0xb8;
	[tilespmem:$0x12200] =	vst v63  }
0x39: {  	_ = 	snop  }
0x3a: {  	[hbm4b:s3+s10] =	stream.indirect.scatter [tilespmem:s11], [sflag:$0x2], $0x80, s10, s10, $0xb8;
	[tilespmem:$0x12200] =	vst v63  }
0x3b: {  	_ = 	snop  }
0x3c: {  	[hbm4b:s3+s10] =	stream.indirect.scatter [tilespmem:s13], [sflag:$0x2], $0x80, s12, s10, $0xb8;
	[tilespmem:$0x12200] =	vst v63  }
0x3d: {  	_ = 	snop  }
0x3e: {  	[hbm4b:s3+s10] =	stream.indirect.scatter [tilespmem:s15], [sflag:$0x2], $0x80, s14, s10, $0xb8;
	[tilespmem:$0x12200] =	vst v63  }
0x3f: {  	_ =	swait.ge [sflag:s17], $0x4000  }
0x40: {  	[sflag:s17] =	ssyncset.done $0x0  }
0x41: {  	[sflag:s17] =	ssyncadd.s32 $0xFFFFC000  }
0x42: {  	_ =	swait.ge [sflag:s17], $0x4000  }
0x43: {  	[sflag:s17] =	ssyncset.done $0x0  }
0x44: {  	[sflag:s17] =	ssyncadd.s32 $0xFFFFC000  }
0x45: {  	_ =	swait.ge [sflag:s17], $0x4000  }
0x46: {  	[sflag:s17] =	ssyncset.done $0x0  }
0x47: {  	[sflag:s17] =	ssyncadd.s32 $0xFFFFC000  }
0x48: {  	s23 =	simm.s32 $0x8000;
	_ =	swait.ge [sflag:s17], $0x4000  }
0x49: {  	s22 =	simm.s32 $0x1000;
	s21 =	simm.s32 $0x800;
	[sflag:s17] =	ssyncset.done $0x0  }
.LBB2_2:
0x4a: {  	s24 =	sand.u32 $0x30000, s23  }
0x4b: {  	s25 =	sadd.s32 s21, s8;
	[sflag:s17] =	ssyncadd.s32 $0xFFFFC000;
	s21 =	smov.u32 s22  }
0x4c: {  	[tilespmem:s2], [sflag:$0x1] =	stream.linear.gather [hbm4b:s25+s2], $0x80, $0x38;
	[tilespmem:$0x12200] =	vst v63  }
0x4d: {  	p0 =	sne.s32 s22, $0x3800;
	s22 =	sadd.s32 $0x800, s22;
	s24 =	sadd.s32 s24, s4  }
0x4e: {  	[tilespmem:s9], [sflag:$0x1] =	stream.linear.gather [hbm4b:s24+s2], $0x4000, $0x38;
	[tilespmem:$0x12200] =	vst v63  }
0x4f: {  	s26 =	sadd.s32 $0x200, s25  }
0x50: {  	[tilespmem:s10], [sflag:$0x1] =	stream.linear.gather [hbm4b:s26+s2], $0x80, $0x38;
	[tilespmem:$0x12200] =	vst v63  }
0x51: {  	_ = 	snop  }
0x52: {  	[tilespmem:s11], [sflag:$0x1] =	stream.linear.gather [hbm4b:s24+s2], $0x4000, $0x38;
	[tilespmem:$0x12200] =	vst v63  }
0x53: {  	s26 =	sadd.s32 $0x400, s25  }
0x54: {  	[tilespmem:s12], [sflag:$0x1] =	stream.linear.gather [hbm4b:s26+s2], $0x80, $0x38;
	[tilespmem:$0x12200] =	vst v63  }
0x55: {  	_ = 	snop  }
0x56: {  	[tilespmem:s13], [sflag:$0x1] =	stream.linear.gather [hbm4b:s24+s2], $0x4000, $0x38;
	[tilespmem:$0x12200] =	vst v63  }
0x57: {  	s25 =	sadd.s32 $0x600, s25  }
0x58: {  	[tilespmem:s14], [sflag:$0x1] =	stream.linear.gather [hbm4b:s25+s2], $0x80, $0x38;
	[tilespmem:$0x12200] =	vst v63  }
0x59: {  	_ = 	snop  }
0x5a: {  	[tilespmem:s15], [sflag:$0x1] =	stream.linear.gather [hbm4b:s24+s2], $0x4000, $0x38;
	[tilespmem:$0x12200] =	vst v63  }
0x5b: {  	_ =	swait.ge [sflag:s16], $0x80  }
0x5c: {  	[sflag:s16] =	ssyncset.done $0x0  }
0x5d: {  	[sflag:s16] =	ssyncadd.s32 $0xFFFFFF80  }
0x5e: {  	_ =	swait.ge [sflag:s16], $0x4000  }
0x5f: {  	[sflag:s16] =	ssyncset.done $0x0  }
0x60: {  	[sflag:s16] =	ssyncadd.s32 $0xFFFFC000  }
0x61: {  	_ =	swait.ge [sflag:s16], $0x80  }
0x62: {  	[sflag:s16] =	ssyncset.done $0x0  }
0x63: {  	[sflag:s16] =	ssyncadd.s32 $0xFFFFFF80  }
0x64: {  	_ =	swait.ge [sflag:s16], $0x4000  }
0x65: {  	[sflag:s16] =	ssyncset.done $0x0  }
0x66: {  	[sflag:s16] =	ssyncadd.s32 $0xFFFFC000  }
0x67: {  	_ =	swait.ge [sflag:s16], $0x80  }
0x68: {  	[sflag:s16] =	ssyncset.done $0x0  }
0x69: {  	[sflag:s16] =	ssyncadd.s32 $0xFFFFFF80  }
0x6a: {  	_ =	swait.ge [sflag:s16], $0x4000  }
0x6b: {  	[sflag:s16] =	ssyncset.done $0x0  }
0x6c: {  	[sflag:s16] =	ssyncadd.s32 $0xFFFFC000  }
0x6d: {  	_ =	swait.ge [sflag:s16], $0x80  }
0x6e: {  	[sflag:s16] =	ssyncset.done $0x0  }
0x6f: {  	[sflag:s16] =	ssyncadd.s32 $0xFFFFFF80  }
0x70: {  	_ =	swait.ge [sflag:s16], $0x4000  }
0x71: {  	[sflag:s16] =	ssyncset.done $0x0  }
0x72: {  	[sflag:s16] =	ssyncadd.s32 $0xFFFFC000  }
0x73: {  	[hbm4b:s3+s10] =	stream.indirect.scatter [tilespmem:s9], [sflag:$0x2], $0x80, s2, s10, $0xb8;
	[tilespmem:$0x12200] =	vst v63  }
0x74: {  	_ = 	snop  }
0x75: {  	[hbm4b:s3+s10] =	stream.indirect.scatter [tilespmem:s11], [sflag:$0x2], $0x80, s10, s10, $0xb8;
	[tilespmem:$0x12200] =	vst v63  }
0x76: {  	_ = 	snop  }
0x77: {  	[hbm4b:s3+s10] =	stream.indirect.scatter [tilespmem:s13], [sflag:$0x2], $0x80, s12, s10, $0xb8;
	[tilespmem:$0x12200] =	vst v63  }
0x78: {  	_ = 	snop  }
0x79: {  	[hbm4b:s3+s10] =	stream.indirect.scatter [tilespmem:s15], [sflag:$0x2], $0x80, s14, s10, $0xb8;
	[tilespmem:$0x12200] =	vst v63  }
0x7a: {  	_ =	swait.ge [sflag:s17], $0x4000  }
0x7b: {  	[sflag:s17] =	ssyncset.done $0x0  }
0x7c: {  	[sflag:s17] =	ssyncadd.s32 $0xFFFFC000  }
0x7d: {  	_ =	swait.ge [sflag:s17], $0x4000  }
0x7e: {  	[sflag:s17] =	ssyncset.done $0x0  }
0x7f: {  	[sflag:s17] =	ssyncadd.s32 $0xFFFFC000  }
.Ltmp0:
0x80: {  	_ =	swait.ge [sflag:s17], $0x4000;
	(pc) =	sbr.rel @p0 .LBB2_2-.Ltmp0, $4  }
0x81: {  	[sflag:s17] =	ssyncset.done $0x0  }
0x82: {  	[sflag:s17] =	ssyncadd.s32 $0xFFFFC000  }
0x83: {  	_ =	swait.ge [sflag:s17], $0x4000  }
0x84: {  	s23 =	sadd.s32 $0x8000, s23;
	[sflag:s17] =	ssyncset.done $0x0  }
0x85: {  	s22 =	sand.u32 $0x30000, s23;
	s21 =	sadd.s32 s21, s8;
	[sflag:s17] =	ssyncadd.s32 $0xFFFFC000  }
0x86: {  	[tilespmem:s2], [sflag:$0x1] =	stream.linear.gather [hbm4b:s21+s2], $0x80, $0x38;
	[tilespmem:$0x12200] =	vst v63  }
0x87: {  	s22 =	sadd.s32 s22, s4  }
0x88: {  	[tilespmem:s9], [sflag:$0x1] =	stream.linear.gather [hbm4b:s22+s2], $0x4000, $0x38;
	[tilespmem:$0x12200] =	vst v63  }
0x89: {  	s30 =	sadd.s32 $0x200, s21  }
0x8a: {  	[tilespmem:s10], [sflag:$0x1] =	stream.linear.gather [hbm4b:s30+s2], $0x80, $0x38;
	[tilespmem:$0x12200] =	vst v63  }
0x8b: {  	_ = 	snop  }
0x8c: {  	[tilespmem:s11], [sflag:$0x1] =	stream.linear.gather [hbm4b:s22+s2], $0x4000, $0x38;
	[tilespmem:$0x12200] =	vst v63  }
0x8d: {  	s31 =	sadd.s32 $0x400, s21  }
0x8e: {  	[tilespmem:s12], [sflag:$0x1] =	stream.linear.gather [hbm4b:s31+s2], $0x80, $0x38;
	[tilespmem:$0x12200] =	vst v63  }
0x8f: {  	_ = 	snop  }
0x90: {  	[tilespmem:s13], [sflag:$0x1] =	stream.linear.gather [hbm4b:s22+s2], $0x4000, $0x38;
	[tilespmem:$0x12200] =	vst v63  }
0x91: {  	s21 =	sadd.s32 $0x600, s21  }
0x92: {  	[tilespmem:s14], [sflag:$0x1] =	stream.linear.gather [hbm4b:s21+s2], $0x80, $0x38;
	[tilespmem:$0x12200] =	vst v63  }
0x93: {  	_ = 	snop  }
0x94: {  	[tilespmem:s15], [sflag:$0x1] =	stream.linear.gather [hbm4b:s22+s2], $0x4000, $0x38;
	[tilespmem:$0x12200] =	vst v63  }
0x95: {  	_ =	swait.ge [sflag:s16], $0x80  }
0x96: {  	[sflag:s16] =	ssyncset.done $0x0  }
0x97: {  	[sflag:s16] =	ssyncadd.s32 $0xFFFFFF80  }
0x98: {  	_ =	swait.ge [sflag:s16], $0x4000  }
0x99: {  	[sflag:s16] =	ssyncset.done $0x0  }
0x9a: {  	[sflag:s16] =	ssyncadd.s32 $0xFFFFC000  }
0x9b: {  	_ =	swait.ge [sflag:s16], $0x80  }
0x9c: {  	[sflag:s16] =	ssyncset.done $0x0  }
0x9d: {  	[sflag:s16] =	ssyncadd.s32 $0xFFFFFF80  }
0x9e: {  	_ =	swait.ge [sflag:s16], $0x4000  }
0x9f: {  	[sflag:s16] =	ssyncset.done $0x0  }
0xa0: {  	[sflag:s16] =	ssyncadd.s32 $0xFFFFC000  }
0xa1: {  	_ =	swait.ge [sflag:s16], $0x80  }
0xa2: {  	[sflag:s16] =	ssyncset.done $0x0  }
0xa3: {  	[sflag:s16] =	ssyncadd.s32 $0xFFFFFF80  }
0xa4: {  	_ =	swait.ge [sflag:s16], $0x4000  }
0xa5: {  	[sflag:s16] =	ssyncset.done $0x0  }
0xa6: {  	[sflag:s16] =	ssyncadd.s32 $0xFFFFC000  }
0xa7: {  	_ =	swait.ge [sflag:s16], $0x80  }
0xa8: {  	[sflag:s16] =	ssyncset.done $0x0  }
0xa9: {  	[sflag:s16] =	ssyncadd.s32 $0xFFFFFF80  }
0xaa: {  	_ =	swait.ge [sflag:s16], $0x4000  }
0xab: {  	[sflag:s16] =	ssyncset.done $0x0  }
0xac: {  	[sflag:s16] =	ssyncadd.s32 $0xFFFFC000  }
0xad: {  	[hbm4b:s3+s10] =	stream.indirect.scatter [tilespmem:s9], [sflag:$0x2], $0x80, s2, s10, $0xb8;
	[tilespmem:$0x12200] =	vst v63  }
0xae: {  	_ = 	snop  }
0xaf: {  	[hbm4b:s3+s10] =	stream.indirect.scatter [tilespmem:s11], [sflag:$0x2], $0x80, s10, s10, $0xb8;
	[tilespmem:$0x12200] =	vst v63  }
0xb0: {  	_ = 	snop  }
0xb1: {  	[hbm4b:s3+s10] =	stream.indirect.scatter [tilespmem:s13], [sflag:$0x2], $0x80, s12, s10, $0xb8;
	[tilespmem:$0x12200] =	vst v63  }
0xb2: {  	_ = 	snop  }
0xb3: {  	[hbm4b:s3+s10] =	stream.indirect.scatter [tilespmem:s15], [sflag:$0x2], $0x80, s14, s10, $0xb8;
	[tilespmem:$0x12200] =	vst v63  }
0xb4: {  	_ =	swait.ge [sflag:s17], $0x4000  }
0xb5: {  	[sflag:s17] =	ssyncset.done $0x0  }
0xb6: {  	[sflag:s17] =	ssyncadd.s32 $0xFFFFC000  }
0xb7: {  	_ =	swait.ge [sflag:s17], $0x4000  }
0xb8: {  	[sflag:s17] =	ssyncset.done $0x0  }
0xb9: {  	[sflag:s17] =	ssyncadd.s32 $0xFFFFC000  }
0xba: {  	_ =	swait.ge [sflag:s17], $0x4000  }
0xbb: {  	[sflag:s17] =	ssyncset.done $0x0  }
0xbc: {  	[sflag:s17] =	ssyncadd.s32 $0xFFFFC000  }
0xbd: {  	_ =	swait.ge [sflag:s17], $0x4000  }
0xbe: {  	[sflag:s17] =	ssyncset.done $0x0  }
0xbf: {  	s21 =	simm.s32 $0x0;
	s22 =	simm.s32 $0x10200;
	[sflag:s17] =	ssyncadd.s32 $0xFFFFC000  }
0xc0: {  	[tilespmem:s22], [sflag:$0x3] =	stream.linear.gather [hbm4b:s5+s21], $0x1000, $0x38;
	[tilespmem:$0x12200] =	vst v63  }
0xc1: {  	_ =	swait.ge [sflag:s18], $0x1000  }
0xc2: {  	[sflag:s18] =	ssyncset.done $0x0  }
0xc3: {  	[sflag:s18] =	ssyncadd.s32 $0xFFFFF000  }
0xc4: {  	s23 =	simm.s32 $0x10;
	v2 =	vld [tilespmem:s22+$0x0]  }
.LBB2_4:
0xc5: {  	p0 =	sne.s32 s23, $0xFF0;
	_ =	sdelay $0x3  }
0xc6: {  	v3 =	vsub.s32 v2, v0  }
0xc7: {  	v2 =	vand.u32 $0x7F, v2;
	v3 =	vand.u32 $0xFFFFFF80, v3  }
0xc8: {  	v2 =	vor.u32 v2, v3;
	_ =	sdelay $0x1  }
.Ltmp1:
0xc9: {  	(pc) =	sbr.rel @p0 .LBB2_4-.Ltmp1, $4  }
0xca: {  	_ = 	snop  }
0xcb: {  	v3 =	vor.u32 s21, v1;
	s21 =	smov.u32 s23  }
0xcc: {  	s22 =	sadd.s32 $0x10, s22;
	[tilespmem:v2+s19+$0x0] =	vst.idx.msk $0xffff, v3  }
0xcd: {  	s23 =	sadd.s32 $0x10, s23;
	v2 =	vld [tilespmem:s22+$0x0]  }
0xce: {  	_ =	sdelay $0x3  }
0xcf: {  	v3 =	vsub.s32 v2, v0  }
0xd0: {  	v2 =	vand.u32 $0x7F, v2;
	v3 =	vand.u32 $0xFFFFFF80, v3  }
0xd1: {  	v2 =	vor.u32 v2, v3;
	_ =	sdelay $0x2  }
0xd2: {  	s20 =	sadd.s32 $0x1, s20  }
0xd3: {  	p0 =	sne.s32 s20, s7;
	v3 =	vor.u32 s21, v1  }
.Ltmp2:
0xd4: {  	[tilespmem:v2+s19+$0x0] =	vst.idx.msk $0xffff, v3;
	(pc) =	sbr.rel @p0 .LBB2_1-.Ltmp2, $4  }
0xd5: {  	[hbm4b:s6+s2] =	stream.linear.scatter [tilespmem:s19], [sflag:$0x3], $0x1000, $0x38;
	[tilespmem:$0x12200] =	vst v63  }
0xd6: {  	_ =	swait.ge [sflag:s18], $0x1000  }
0xd7: {  	[sflag:s18] =	ssyncset.done $0x0  }
0xd8: {  	[sflag:s18] =	ssyncadd.s32 $0xFFFFF000  }
0xd9: {  	_ =	sfence.sel $0x180000  }
0xda: {  	[bflag:$0x0] =	sbarrier.arrive $0xFFFF  }
0xdb: {  	p0 =	sne.s32 s1, $0x0;
	_ =	strace $0x90000047  }
0xdc: {  	s0 =	sadd.s32 @!p0 $0x100000, s0;
	[bflag:$0x2] =	sbarrier.arrive $0xFFFF  }
0xdd: {  	[sflag:s0] =	ssyncadd.tile.s32 @!p0 $0x1;
	_ =	shalt  }
.Lfunc_end2:
_tile_overlayer_lowered:
.L_overlay_start_2:
0xde: {  	(tag) =	ssettag $0x2  }
0xdf: {  	s0 =	rddreg [dreg:$0x0];
	s2 =	stileid.u32  }
0xe0: {  	s1 =	rddreg [dreg:$0x1];
	p0 =	sne.s32 s2, $0x0  }
0xe1: {  	s3 =	rddreg [dreg:$0x2];
	[bflag:$0x3] =	sbarrier.arrive $0xFFFF;
	s2 =	simm.s32 @!p0 $0x1C03  }
0xe2: {  	[timem:s3], [sflag:s2] =	dma.local @!p0 [hbm:s0], s1  }
0xe3: {  	s0 =	simm.s32 @!p0 $0x3  }
0xe4: {  	_ =	swait.ge @!p0 [sflag:s0], s1  }
0xe5: {  	s1 =	ssub.s32 @!p0 $0x0, s1;
	[sflag:s0] =	ssyncset.done @!p0 $0x0  }
0xe6: {  	[sflag:s0] =	ssyncadd.s32 @!p0 s1  }
0xe7: {  	[bflag:$0x3] =	sbarrier.arrive $0xFFFF  }
0xe8: {  	_ =	shalt  }

// kernel: kernel.14.cloned.1.call-start
scs
__scs_entry_jumppad:
0x0: {  	(pc) =	sbr.rel $0x88, $3  }
0x1: {  	(tag) =	ssettag $0x0;
	lr =	simm.s32 $0x1  }
0x2: {  	[smem:$0x3F9E] =	sst lr;
	_ =	strace $0xD0000000  }
0x3: {  	_ = 	snop  }
0x4: {  	_ = 	snop  }
0x5: {  	_ = 	snop  }
0x6: {  	_ = 	snop  }
0x7: {  	_ = 	snop  }
__scs_overlays_trampoline_lowered:
0x8: {  	[smem:$0x3FAD] =	sst s0  }
0x9: {  	[smem:$0x3FAE] =	sst s1  }
0xa: {  	[smem:$0x3FAF] =	sst s2  }
0xb: {  	[smem:$0x3FB0] =	sst s3  }
0xc: {  	[smem:$0x3FB1] =	sst s4  }
0xd: {  	[smem:$0x3FB2] =	sst s5  }
0xe: {  	[smem:$0x3FB3] =	sst s6  }
0xf: {  	[smem:$0x3FB4] =	sst s7  }
0x10: {  	[smem:$0x3FB5] =	sst s8  }
0x11: {  	[smem:$0x3FB6] =	sst s9;
	s0 =	simm.s32 @!p0 $0x0  }
0x12: {  	s1 =	sld [smem:$0x3F9C];
	s0 =	simm.s32 @p0 $0x1  }
0x13: {  	[smem:$0x3FB7] =	sst s0;
	s0 =	simm.s32 @!p1 $0x0  }
0x14: {  	s2 =	sld [smem:$0x3F9B];
	s0 =	simm.s32 @p1 $0x1  }
0x15: {  	[smem:$0x3FB8] =	sst s0;
	s0 =	simm.s32 @!p2 $0x0  }
0x16: {  	s3 =	sld [smem:$0x3FDB];
	s0 =	simm.s32 @p2 $0x1  }
0x17: {  	s4 =	simm.s32 $0x1BF5;
	[smem:$0x3FBA] =	sst s0  }
0x18: {  	s0 =	sld [smem:$0x3F9D];
	_ =	swait.ge [sflag:s4], $0x0  }
0x19: {  	s7 =	sld [smem:$0x3F9E]  }
0x1a: {  	s8 =	sadd.s32 $0xFFFFE003, lr  }
0x1b: {  	s9 =	sadd.s32 $0xFFFFFEF7, lr;
	s5 =	simm.s32 $0xFFFFFFFF;
	p2 =	slt.u32 s8, $0xFFFFF086  }
0x1c: {  	p1 =	slt.u32 s9, $0xF7A;
	s5 =	simm.s32 @!p2 $0x0  }
0x1d: {  	s5 =	simm.s32 @p1 $0x1;
	p0 =	seq.s32 s7, s2  }
0x1e: {  	s7 =	smul.u32 @!p0 $0xF7A, s2;
	p2 =	seq.s32 @!p0 s5, $0x0  }
0x1f: {  	s9 =	smul.u32 $0xF7A, s1;
	s8 =	simm.s32 @!p0 $0x1BF5;
	p2 =	por !p2, p0  }
0x20: {  	[sflag:s8] =	ssyncset.s32 @!p0 $0xFFFFF086;
	s6 =	sadd.s32 @!p0 s3, s7;
	s7 =	simm.s32 @!p0 $0x108  }
0x21: {  	s3 =	sadd.s32 s3, s9;
	s6 =	sadd.s32 @!p0 $0x88, s6;
	s7 =	simm.s32 @p2 $0x1082  }
0x22: {  	[simem:s7], [sflag:s8] =	dma.local @!p0 [hbm:s6], $0xF7A  }
0x23: {  	s9 =	sor.u32 $0xD0000000, s2;
	s6 =	simm.s32 $0x108;
	_ =	swait.ge @!p0 [sflag:s8], $0x0  }
0x24: {  	s3 =	sadd.s32 $0x88, s3;
	s6 =	simm.s32 @!p1 $0x1082;
	[sflag:s4] =	ssyncset.s32 $0xFFFFF086  }
0x25: {  	[simem:s6], [sflag:s4] =	dma.local [hbm:s3], $0xF7A  }
0x26: {  	[smem:$0x3F9E] =	sst s1;
	(tag) =	ssettag s2;
	_ =	strace s9  }
0x27: {  	s1 =	sld [smem:$0x3FAE]  }
0x28: {  	s2 =	sld [smem:$0x3FAF]  }
0x29: {  	s4 =	sld [smem:$0x3FB1]  }
0x2a: {  	p0 =	seq.s32 s5, $0x0;
	s5 =	sld [smem:$0x3FB2]  }
0x2b: {  	s6 =	sld [smem:$0x3FB3]  }
0x2c: {  	s7 =	sld [smem:$0x3FB4]  }
0x2d: {  	s3 =	simm.s32 $0x108;
	s8 =	sld [smem:$0x3FB5]  }
0x2e: {  	s3 =	simm.s32 @!p0 $0x1082;
	s9 =	sld [smem:$0x3FB6]  }
0x2f: {  	lr =	sadd.s32 s0, s3;
	s0 =	sld [smem:$0x3FAD]  }
0x30: {  	s3 =	sld [smem:$0x3FB0]  }
0x31: {  	[smem:$0x3FB9] =	sst s10  }
0x32: {  	s10 =	sld [smem:$0x3FB7];
	_ =	sdelay $0x3  }
0x33: {  	p0 =	seq.s32 s10, $0x1;
	s10 =	sld [smem:$0x3FB9];
	_ =	sdelay $0x3  }
0x34: {  	[smem:$0x3FB9] =	sst s10  }
0x35: {  	s10 =	sld [smem:$0x3FB8];
	_ =	sdelay $0x3  }
0x36: {  	p1 =	seq.s32 s10, $0x1;
	s10 =	sld [smem:$0x3FB9];
	_ =	sdelay $0x3  }
0x37: {  	[smem:$0x3FB9] =	sst s10  }
0x38: {  	s10 =	sld [smem:$0x3FBA]  }
0x39: {  	_ = 	snop;
	(pc) =	sbr.ind lr, $3  }
0x3a: {  	_ = 	snop  }
0x3b: {  	_ = 	snop  }
0x3c: {  	p2 =	seq.s32 s10, $0x1;
	s10 =	sld [smem:$0x3FB9]  }
0x3d: {  	_ =	shalt  }
0x3e: {  	_ =	shalt  }
0x3f: {  	_ =	shalt  }
0x40: {  	_ =	shalt  }
0x41: {  	_ =	shalt  }
0x42: {  	_ =	shalt  }
0x43: {  	_ =	shalt  }
0x44: {  	_ =	shalt  }
0x45: {  	_ =	shalt  }
0x46: {  	_ =	shalt  }
0x47: {  	_ =	shalt  }
0x48: {  	_ =	shalt  }
0x49: {  	_ =	shalt  }
0x4a: {  	_ =	shalt  }
0x4b: {  	_ =	shalt  }
0x4c: {  	_ =	shalt  }
0x4d: {  	_ =	shalt  }
0x4e: {  	_ =	shalt  }
0x4f: {  	_ =	shalt  }
0x50: {  	_ =	shalt  }
0x51: {  	_ =	shalt  }
0x52: {  	_ =	shalt  }
0x53: {  	_ =	shalt  }
0x54: {  	_ =	shalt  }
0x55: {  	_ =	shalt  }
0x56: {  	_ =	shalt  }
0x57: {  	_ =	shalt  }
0x58: {  	_ =	shalt  }
0x59: {  	_ =	shalt  }
0x5a: {  	_ =	shalt  }
0x5b: {  	_ =	shalt  }
0x5c: {  	_ =	shalt  }
0x5d: {  	_ =	shalt  }
0x5e: {  	_ =	shalt  }
0x5f: {  	_ =	shalt  }
0x60: {  	_ =	shalt  }
0x61: {  	_ =	shalt  }
0x62: {  	_ =	shalt  }
0x63: {  	_ =	shalt  }
0x64: {  	_ =	shalt  }
0x65: {  	_ =	shalt  }
0x66: {  	_ =	shalt  }
0x67: {  	_ =	shalt  }
0x68: {  	_ =	shalt  }
0x69: {  	_ =	shalt  }
0x6a: {  	_ =	shalt  }
0x6b: {  	_ =	shalt  }
0x6c: {  	_ =	shalt  }
0x6d: {  	_ =	shalt  }
0x6e: {  	_ =	shalt  }
0x6f: {  	_ =	shalt  }
0x70: {  	_ =	shalt  }
0x71: {  	_ =	shalt  }
0x72: {  	_ =	shalt  }
0x73: {  	_ =	shalt  }
0x74: {  	_ =	shalt  }
0x75: {  	_ =	shalt  }
0x76: {  	_ =	shalt  }
0x77: {  	_ =	shalt  }
0x78: {  	_ =	shalt  }
0x79: {  	_ =	shalt  }
0x7a: {  	_ =	shalt  }
0x7b: {  	_ =	shalt  }
0x7c: {  	_ =	shalt  }
0x7d: {  	_ =	shalt  }
0x7e: {  	_ =	shalt  }
0x7f: {  	_ =	shalt  }
0x80: {  	_ =	shalt  }
0x81: {  	_ =	shalt  }
0x82: {  	_ =	shalt  }
0x83: {  	_ =	shalt  }
0x84: {  	_ =	shalt  }
0x85: {  	_ =	shalt  }
0x86: {  	_ =	shalt  }
0x87: {  	_ =	shalt  }
.Lfunc_end0:
.L_simem_size_0:
called_computation.1_lowered:
.L_overlay_start_0:
0x88: {  	s2 =	sld [smem:$0x3FD9]  }
0x89: {  	s3 =	sld [smem:$0x3FFE];
	_ =	sdelay $0x1  }
0x8a: {  	s1 =	srdreg.scid  }
0x8b: {  	s0 =	sand.u32 $0x1, s1  }
0x8c: {  	s17 =	sshll.u32 s0, $0xA;
	s2 =	sadd.s32 s3, s2  }
0x8d: {  	s2 =	sadd.s32 s2, s17  }
0x8e: {  	[smem:$0x3FC5] =	sst s2  }
0x8f: {  	_ = 	snop  }
0x90: {  	(tm) =	ssettm $0x1  }
0x91: {  	s18 =	sld [smem:$0x3FFB];
	_ =	sdelay $0x3  }
0x92: {  	_ =	strace s18  }
0x93: {  	s2 =	sld [smem:$0x3FFC];
	_ =	sdelay $0x3  }
0x94: {  	_ =	strace s2  }
0x95: {  	s2 =	sld [smem:$0x3FFD];
	_ =	sdelay $0x3  }
0x96: {  	_ =	strace s2  }
0x97: {  	_ =	strace $0x8FFFFFFF  }
0x98: {  	s19 =	sld [smem:$0x3FDB];
	_ =	sdelay $0x1  }
0x99: {  	s20 =	simm.s32 $_scs_section_size  }
0x9a: {  	s4 =	simm.s32 $_size__tile_overlayer_lowered;
	s5 =	simm.s32 $_tile_overlayer_lowered  }
0x9b: {  	s6 =	simm.s32 $0x1BFF;
	s21 =	sshll.u32 s5, $0x1;
	s3 =	sadd.s32 s20, s19  }
0x9c: {  	s22 =	simm.s32 $0x0;
	s4 =	sshll.u32 s4, $0x1;
	s5 =	sadd.s32 s21, s3  }
0x9d: {  	[timem:s22], [sflag:s6] =	dma.local [hbm:s5], s4  }
0x9e: {  	_ =	swait.ge [sflag:s6], s4  }
0x9f: {  	s4 =	ssub.s32 $0x0, s4;
	[sflag:s6] =	ssyncset.done $0x0  }
0xa0: {  	[sflag:s6] =	ssyncadd.s32 s4;
	_ =	sdelay $0x1  }
0xa1: {  	s23 =	simm.s32 $0x1B8B  }
0xa2: {  	_ =	swait.ge [sflag:s23], $0x1  }
0xa3: {  	[sflag:s23] =	ssyncset.done $0x0  }
0xa4: {  	[sflag:s23] =	ssyncadd.s32 $0xFFFFFFFF  }
0xa5: {  	s4 =	sld [smem:$0x0]  }
0xa6: {  	s5 =	sand.u32 $0xFFFFFFFE, s1  }
0xa7: {  	p0 =	sne.s32 s1, s5  }
0xa8: {  	s5 =	sshll.u32 @p0 s5, $0xE  }
0xa9: {  	s5 =	sadd.s32 @p0 $0x11B8D, s5;
	s6 =	sshll.u32 @p0 s4, $0x11  }
0xaa: {  	s5 =	sor.u32 @p0 s6, s5  }
0xab: {  	[sflag:s5] =	ssyncadd.remote.s32 @p0 $0x1;
	_ =	sdelay $0x1  }
0xac: {  	s5 =	simm.s32 @p0 $0x1B8D  }
0xad: {  	_ =	swait.eq @p0 [sflag:s5], $0x1  }
0xae: {  	[sflag:s5] =	ssyncadd.s32 @p0 $0xFFFFFFFF  }
0xaf: {  	s6 =	sshll.u32 @!p0 s1, $0xE  }
0xb0: {  	s6 =	sor.u32 @!p0 $0x4000, s6;
	s5 =	simm.s32 @!p0 $0x1B8D  }
0xb1: {  	s4 =	sshll.u32 @!p0 s4, $0x11;
	s6 =	sadd.s32 @!p0 $0x11B8D, s6;
	_ =	swait.eq @!p0 [sflag:s5], $0x1  }
0xb2: {  	s4 =	sor.u32 @!p0 s4, s6;
	[sflag:s5] =	ssyncadd.s32 @!p0 $0xFFFFFFFF  }
0xb3: {  	s25 =	simm.s32 $0x1B8E;
	s24 =	sld [smem:$0x3FFE];
	[sflag:s4] =	ssyncadd.remote.s32 @!p0 $0x1  }
0xb4: {  	s26 =	simm.s32 $execute0_lowered;
	[smem:$0x3FD2] =	sst s25  }
0xb5: {  	s5 =	sshll.u32 s26, $0x1;
	_ =	strace $0x8000004C;
	[dreg:$0x1] =	wrdreg $0xFFFFFFFF  }
0xb6: {  	s28 =	simm.s32 $_size_execute0_lowered;
	s3 =	sadd.s32 s3, s5;
	[dreg:$0x0] =	wrdreg $0x0  }
0xb7: {  	s5 =	sshll.u32 s28, $0x1;
	[dreg:$0x2] =	wrdreg s3  }
0xb8: {  	[dreg:$0x3] =	wrdreg s5  }
0xb9: {  	[dreg:$0x4] =	wrdreg $0xC0  }
0xba: {  	_ =	task [dreg:s22], $0x5FFFF  }
0xbb: {  	[dreg:$0x1] =	wrdreg $0xFFFFFFFF  }
0xbc: {  	[dreg:$0x0] =	wrdreg $0x60  }
0xbd: {  	[dreg:$0x2] =	wrdreg s24  }
0xbe: {  	[dreg:$0x3] =	wrdreg $0x9  }
0xbf: {  	_ =	task.clear_ibuf [dreg:s22], $0x4FFFF;
	_ =	strace $0x9000004C  }
0xc0: {  	s29 =	simm.s32 $0x9;
	_ =	strace $0x8000004E  }
0xc1: {  	_ =	swait.ge [sflag:s29], $0x1  }
0xc2: {  	[sflag:s29] =	ssyncadd.s32 $0xFFFFFFFF  }
0xc3: {  	_ =	strace $0x9000004E  }
0xc4: {  	_ =	sfence  }
0xc5: {  	s30 =	sld [smem:$0x0];
	_ =	sdelay $0x2  }
0xc6: {  	s31 =	sshll.u32 s1, $0xD;
	s1 =	sshrl.u32 s1, $0x2  }
0xc7: {  	s4 =	sand.u32 $0x4000, s31;
	s1 =	sadd.s32 s1, s30  }
0xc8: {  	s0 =	sor.u32 s4, s0;
	s1 =	sshll.u32 s1, $0x11  }
0xc9: {  	s0 =	sor.u32 s1, s0  }
0xca: {  	s0 =	sadd.s32 $0x8F2B, s0  }
0xcb: {  	[sflag:s0] =	ssyncadd.remote.s32 $0x1  }
0xcc: {  	_ =	sfence.sel $0xFFFF  }
0xcd: {  	[dreg:$0x0] =	wrdreg $0xFFFFFFFF;
	(pc) =	sbr.abs _section_cstart, $3  }
0xce: {  	[dreg:$0x1] =	wrdreg $0xFFFFFFFF  }
0xcf: {  	_ =	task.clear_ibuf [dreg:s22], $0x2FFFF;
	_ =	strace $0x9FFFFFFF  }
0xd0: {  	(tm) =	ssettm $0x7FFFFFFF  }
0xd1: {  	_ =	shalt  }
tec
execute0_lowered:
.L_overlay_start_1:
0x0: {  	(tag) =	ssettag $0x1  }
0x1: {  	s4 =	rddreg [dreg:$0x0]  }
0x2: {  	s0 =	rddreg [dreg:$0x1];
	s1 =	simm.s32 $0x0  }
0x3: {  	s2 =	srdreg.scid;
	s12 =	simm.s32 $0x200;
	s13 =	simm.s32 $0x4200  }
0x4: {  	s14 =	simm.s32 $0x8200;
	s15 =	simm.s32 $0xC200;
	s16 =	simm.s32 $0x2  }
0x5: {  	s17 =	simm.s32 $0x0;
	[smem:$0x7FF] =	sst s1;
	s5 =	sand.u32 $0x1, s2  }
0x6: {  	s2 =	stileid.u32;
	s3 =	sadd.s32 $0x6CA400, s4;
	s9 =	sadd.s32 $0x2400, s4  }
0x7: {  	_ =	strace $0x8000004D;
	s6 =	ssub.s32 $0x2, s5;
	s7 =	sshll.u32 s2, $0xC  }
0x8: {  	s25 =	sshll.u32 s5, $0xB;
	s28 =	sshll.u32 s2, $0x5;
	s29 =	sshll.u32 s2, $0x8  }
0x9: {  	s10 =	sshll.u32 s5, $0x7;
	s8 =	sshrl.u32 s6, $0x1;
	s7 =	sadd.s32 s7, s4  }
0xa: {  	s11 =	sshll.u32 s5, $0x4;
	s6 =	ssub.s32 s6, s8;
	s26 =	sadd.s32 s25, s7  }
0xb: {  	s7 =	sadd.s32 s28, s9;
	s8 =	sor.u32 s10, s29;
	s10 =	simm.s32 $0x180  }
0xc: {  	s4 =	smax.u32 s6, $0x1;
	s5 =	sadd.s32 $0xCA400, s26;
	s30 =	sadd.s32 s11, s7  }
0xd: {  	s31 =	sshrl.u32 s8, $0x3;
	s8 =	simm.s32 $0x80;
	s11 =	simm.s32 $0x1  }
0xe: {  	s6 =	sadd.s32 $0x600, s30;
	s7 =	sadd.s32 s31, s9;
	s9 =	simm.s32 $0x100  }
.LBB2_1:
0xf: {  	[tilespmem:s1], [sflag:$0x1] =	stream.linear.gather [hbm4b:s7+s1], $0x80, $0x38;
	[tilespmem:$0x10200] =	vst v63  }
0x10: {  	s18 =	sadd.s32 $0xFFFFFC00, s6  }
0x11: {  	[tilespmem:s8], [sflag:$0x1] =	stream.linear.gather [hbm4b:s18+s1], $0x80, $0x38;
	[tilespmem:$0x10200] =	vst v63  }
0x12: {  	s29 =	sadd.s32 $0xFFFFFE00, s6  }
0x13: {  	[tilespmem:s9], [sflag:$0x1] =	stream.linear.gather [hbm4b:s29+s1], $0x80, $0x38;
	[tilespmem:$0x10200] =	vst v63  }
0x14: {  	_ = 	snop  }
0x15: {  	[tilespmem:s10], [sflag:$0x1] =	stream.linear.gather [hbm4b:s6+s1], $0x80, $0x38;
	[tilespmem:$0x10200] =	vst v63  }
0x16: {  	_ =	swait.ge [sflag:s11], $0x80  }
0x17: {  	[sflag:s11] =	ssyncset.done $0x0  }
0x18: {  	[sflag:s11] =	ssyncadd.s32 $0xFFFFFF80  }
0x19: {  	_ =	swait.ge [sflag:s11], $0x80  }
0x1a: {  	[sflag:s11] =	ssyncset.done $0x0  }
0x1b: {  	[sflag:s11] =	ssyncadd.s32 $0xFFFFFF80  }
0x1c: {  	_ =	swait.ge [sflag:s11], $0x80  }
0x1d: {  	[sflag:s11] =	ssyncset.done $0x0  }
0x1e: {  	[sflag:s11] =	ssyncadd.s32 $0xFFFFFF80  }
0x1f: {  	_ =	swait.ge [sflag:s11], $0x80  }
0x20: {  	[sflag:s11] =	ssyncset.done $0x0  }
0x21: {  	[sflag:s11] =	ssyncadd.s32 $0xFFFFFF80  }
0x22: {  	[tilespmem:s12], [sflag:$0x1] =	stream.indirect.gather [hbm4b:s3+s8], $0x80, s1, s8, $0xb8;
	[tilespmem:$0x10200] =	vst v63  }
0x23: {  	_ = 	snop  }
0x24: {  	[tilespmem:s13], [sflag:$0x1] =	stream.indirect.gather [hbm4b:s3+s8], $0x80, s8, s8, $0xb8;
	[tilespmem:$0x10200] =	vst v63  }
0x25: {  	_ = 	snop  }
0x26: {  	[tilespmem:s14], [sflag:$0x1] =	stream.indirect.gather [hbm4b:s3+s8], $0x80, s9, s8, $0xb8;
	[tilespmem:$0x10200] =	vst v63  }
0x27: {  	_ = 	snop  }
0x28: {  	[tilespmem:s15], [sflag:$0x1] =	stream.indirect.gather [hbm4b:s3+s8], $0x80, s10, s8, $0xb8;
	[tilespmem:$0x10200] =	vst v63  }
0x29: {  	_ =	swait.ge [sflag:s11], $0x4000  }
0x2a: {  	[sflag:s11] =	ssyncset.done $0x0  }
0x2b: {  	[sflag:s11] =	ssyncadd.s32 $0xFFFFC000  }
0x2c: {  	_ =	swait.ge [sflag:s11], $0x4000  }
0x2d: {  	[sflag:s11] =	ssyncset.done $0x0  }
0x2e: {  	[sflag:s11] =	ssyncadd.s32 $0xFFFFC000  }
0x2f: {  	_ =	swait.ge [sflag:s11], $0x4000  }
0x30: {  	[sflag:s11] =	ssyncset.done $0x0  }
0x31: {  	[sflag:s11] =	ssyncadd.s32 $0xFFFFC000  }
0x32: {  	_ =	swait.ge [sflag:s11], $0x4000  }
0x33: {  	[sflag:s11] =	ssyncset.done $0x0  }
0x34: {  	s30 =	sadd.s32 $0x0, s5;
	[sflag:s11] =	ssyncadd.s32 $0xFFFFC000  }
0x35: {  	[hbm4b:s30+s1] =	stream.linear.scatter [tilespmem:s12], [sflag:$0x2], $0x4000, $0x38;
	[tilespmem:$0x10200] =	vst v63  }
0x36: {  	s19 =	sadd.s32 $0x10000, s30  }
0x37: {  	[hbm4b:s19+s1] =	stream.linear.scatter [tilespmem:s13], [sflag:$0x2], $0x4000, $0x38;
	[tilespmem:$0x10200] =	vst v63  }
0x38: {  	s31 =	sadd.s32 $0x20000, s30  }
0x39: {  	[hbm4b:s31+s1] =	stream.linear.scatter [tilespmem:s14], [sflag:$0x2], $0x4000, $0x38;
	[tilespmem:$0x10200] =	vst v63  }
0x3a: {  	s18 =	sadd.s32 $0x30000, s30  }
0x3b: {  	[hbm4b:s18+s1] =	stream.linear.scatter [tilespmem:s15], [sflag:$0x2], $0x4000, $0x38;
	[tilespmem:$0x10200] =	vst v63  }
0x3c: {  	_ =	swait.ge [sflag:s16], $0x4000  }
0x3d: {  	[sflag:s16] =	ssyncset.done $0x0  }
0x3e: {  	[sflag:s16] =	ssyncadd.s32 $0xFFFFC000  }
0x3f: {  	_ =	swait.ge [sflag:s16], $0x4000  }
0x40: {  	[sflag:s16] =	ssyncset.done $0x0  }
0x41: {  	[sflag:s16] =	ssyncadd.s32 $0xFFFFC000  }
0x42: {  	_ =	swait.ge [sflag:s16], $0x4000  }
0x43: {  	[sflag:s16] =	ssyncset.done $0x0  }
0x44: {  	[sflag:s16] =	ssyncadd.s32 $0xFFFFC000  }
0x45: {  	s20 =	smov.u32 s7;
	_ =	swait.ge [sflag:s16], $0x4000  }
0x46: {  	s19 =	smov.u32 s6;
	s18 =	simm.s32 $0x40000;
	[sflag:s16] =	ssyncset.done $0x0  }
.LBB2_2:
0x47: {  	[sflag:s16] =	ssyncadd.s32 $0xFFFFC000  }
0x48: {  	s19 =	sadd.s32 $0x800, s19;
	s20 =	sadd.s32 $0x800, s20;
	s21 =	smov.u32 s18  }
0x49: {  	[tilespmem:s1], [sflag:$0x1] =	stream.linear.gather [hbm4b:s20+s1], $0x80, $0x38;
	[tilespmem:$0x10200] =	vst v63  }
0x4a: {  	p0 =	sne.s32 s18, $0x1C0000;
	s18 =	sadd.s32 $0x40000, s18;
	s22 =	sadd.s32 $0xFFFFFC00, s19  }
0x4b: {  	[tilespmem:s8], [sflag:$0x1] =	stream.linear.gather [hbm4b:s22+s1], $0x80, $0x38;
	[tilespmem:$0x10200] =	vst v63  }
0x4c: {  	s22 =	sadd.s32 $0xFFFFFE00, s19  }
0x4d: {  	[tilespmem:s9], [sflag:$0x1] =	stream.linear.gather [hbm4b:s22+s1], $0x80, $0x38;
	[tilespmem:$0x10200] =	vst v63  }
0x4e: {  	_ = 	snop  }
0x4f: {  	[tilespmem:s10], [sflag:$0x1] =	stream.linear.gather [hbm4b:s19+s1], $0x80, $0x38;
	[tilespmem:$0x10200] =	vst v63  }
0x50: {  	_ =	swait.ge [sflag:s11], $0x80  }
0x51: {  	[sflag:s11] =	ssyncset.done $0x0  }
0x52: {  	[sflag:s11] =	ssyncadd.s32 $0xFFFFFF80  }
0x53: {  	_ =	swait.ge [sflag:s11], $0x80  }
0x54: {  	[sflag:s11] =	ssyncset.done $0x0  }
0x55: {  	[sflag:s11] =	ssyncadd.s32 $0xFFFFFF80  }
0x56: {  	_ =	swait.ge [sflag:s11], $0x80  }
0x57: {  	[sflag:s11] =	ssyncset.done $0x0  }
0x58: {  	[sflag:s11] =	ssyncadd.s32 $0xFFFFFF80  }
0x59: {  	_ =	swait.ge [sflag:s11], $0x80  }
0x5a: {  	[sflag:s11] =	ssyncset.done $0x0  }
0x5b: {  	[sflag:s11] =	ssyncadd.s32 $0xFFFFFF80  }
0x5c: {  	[tilespmem:s12], [sflag:$0x1] =	stream.indirect.gather [hbm4b:s3+s8], $0x80, s1, s8, $0xb8;
	[tilespmem:$0x10200] =	vst v63  }
0x5d: {  	_ = 	snop  }
0x5e: {  	[tilespmem:s13], [sflag:$0x1] =	stream.indirect.gather [hbm4b:s3+s8], $0x80, s8, s8, $0xb8;
	[tilespmem:$0x10200] =	vst v63  }
0x5f: {  	_ = 	snop  }
0x60: {  	[tilespmem:s14], [sflag:$0x1] =	stream.indirect.gather [hbm4b:s3+s8], $0x80, s9, s8, $0xb8;
	[tilespmem:$0x10200] =	vst v63  }
0x61: {  	_ = 	snop  }
0x62: {  	[tilespmem:s15], [sflag:$0x1] =	stream.indirect.gather [hbm4b:s3+s8], $0x80, s10, s8, $0xb8;
	[tilespmem:$0x10200] =	vst v63  }
0x63: {  	_ =	swait.ge [sflag:s11], $0x4000  }
0x64: {  	[sflag:s11] =	ssyncset.done $0x0  }
0x65: {  	[sflag:s11] =	ssyncadd.s32 $0xFFFFC000  }
0x66: {  	_ =	swait.ge [sflag:s11], $0x4000  }
0x67: {  	[sflag:s11] =	ssyncset.done $0x0  }
0x68: {  	[sflag:s11] =	ssyncadd.s32 $0xFFFFC000  }
0x69: {  	_ =	swait.ge [sflag:s11], $0x4000  }
0x6a: {  	[sflag:s11] =	ssyncset.done $0x0  }
0x6b: {  	[sflag:s11] =	ssyncadd.s32 $0xFFFFC000  }
0x6c: {  	_ =	swait.ge [sflag:s11], $0x4000  }
0x6d: {  	[sflag:s11] =	ssyncset.done $0x0  }
0x6e: {  	s21 =	sadd.s32 s21, s5;
	[sflag:s11] =	ssyncadd.s32 $0xFFFFC000  }
0x6f: {  	[hbm4b:s21+s1] =	stream.linear.scatter [tilespmem:s12], [sflag:$0x2], $0x4000, $0x38;
	[tilespmem:$0x10200] =	vst v63  }
0x70: {  	s22 =	sadd.s32 $0x10000, s21  }
0x71: {  	[hbm4b:s22+s1] =	stream.linear.scatter [tilespmem:s13], [sflag:$0x2], $0x4000, $0x38;
	[tilespmem:$0x10200] =	vst v63  }
0x72: {  	s22 =	sadd.s32 $0x20000, s21  }
0x73: {  	[hbm4b:s22+s1] =	stream.linear.scatter [tilespmem:s14], [sflag:$0x2], $0x4000, $0x38;
	[tilespmem:$0x10200] =	vst v63  }
0x74: {  	s21 =	sadd.s32 $0x30000, s21  }
0x75: {  	[hbm4b:s21+s1] =	stream.linear.scatter [tilespmem:s15], [sflag:$0x2], $0x4000, $0x38;
	[tilespmem:$0x10200] =	vst v63  }
0x76: {  	_ =	swait.ge [sflag:s16], $0x4000  }
0x77: {  	[sflag:s16] =	ssyncset.done $0x0  }
0x78: {  	[sflag:s16] =	ssyncadd.s32 $0xFFFFC000  }
0x79: {  	_ =	swait.ge [sflag:s16], $0x4000  }
0x7a: {  	[sflag:s16] =	ssyncset.done $0x0  }
0x7b: {  	[sflag:s16] =	ssyncadd.s32 $0xFFFFC000  }
.Ltmp0:
0x7c: {  	_ =	swait.ge [sflag:s16], $0x4000;
	(pc) =	sbr.rel @p0 .LBB2_2-.Ltmp0, $4  }
0x7d: {  	[sflag:s16] =	ssyncset.done $0x0  }
0x7e: {  	[sflag:s16] =	ssyncadd.s32 $0xFFFFC000  }
0x7f: {  	_ =	swait.ge [sflag:s16], $0x4000  }
0x80: {  	[sflag:s16] =	ssyncset.done $0x0  }
0x81: {  	s17 =	sadd.s32 $0x1, s17  }
0x82: {  	p0 =	sne.s32 s17, s4  }
.Ltmp1:
0x83: {  	_ = 	snop;
	(pc) =	sbr.rel @p0 .LBB2_1-.Ltmp1, $2  }
0x84: {  	_ =	sdelay $0x2  }
0x85: {  	[sflag:s16] =	ssyncadd.s32 $0xFFFFC000  }
0x86: {  	_ =	sfence.sel $0x180000  }
0x87: {  	[bflag:$0x0] =	sbarrier.arrive $0xFFFF  }
0x88: {  	p0 =	sne.s32 s2, $0x0;
	_ =	strace $0x9000004D  }
0x89: {  	s0 =	sadd.s32 @!p0 $0x100000, s0;
	[bflag:$0x2] =	sbarrier.arrive $0xFFFF  }
0x8a: {  	[sflag:s0] =	ssyncadd.tile.s32 @!p0 $0x1;
	_ =	shalt  }
.Lfunc_end2:
_tile_overlayer_lowered:
.L_overlay_start_2:
0x8b: {  	(tag) =	ssettag $0x2  }
0x8c: {  	s0 =	rddreg [dreg:$0x0];
	s2 =	stileid.u32  }
0x8d: {  	s1 =	rddreg [dreg:$0x1];
	p0 =	sne.s32 s2, $0x0  }
0x8e: {  	s3 =	rddreg [dreg:$0x2];
	[bflag:$0x3] =	sbarrier.arrive $0xFFFF;
	s2 =	simm.s32 @!p0 $0x1C03  }
0x8f: {  	[timem:s3], [sflag:s2] =	dma.local @!p0 [hbm:s0], s1  }
0x90: {  	s0 =	simm.s32 @!p0 $0x3  }
0x91: {  	_ =	swait.ge @!p0 [sflag:s0], s1  }
0x92: {  	s1 =	ssub.s32 @!p0 $0x0, s1;
	[sflag:s0] =	ssyncset.done @!p0 $0x0  }
0x93: {  	[sflag:s0] =	ssyncadd.s32 @!p0 s1  }
0x94: {  	[bflag:$0x3] =	sbarrier.arrive $0xFFFF  }
0x95: {  	_ =	shalt  }

// kernel: kernel.17.cloned.1.call-start
scs
__scs_entry_jumppad:
0x0: {  	(pc) =	sbr.rel $0x88, $3  }
0x1: {  	(tag) =	ssettag $0x0;
	lr =	simm.s32 $0x1  }
0x2: {  	[smem:$0x3F9E] =	sst lr;
	_ =	strace $0xD0000000  }
0x3: {  	_ = 	snop  }
0x4: {  	_ = 	snop  }
0x5: {  	_ = 	snop  }
0x6: {  	_ = 	snop  }
0x7: {  	_ = 	snop  }
__scs_overlays_trampoline_lowered:
0x8: {  	[smem:$0x3FAD] =	sst s0  }
0x9: {  	[smem:$0x3FAE] =	sst s1  }
0xa: {  	[smem:$0x3FAF] =	sst s2  }
0xb: {  	[smem:$0x3FB0] =	sst s3  }
0xc: {  	[smem:$0x3FB1] =	sst s4  }
0xd: {  	[smem:$0x3FB2] =	sst s5  }
0xe: {  	[smem:$0x3FB3] =	sst s6  }
0xf: {  	[smem:$0x3FB4] =	sst s7  }
0x10: {  	[smem:$0x3FB5] =	sst s8  }
0x11: {  	[smem:$0x3FB6] =	sst s9;
	s0 =	simm.s32 @!p0 $0x0  }
0x12: {  	s1 =	sld [smem:$0x3F9C];
	s0 =	simm.s32 @p0 $0x1  }
0x13: {  	[smem:$0x3FB7] =	sst s0;
	s0 =	simm.s32 @!p1 $0x0  }
0x14: {  	s2 =	sld [smem:$0x3F9B];
	s0 =	simm.s32 @p1 $0x1  }
0x15: {  	[smem:$0x3FB8] =	sst s0;
	s0 =	simm.s32 @!p2 $0x0  }
0x16: {  	s3 =	sld [smem:$0x3FDB];
	s0 =	simm.s32 @p2 $0x1  }
0x17: {  	s4 =	simm.s32 $0x1BF5;
	[smem:$0x3FBA] =	sst s0  }
0x18: {  	s0 =	sld [smem:$0x3F9D];
	_ =	swait.ge [sflag:s4], $0x0  }
0x19: {  	s7 =	sld [smem:$0x3F9E]  }
0x1a: {  	s8 =	sadd.s32 $0xFFFFE003, lr  }
0x1b: {  	s9 =	sadd.s32 $0xFFFFFEF7, lr;
	s5 =	simm.s32 $0xFFFFFFFF;
	p2 =	slt.u32 s8, $0xFFFFF086  }
0x1c: {  	p1 =	slt.u32 s9, $0xF7A;
	s5 =	simm.s32 @!p2 $0x0  }
0x1d: {  	s5 =	simm.s32 @p1 $0x1;
	p0 =	seq.s32 s7, s2  }
0x1e: {  	s7 =	smul.u32 @!p0 $0xF7A, s2;
	p2 =	seq.s32 @!p0 s5, $0x0  }
0x1f: {  	s9 =	smul.u32 $0xF7A, s1;
	s8 =	simm.s32 @!p0 $0x1BF5;
	p2 =	por !p2, p0  }
0x20: {  	[sflag:s8] =	ssyncset.s32 @!p0 $0xFFFFF086;
	s6 =	sadd.s32 @!p0 s3, s7;
	s7 =	simm.s32 @!p0 $0x108  }
0x21: {  	s3 =	sadd.s32 s3, s9;
	s6 =	sadd.s32 @!p0 $0x88, s6;
	s7 =	simm.s32 @p2 $0x1082  }
0x22: {  	[simem:s7], [sflag:s8] =	dma.local @!p0 [hbm:s6], $0xF7A  }
0x23: {  	s9 =	sor.u32 $0xD0000000, s2;
	s6 =	simm.s32 $0x108;
	_ =	swait.ge @!p0 [sflag:s8], $0x0  }
0x24: {  	s3 =	sadd.s32 $0x88, s3;
	s6 =	simm.s32 @!p1 $0x1082;
	[sflag:s4] =	ssyncset.s32 $0xFFFFF086  }
0x25: {  	[simem:s6], [sflag:s4] =	dma.local [hbm:s3], $0xF7A  }
0x26: {  	[smem:$0x3F9E] =	sst s1;
	(tag) =	ssettag s2;
	_ =	strace s9  }
0x27: {  	s1 =	sld [smem:$0x3FAE]  }
0x28: {  	s2 =	sld [smem:$0x3FAF]  }
0x29: {  	s4 =	sld [smem:$0x3FB1]  }
0x2a: {  	p0 =	seq.s32 s5, $0x0;
	s5 =	sld [smem:$0x3FB2]  }
0x2b: {  	s6 =	sld [smem:$0x3FB3]  }
0x2c: {  	s7 =	sld [smem:$0x3FB4]  }
0x2d: {  	s3 =	simm.s32 $0x108;
	s8 =	sld [smem:$0x3FB5]  }
0x2e: {  	s3 =	simm.s32 @!p0 $0x1082;
	s9 =	sld [smem:$0x3FB6]  }
0x2f: {  	lr =	sadd.s32 s0, s3;
	s0 =	sld [smem:$0x3FAD]  }
0x30: {  	s3 =	sld [smem:$0x3FB0]  }
0x31: {  	[smem:$0x3FB9] =	sst s10  }
0x32: {  	s10 =	sld [smem:$0x3FB7];
	_ =	sdelay $0x3  }
0x33: {  	p0 =	seq.s32 s10, $0x1;
	s10 =	sld [smem:$0x3FB9];
	_ =	sdelay $0x3  }
0x34: {  	[smem:$0x3FB9] =	sst s10  }
0x35: {  	s10 =	sld [smem:$0x3FB8];
	_ =	sdelay $0x3  }
0x36: {  	p1 =	seq.s32 s10, $0x1;
	s10 =	sld [smem:$0x3FB9];
	_ =	sdelay $0x3  }
0x37: {  	[smem:$0x3FB9] =	sst s10  }
0x38: {  	s10 =	sld [smem:$0x3FBA]  }
0x39: {  	_ = 	snop;
	(pc) =	sbr.ind lr, $3  }
0x3a: {  	_ = 	snop  }
0x3b: {  	_ = 	snop  }
0x3c: {  	p2 =	seq.s32 s10, $0x1;
	s10 =	sld [smem:$0x3FB9]  }
0x3d: {  	_ =	shalt  }
0x3e: {  	_ =	shalt  }
0x3f: {  	_ =	shalt  }
0x40: {  	_ =	shalt  }
0x41: {  	_ =	shalt  }
0x42: {  	_ =	shalt  }
0x43: {  	_ =	shalt  }
0x44: {  	_ =	shalt  }
0x45: {  	_ =	shalt  }
0x46: {  	_ =	shalt  }
0x47: {  	_ =	shalt  }
0x48: {  	_ =	shalt  }
0x49: {  	_ =	shalt  }
0x4a: {  	_ =	shalt  }
0x4b: {  	_ =	shalt  }
0x4c: {  	_ =	shalt  }
0x4d: {  	_ =	shalt  }
0x4e: {  	_ =	shalt  }
0x4f: {  	_ =	shalt  }
0x50: {  	_ =	shalt  }
0x51: {  	_ =	shalt  }
0x52: {  	_ =	shalt  }
0x53: {  	_ =	shalt  }
0x54: {  	_ =	shalt  }
0x55: {  	_ =	shalt  }
0x56: {  	_ =	shalt  }
0x57: {  	_ =	shalt  }
0x58: {  	_ =	shalt  }
0x59: {  	_ =	shalt  }
0x5a: {  	_ =	shalt  }
0x5b: {  	_ =	shalt  }
0x5c: {  	_ =	shalt  }
0x5d: {  	_ =	shalt  }
0x5e: {  	_ =	shalt  }
0x5f: {  	_ =	shalt  }
0x60: {  	_ =	shalt  }
0x61: {  	_ =	shalt  }
0x62: {  	_ =	shalt  }
0x63: {  	_ =	shalt  }
0x64: {  	_ =	shalt  }
0x65: {  	_ =	shalt  }
0x66: {  	_ =	shalt  }
0x67: {  	_ =	shalt  }
0x68: {  	_ =	shalt  }
0x69: {  	_ =	shalt  }
0x6a: {  	_ =	shalt  }
0x6b: {  	_ =	shalt  }
0x6c: {  	_ =	shalt  }
0x6d: {  	_ =	shalt  }
0x6e: {  	_ =	shalt  }
0x6f: {  	_ =	shalt  }
0x70: {  	_ =	shalt  }
0x71: {  	_ =	shalt  }
0x72: {  	_ =	shalt  }
0x73: {  	_ =	shalt  }
0x74: {  	_ =	shalt  }
0x75: {  	_ =	shalt  }
0x76: {  	_ =	shalt  }
0x77: {  	_ =	shalt  }
0x78: {  	_ =	shalt  }
0x79: {  	_ =	shalt  }
0x7a: {  	_ =	shalt  }
0x7b: {  	_ =	shalt  }
0x7c: {  	_ =	shalt  }
0x7d: {  	_ =	shalt  }
0x7e: {  	_ =	shalt  }
0x7f: {  	_ =	shalt  }
0x80: {  	_ =	shalt  }
0x81: {  	_ =	shalt  }
0x82: {  	_ =	shalt  }
0x83: {  	_ =	shalt  }
0x84: {  	_ =	shalt  }
0x85: {  	_ =	shalt  }
0x86: {  	_ =	shalt  }
0x87: {  	_ =	shalt  }
.Lfunc_end0:
.L_simem_size_0:
called_computation.2_lowered:
.L_overlay_start_0:
0x88: {  	s2 =	sld [smem:$0x3FD9]  }
0x89: {  	s3 =	sld [smem:$0x3FFE];
	_ =	sdelay $0x1  }
0x8a: {  	s1 =	srdreg.scid  }
0x8b: {  	s0 =	sand.u32 $0x1, s1  }
0x8c: {  	s17 =	sshll.u32 s0, $0xA;
	s2 =	sadd.s32 s3, s2  }
0x8d: {  	s2 =	sadd.s32 s2, s17  }
0x8e: {  	[smem:$0x3FC5] =	sst s2  }
0x8f: {  	_ = 	snop  }
0x90: {  	(tm) =	ssettm $0x1  }
0x91: {  	s18 =	sld [smem:$0x3FFB];
	_ =	sdelay $0x3  }
0x92: {  	_ =	strace s18  }
0x93: {  	s2 =	sld [smem:$0x3FFC];
	_ =	sdelay $0x3  }
0x94: {  	_ =	strace s2  }
0x95: {  	s2 =	sld [smem:$0x3FFD];
	_ =	sdelay $0x3  }
0x96: {  	_ =	strace s2  }
0x97: {  	_ =	strace $0x8FFFFFFF  }
0x98: {  	s19 =	sld [smem:$0x3FDB];
	_ =	sdelay $0x1  }
0x99: {  	s20 =	simm.s32 $_scs_section_size  }
0x9a: {  	s4 =	simm.s32 $_size__tile_overlayer_lowered;
	s5 =	simm.s32 $_tile_overlayer_lowered  }
0x9b: {  	s6 =	simm.s32 $0x1BFF;
	s21 =	sshll.u32 s5, $0x1;
	s3 =	sadd.s32 s20, s19  }
0x9c: {  	s22 =	simm.s32 $0x0;
	s4 =	sshll.u32 s4, $0x1;
	s5 =	sadd.s32 s21, s3  }
0x9d: {  	[timem:s22], [sflag:s6] =	dma.local [hbm:s5], s4  }
0x9e: {  	_ =	swait.ge [sflag:s6], s4  }
0x9f: {  	s4 =	ssub.s32 $0x0, s4;
	[sflag:s6] =	ssyncset.done $0x0  }
0xa0: {  	[sflag:s6] =	ssyncadd.s32 s4;
	_ =	sdelay $0x1  }
0xa1: {  	s23 =	simm.s32 $0x1B8B  }
0xa2: {  	_ =	swait.ge [sflag:s23], $0x1  }
0xa3: {  	[sflag:s23] =	ssyncset.done $0x0  }
0xa4: {  	[sflag:s23] =	ssyncadd.s32 $0xFFFFFFFF  }
0xa5: {  	s4 =	sld [smem:$0x0]  }
0xa6: {  	s5 =	sand.u32 $0xFFFFFFFE, s1  }
0xa7: {  	p0 =	sne.s32 s1, s5  }
0xa8: {  	s5 =	sshll.u32 @p0 s5, $0xE  }
0xa9: {  	s5 =	sadd.s32 @p0 $0x11B8D, s5;
	s6 =	sshll.u32 @p0 s4, $0x11  }
0xaa: {  	s5 =	sor.u32 @p0 s6, s5  }
0xab: {  	[sflag:s5] =	ssyncadd.remote.s32 @p0 $0x1;
	_ =	sdelay $0x1  }
0xac: {  	s5 =	simm.s32 @p0 $0x1B8D  }
0xad: {  	_ =	swait.eq @p0 [sflag:s5], $0x1  }
0xae: {  	[sflag:s5] =	ssyncadd.s32 @p0 $0xFFFFFFFF  }
0xaf: {  	s6 =	sshll.u32 @!p0 s1, $0xE  }
0xb0: {  	s6 =	sor.u32 @!p0 $0x4000, s6;
	s5 =	simm.s32 @!p0 $0x1B8D  }
0xb1: {  	s4 =	sshll.u32 @!p0 s4, $0x11;
	s6 =	sadd.s32 @!p0 $0x11B8D, s6;
	_ =	swait.eq @!p0 [sflag:s5], $0x1  }
0xb2: {  	s4 =	sor.u32 @!p0 s4, s6;
	[sflag:s5] =	ssyncadd.s32 @!p0 $0xFFFFFFFF  }
0xb3: {  	s25 =	simm.s32 $0x1B8E;
	s24 =	sld [smem:$0x3FFE];
	[sflag:s4] =	ssyncadd.remote.s32 @!p0 $0x1  }
0xb4: {  	s26 =	simm.s32 $execute0_lowered;
	[smem:$0x3FD2] =	sst s25  }
0xb5: {  	s5 =	sshll.u32 s26, $0x1;
	_ =	strace $0x80000049;
	[dreg:$0x1] =	wrdreg $0xFFFFFFFF  }
0xb6: {  	s28 =	simm.s32 $_size_execute0_lowered;
	s3 =	sadd.s32 s3, s5;
	[dreg:$0x0] =	wrdreg $0x0  }
0xb7: {  	s5 =	sshll.u32 s28, $0x1;
	[dreg:$0x2] =	wrdreg s3  }
0xb8: {  	[dreg:$0x3] =	wrdreg s5  }
0xb9: {  	[dreg:$0x4] =	wrdreg $0xC0  }
0xba: {  	_ =	task [dreg:s22], $0x5FFFF  }
0xbb: {  	[dreg:$0x1] =	wrdreg $0xFFFFFFFF  }
0xbc: {  	[dreg:$0x0] =	wrdreg $0x60  }
0xbd: {  	[dreg:$0x2] =	wrdreg s24  }
0xbe: {  	[dreg:$0x3] =	wrdreg $0xA  }
0xbf: {  	_ =	task.clear_ibuf [dreg:s22], $0x4FFFF;
	_ =	strace $0x90000049  }
0xc0: {  	s29 =	simm.s32 $0xA;
	_ =	strace $0x8000004B  }
0xc1: {  	_ =	swait.ge [sflag:s29], $0x1  }
0xc2: {  	[sflag:s29] =	ssyncadd.s32 $0xFFFFFFFF  }
0xc3: {  	_ =	strace $0x9000004B  }
0xc4: {  	_ =	sfence  }
0xc5: {  	s30 =	sld [smem:$0x0];
	_ =	sdelay $0x2  }
0xc6: {  	s31 =	sshll.u32 s1, $0xD;
	s1 =	sshrl.u32 s1, $0x2  }
0xc7: {  	s4 =	sand.u32 $0x4000, s31;
	s1 =	sadd.s32 s1, s30  }
0xc8: {  	s0 =	sor.u32 s4, s0;
	s1 =	sshll.u32 s1, $0x11  }
0xc9: {  	s0 =	sor.u32 s1, s0  }
0xca: {  	s0 =	sadd.s32 $0x8F2B, s0  }
0xcb: {  	[sflag:s0] =	ssyncadd.remote.s32 $0x1  }
0xcc: {  	_ =	sfence.sel $0xFFFF  }
0xcd: {  	[dreg:$0x0] =	wrdreg $0xFFFFFFFF;
	(pc) =	sbr.abs _section_cstart, $3  }
0xce: {  	[dreg:$0x1] =	wrdreg $0xFFFFFFFF  }
0xcf: {  	_ =	task.clear_ibuf [dreg:s22], $0x2FFFF;
	_ =	strace $0x9FFFFFFF  }
0xd0: {  	(tm) =	ssettm $0x7FFFFFFF  }
0xd1: {  	_ =	shalt  }
tec
execute0_lowered:
.L_overlay_start_1:
0x0: {  	(tag) =	ssettag $0x1  }
0x1: {  	s1 =	srdreg.scid  }
0x2: {  	s0 =	stileid.u32;
	s4 =	rddreg [dreg:$0x0];
	s2 =	simm.s32 $0x0  }
0x3: {  	s13 =	simm.s32 $0x8200;
	s14 =	simm.s32 $0x180;
	s15 =	simm.s32 $0xC200  }
0x4: {  	s16 =	simm.s32 $0x1;
	s17 =	simm.s32 $0x2;
	s19 =	simm.s32 $0x11200  }
0x5: {  	s20 =	simm.s32 $0x0;
	s6 =	sand.u32 $0x1, s1;
	s1 =	rddreg [dreg:$0x1]  }
0x6: {  	s3 =	sshll.u32 s0, $0x1;
	[smem:$0x7FF] =	sst s2;
	s9 =	sadd.s32 $0x6400, s4  }
0x7: {  	s30 =	sshll.u32 s0, $0x5;
	s5 =	sor.u32 s6, s3;
	_ =	strace $0x8000004A  }
0x8: {  	s8 =	ssub.s32 $0x2, s6;
	s31 =	sshll.u32 s6, $0x4;
	s3 =	sshll.u32 s5, $0xB  }
0x9: {  	s10 =	sshll.u32 s5, $0x9;
	s11 =	sshrl.u32 s8, $0x1;
	s18 =	sshll.u32 s5, $0xC  }
0xa: {  	s7 =	sadd.s32 s3, s4;
	s3 =	sadd.s32 $0x2CA400, s4;
	s12 =	sadd.s32 s10, s4  }
0xb: {  	s8 =	ssub.s32 s8, s11;
	s5 =	sadd.s32 s9, s10;
	s9 =	sadd.s32 s30, s9  }
0xc: {  	s10 =	simm.s32 $0x80;
	s11 =	simm.s32 $0x4200;
	v0 =	vmov s18;
	s18 =	simm.s32 $0x3  }
0xd: {  	s4 =	sadd.s32 $0x8A400, s7;
	s6 =	sadd.s32 $0xE400, s12;
	s7 =	smax.u32 s8, $0x1  }
0xe: {  	v1 =	vlaneseq.u32;
	s8 =	sadd.s32 s31, s9;
	s9 =	simm.s32 $0x200;
	s12 =	simm.s32 $0x100  }
.LBB2_1:
0xf: {  	s21 =	sand.u32 $0x30000, s2;
	s22 =	sadd.s32 $0x0, s8  }
0x10: {  	[tilespmem:s2], [sflag:$0x1] =	stream.linear.gather [hbm4b:s22+s2], $0x80, $0x38;
	[tilespmem:$0x12200] =	vst v63  }
0x11: {  	s21 =	sadd.s32 s21, s4  }
0x12: {  	[tilespmem:s9], [sflag:$0x1] =	stream.linear.gather [hbm4b:s21+s2], $0x4000, $0x38;
	[tilespmem:$0x12200] =	vst v63  }
0x13: {  	s23 =	sadd.s32 $0x200, s22  }
0x14: {  	[tilespmem:s10], [sflag:$0x1] =	stream.linear.gather [hbm4b:s23+s2], $0x80, $0x38;
	[tilespmem:$0x12200] =	vst v63  }
0x15: {  	_ = 	snop  }
0x16: {  	[tilespmem:s11], [sflag:$0x1] =	stream.linear.gather [hbm4b:s21+s2], $0x4000, $0x38;
	[tilespmem:$0x12200] =	vst v63  }
0x17: {  	s31 =	sadd.s32 $0x400, s22  }
0x18: {  	[tilespmem:s12], [sflag:$0x1] =	stream.linear.gather [hbm4b:s31+s2], $0x80, $0x38;
	[tilespmem:$0x12200] =	vst v63  }
0x19: {  	_ = 	snop  }
0x1a: {  	[tilespmem:s13], [sflag:$0x1] =	stream.linear.gather [hbm4b:s21+s2], $0x4000, $0x38;
	[tilespmem:$0x12200] =	vst v63  }
0x1b: {  	s22 =	sadd.s32 $0x600, s22  }
0x1c: {  	[tilespmem:s14], [sflag:$0x1] =	stream.linear.gather [hbm4b:s22+s2], $0x80, $0x38;
	[tilespmem:$0x12200] =	vst v63  }
0x1d: {  	_ = 	snop  }
0x1e: {  	[tilespmem:s15], [sflag:$0x1] =	stream.linear.gather [hbm4b:s21+s2], $0x4000, $0x38;
	[tilespmem:$0x12200] =	vst v63  }
0x1f: {  	_ =	swait.ge [sflag:s16], $0x80  }
0x20: {  	[sflag:s16] =	ssyncset.done $0x0  }
0x21: {  	[sflag:s16] =	ssyncadd.s32 $0xFFFFFF80  }
0x22: {  	_ =	swait.ge [sflag:s16], $0x4000  }
0x23: {  	[sflag:s16] =	ssyncset.done $0x0  }
0x24: {  	[sflag:s16] =	ssyncadd.s32 $0xFFFFC000  }
0x25: {  	_ =	swait.ge [sflag:s16], $0x80  }
0x26: {  	[sflag:s16] =	ssyncset.done $0x0  }
0x27: {  	[sflag:s16] =	ssyncadd.s32 $0xFFFFFF80  }
0x28: {  	_ =	swait.ge [sflag:s16], $0x4000  }
0x29: {  	[sflag:s16] =	ssyncset.done $0x0  }
0x2a: {  	[sflag:s16] =	ssyncadd.s32 $0xFFFFC000  }
0x2b: {  	_ =	swait.ge [sflag:s16], $0x80  }
0x2c: {  	[sflag:s16] =	ssyncset.done $0x0  }
0x2d: {  	[sflag:s16] =	ssyncadd.s32 $0xFFFFFF80  }
0x2e: {  	_ =	swait.ge [sflag:s16], $0x4000  }
0x2f: {  	[sflag:s16] =	ssyncset.done $0x0  }
0x30: {  	[sflag:s16] =	ssyncadd.s32 $0xFFFFC000  }
0x31: {  	_ =	swait.ge [sflag:s16], $0x80  }
0x32: {  	[sflag:s16] =	ssyncset.done $0x0  }
0x33: {  	[sflag:s16] =	ssyncadd.s32 $0xFFFFFF80  }
0x34: {  	_ =	swait.ge [sflag:s16], $0x4000  }
0x35: {  	[sflag:s16] =	ssyncset.done $0x0  }
0x36: {  	[sflag:s16] =	ssyncadd.s32 $0xFFFFC000  }
0x37: {  	[hbm4b:s3+s10] =	stream.indirect.scatter [tilespmem:s9], [sflag:$0x2], $0x80, s2, s10, $0xb8;
	[tilespmem:$0x12200] =	vst v63  }
0x38: {  	_ = 	snop  }
0x39: {  	[hbm4b:s3+s10] =	stream.indirect.scatter [tilespmem:s11], [sflag:$0x2], $0x80, s10, s10, $0xb8;
	[tilespmem:$0x12200] =	vst v63  }
0x3a: {  	_ = 	snop  }
0x3b: {  	[hbm4b:s3+s10] =	stream.indirect.scatter [tilespmem:s13], [sflag:$0x2], $0x80, s12, s10, $0xb8;
	[tilespmem:$0x12200] =	vst v63  }
0x3c: {  	_ = 	snop  }
0x3d: {  	[hbm4b:s3+s10] =	stream.indirect.scatter [tilespmem:s15], [sflag:$0x2], $0x80, s14, s10, $0xb8;
	[tilespmem:$0x12200] =	vst v63  }
0x3e: {  	_ =	swait.ge [sflag:s17], $0x4000  }
0x3f: {  	[sflag:s17] =	ssyncset.done $0x0  }
0x40: {  	[sflag:s17] =	ssyncadd.s32 $0xFFFFC000  }
0x41: {  	_ =	swait.ge [sflag:s17], $0x4000  }
0x42: {  	[sflag:s17] =	ssyncset.done $0x0  }
0x43: {  	[sflag:s17] =	ssyncadd.s32 $0xFFFFC000  }
0x44: {  	_ =	swait.ge [sflag:s17], $0x4000  }
0x45: {  	[sflag:s17] =	ssyncset.done $0x0  }
0x46: {  	[sflag:s17] =	ssyncadd.s32 $0xFFFFC000  }
0x47: {  	s23 =	simm.s32 $0x8000;
	_ =	swait.ge [sflag:s17], $0x4000  }
0x48: {  	s22 =	simm.s32 $0x1000;
	s21 =	simm.s32 $0x800;
	[sflag:s17] =	ssyncset.done $0x0  }
.LBB2_2:
0x49: {  	s24 =	sand.u32 $0x30000, s23  }
0x4a: {  	s25 =	sadd.s32 s21, s8;
	[sflag:s17] =	ssyncadd.s32 $0xFFFFC000;
	s21 =	smov.u32 s22  }
0x4b: {  	[tilespmem:s2], [sflag:$0x1] =	stream.linear.gather [hbm4b:s25+s2], $0x80, $0x38;
	[tilespmem:$0x12200] =	vst v63  }
0x4c: {  	p0 =	sne.s32 s22, $0x3800;
	s22 =	sadd.s32 $0x800, s22;
	s24 =	sadd.s32 s24, s4  }
0x4d: {  	[tilespmem:s9], [sflag:$0x1] =	stream.linear.gather [hbm4b:s24+s2], $0x4000, $0x38;
	[tilespmem:$0x12200] =	vst v63  }
0x4e: {  	s26 =	sadd.s32 $0x200, s25  }
0x4f: {  	[tilespmem:s10], [sflag:$0x1] =	stream.linear.gather [hbm4b:s26+s2], $0x80, $0x38;
	[tilespmem:$0x12200] =	vst v63  }
0x50: {  	_ = 	snop  }
0x51: {  	[tilespmem:s11], [sflag:$0x1] =	stream.linear.gather [hbm4b:s24+s2], $0x4000, $0x38;
	[tilespmem:$0x12200] =	vst v63  }
0x52: {  	s26 =	sadd.s32 $0x400, s25  }
0x53: {  	[tilespmem:s12], [sflag:$0x1] =	stream.linear.gather [hbm4b:s26+s2], $0x80, $0x38;
	[tilespmem:$0x12200] =	vst v63  }
0x54: {  	_ = 	snop  }
0x55: {  	[tilespmem:s13], [sflag:$0x1] =	stream.linear.gather [hbm4b:s24+s2], $0x4000, $0x38;
	[tilespmem:$0x12200] =	vst v63  }
0x56: {  	s25 =	sadd.s32 $0x600, s25  }
0x57: {  	[tilespmem:s14], [sflag:$0x1] =	stream.linear.gather [hbm4b:s25+s2], $0x80, $0x38;
	[tilespmem:$0x12200] =	vst v63  }
0x58: {  	_ = 	snop  }
0x59: {  	[tilespmem:s15], [sflag:$0x1] =	stream.linear.gather [hbm4b:s24+s2], $0x4000, $0x38;
	[tilespmem:$0x12200] =	vst v63  }
0x5a: {  	_ =	swait.ge [sflag:s16], $0x80  }
0x5b: {  	[sflag:s16] =	ssyncset.done $0x0  }
0x5c: {  	[sflag:s16] =	ssyncadd.s32 $0xFFFFFF80  }
0x5d: {  	_ =	swait.ge [sflag:s16], $0x4000  }
0x5e: {  	[sflag:s16] =	ssyncset.done $0x0  }
0x5f: {  	[sflag:s16] =	ssyncadd.s32 $0xFFFFC000  }
0x60: {  	_ =	swait.ge [sflag:s16], $0x80  }
0x61: {  	[sflag:s16] =	ssyncset.done $0x0  }
0x62: {  	[sflag:s16] =	ssyncadd.s32 $0xFFFFFF80  }
0x63: {  	_ =	swait.ge [sflag:s16], $0x4000  }
0x64: {  	[sflag:s16] =	ssyncset.done $0x0  }
0x65: {  	[sflag:s16] =	ssyncadd.s32 $0xFFFFC000  }
0x66: {  	_ =	swait.ge [sflag:s16], $0x80  }
0x67: {  	[sflag:s16] =	ssyncset.done $0x0  }
0x68: {  	[sflag:s16] =	ssyncadd.s32 $0xFFFFFF80  }
0x69: {  	_ =	swait.ge [sflag:s16], $0x4000  }
0x6a: {  	[sflag:s16] =	ssyncset.done $0x0  }
0x6b: {  	[sflag:s16] =	ssyncadd.s32 $0xFFFFC000  }
0x6c: {  	_ =	swait.ge [sflag:s16], $0x80  }
0x6d: {  	[sflag:s16] =	ssyncset.done $0x0  }
0x6e: {  	[sflag:s16] =	ssyncadd.s32 $0xFFFFFF80  }
0x6f: {  	_ =	swait.ge [sflag:s16], $0x4000  }
0x70: {  	[sflag:s16] =	ssyncset.done $0x0  }
0x71: {  	[sflag:s16] =	ssyncadd.s32 $0xFFFFC000  }
0x72: {  	[hbm4b:s3+s10] =	stream.indirect.scatter [tilespmem:s9], [sflag:$0x2], $0x80, s2, s10, $0xb8;
	[tilespmem:$0x12200] =	vst v63  }
0x73: {  	_ = 	snop  }
0x74: {  	[hbm4b:s3+s10] =	stream.indirect.scatter [tilespmem:s11], [sflag:$0x2], $0x80, s10, s10, $0xb8;
	[tilespmem:$0x12200] =	vst v63  }
0x75: {  	_ = 	snop  }
0x76: {  	[hbm4b:s3+s10] =	stream.indirect.scatter [tilespmem:s13], [sflag:$0x2], $0x80, s12, s10, $0xb8;
	[tilespmem:$0x12200] =	vst v63  }
0x77: {  	_ = 	snop  }
0x78: {  	[hbm4b:s3+s10] =	stream.indirect.scatter [tilespmem:s15], [sflag:$0x2], $0x80, s14, s10, $0xb8;
	[tilespmem:$0x12200] =	vst v63  }
0x79: {  	_ =	swait.ge [sflag:s17], $0x4000  }
0x7a: {  	[sflag:s17] =	ssyncset.done $0x0  }
0x7b: {  	[sflag:s17] =	ssyncadd.s32 $0xFFFFC000  }
0x7c: {  	_ =	swait.ge [sflag:s17], $0x4000  }
0x7d: {  	[sflag:s17] =	ssyncset.done $0x0  }
0x7e: {  	[sflag:s17] =	ssyncadd.s32 $0xFFFFC000  }
.Ltmp0:
0x7f: {  	_ =	swait.ge [sflag:s17], $0x4000;
	(pc) =	sbr.rel @p0 .LBB2_2-.Ltmp0, $4  }
0x80: {  	[sflag:s17] =	ssyncset.done $0x0  }
0x81: {  	[sflag:s17] =	ssyncadd.s32 $0xFFFFC000  }
0x82: {  	_ =	swait.ge [sflag:s17], $0x4000  }
0x83: {  	s23 =	sadd.s32 $0x8000, s23;
	[sflag:s17] =	ssyncset.done $0x0  }
0x84: {  	s22 =	sand.u32 $0x30000, s23;
	s21 =	sadd.s32 s21, s8;
	[sflag:s17] =	ssyncadd.s32 $0xFFFFC000  }
0x85: {  	[tilespmem:s2], [sflag:$0x1] =	stream.linear.gather [hbm4b:s21+s2], $0x80, $0x38;
	[tilespmem:$0x12200] =	vst v63  }
0x86: {  	s22 =	sadd.s32 s22, s4  }
0x87: {  	[tilespmem:s9], [sflag:$0x1] =	stream.linear.gather [hbm4b:s22+s2], $0x4000, $0x38;
	[tilespmem:$0x12200] =	vst v63  }
0x88: {  	s30 =	sadd.s32 $0x200, s21  }
0x89: {  	[tilespmem:s10], [sflag:$0x1] =	stream.linear.gather [hbm4b:s30+s2], $0x80, $0x38;
	[tilespmem:$0x12200] =	vst v63  }
0x8a: {  	_ = 	snop  }
0x8b: {  	[tilespmem:s11], [sflag:$0x1] =	stream.linear.gather [hbm4b:s22+s2], $0x4000, $0x38;
	[tilespmem:$0x12200] =	vst v63  }
0x8c: {  	s31 =	sadd.s32 $0x400, s21  }
0x8d: {  	[tilespmem:s12], [sflag:$0x1] =	stream.linear.gather [hbm4b:s31+s2], $0x80, $0x38;
	[tilespmem:$0x12200] =	vst v63  }
0x8e: {  	_ = 	snop  }
0x8f: {  	[tilespmem:s13], [sflag:$0x1] =	stream.linear.gather [hbm4b:s22+s2], $0x4000, $0x38;
	[tilespmem:$0x12200] =	vst v63  }
0x90: {  	s21 =	sadd.s32 $0x600, s21  }
0x91: {  	[tilespmem:s14], [sflag:$0x1] =	stream.linear.gather [hbm4b:s21+s2], $0x80, $0x38;
	[tilespmem:$0x12200] =	vst v63  }
0x92: {  	_ = 	snop  }
0x93: {  	[tilespmem:s15], [sflag:$0x1] =	stream.linear.gather [hbm4b:s22+s2], $0x4000, $0x38;
	[tilespmem:$0x12200] =	vst v63  }
0x94: {  	_ =	swait.ge [sflag:s16], $0x80  }
0x95: {  	[sflag:s16] =	ssyncset.done $0x0  }
0x96: {  	[sflag:s16] =	ssyncadd.s32 $0xFFFFFF80  }
0x97: {  	_ =	swait.ge [sflag:s16], $0x4000  }
0x98: {  	[sflag:s16] =	ssyncset.done $0x0  }
0x99: {  	[sflag:s16] =	ssyncadd.s32 $0xFFFFC000  }
0x9a: {  	_ =	swait.ge [sflag:s16], $0x80  }
0x9b: {  	[sflag:s16] =	ssyncset.done $0x0  }
0x9c: {  	[sflag:s16] =	ssyncadd.s32 $0xFFFFFF80  }
0x9d: {  	_ =	swait.ge [sflag:s16], $0x4000  }
0x9e: {  	[sflag:s16] =	ssyncset.done $0x0  }
0x9f: {  	[sflag:s16] =	ssyncadd.s32 $0xFFFFC000  }
0xa0: {  	_ =	swait.ge [sflag:s16], $0x80  }
0xa1: {  	[sflag:s16] =	ssyncset.done $0x0  }
0xa2: {  	[sflag:s16] =	ssyncadd.s32 $0xFFFFFF80  }
0xa3: {  	_ =	swait.ge [sflag:s16], $0x4000  }
0xa4: {  	[sflag:s16] =	ssyncset.done $0x0  }
0xa5: {  	[sflag:s16] =	ssyncadd.s32 $0xFFFFC000  }
0xa6: {  	_ =	swait.ge [sflag:s16], $0x80  }
0xa7: {  	[sflag:s16] =	ssyncset.done $0x0  }
0xa8: {  	[sflag:s16] =	ssyncadd.s32 $0xFFFFFF80  }
0xa9: {  	_ =	swait.ge [sflag:s16], $0x4000  }
0xaa: {  	[sflag:s16] =	ssyncset.done $0x0  }
0xab: {  	[sflag:s16] =	ssyncadd.s32 $0xFFFFC000  }
0xac: {  	[hbm4b:s3+s10] =	stream.indirect.scatter [tilespmem:s9], [sflag:$0x2], $0x80, s2, s10, $0xb8;
	[tilespmem:$0x12200] =	vst v63  }
0xad: {  	_ = 	snop  }
0xae: {  	[hbm4b:s3+s10] =	stream.indirect.scatter [tilespmem:s11], [sflag:$0x2], $0x80, s10, s10, $0xb8;
	[tilespmem:$0x12200] =	vst v63  }
0xaf: {  	_ = 	snop  }
0xb0: {  	[hbm4b:s3+s10] =	stream.indirect.scatter [tilespmem:s13], [sflag:$0x2], $0x80, s12, s10, $0xb8;
	[tilespmem:$0x12200] =	vst v63  }
0xb1: {  	_ = 	snop  }
0xb2: {  	[hbm4b:s3+s10] =	stream.indirect.scatter [tilespmem:s15], [sflag:$0x2], $0x80, s14, s10, $0xb8;
	[tilespmem:$0x12200] =	vst v63  }
0xb3: {  	_ =	swait.ge [sflag:s17], $0x4000  }
0xb4: {  	[sflag:s17] =	ssyncset.done $0x0  }
0xb5: {  	[sflag:s17] =	ssyncadd.s32 $0xFFFFC000  }
0xb6: {  	_ =	swait.ge [sflag:s17], $0x4000  }
0xb7: {  	[sflag:s17] =	ssyncset.done $0x0  }
0xb8: {  	[sflag:s17] =	ssyncadd.s32 $0xFFFFC000  }
0xb9: {  	_ =	swait.ge [sflag:s17], $0x4000  }
0xba: {  	[sflag:s17] =	ssyncset.done $0x0  }
0xbb: {  	[sflag:s17] =	ssyncadd.s32 $0xFFFFC000  }
0xbc: {  	_ =	swait.ge [sflag:s17], $0x4000  }
0xbd: {  	[sflag:s17] =	ssyncset.done $0x0  }
0xbe: {  	s21 =	simm.s32 $0x0;
	s22 =	simm.s32 $0x10200;
	[sflag:s17] =	ssyncadd.s32 $0xFFFFC000  }
0xbf: {  	[tilespmem:s22], [sflag:$0x3] =	stream.linear.gather [hbm4b:s5+s21], $0x1000, $0x38;
	[tilespmem:$0x12200] =	vst v63  }
0xc0: {  	_ =	swait.ge [sflag:s18], $0x1000  }
0xc1: {  	[sflag:s18] =	ssyncset.done $0x0  }
0xc2: {  	[sflag:s18] =	ssyncadd.s32 $0xFFFFF000  }
0xc3: {  	s23 =	simm.s32 $0x10;
	v2 =	vld [tilespmem:s22+$0x0]  }
.LBB2_4:
0xc4: {  	p0 =	sne.s32 s23, $0xFF0;
	_ =	sdelay $0x3  }
0xc5: {  	v3 =	vsub.s32 v2, v0  }
0xc6: {  	v2 =	vand.u32 $0x7F, v2;
	v3 =	vand.u32 $0xFFFFFF80, v3  }
0xc7: {  	v2 =	vor.u32 v2, v3;
	_ =	sdelay $0x1  }
.Ltmp1:
0xc8: {  	(pc) =	sbr.rel @p0 .LBB2_4-.Ltmp1, $4  }
0xc9: {  	_ = 	snop  }
0xca: {  	v3 =	vor.u32 s21, v1;
	s21 =	smov.u32 s23  }
0xcb: {  	s22 =	sadd.s32 $0x10, s22;
	[tilespmem:v2+s19+$0x0] =	vst.idx.msk $0xffff, v3  }
0xcc: {  	s23 =	sadd.s32 $0x10, s23;
	v2 =	vld [tilespmem:s22+$0x0]  }
0xcd: {  	_ =	sdelay $0x3  }
0xce: {  	v3 =	vsub.s32 v2, v0  }
0xcf: {  	v2 =	vand.u32 $0x7F, v2;
	v3 =	vand.u32 $0xFFFFFF80, v3  }
0xd0: {  	v2 =	vor.u32 v2, v3;
	_ =	sdelay $0x2  }
0xd1: {  	s20 =	sadd.s32 $0x1, s20  }
0xd2: {  	p0 =	sne.s32 s20, s7;
	v3 =	vor.u32 s21, v1  }
.Ltmp2:
0xd3: {  	[tilespmem:v2+s19+$0x0] =	vst.idx.msk $0xffff, v3;
	(pc) =	sbr.rel @p0 .LBB2_1-.Ltmp2, $4  }
0xd4: {  	[hbm4b:s6+s2] =	stream.linear.scatter [tilespmem:s19], [sflag:$0x3], $0x1000, $0x38;
	[tilespmem:$0x12200] =	vst v63  }
0xd5: {  	_ =	swait.ge [sflag:s18], $0x1000  }
0xd6: {  	[sflag:s18] =	ssyncset.done $0x0  }
0xd7: {  	[sflag:s18] =	ssyncadd.s32 $0xFFFFF000  }
0xd8: {  	_ =	sfence.sel $0x180000  }
0xd9: {  	[bflag:$0x0] =	sbarrier.arrive $0xFFFF  }
0xda: {  	p0 =	sne.s32 s0, $0x0;
	_ =	strace $0x9000004A  }
0xdb: {  	s0 =	sadd.s32 @!p0 $0x100000, s1;
	[bflag:$0x2] =	sbarrier.arrive $0xFFFF  }
0xdc: {  	[sflag:s0] =	ssyncadd.tile.s32 @!p0 $0x1;
	_ =	shalt  }
.Lfunc_end2:
_tile_overlayer_lowered:
.L_overlay_start_2:
0xdd: {  	(tag) =	ssettag $0x2  }
0xde: {  	s0 =	rddreg [dreg:$0x0];
	s2 =	stileid.u32  }
0xdf: {  	s1 =	rddreg [dreg:$0x1];
	p0 =	sne.s32 s2, $0x0  }
0xe0: {  	s3 =	rddreg [dreg:$0x2];
	[bflag:$0x3] =	sbarrier.arrive $0xFFFF;
	s2 =	simm.s32 @!p0 $0x1C03  }
0xe1: {  	[timem:s3], [sflag:s2] =	dma.local @!p0 [hbm:s0], s1  }
0xe2: {  	s0 =	simm.s32 @!p0 $0x3  }
0xe3: {  	_ =	swait.ge @!p0 [sflag:s0], s1  }
0xe4: {  	s1 =	ssub.s32 @!p0 $0x0, s1;
	[sflag:s0] =	ssyncset.done @!p0 $0x0  }
0xe5: {  	[sflag:s0] =	ssyncadd.s32 @!p0 s1  }
0xe6: {  	[bflag:$0x3] =	sbarrier.arrive $0xFFFF  }
0xe7: {  	_ =	shalt  }

// kernel: kernel.20.cloned.1.call-start
scs
__scs_entry_jumppad:
0x0: {  	(pc) =	sbr.rel $0x88, $3  }
0x1: {  	(tag) =	ssettag $0x0;
	lr =	simm.s32 $0x1  }
0x2: {  	[smem:$0x3F9E] =	sst lr;
	_ =	strace $0xD0000000  }
0x3: {  	_ = 	snop  }
0x4: {  	_ = 	snop  }
0x5: {  	_ = 	snop  }
0x6: {  	_ = 	snop  }
0x7: {  	_ = 	snop  }
__scs_overlays_trampoline_lowered:
0x8: {  	[smem:$0x3FAD] =	sst s0  }
0x9: {  	[smem:$0x3FAE] =	sst s1  }
0xa: {  	[smem:$0x3FAF] =	sst s2  }
0xb: {  	[smem:$0x3FB0] =	sst s3  }
0xc: {  	[smem:$0x3FB1] =	sst s4  }
0xd: {  	[smem:$0x3FB2] =	sst s5  }
0xe: {  	[smem:$0x3FB3] =	sst s6  }
0xf: {  	[smem:$0x3FB4] =	sst s7  }
0x10: {  	[smem:$0x3FB5] =	sst s8  }
0x11: {  	[smem:$0x3FB6] =	sst s9;
	s0 =	simm.s32 @!p0 $0x0  }
0x12: {  	s1 =	sld [smem:$0x3F9C];
	s0 =	simm.s32 @p0 $0x1  }
0x13: {  	[smem:$0x3FB7] =	sst s0;
	s0 =	simm.s32 @!p1 $0x0  }
0x14: {  	s2 =	sld [smem:$0x3F9B];
	s0 =	simm.s32 @p1 $0x1  }
0x15: {  	[smem:$0x3FB8] =	sst s0;
	s0 =	simm.s32 @!p2 $0x0  }
0x16: {  	s3 =	sld [smem:$0x3FDB];
	s0 =	simm.s32 @p2 $0x1  }
0x17: {  	s4 =	simm.s32 $0x1BF5;
	[smem:$0x3FBA] =	sst s0  }
0x18: {  	s0 =	sld [smem:$0x3F9D];
	_ =	swait.ge [sflag:s4], $0x0  }
0x19: {  	s7 =	sld [smem:$0x3F9E]  }
0x1a: {  	s8 =	sadd.s32 $0xFFFFE003, lr  }
0x1b: {  	s9 =	sadd.s32 $0xFFFFFEF7, lr;
	s5 =	simm.s32 $0xFFFFFFFF;
	p2 =	slt.u32 s8, $0xFFFFF086  }
0x1c: {  	p1 =	slt.u32 s9, $0xF7A;
	s5 =	simm.s32 @!p2 $0x0  }
0x1d: {  	s5 =	simm.s32 @p1 $0x1;
	p0 =	seq.s32 s7, s2  }
0x1e: {  	s7 =	smul.u32 @!p0 $0xF7A, s2;
	p2 =	seq.s32 @!p0 s5, $0x0  }
0x1f: {  	s9 =	smul.u32 $0xF7A, s1;
	s8 =	simm.s32 @!p0 $0x1BF5;
	p2 =	por !p2, p0  }
0x20: {  	[sflag:s8] =	ssyncset.s32 @!p0 $0xFFFFF086;
	s6 =	sadd.s32 @!p0 s3, s7;
	s7 =	simm.s32 @!p0 $0x108  }
0x21: {  	s3 =	sadd.s32 s3, s9;
	s6 =	sadd.s32 @!p0 $0x88, s6;
	s7 =	simm.s32 @p2 $0x1082  }
0x22: {  	[simem:s7], [sflag:s8] =	dma.local @!p0 [hbm:s6], $0xF7A  }
0x23: {  	s9 =	sor.u32 $0xD0000000, s2;
	s6 =	simm.s32 $0x108;
	_ =	swait.ge @!p0 [sflag:s8], $0x0  }
0x24: {  	s3 =	sadd.s32 $0x88, s3;
	s6 =	simm.s32 @!p1 $0x1082;
	[sflag:s4] =	ssyncset.s32 $0xFFFFF086  }
0x25: {  	[simem:s6], [sflag:s4] =	dma.local [hbm:s3], $0xF7A  }
0x26: {  	[smem:$0x3F9E] =	sst s1;
	(tag) =	ssettag s2;
	_ =	strace s9  }
0x27: {  	s1 =	sld [smem:$0x3FAE]  }
0x28: {  	s2 =	sld [smem:$0x3FAF]  }
0x29: {  	s4 =	sld [smem:$0x3FB1]  }
0x2a: {  	p0 =	seq.s32 s5, $0x0;
	s5 =	sld [smem:$0x3FB2]  }
0x2b: {  	s6 =	sld [smem:$0x3FB3]  }
0x2c: {  	s7 =	sld [smem:$0x3FB4]  }
0x2d: {  	s3 =	simm.s32 $0x108;
	s8 =	sld [smem:$0x3FB5]  }
0x2e: {  	s3 =	simm.s32 @!p0 $0x1082;
	s9 =	sld [smem:$0x3FB6]  }
0x2f: {  	lr =	sadd.s32 s0, s3;
	s0 =	sld [smem:$0x3FAD]  }
0x30: {  	s3 =	sld [smem:$0x3FB0]  }
0x31: {  	[smem:$0x3FB9] =	sst s10  }
0x32: {  	s10 =	sld [smem:$0x3FB7];
	_ =	sdelay $0x3  }
0x33: {  	p0 =	seq.s32 s10, $0x1;
	s10 =	sld [smem:$0x3FB9];
	_ =	sdelay $0x3  }
0x34: {  	[smem:$0x3FB9] =	sst s10  }
0x35: {  	s10 =	sld [smem:$0x3FB8];
	_ =	sdelay $0x3  }
0x36: {  	p1 =	seq.s32 s10, $0x1;
	s10 =	sld [smem:$0x3FB9];
	_ =	sdelay $0x3  }
0x37: {  	[smem:$0x3FB9] =	sst s10  }
0x38: {  	s10 =	sld [smem:$0x3FBA]  }
0x39: {  	_ = 	snop;
	(pc) =	sbr.ind lr, $3  }
0x3a: {  	_ = 	snop  }
0x3b: {  	_ = 	snop  }
0x3c: {  	p2 =	seq.s32 s10, $0x1;
	s10 =	sld [smem:$0x3FB9]  }
0x3d: {  	_ =	shalt  }
0x3e: {  	_ =	shalt  }
0x3f: {  	_ =	shalt  }
0x40: {  	_ =	shalt  }
0x41: {  	_ =	shalt  }
0x42: {  	_ =	shalt  }
0x43: {  	_ =	shalt  }
0x44: {  	_ =	shalt  }
0x45: {  	_ =	shalt  }
0x46: {  	_ =	shalt  }
0x47: {  	_ =	shalt  }
0x48: {  	_ =	shalt  }
0x49: {  	_ =	shalt  }
0x4a: {  	_ =	shalt  }
0x4b: {  	_ =	shalt  }
0x4c: {  	_ =	shalt  }
0x4d: {  	_ =	shalt  }
0x4e: {  	_ =	shalt  }
0x4f: {  	_ =	shalt  }
0x50: {  	_ =	shalt  }
0x51: {  	_ =	shalt  }
0x52: {  	_ =	shalt  }
0x53: {  	_ =	shalt  }
0x54: {  	_ =	shalt  }
0x55: {  	_ =	shalt  }
0x56: {  	_ =	shalt  }
0x57: {  	_ =	shalt  }
0x58: {  	_ =	shalt  }
0x59: {  	_ =	shalt  }
0x5a: {  	_ =	shalt  }
0x5b: {  	_ =	shalt  }
0x5c: {  	_ =	shalt  }
0x5d: {  	_ =	shalt  }
0x5e: {  	_ =	shalt  }
0x5f: {  	_ =	shalt  }
0x60: {  	_ =	shalt  }
0x61: {  	_ =	shalt  }
0x62: {  	_ =	shalt  }
0x63: {  	_ =	shalt  }
0x64: {  	_ =	shalt  }
0x65: {  	_ =	shalt  }
0x66: {  	_ =	shalt  }
0x67: {  	_ =	shalt  }
0x68: {  	_ =	shalt  }
0x69: {  	_ =	shalt  }
0x6a: {  	_ =	shalt  }
0x6b: {  	_ =	shalt  }
0x6c: {  	_ =	shalt  }
0x6d: {  	_ =	shalt  }
0x6e: {  	_ =	shalt  }
0x6f: {  	_ =	shalt  }
0x70: {  	_ =	shalt  }
0x71: {  	_ =	shalt  }
0x72: {  	_ =	shalt  }
0x73: {  	_ =	shalt  }
0x74: {  	_ =	shalt  }
0x75: {  	_ =	shalt  }
0x76: {  	_ =	shalt  }
0x77: {  	_ =	shalt  }
0x78: {  	_ =	shalt  }
0x79: {  	_ =	shalt  }
0x7a: {  	_ =	shalt  }
0x7b: {  	_ =	shalt  }
0x7c: {  	_ =	shalt  }
0x7d: {  	_ =	shalt  }
0x7e: {  	_ =	shalt  }
0x7f: {  	_ =	shalt  }
0x80: {  	_ =	shalt  }
0x81: {  	_ =	shalt  }
0x82: {  	_ =	shalt  }
0x83: {  	_ =	shalt  }
0x84: {  	_ =	shalt  }
0x85: {  	_ =	shalt  }
0x86: {  	_ =	shalt  }
0x87: {  	_ =	shalt  }
.Lfunc_end0:
.L_simem_size_0:
called_computation.3_lowered:
.L_overlay_start_0:
0x88: {  	s2 =	sld [smem:$0x3FD9]  }
0x89: {  	s3 =	sld [smem:$0x3FFE];
	_ =	sdelay $0x1  }
0x8a: {  	s1 =	srdreg.scid  }
0x8b: {  	s0 =	sand.u32 $0x1, s1  }
0x8c: {  	s17 =	sshll.u32 s0, $0xA;
	s2 =	sadd.s32 s3, s2  }
0x8d: {  	s2 =	sadd.s32 s2, s17  }
0x8e: {  	[smem:$0x3FC5] =	sst s2  }
0x8f: {  	_ = 	snop  }
0x90: {  	(tm) =	ssettm $0x1  }
0x91: {  	s18 =	sld [smem:$0x3FFB];
	_ =	sdelay $0x3  }
0x92: {  	_ =	strace s18  }
0x93: {  	s2 =	sld [smem:$0x3FFC];
	_ =	sdelay $0x3  }
0x94: {  	_ =	strace s2  }
0x95: {  	s2 =	sld [smem:$0x3FFD];
	_ =	sdelay $0x3  }
0x96: {  	_ =	strace s2  }
0x97: {  	_ =	strace $0x8FFFFFFF  }
0x98: {  	s19 =	sld [smem:$0x3FDB];
	_ =	sdelay $0x1  }
0x99: {  	s20 =	simm.s32 $_scs_section_size  }
0x9a: {  	s4 =	simm.s32 $_size__tile_overlayer_lowered;
	s5 =	simm.s32 $_tile_overlayer_lowered  }
0x9b: {  	s6 =	simm.s32 $0x1BFF;
	s21 =	sshll.u32 s5, $0x1;
	s3 =	sadd.s32 s20, s19  }
0x9c: {  	s22 =	simm.s32 $0x0;
	s4 =	sshll.u32 s4, $0x1;
	s5 =	sadd.s32 s21, s3  }
0x9d: {  	[timem:s22], [sflag:s6] =	dma.local [hbm:s5], s4  }
0x9e: {  	_ =	swait.ge [sflag:s6], s4  }
0x9f: {  	s4 =	ssub.s32 $0x0, s4;
	[sflag:s6] =	ssyncset.done $0x0  }
0xa0: {  	[sflag:s6] =	ssyncadd.s32 s4;
	_ =	sdelay $0x1  }
0xa1: {  	s23 =	simm.s32 $0x1B8B  }
0xa2: {  	_ =	swait.ge [sflag:s23], $0x1  }
0xa3: {  	[sflag:s23] =	ssyncset.done $0x0  }
0xa4: {  	[sflag:s23] =	ssyncadd.s32 $0xFFFFFFFF  }
0xa5: {  	s4 =	sld [smem:$0x0]  }
0xa6: {  	s5 =	sand.u32 $0xFFFFFFFE, s1  }
0xa7: {  	p0 =	sne.s32 s1, s5  }
0xa8: {  	s5 =	sshll.u32 @p0 s5, $0xE  }
0xa9: {  	s5 =	sadd.s32 @p0 $0x11B8D, s5;
	s6 =	sshll.u32 @p0 s4, $0x11  }
0xaa: {  	s5 =	sor.u32 @p0 s6, s5  }
0xab: {  	[sflag:s5] =	ssyncadd.remote.s32 @p0 $0x1;
	_ =	sdelay $0x1  }
0xac: {  	s5 =	simm.s32 @p0 $0x1B8D  }
0xad: {  	_ =	swait.eq @p0 [sflag:s5], $0x1  }
0xae: {  	[sflag:s5] =	ssyncadd.s32 @p0 $0xFFFFFFFF  }
0xaf: {  	s6 =	sshll.u32 @!p0 s1, $0xE  }
0xb0: {  	s6 =	sor.u32 @!p0 $0x4000, s6;
	s5 =	simm.s32 @!p0 $0x1B8D  }
0xb1: {  	s4 =	sshll.u32 @!p0 s4, $0x11;
	s6 =	sadd.s32 @!p0 $0x11B8D, s6;
	_ =	swait.eq @!p0 [sflag:s5], $0x1  }
0xb2: {  	s4 =	sor.u32 @!p0 s4, s6;
	[sflag:s5] =	ssyncadd.s32 @!p0 $0xFFFFFFFF  }
0xb3: {  	s25 =	simm.s32 $0x1B8E;
	s24 =	sld [smem:$0x3FFE];
	[sflag:s4] =	ssyncadd.remote.s32 @!p0 $0x1  }
0xb4: {  	s26 =	simm.s32 $execute0_lowered;
	[smem:$0x3FD2] =	sst s25  }
0xb5: {  	s5 =	sshll.u32 s26, $0x1;
	_ =	strace $0x8000004F;
	[dreg:$0x1] =	wrdreg $0xFFFFFFFF  }
0xb6: {  	s28 =	simm.s32 $_size_execute0_lowered;
	s3 =	sadd.s32 s3, s5;
	[dreg:$0x0] =	wrdreg $0x0  }
0xb7: {  	s5 =	sshll.u32 s28, $0x1;
	[dreg:$0x2] =	wrdreg s3  }
0xb8: {  	[dreg:$0x3] =	wrdreg s5  }
0xb9: {  	[dreg:$0x4] =	wrdreg $0xC0  }
0xba: {  	_ =	task [dreg:s22], $0x5FFFF  }
0xbb: {  	[dreg:$0x1] =	wrdreg $0xFFFFFFFF  }
0xbc: {  	[dreg:$0x0] =	wrdreg $0x60  }
0xbd: {  	[dreg:$0x2] =	wrdreg s24  }
0xbe: {  	[dreg:$0x3] =	wrdreg $0xA  }
0xbf: {  	_ =	task.clear_ibuf [dreg:s22], $0x4FFFF;
	_ =	strace $0x9000004F  }
0xc0: {  	s29 =	simm.s32 $0xA;
	_ =	strace $0x80000051  }
0xc1: {  	_ =	swait.ge [sflag:s29], $0x1  }
0xc2: {  	[sflag:s29] =	ssyncadd.s32 $0xFFFFFFFF  }
0xc3: {  	_ =	strace $0x90000051  }
0xc4: {  	_ =	sfence  }
0xc5: {  	s30 =	sld [smem:$0x0];
	_ =	sdelay $0x2  }
0xc6: {  	s31 =	sshll.u32 s1, $0xD;
	s1 =	sshrl.u32 s1, $0x2  }
0xc7: {  	s4 =	sand.u32 $0x4000, s31;
	s1 =	sadd.s32 s1, s30  }
0xc8: {  	s0 =	sor.u32 s4, s0;
	s1 =	sshll.u32 s1, $0x11  }
0xc9: {  	s0 =	sor.u32 s1, s0  }
0xca: {  	s0 =	sadd.s32 $0x8F2B, s0  }
0xcb: {  	[sflag:s0] =	ssyncadd.remote.s32 $0x1  }
0xcc: {  	_ =	sfence.sel $0xFFFF  }
0xcd: {  	[dreg:$0x0] =	wrdreg $0xFFFFFFFF;
	(pc) =	sbr.abs _section_cstart, $3  }
0xce: {  	[dreg:$0x1] =	wrdreg $0xFFFFFFFF  }
0xcf: {  	_ =	task.clear_ibuf [dreg:s22], $0x2FFFF;
	_ =	strace $0x9FFFFFFF  }
0xd0: {  	(tm) =	ssettm $0x7FFFFFFF  }
0xd1: {  	_ =	shalt  }
tec
execute0_lowered:
.L_overlay_start_1:
0x0: {  	(tag) =	ssettag $0x1  }
0x1: {  	s4 =	rddreg [dreg:$0x0]  }
0x2: {  	s0 =	rddreg [dreg:$0x1];
	s1 =	simm.s32 $0x0  }
0x3: {  	s2 =	srdreg.scid;
	s12 =	simm.s32 $0x200;
	s13 =	simm.s32 $0x4200  }
0x4: {  	s14 =	simm.s32 $0x8200;
	s15 =	simm.s32 $0xC200;
	s16 =	simm.s32 $0x2  }
0x5: {  	s17 =	simm.s32 $0x0;
	[smem:$0x7FF] =	sst s1;
	s5 =	sand.u32 $0x1, s2  }
0x6: {  	s2 =	stileid.u32;
	s3 =	sadd.s32 $0x8CA400, s4;
	s9 =	sadd.s32 $0x6400, s4  }
0x7: {  	_ =	strace $0x80000050;
	s6 =	ssub.s32 $0x2, s5;
	s7 =	sshll.u32 s2, $0xC  }
0x8: {  	s25 =	sshll.u32 s5, $0xB;
	s28 =	sshll.u32 s2, $0x5;
	s29 =	sshll.u32 s2, $0x8  }
0x9: {  	s10 =	sshll.u32 s5, $0x7;
	s8 =	sshrl.u32 s6, $0x1;
	s7 =	sadd.s32 s7, s4  }
0xa: {  	s11 =	sshll.u32 s5, $0x4;
	s6 =	ssub.s32 s6, s8;
	s26 =	sadd.s32 s25, s7  }
0xb: {  	s7 =	sadd.s32 s28, s9;
	s8 =	sor.u32 s10, s29;
	s10 =	simm.s32 $0x180  }
0xc: {  	s4 =	smax.u32 s6, $0x1;
	s5 =	sadd.s32 $0x2CA400, s26;
	s30 =	sadd.s32 s11, s7  }
0xd: {  	s31 =	sshrl.u32 s8, $0x3;
	s8 =	simm.s32 $0x80;
	s11 =	simm.s32 $0x1  }
0xe: {  	s6 =	sadd.s32 $0x600, s30;
	s7 =	sadd.s32 s31, s9;
	s9 =	simm.s32 $0x100  }
.LBB2_1:
0xf: {  	[tilespmem:s1], [sflag:$0x1] =	stream.linear.gather [hbm4b:s7+s1], $0x80, $0x38;
	[tilespmem:$0x10200] =	vst v63  }
0x10: {  	s18 =	sadd.s32 $0xFFFFFC00, s6  }
0x11: {  	[tilespmem:s8], [sflag:$0x1] =	stream.linear.gather [hbm4b:s18+s1], $0x80, $0x38;
	[tilespmem:$0x10200] =	vst v63  }
0x12: {  	s29 =	sadd.s32 $0xFFFFFE00, s6  }
0x13: {  	[tilespmem:s9], [sflag:$0x1] =	stream.linear.gather [hbm4b:s29+s1], $0x80, $0x38;
	[tilespmem:$0x10200] =	vst v63  }
0x14: {  	_ = 	snop  }
0x15: {  	[tilespmem:s10], [sflag:$0x1] =	stream.linear.gather [hbm4b:s6+s1], $0x80, $0x38;
	[tilespmem:$0x10200] =	vst v63  }
0x16: {  	_ =	swait.ge [sflag:s11], $0x80  }
0x17: {  	[sflag:s11] =	ssyncset.done $0x0  }
0x18: {  	[sflag:s11] =	ssyncadd.s32 $0xFFFFFF80  }
0x19: {  	_ =	swait.ge [sflag:s11], $0x80  }
0x1a: {  	[sflag:s11] =	ssyncset.done $0x0  }
0x1b: {  	[sflag:s11] =	ssyncadd.s32 $0xFFFFFF80  }
0x1c: {  	_ =	swait.ge [sflag:s11], $0x80  }
0x1d: {  	[sflag:s11] =	ssyncset.done $0x0  }
0x1e: {  	[sflag:s11] =	ssyncadd.s32 $0xFFFFFF80  }
0x1f: {  	_ =	swait.ge [sflag:s11], $0x80  }
0x20: {  	[sflag:s11] =	ssyncset.done $0x0  }
0x21: {  	[sflag:s11] =	ssyncadd.s32 $0xFFFFFF80  }
0x22: {  	[tilespmem:s12], [sflag:$0x1] =	stream.indirect.gather [hbm4b:s3+s8], $0x80, s1, s8, $0xb8;
	[tilespmem:$0x10200] =	vst v63  }
0x23: {  	_ = 	snop  }
0x24: {  	[tilespmem:s13], [sflag:$0x1] =	stream.indirect.gather [hbm4b:s3+s8], $0x80, s8, s8, $0xb8;
	[tilespmem:$0x10200] =	vst v63  }
0x25: {  	_ = 	snop  }
0x26: {  	[tilespmem:s14], [sflag:$0x1] =	stream.indirect.gather [hbm4b:s3+s8], $0x80, s9, s8, $0xb8;
	[tilespmem:$0x10200] =	vst v63  }
0x27: {  	_ = 	snop  }
0x28: {  	[tilespmem:s15], [sflag:$0x1] =	stream.indirect.gather [hbm4b:s3+s8], $0x80, s10, s8, $0xb8;
	[tilespmem:$0x10200] =	vst v63  }
0x29: {  	_ =	swait.ge [sflag:s11], $0x4000  }
0x2a: {  	[sflag:s11] =	ssyncset.done $0x0  }
0x2b: {  	[sflag:s11] =	ssyncadd.s32 $0xFFFFC000  }
0x2c: {  	_ =	swait.ge [sflag:s11], $0x4000  }
0x2d: {  	[sflag:s11] =	ssyncset.done $0x0  }
0x2e: {  	[sflag:s11] =	ssyncadd.s32 $0xFFFFC000  }
0x2f: {  	_ =	swait.ge [sflag:s11], $0x4000  }
0x30: {  	[sflag:s11] =	ssyncset.done $0x0  }
0x31: {  	[sflag:s11] =	ssyncadd.s32 $0xFFFFC000  }
0x32: {  	_ =	swait.ge [sflag:s11], $0x4000  }
0x33: {  	[sflag:s11] =	ssyncset.done $0x0  }
0x34: {  	s30 =	sadd.s32 $0x0, s5;
	[sflag:s11] =	ssyncadd.s32 $0xFFFFC000  }
0x35: {  	[hbm4b:s30+s1] =	stream.linear.scatter [tilespmem:s12], [sflag:$0x2], $0x4000, $0x38;
	[tilespmem:$0x10200] =	vst v63  }
0x36: {  	s19 =	sadd.s32 $0x10000, s30  }
0x37: {  	[hbm4b:s19+s1] =	stream.linear.scatter [tilespmem:s13], [sflag:$0x2], $0x4000, $0x38;
	[tilespmem:$0x10200] =	vst v63  }
0x38: {  	s31 =	sadd.s32 $0x20000, s30  }
0x39: {  	[hbm4b:s31+s1] =	stream.linear.scatter [tilespmem:s14], [sflag:$0x2], $0x4000, $0x38;
	[tilespmem:$0x10200] =	vst v63  }
0x3a: {  	s18 =	sadd.s32 $0x30000, s30  }
0x3b: {  	[hbm4b:s18+s1] =	stream.linear.scatter [tilespmem:s15], [sflag:$0x2], $0x4000, $0x38;
	[tilespmem:$0x10200] =	vst v63  }
0x3c: {  	_ =	swait.ge [sflag:s16], $0x4000  }
0x3d: {  	[sflag:s16] =	ssyncset.done $0x0  }
0x3e: {  	[sflag:s16] =	ssyncadd.s32 $0xFFFFC000  }
0x3f: {  	_ =	swait.ge [sflag:s16], $0x4000  }
0x40: {  	[sflag:s16] =	ssyncset.done $0x0  }
0x41: {  	[sflag:s16] =	ssyncadd.s32 $0xFFFFC000  }
0x42: {  	_ =	swait.ge [sflag:s16], $0x4000  }
0x43: {  	[sflag:s16] =	ssyncset.done $0x0  }
0x44: {  	[sflag:s16] =	ssyncadd.s32 $0xFFFFC000  }
0x45: {  	s20 =	smov.u32 s7;
	_ =	swait.ge [sflag:s16], $0x4000  }
0x46: {  	s19 =	smov.u32 s6;
	s18 =	simm.s32 $0x40000;
	[sflag:s16] =	ssyncset.done $0x0  }
.LBB2_2:
0x47: {  	[sflag:s16] =	ssyncadd.s32 $0xFFFFC000  }
0x48: {  	s19 =	sadd.s32 $0x800, s19;
	s20 =	sadd.s32 $0x800, s20;
	s21 =	smov.u32 s18  }
0x49: {  	[tilespmem:s1], [sflag:$0x1] =	stream.linear.gather [hbm4b:s20+s1], $0x80, $0x38;
	[tilespmem:$0x10200] =	vst v63  }
0x4a: {  	p0 =	sne.s32 s18, $0x1C0000;
	s18 =	sadd.s32 $0x40000, s18;
	s22 =	sadd.s32 $0xFFFFFC00, s19  }
0x4b: {  	[tilespmem:s8], [sflag:$0x1] =	stream.linear.gather [hbm4b:s22+s1], $0x80, $0x38;
	[tilespmem:$0x10200] =	vst v63  }
0x4c: {  	s22 =	sadd.s32 $0xFFFFFE00, s19  }
0x4d: {  	[tilespmem:s9], [sflag:$0x1] =	stream.linear.gather [hbm4b:s22+s1], $0x80, $0x38;
	[tilespmem:$0x10200] =	vst v63  }
0x4e: {  	_ = 	snop  }
0x4f: {  	[tilespmem:s10], [sflag:$0x1] =	stream.linear.gather [hbm4b:s19+s1], $0x80, $0x38;
	[tilespmem:$0x10200] =	vst v63  }
0x50: {  	_ =	swait.ge [sflag:s11], $0x80  }
0x51: {  	[sflag:s11] =	ssyncset.done $0x0  }
0x52: {  	[sflag:s11] =	ssyncadd.s32 $0xFFFFFF80  }
0x53: {  	_ =	swait.ge [sflag:s11], $0x80  }
0x54: {  	[sflag:s11] =	ssyncset.done $0x0  }
0x55: {  	[sflag:s11] =	ssyncadd.s32 $0xFFFFFF80  }
0x56: {  	_ =	swait.ge [sflag:s11], $0x80  }
0x57: {  	[sflag:s11] =	ssyncset.done $0x0  }
0x58: {  	[sflag:s11] =	ssyncadd.s32 $0xFFFFFF80  }
0x59: {  	_ =	swait.ge [sflag:s11], $0x80  }
0x5a: {  	[sflag:s11] =	ssyncset.done $0x0  }
0x5b: {  	[sflag:s11] =	ssyncadd.s32 $0xFFFFFF80  }
0x5c: {  	[tilespmem:s12], [sflag:$0x1] =	stream.indirect.gather [hbm4b:s3+s8], $0x80, s1, s8, $0xb8;
	[tilespmem:$0x10200] =	vst v63  }
0x5d: {  	_ = 	snop  }
0x5e: {  	[tilespmem:s13], [sflag:$0x1] =	stream.indirect.gather [hbm4b:s3+s8], $0x80, s8, s8, $0xb8;
	[tilespmem:$0x10200] =	vst v63  }
0x5f: {  	_ = 	snop  }
0x60: {  	[tilespmem:s14], [sflag:$0x1] =	stream.indirect.gather [hbm4b:s3+s8], $0x80, s9, s8, $0xb8;
	[tilespmem:$0x10200] =	vst v63  }
0x61: {  	_ = 	snop  }
0x62: {  	[tilespmem:s15], [sflag:$0x1] =	stream.indirect.gather [hbm4b:s3+s8], $0x80, s10, s8, $0xb8;
	[tilespmem:$0x10200] =	vst v63  }
0x63: {  	_ =	swait.ge [sflag:s11], $0x4000  }
0x64: {  	[sflag:s11] =	ssyncset.done $0x0  }
0x65: {  	[sflag:s11] =	ssyncadd.s32 $0xFFFFC000  }
0x66: {  	_ =	swait.ge [sflag:s11], $0x4000  }
0x67: {  	[sflag:s11] =	ssyncset.done $0x0  }
0x68: {  	[sflag:s11] =	ssyncadd.s32 $0xFFFFC000  }
0x69: {  	_ =	swait.ge [sflag:s11], $0x4000  }
0x6a: {  	[sflag:s11] =	ssyncset.done $0x0  }
0x6b: {  	[sflag:s11] =	ssyncadd.s32 $0xFFFFC000  }
0x6c: {  	_ =	swait.ge [sflag:s11], $0x4000  }
0x6d: {  	[sflag:s11] =	ssyncset.done $0x0  }
0x6e: {  	s21 =	sadd.s32 s21, s5;
	[sflag:s11] =	ssyncadd.s32 $0xFFFFC000  }
0x6f: {  	[hbm4b:s21+s1] =	stream.linear.scatter [tilespmem:s12], [sflag:$0x2], $0x4000, $0x38;
	[tilespmem:$0x10200] =	vst v63  }
0x70: {  	s22 =	sadd.s32 $0x10000, s21  }
0x71: {  	[hbm4b:s22+s1] =	stream.linear.scatter [tilespmem:s13], [sflag:$0x2], $0x4000, $0x38;
	[tilespmem:$0x10200] =	vst v63  }
0x72: {  	s22 =	sadd.s32 $0x20000, s21  }
0x73: {  	[hbm4b:s22+s1] =	stream.linear.scatter [tilespmem:s14], [sflag:$0x2], $0x4000, $0x38;
	[tilespmem:$0x10200] =	vst v63  }
0x74: {  	s21 =	sadd.s32 $0x30000, s21  }
0x75: {  	[hbm4b:s21+s1] =	stream.linear.scatter [tilespmem:s15], [sflag:$0x2], $0x4000, $0x38;
	[tilespmem:$0x10200] =	vst v63  }
0x76: {  	_ =	swait.ge [sflag:s16], $0x4000  }
0x77: {  	[sflag:s16] =	ssyncset.done $0x0  }
0x78: {  	[sflag:s16] =	ssyncadd.s32 $0xFFFFC000  }
0x79: {  	_ =	swait.ge [sflag:s16], $0x4000  }
0x7a: {  	[sflag:s16] =	ssyncset.done $0x0  }
0x7b: {  	[sflag:s16] =	ssyncadd.s32 $0xFFFFC000  }
.Ltmp0:
0x7c: {  	_ =	swait.ge [sflag:s16], $0x4000;
	(pc) =	sbr.rel @p0 .LBB2_2-.Ltmp0, $4  }
0x7d: {  	[sflag:s16] =	ssyncset.done $0x0  }
0x7e: {  	[sflag:s16] =	ssyncadd.s32 $0xFFFFC000  }
0x7f: {  	_ =	swait.ge [sflag:s16], $0x4000  }
0x80: {  	[sflag:s16] =	ssyncset.done $0x0  }
0x81: {  	s17 =	sadd.s32 $0x1, s17  }
0x82: {  	p0 =	sne.s32 s17, s4  }
.Ltmp1:
0x83: {  	_ = 	snop;
	(pc) =	sbr.rel @p0 .LBB2_1-.Ltmp1, $2  }
0x84: {  	_ =	sdelay $0x2  }
0x85: {  	[sflag:s16] =	ssyncadd.s32 $0xFFFFC000  }
0x86: {  	_ =	sfence.sel $0x180000  }
0x87: {  	[bflag:$0x0] =	sbarrier.arrive $0xFFFF  }
0x88: {  	p0 =	sne.s32 s2, $0x0;
	_ =	strace $0x90000050  }
0x89: {  	s0 =	sadd.s32 @!p0 $0x100000, s0;
	[bflag:$0x2] =	sbarrier.arrive $0xFFFF  }
0x8a: {  	[sflag:s0] =	ssyncadd.tile.s32 @!p0 $0x1;
	_ =	shalt  }
.Lfunc_end2:
_tile_overlayer_lowered:
.L_overlay_start_2:
0x8b: {  	(tag) =	ssettag $0x2  }
0x8c: {  	s0 =	rddreg [dreg:$0x0];
	s2 =	stileid.u32  }
0x8d: {  	s1 =	rddreg [dreg:$0x1];
	p0 =	sne.s32 s2, $0x0  }
0x8e: {  	s3 =	rddreg [dreg:$0x2];
	[bflag:$0x3] =	sbarrier.arrive $0xFFFF;
	s2 =	simm.s32 @!p0 $0x1C03  }
0x8f: {  	[timem:s3], [sflag:s2] =	dma.local @!p0 [hbm:s0], s1  }
0x90: {  	s0 =	simm.s32 @!p0 $0x3  }
0x91: {  	_ =	swait.ge @!p0 [sflag:s0], s1  }
0x92: {  	s1 =	ssub.s32 @!p0 $0x0, s1;
	[sflag:s0] =	ssyncset.done @!p0 $0x0  }
0x93: {  	[sflag:s0] =	ssyncadd.s32 @!p0 s1  }
0x94: {  	[bflag:$0x3] =	sbarrier.arrive $0xFFFF  }
0x95: {  	_ =	shalt  }

</sc_bundles>
